<compile_context>
chip_gen: v7x
topology: tpu7x:2x2x1
jax: 0.10.2.dev20260603
libtpu: 0.0.44.dev20260713+nightly
codegen_flags: <defaults>
</compile_context>

<pallas_src>
import functools

import jax
import jax.numpy as jnp
from jax import lax
from jax.experimental import pallas as pl
from jax.experimental.pallas import tpu as pltpu
from jax.experimental.pallas import tpu_sc as plsc

H = 16
NC, NS = 2, 16
NW = NC * NS


PREP_W = 131072
PREP_J = PREP_W // 8


def _tc_prep(tableT):
    V = tableT.shape[1]
    NB = pl.cdiv(V, PREP_W)
    grid = (NB,)

    def body(t_ref, o_ref):
        e = t_ref[...]
        s = jnp.sum(e * e, axis=0, keepdims=True)
        scale2 = jnp.where(s > 1.0, 1.0 / s, 1.0)
        p = jnp.maximum(e, 0.0)
        contrib = p * p * scale2
        for q in range(PREP_W // 1024):
            x = jnp.concatenate(
                [contrib[:, 128 * (8 * q + u):128 * (8 * q + u + 1)]
                 for u in range(8)], axis=0)
            o_ref[128 * q:128 * (q + 1), :] = x.T

    return pl.pallas_call(
        body,
        grid=grid,
        in_specs=[pl.BlockSpec((H, PREP_W), lambda i: (0, i))],
        out_specs=pl.BlockSpec((PREP_J, 128), lambda i: (i, 0)),
        out_shape=jax.ShapeDtypeStruct((NB * PREP_J, 128), jnp.float32),
    )(tableT)


def _sc_gather_sum(label_flat, contrib, B, L):
    bpw = B // NW
    GP = 32
    n_groups = bpw // GP
    ROWS = GP * L
    CH = 128
    NCH = ROWS // CH
    REM = ROWS - NCH * CH

    mesh = plsc.VectorSubcoreMesh(core_axis_name="c", subcore_axis_name="s")

    @functools.partial(
        pl.kernel,
        out_type=jax.ShapeDtypeStruct((H * B,), jnp.float32),
        mesh=mesh,
        scratch_types=[
            pltpu.VMEM((bpw * L,), jnp.int32),
            pltpu.VMEM((ROWS, H), jnp.float32),
            pltpu.VMEM((ROWS, H), jnp.float32),
            pltpu.VMEM((H * GP,), jnp.float32),
            pltpu.SemaphoreType.DMA,
            pltpu.SemaphoreType.DMA,
        ],
        compiler_params=pltpu.CompilerParams(
            needs_layout_passes=False, use_tc_tiling_on_sc=False),
    )
    def k(label_hbm, table_hbm, out_hbm, lab_v, rows0, rows1, outb_v,
          sem0, sem1):
        wid = lax.axis_index("s") * NC + lax.axis_index("c")
        base = wid * bpw
        pltpu.sync_copy(label_hbm.at[pl.ds(base * L, bpw * L)], lab_v)

        def remap_group(g):
            gbase = g * ROWS

            def remap(i, carry):
                off = pl.multiple_of(gbase + i * H, 16)
                r = lab_v[pl.ds(off, H)]
                p = (jnp.bitwise_and(r, -1024)
                     + jnp.left_shift(jnp.bitwise_and(r, 127), 3)
                     + jnp.bitwise_and(jnp.right_shift(r, 7), 7))
                lab_v[pl.ds(off, H)] = p
                return carry

            lax.fori_loop(0, ROWS // H, remap, 0)

        def chunks(g, rows_v, sem):
            goff = pl.multiple_of(g * ROWS, 8)
            cps = []
            for j in range(NCH):
                cps.append(pltpu.make_async_copy(
                    table_hbm.at[lab_v.at[pl.ds(goff + j * CH, CH)]],
                    rows_v.at[pl.ds(j * CH, CH)], sem))
            cps.append(pltpu.make_async_copy(
                table_hbm.at[lab_v.at[pl.ds(goff + NCH * CH, REM)]],
                rows_v.at[pl.ds(NCH * CH, REM)], sem))
            return cps

        def fire(g, rows_v, sem):
            for cp in chunks(g, rows_v, sem):
                cp.start()

        def drain(g, rows_v, sem):
            for cp in chunks(g, rows_v, sem):
                cp.wait()

        col_iota = lax.iota(jnp.int32, H) * GP

        def consume(g, rows_v):
            def per_b(b, carry):
                r0 = b * L
                accs = [rows_v[r0 + u, :] for u in range(8)]
                for u in range(8, L):
                    accs[u % 8] = accs[u % 8] + rows_v[r0 + u, :]
                acc = (((accs[0] + accs[1]) + (accs[2] + accs[3]))
                       + ((accs[4] + accs[5]) + (accs[6] + accs[7])))
                plsc.store_scatter(outb_v, [col_iota + b], acc)
                return carry
            lax.fori_loop(0, GP, per_b, 0)
            for c in range(H):
                pltpu.sync_copy(
                    outb_v.at[pl.ds(c * GP, GP)],
                    out_hbm.at[pl.ds(c * B + base + g * GP, GP)])

        remap_group(0)
        remap_group(1)
        fire(0, rows0, sem0)

        def per_pair(i, carry):
            g0 = i * 2
            fire(g0 + 1, rows1, sem1)

            @pl.when(g0 + 2 < n_groups)
            def _():
                remap_group(g0 + 2)

            drain(g0, rows0, sem0)
            consume(g0, rows0)

            @pl.when(g0 + 2 < n_groups)
            def _():
                fire(g0 + 2, rows0, sem0)

            @pl.when(g0 + 3 < n_groups)
            def _():
                remap_group(g0 + 3)

            drain(g0 + 1, rows1, sem1)
            consume(g0 + 1, rows1)
            return carry

        lax.fori_loop(0, n_groups // 2, per_pair, 0)

    return k(label_flat, contrib)


def _tc_finalize(accT, fixedT, wm, weT, wf, bias):
    B = accT.shape[1]
    F = fixedT.shape[0]
    BLK = 4096
    grid = (B // BLK,)

    def body(acc_ref, fx_ref, wm_ref, weT_ref, wf_ref, b_ref, out_ref):
        embed = jnp.sqrt(acc_ref[...])
        fx = fx_ref[...]
        v = jnp.dot(wm_ref[...], fx, preferred_element_type=jnp.float32)
        v = v + weT_ref[...]
        s1 = jnp.dot(wf_ref[...], fx, preferred_element_type=jnp.float32)
        logit = jnp.sum(embed * v, axis=0, keepdims=True) + s1 + b_ref[...]
        out_ref[...] = jax.nn.sigmoid(logit)

    return pl.pallas_call(
        body,
        grid=grid,
        in_specs=[
            pl.BlockSpec((H, BLK), lambda i: (0, i)),
            pl.BlockSpec((F, BLK), lambda i: (0, i)),
            pl.BlockSpec((H, F), lambda i: (0, 0)),
            pl.BlockSpec((H, 1), lambda i: (0, 0)),
            pl.BlockSpec((1, F), lambda i: (0, 0)),
            pl.BlockSpec((1, 1), lambda i: (0, 0)),
        ],
        out_specs=pl.BlockSpec((1, BLK), lambda i: (0, i)),
        out_shape=jax.ShapeDtypeStruct((1, B), jnp.float32),
    )(accT, fixedT, wm, weT, wf, bias)


def kernel(label, fixed, emb_table, final_w, final_b):
    B, L = label.shape
    F = fixed.shape[1]
    packed = _tc_prep(emb_table.T)
    contrib = packed.reshape(packed.shape[0] * 8, H)
    acc = _sc_gather_sum(label.reshape(-1).astype(jnp.int32), contrib, B, L)
    accT = acc.reshape(H, B)
    wf = final_w[:, :F]
    weT = final_w[0, F:F + H].reshape(H, 1)
    wm = final_w[0, F + H:].reshape(H, F)
    out = _tc_finalize(accT, fixed.T, wm, weT, wf, final_b.reshape(1, 1))
    return out.reshape(B, 1)

# --- scband reference (transcript-rebuilt; emitter-appended) ---
"""Pipeline reference for scband-embed-logit-int-70626442215668 (READ-ONLY COPY).

The authoritative reference and input builder live on the scoring server;
editing this copy changes nothing except your own understanding.
"""

import jax, jax.numpy as jnp
import numpy as np

EMBED_N = 1000000
HIDDEN_N = 16
FIXED_N = 26
B = 16384
L = 50


def setup_inputs(seed: int = 0) -> dict:
    key = jax.random.key(seed)
    k1, k2, k3, k4, k5 = jax.random.split(key, 5)
    label = jax.random.randint(k1, (B, L), 0, EMBED_N)
    fixed = jax.random.normal(k2, (B, FIXED_N), dtype=jnp.float32)
    emb_table = jax.random.normal(k3, (EMBED_N, HIDDEN_N), dtype=jnp.float32)
    emb_table = emb_table.at[0].set(0.0)  # padding_idx=0
    in_f = FIXED_N + HIDDEN_N + FIXED_N * HIDDEN_N
    bound = 1.0 / np.sqrt(in_f)
    final_w = jax.random.uniform(k4, (1, in_f), minval=-bound, maxval=bound, dtype=jnp.float32)
    final_b = jax.random.uniform(k5, (1,), minval=-bound, maxval=bound, dtype=jnp.float32)
    return {"label": label, "fixed": fixed, "emb_table": emb_table, "final_w": final_w, "final_b": final_b}


def reference(label, fixed, emb_table, final_w, final_b):
    # Embedding lookup with max_norm=1 renorm (side-effect in torch; not differentiated)
    e = jnp.take(emb_table, label, axis=0)  # [B, L, H]
    n = jnp.sqrt(jnp.sum(e * e, axis=-1, keepdims=True))
    scale = jnp.where(n > 1.0, 1.0 / (n + 1e-7), 1.0)
    scale = jax.lax.stop_gradient(scale)
    e = e * scale
    # .clamp(0).norm(dim=1) -> L2 norm over the history (L) dimension
    ec = jnp.clip(e, 0.0, None)
    embed_weights = jnp.sqrt(jnp.sum(ec * ec, axis=1))  # [B, H]
    # ten_int: outer product interactions
    int_weights = jnp.einsum('ij,ik->ijk', embed_weights, fixed).reshape(embed_weights.shape[0], -1)  # [B, H*F]
    con_weights = jnp.concatenate([fixed, embed_weights, int_weights], axis=1)
    final_pred_lin = con_weights @ final_w.T + final_b
    return jax.nn.sigmoid(final_pred_lin)

if __name__ == "__main__":
    import jax
    _d = setup_inputs()
    print(jax.jit(kernel)(*tuple(_d.values())))

</pallas_src>

<mosaic_0001>
#map = affine_map<(d0, d1) -> (0)>
#map1 = affine_map<(d0, d1) -> (0, 0)>
module attributes {stable_mosaic.version = 14 : i64} {
  func.func @k(%arg0: i32, %arg1: i32, %arg2: memref<819200xi32, #tpu.memory_space<hbm>>, %arg3: memref<1048576x16xf32, #tpu.memory_space<hbm>>, %arg4: memref<262144xf32, #tpu.memory_space<hbm>>, %arg5: memref<25600xi32, #tpu.memory_space<vmem>>, %arg6: memref<1600x16xf32, #tpu.memory_space<vmem>>, %arg7: memref<1600x16xf32, #tpu.memory_space<vmem>>, %arg8: memref<512xf32, #tpu.memory_space<vmem>>, %arg9: memref<!tpu.dma_semaphore, #tpu.memory_space<semaphore_mem>>, %arg10: memref<!tpu.dma_semaphore, #tpu.memory_space<semaphore_mem>>) attributes {dimension_semantics = [#tpu.dimension_semantics<core_parallel>, #tpu.dimension_semantics<subcore_parallel>], iteration_bounds = array<i64: 2, 16>, scalar_prefetch = 0 : i64, scratch_operands = 6 : i64, tpu.core_type = #tpu.core_type<sc_vector_subcore>, window_params = [{transform_indices = #map}, {transform_indices = #map1}, {transform_indices = #map}]} {
    %mul3A = arith.constant 2 : i32
    %mul3A_0 = arith.muli %arg1, %mul3A : i32
    %add3A = arith.addi %mul3A_0, %arg0 : i32
    %mul3A_1 = arith.constant 512 : i32
    %mul3A_2 = arith.muli %add3A, %mul3A_1 : i32
    %mul3A_3 = arith.constant 50 : i32
    %mul3A_4 = arith.muli %mul3A_2, %mul3A_3 : i32
    "tpu.region"() ({
      %run_scoped3A = tpu.sem_alloc : memref<!tpu.dma_semaphore, #tpu.memory_space<semaphore_mem>>
      %dma_start3A_142 = tpu.memref_slice %arg2[%mul3A_4] : memref<819200xi32, #tpu.memory_space<hbm>> -> memref<25600xi32, #tpu.memory_space<hbm>>
      %dma_start3A_143 = tpu.memref_slice %arg2[%mul3A_4] : memref<819200xi32, #tpu.memory_space<hbm>> -> memref<25600xi32, #tpu.memory_space<hbm>>
      tpu.enqueue_dma source(%dma_start3A_143 : memref<25600xi32, #tpu.memory_space<hbm>>) target(%arg5 : memref<25600xi32, #tpu.memory_space<vmem>>) target_semaphore(%run_scoped3A : memref<!tpu.dma_semaphore, #tpu.memory_space<semaphore_mem>>)
      %dma_wait3A = tpu.memref_slice %arg2[%mul3A_4] : memref<819200xi32, #tpu.memory_space<hbm>> -> memref<25600xi32, #tpu.memory_space<hbm>>
      %dma_wait3A_144 = tpu.memref_slice %arg2[%mul3A_4] : memref<819200xi32, #tpu.memory_space<hbm>> -> memref<25600xi32, #tpu.memory_space<hbm>>
      tpu.wait_dma2 semaphore(%run_scoped3A : memref<!tpu.dma_semaphore, #tpu.memory_space<semaphore_mem>>) src(%dma_wait3A_144 : memref<25600xi32, #tpu.memory_space<hbm>>) dst(%arg5 : memref<25600xi32, #tpu.memory_space<vmem>>)
      tpu.yield
    }) : () -> ()
    %iota3A = tpu.iota {dimensions = array<i32: 0>} : vector<16xi32>
    %mul3A_5 = arith.constant 32 : i32
    %mul3A_6 = vector.broadcast %mul3A_5 : i32 to vector<16xi32>
    %mul3A_7 = arith.muli %iota3A, %mul3A_6 : vector<16xi32>
    %scan3A = arith.constant 0 : i32
    %scan3A_8 = arith.constant 0 : i32
    %scan3A_9 = arith.constant 100 : i32
    %scan3A_10 = arith.addi %scan3A_8, %scan3A_9 : i32
    %scan3A_11 = arith.constant 1 : i32
    scf.for %scan3A_142 = %scan3A_8 to %scan3A_10 step %scan3A_11  : i32 {
      %mul3A_143 = arith.constant 16 : i32
      %mul3A_144 = arith.muli %scan3A_142, %mul3A_143 : i32
      %add3A_145 = arith.constant 0 : i32
      %add3A_146 = arith.addi %add3A_145, %mul3A_144 : i32
      %multiple_of3A_147 = tpu.assume_multiple %add3A_146, 16 : i32
      %get3A = arith.index_cast %multiple_of3A_147 : i32 to index
      %get3A_148 = tpu.vector_load %arg5[%get3A] {strides = array<i32>} : memref<25600xi32, #tpu.memory_space<vmem>>, vector<16xi32>,
      %and3A = arith.constant -1024 : i32
      %and3A_149 = vector.broadcast %and3A : i32 to vector<16xi32>
      %and3A_150 = arith.andi %get3A_148, %and3A_149 : vector<16xi32>
      %and3A_151 = arith.constant 127 : i32
      %and3A_152 = vector.broadcast %and3A_151 : i32 to vector<16xi32>
      %and3A_153 = arith.andi %get3A_148, %and3A_152 : vector<16xi32>
      %shift_left3A = arith.constant 3 : i32
      %shift_left3A_154 = vector.broadcast %shift_left3A : i32 to vector<16xi32>
      %shift_left3A_155 = arith.shli %and3A_153, %shift_left3A_154 : vector<16xi32>
      %add3A_156 = arith.addi %and3A_150, %shift_left3A_155 : vector<16xi32>
      %shift_right_arithmetic3A = arith.constant 7 : i32
      %shift_right_arithmetic3A_157 = vector.broadcast %shift_right_arithmetic3A : i32 to vector<16xi32>
      %shift_right_arithmetic3A_158 = arith.shrsi %get3A_148, %shift_right_arithmetic3A_157 : vector<16xi32>
      %and3A_159 = arith.constant 7 : i32
      %and3A_160 = vector.broadcast %and3A_159 : i32 to vector<16xi32>
      %and3A_161 = arith.andi %shift_right_arithmetic3A_158, %and3A_160 : vector<16xi32>
      %add3A_162 = arith.addi %add3A_156, %and3A_161 : vector<16xi32>
      %swap3A = arith.index_cast %multiple_of3A_147 : i32 to index
      %swap3A_163 = tpu.vector_load %arg5[%swap3A] {strides = array<i32>} : memref<25600xi32, #tpu.memory_space<vmem>>, vector<16xi32>,
      tpu.vector_store %arg5[%swap3A], %add3A_162 {strides = array<i32>} : memref<25600xi32, #tpu.memory_space<vmem>>, vector<16xi32>,
    }
    %scan3A_12 = arith.constant 100 : i32
    %scan3A_13 = arith.constant 0 : i32
    %scan3A_14 = arith.constant 0 : i32
    %scan3A_15 = arith.constant 100 : i32
    %scan3A_16 = arith.addi %scan3A_14, %scan3A_15 : i32
    %scan3A_17 = arith.constant 1 : i32
    scf.for %scan3A_142 = %scan3A_14 to %scan3A_16 step %scan3A_17  : i32 {
      %mul3A_143 = arith.constant 16 : i32
      %mul3A_144 = arith.muli %scan3A_142, %mul3A_143 : i32
      %add3A_145 = arith.constant 1600 : i32
      %add3A_146 = arith.addi %add3A_145, %mul3A_144 : i32
      %multiple_of3A_147 = tpu.assume_multiple %add3A_146, 16 : i32
      %get3A = arith.index_cast %multiple_of3A_147 : i32 to index
      %get3A_148 = tpu.vector_load %arg5[%get3A] {strides = array<i32>} : memref<25600xi32, #tpu.memory_space<vmem>>, vector<16xi32>,
      %and3A = arith.constant -1024 : i32
      %and3A_149 = vector.broadcast %and3A : i32 to vector<16xi32>
      %and3A_150 = arith.andi %get3A_148, %and3A_149 : vector<16xi32>
      %and3A_151 = arith.constant 127 : i32
      %and3A_152 = vector.broadcast %and3A_151 : i32 to vector<16xi32>
      %and3A_153 = arith.andi %get3A_148, %and3A_152 : vector<16xi32>
      %shift_left3A = arith.constant 3 : i32
      %shift_left3A_154 = vector.broadcast %shift_left3A : i32 to vector<16xi32>
      %shift_left3A_155 = arith.shli %and3A_153, %shift_left3A_154 : vector<16xi32>
      %add3A_156 = arith.addi %and3A_150, %shift_left3A_155 : vector<16xi32>
      %shift_right_arithmetic3A = arith.constant 7 : i32
      %shift_right_arithmetic3A_157 = vector.broadcast %shift_right_arithmetic3A : i32 to vector<16xi32>
      %shift_right_arithmetic3A_158 = arith.shrsi %get3A_148, %shift_right_arithmetic3A_157 : vector<16xi32>
      %and3A_159 = arith.constant 7 : i32
      %and3A_160 = vector.broadcast %and3A_159 : i32 to vector<16xi32>
      %and3A_161 = arith.andi %shift_right_arithmetic3A_158, %and3A_160 : vector<16xi32>
      %add3A_162 = arith.addi %add3A_156, %and3A_161 : vector<16xi32>
      %swap3A = arith.index_cast %multiple_of3A_147 : i32 to index
      %swap3A_163 = tpu.vector_load %arg5[%swap3A] {strides = array<i32>} : memref<25600xi32, #tpu.memory_space<vmem>>, vector<16xi32>,
      tpu.vector_store %arg5[%swap3A], %add3A_162 {strides = array<i32>} : memref<25600xi32, #tpu.memory_space<vmem>>, vector<16xi32>,
    }
    %scan3A_18 = arith.constant 100 : i32
    %multiple_of3A = arith.constant 0 : i32
    %multiple_of3A_19 = tpu.assume_multiple %multiple_of3A, 8 : i32
    %add3A_20 = arith.constant 0 : i32
    %add3A_21 = arith.addi %multiple_of3A_19, %add3A_20 : i32
    %add3A_22 = arith.constant 128 : i32
    %add3A_23 = arith.addi %multiple_of3A_19, %add3A_22 : i32
    %add3A_24 = arith.constant 256 : i32
    %add3A_25 = arith.addi %multiple_of3A_19, %add3A_24 : i32
    %add3A_26 = arith.constant 384 : i32
    %add3A_27 = arith.addi %multiple_of3A_19, %add3A_26 : i32
    %add3A_28 = arith.constant 512 : i32
    %add3A_29 = arith.addi %multiple_of3A_19, %add3A_28 : i32
    %add3A_30 = arith.constant 640 : i32
    %add3A_31 = arith.addi %multiple_of3A_19, %add3A_30 : i32
    %add3A_32 = arith.constant 768 : i32
    %add3A_33 = arith.addi %multiple_of3A_19, %add3A_32 : i32
    %add3A_34 = arith.constant 896 : i32
    %add3A_35 = arith.addi %multiple_of3A_19, %add3A_34 : i32
    %add3A_36 = arith.constant 1024 : i32
    %add3A_37 = arith.addi %multiple_of3A_19, %add3A_36 : i32
    %add3A_38 = arith.constant 1152 : i32
    %add3A_39 = arith.addi %multiple_of3A_19, %add3A_38 : i32
    %add3A_40 = arith.constant 1280 : i32
    %add3A_41 = arith.addi %multiple_of3A_19, %add3A_40 : i32
    %add3A_42 = arith.constant 1408 : i32
    %add3A_43 = arith.addi %multiple_of3A_19, %add3A_42 : i32
    %add3A_44 = arith.constant 1536 : i32
    %add3A_45 = arith.addi %multiple_of3A_19, %add3A_44 : i32
    %dma_start3A = arith.constant 0 : i32
    %dma_start3A_46 = arith.constant 0 : i32
    %dma_start3A_47 = tpu.memref_slice %arg6[%dma_start3A, %dma_start3A_46] : memref<1600x16xf32, #tpu.memory_space<vmem>> -> memref<128x16xf32, #tpu.memory_space<vmem>>
    %dma_start3A_48 = tpu.memref_slice %arg5[%add3A_21] : memref<25600xi32, #tpu.memory_space<vmem>> -> memref<128xi32, #tpu.memory_space<vmem>>
    %dma_start3A_49 = arith.constant 0 : i32
    %dma_start3A_50 = arith.constant 0 : i32
    %dma_start3A_51 = tpu.memref_slice %arg3[%dma_start3A_49, %dma_start3A_50] : memref<1048576x16xf32, #tpu.memory_space<hbm>> -> memref<1048576x16xf32, #tpu.memory_space<hbm>>
    tpu.enqueue_indirect_dma source(%dma_start3A_51 : memref<1048576x16xf32, #tpu.memory_space<hbm>>) target(%dma_start3A_47 : memref<128x16xf32, #tpu.memory_space<vmem>>) offsets(%dma_start3A_48 : memref<128xi32, #tpu.memory_space<vmem>>) semaphore(%arg9 : memref<!tpu.dma_semaphore, #tpu.memory_space<semaphore_mem>>)
    %dma_start3A_52 = arith.constant 128 : i32
    %dma_start3A_53 = arith.constant 0 : i32
    %dma_start3A_54 = tpu.memref_slice %arg6[%dma_start3A_52, %dma_start3A_53] : memref<1600x16xf32, #tpu.memory_space<vmem>> -> memref<128x16xf32, #tpu.memory_space<vmem>>
    %dma_start3A_55 = tpu.memref_slice %arg5[%add3A_23] : memref<25600xi32, #tpu.memory_space<vmem>> -> memref<128xi32, #tpu.memory_space<vmem>>
    %dma_start3A_56 = arith.constant 0 : i32
    %dma_start3A_57 = arith.constant 0 : i32
    %dma_start3A_58 = tpu.memref_slice %arg3[%dma_start3A_56, %dma_start3A_57] : memref<1048576x16xf32, #tpu.memory_space<hbm>> -> memref<1048576x16xf32, #tpu.memory_space<hbm>>
    tpu.enqueue_indirect_dma source(%dma_start3A_58 : memref<1048576x16xf32, #tpu.memory_space<hbm>>) target(%dma_start3A_54 : memref<128x16xf32, #tpu.memory_space<vmem>>) offsets(%dma_start3A_55 : memref<128xi32, #tpu.memory_space<vmem>>) semaphore(%arg9 : memref<!tpu.dma_semaphore, #tpu.memory_space<semaphore_mem>>)
    %dma_start3A_59 = arith.constant 256 : i32
    %dma_start3A_60 = arith.constant 0 : i32
    %dma_start3A_61 = tpu.memref_slice %arg6[%dma_start3A_59, %dma_start3A_60] : memref<1600x16xf32, #tpu.memory_space<vmem>> -> memref<128x16xf32, #tpu.memory_space<vmem>>
    %dma_start3A_62 = tpu.memref_slice %arg5[%add3A_25] : memref<25600xi32, #tpu.memory_space<vmem>> -> memref<128xi32, #tpu.memory_space<vmem>>
    %dma_start3A_63 = arith.constant 0 : i32
    %dma_start3A_64 = arith.constant 0 : i32
    %dma_start3A_65 = tpu.memref_slice %arg3[%dma_start3A_63, %dma_start3A_64] : memref<1048576x16xf32, #tpu.memory_space<hbm>> -> memref<1048576x16xf32, #tpu.memory_space<hbm>>
    tpu.enqueue_indirect_dma source(%dma_start3A_65 : memref<1048576x16xf32, #tpu.memory_space<hbm>>) target(%dma_start3A_61 : memref<128x16xf32, #tpu.memory_space<vmem>>) offsets(%dma_start3A_62 : memref<128xi32, #tpu.memory_space<vmem>>) semaphore(%arg9 : memref<!tpu.dma_semaphore, #tpu.memory_space<semaphore_mem>>)
    %dma_start3A_66 = arith.constant 384 : i32
    %dma_start3A_67 = arith.constant 0 : i32
    %dma_start3A_68 = tpu.memref_slice %arg6[%dma_start3A_66, %dma_start3A_67] : memref<1600x16xf32, #tpu.memory_space<vmem>> -> memref<128x16xf32, #tpu.memory_space<vmem>>
    %dma_start3A_69 = tpu.memref_slice %arg5[%add3A_27] : memref<25600xi32, #tpu.memory_space<vmem>> -> memref<128xi32, #tpu.memory_space<vmem>>
    %dma_start3A_70 = arith.constant 0 : i32
    %dma_start3A_71 = arith.constant 0 : i32
    %dma_start3A_72 = tpu.memref_slice %arg3[%dma_start3A_70, %dma_start3A_71] : memref<1048576x16xf32, #tpu.memory_space<hbm>> -> memref<1048576x16xf32, #tpu.memory_space<hbm>>
    tpu.enqueue_indirect_dma source(%dma_start3A_72 : memref<1048576x16xf32, #tpu.memory_space<hbm>>) target(%dma_start3A_68 : memref<128x16xf32, #tpu.memory_space<vmem>>) offsets(%dma_start3A_69 : memref<128xi32, #tpu.memory_space<vmem>>) semaphore(%arg9 : memref<!tpu.dma_semaphore, #tpu.memory_space<semaphore_mem>>)
    %dma_start3A_73 = arith.constant 512 : i32
    %dma_start3A_74 = arith.constant 0 : i32
    %dma_start3A_75 = tpu.memref_slice %arg6[%dma_start3A_73, %dma_start3A_74] : memref<1600x16xf32, #tpu.memory_space<vmem>> -> memref<128x16xf32, #tpu.memory_space<vmem>>
    %dma_start3A_76 = tpu.memref_slice %arg5[%add3A_29] : memref<25600xi32, #tpu.memory_space<vmem>> -> memref<128xi32, #tpu.memory_space<vmem>>
    %dma_start3A_77 = arith.constant 0 : i32
    %dma_start3A_78 = arith.constant 0 : i32
    %dma_start3A_79 = tpu.memref_slice %arg3[%dma_start3A_77, %dma_start3A_78] : memref<1048576x16xf32, #tpu.memory_space<hbm>> -> memref<1048576x16xf32, #tpu.memory_space<hbm>>
    tpu.enqueue_indirect_dma source(%dma_start3A_79 : memref<1048576x16xf32, #tpu.memory_space<hbm>>) target(%dma_start3A_75 : memref<128x16xf32, #tpu.memory_space<vmem>>) offsets(%dma_start3A_76 : memref<128xi32, #tpu.memory_space<vmem>>) semaphore(%arg9 : memref<!tpu.dma_semaphore, #tpu.memory_space<semaphore_mem>>)
    %dma_start3A_80 = arith.constant 640 : i32
    %dma_start3A_81 = arith.constant 0 : i32
    %dma_start3A_82 = tpu.memref_slice %arg6[%dma_start3A_80, %dma_start3A_81] : memref<1600x16xf32, #tpu.memory_space<vmem>> -> memref<128x16xf32, #tpu.memory_space<vmem>>
    %dma_start3A_83 = tpu.memref_slice %arg5[%add3A_31] : memref<25600xi32, #tpu.memory_space<vmem>> -> memref<128xi32, #tpu.memory_space<vmem>>
    %dma_start3A_84 = arith.constant 0 : i32
    %dma_start3A_85 = arith.constant 0 : i32
    %dma_start3A_86 = tpu.memref_slice %arg3[%dma_start3A_84, %dma_start3A_85] : memref<1048576x16xf32, #tpu.memory_space<hbm>> -> memref<1048576x16xf32, #tpu.memory_space<hbm>>
    tpu.enqueue_indirect_dma source(%dma_start3A_86 : memref<1048576x16xf32, #tpu.memory_space<hbm>>) target(%dma_start3A_82 : memref<128x16xf32, #tpu.memory_space<vmem>>) offsets(%dma_start3A_83 : memref<128xi32, #tpu.memory_space<vmem>>) semaphore(%arg9 : memref<!tpu.dma_semaphore, #tpu.memory_space<semaphore_mem>>)
    %dma_start3A_87 = arith.constant 768 : i32
    %dma_start3A_88 = arith.constant 0 : i32
    %dma_start3A_89 = tpu.memref_slice %arg6[%dma_start3A_87, %dma_start3A_88] : memref<1600x16xf32, #tpu.memory_space<vmem>> -> memref<128x16xf32, #tpu.memory_space<vmem>>
    %dma_start3A_90 = tpu.memref_slice %arg5[%add3A_33] : memref<25600xi32, #tpu.memory_space<vmem>> -> memref<128xi32, #tpu.memory_space<vmem>>
    %dma_start3A_91 = arith.constant 0 : i32
    %dma_start3A_92 = arith.constant 0 : i32
    %dma_start3A_93 = tpu.memref_slice %arg3[%dma_start3A_91, %dma_start3A_92] : memref<1048576x16xf32, #tpu.memory_space<hbm>> -> memref<1048576x16xf32, #tpu.memory_space<hbm>>
    tpu.enqueue_indirect_dma source(%dma_start3A_93 : memref<1048576x16xf32, #tpu.memory_space<hbm>>) target(%dma_start3A_89 : memref<128x16xf32, #tpu.memory_space<vmem>>) offsets(%dma_start3A_90 : memref<128xi32, #tpu.memory_space<vmem>>) semaphore(%arg9 : memref<!tpu.dma_semaphore, #tpu.memory_space<semaphore_mem>>)
    %dma_start3A_94 = arith.constant 896 : i32
    %dma_start3A_95 = arith.constant 0 : i32
    %dma_start3A_96 = tpu.memref_slice %arg6[%dma_start3A_94, %dma_start3A_95] : memref<1600x16xf32, #tpu.memory_space<vmem>> -> memref<128x16xf32, #tpu.memory_space<vmem>>
    %dma_start3A_97 = tpu.memref_slice %arg5[%add3A_35] : memref<25600xi32, #tpu.memory_space<vmem>> -> memref<128xi32, #tpu.memory_space<vmem>>
    %dma_start3A_98 = arith.constant 0 : i32
    %dma_start3A_99 = arith.constant 0 : i32
    %dma_start3A_100 = tpu.memref_slice %arg3[%dma_start3A_98, %dma_start3A_99] : memref<1048576x16xf32, #tpu.memory_space<hbm>> -> memref<1048576x16xf32, #tpu.memory_space<hbm>>
    tpu.enqueue_indirect_dma source(%dma_start3A_100 : memref<1048576x16xf32, #tpu.memory_space<hbm>>) target(%dma_start3A_96 : memref<128x16xf32, #tpu.memory_space<vmem>>) offsets(%dma_start3A_97 : memref<128xi32, #tpu.memory_space<vmem>>) semaphore(%arg9 : memref<!tpu.dma_semaphore, #tpu.memory_space<semaphore_mem>>)
    %dma_start3A_101 = arith.constant 1024 : i32
    %dma_start3A_102 = arith.constant 0 : i32
    %dma_start3A_103 = tpu.memref_slice %arg6[%dma_start3A_101, %dma_start3A_102] : memref<1600x16xf32, #tpu.memory_space<vmem>> -> memref<128x16xf32, #tpu.memory_space<vmem>>
    %dma_start3A_104 = tpu.memref_slice %arg5[%add3A_37] : memref<25600xi32, #tpu.memory_space<vmem>> -> memref<128xi32, #tpu.memory_space<vmem>>
    %dma_start3A_105 = arith.constant 0 : i32
    %dma_start3A_106 = arith.constant 0 : i32
    %dma_start3A_107 = tpu.memref_slice %arg3[%dma_start3A_105, %dma_start3A_106] : memref<1048576x16xf32, #tpu.memory_space<hbm>> -> memref<1048576x16xf32, #tpu.memory_space<hbm>>
    tpu.enqueue_indirect_dma source(%dma_start3A_107 : memref<1048576x16xf32, #tpu.memory_space<hbm>>) target(%dma_start3A_103 : memref<128x16xf32, #tpu.memory_space<vmem>>) offsets(%dma_start3A_104 : memref<128xi32, #tpu.memory_space<vmem>>) semaphore(%arg9 : memref<!tpu.dma_semaphore, #tpu.memory_space<semaphore_mem>>)
    %dma_start3A_108 = arith.constant 1152 : i32
    %dma_start3A_109 = arith.constant 0 : i32
    %dma_start3A_110 = tpu.memref_slice %arg6[%dma_start3A_108, %dma_start3A_109] : memref<1600x16xf32, #tpu.memory_space<vmem>> -> memref<128x16xf32, #tpu.memory_space<vmem>>
    %dma_start3A_111 = tpu.memref_slice %arg5[%add3A_39] : memref<25600xi32, #tpu.memory_space<vmem>> -> memref<128xi32, #tpu.memory_space<vmem>>
    %dma_start3A_112 = arith.constant 0 : i32
    %dma_start3A_113 = arith.constant 0 : i32
    %dma_start3A_114 = tpu.memref_slice %arg3[%dma_start3A_112, %dma_start3A_113] : memref<1048576x16xf32, #tpu.memory_space<hbm>> -> memref<1048576x16xf32, #tpu.memory_space<hbm>>
    tpu.enqueue_indirect_dma source(%dma_start3A_114 : memref<1048576x16xf32, #tpu.memory_space<hbm>>) target(%dma_start3A_110 : memref<128x16xf32, #tpu.memory_space<vmem>>) offsets(%dma_start3A_111 : memref<128xi32, #tpu.memory_space<vmem>>) semaphore(%arg9 : memref<!tpu.dma_semaphore, #tpu.memory_space<semaphore_mem>>)
    %dma_start3A_115 = arith.constant 1280 : i32
    %dma_start3A_116 = arith.constant 0 : i32
    %dma_start3A_117 = tpu.memref_slice %arg6[%dma_start3A_115, %dma_start3A_116] : memref<1600x16xf32, #tpu.memory_space<vmem>> -> memref<128x16xf32, #tpu.memory_space<vmem>>
    %dma_start3A_118 = tpu.memref_slice %arg5[%add3A_41] : memref<25600xi32, #tpu.memory_space<vmem>> -> memref<128xi32, #tpu.memory_space<vmem>>
    %dma_start3A_119 = arith.constant 0 : i32
    %dma_start3A_120 = arith.constant 0 : i32
    %dma_start3A_121 = tpu.memref_slice %arg3[%dma_start3A_119, %dma_start3A_120] : memref<1048576x16xf32, #tpu.memory_space<hbm>> -> memref<1048576x16xf32, #tpu.memory_space<hbm>>
    tpu.enqueue_indirect_dma source(%dma_start3A_121 : memref<1048576x16xf32, #tpu.memory_space<hbm>>) target(%dma_start3A_117 : memref<128x16xf32, #tpu.memory_space<vmem>>) offsets(%dma_start3A_118 : memref<128xi32, #tpu.memory_space<vmem>>) semaphore(%arg9 : memref<!tpu.dma_semaphore, #tpu.memory_space<semaphore_mem>>)
    %dma_start3A_122 = arith.constant 1408 : i32
    %dma_start3A_123 = arith.constant 0 : i32
    %dma_start3A_124 = tpu.memref_slice %arg6[%dma_start3A_122, %dma_start3A_123] : memref<1600x16xf32, #tpu.memory_space<vmem>> -> memref<128x16xf32, #tpu.memory_space<vmem>>
    %dma_start3A_125 = tpu.memref_slice %arg5[%add3A_43] : memref<25600xi32, #tpu.memory_space<vmem>> -> memref<128xi32, #tpu.memory_space<vmem>>
    %dma_start3A_126 = arith.constant 0 : i32
    %dma_start3A_127 = arith.constant 0 : i32
    %dma_start3A_128 = tpu.memref_slice %arg3[%dma_start3A_126, %dma_start3A_127] : memref<1048576x16xf32, #tpu.memory_space<hbm>> -> memref<1048576x16xf32, #tpu.memory_space<hbm>>
    tpu.enqueue_indirect_dma source(%dma_start3A_128 : memref<1048576x16xf32, #tpu.memory_space<hbm>>) target(%dma_start3A_124 : memref<128x16xf32, #tpu.memory_space<vmem>>) offsets(%dma_start3A_125 : memref<128xi32, #tpu.memory_space<vmem>>) semaphore(%arg9 : memref<!tpu.dma_semaphore, #tpu.memory_space<semaphore_mem>>)
    %dma_start3A_129 = arith.constant 1536 : i32
    %dma_start3A_130 = arith.constant 0 : i32
    %dma_start3A_131 = tpu.memref_slice %arg6[%dma_start3A_129, %dma_start3A_130] : memref<1600x16xf32, #tpu.memory_space<vmem>> -> memref<64x16xf32, #tpu.memory_space<vmem>>
    %dma_start3A_132 = tpu.memref_slice %arg5[%add3A_45] : memref<25600xi32, #tpu.memory_space<vmem>> -> memref<64xi32, #tpu.memory_space<vmem>>
    %dma_start3A_133 = arith.constant 0 : i32
    %dma_start3A_134 = arith.constant 0 : i32
    %dma_start3A_135 = tpu.memref_slice %arg3[%dma_start3A_133, %dma_start3A_134] : memref<1048576x16xf32, #tpu.memory_space<hbm>> -> memref<1048576x16xf32, #tpu.memory_space<hbm>>
    tpu.enqueue_indirect_dma source(%dma_start3A_135 : memref<1048576x16xf32, #tpu.memory_space<hbm>>) target(%dma_start3A_131 : memref<64x16xf32, #tpu.memory_space<vmem>>) offsets(%dma_start3A_132 : memref<64xi32, #tpu.memory_space<vmem>>) semaphore(%arg9 : memref<!tpu.dma_semaphore, #tpu.memory_space<semaphore_mem>>)
    %scan3A_136 = arith.constant 0 : i32
    %scan3A_137 = arith.constant 0 : i32
    %scan3A_138 = arith.constant 8 : i32
    %scan3A_139 = arith.addi %scan3A_137, %scan3A_138 : i32
    %scan3A_140 = arith.constant 1 : i32
    scf.for %scan3A_142 = %scan3A_137 to %scan3A_139 step %scan3A_140  : i32 {
      %mul3A_143 = arith.constant 2 : i32
      %mul3A_144 = arith.muli %scan3A_142, %mul3A_143 : i32
      %add3A_145 = arith.constant 1 : i32
      %add3A_146 = arith.addi %mul3A_144, %add3A_145 : i32
      %mul3A_147 = arith.constant 1600 : i32
      %mul3A_148 = arith.muli %add3A_146, %mul3A_147 : i32
      %multiple_of3A_149 = tpu.assume_multiple %mul3A_148, 8 : i32
      %add3A_150 = arith.constant 0 : i32
      %add3A_151 = arith.addi %multiple_of3A_149, %add3A_150 : i32
      %add3A_152 = arith.constant 128 : i32
      %add3A_153 = arith.addi %multiple_of3A_149, %add3A_152 : i32
      %add3A_154 = arith.constant 256 : i32
      %add3A_155 = arith.addi %multiple_of3A_149, %add3A_154 : i32
      %add3A_156 = arith.constant 384 : i32
      %add3A_157 = arith.addi %multiple_of3A_149, %add3A_156 : i32
      %add3A_158 = arith.constant 512 : i32
      %add3A_159 = arith.addi %multiple_of3A_149, %add3A_158 : i32
      %add3A_160 = arith.constant 640 : i32
      %add3A_161 = arith.addi %multiple_of3A_149, %add3A_160 : i32
      %add3A_162 = arith.constant 768 : i32
      %add3A_163 = arith.addi %multiple_of3A_149, %add3A_162 : i32
      %add3A_164 = arith.constant 896 : i32
      %add3A_165 = arith.addi %multiple_of3A_149, %add3A_164 : i32
      %add3A_166 = arith.constant 1024 : i32
      %add3A_167 = arith.addi %multiple_of3A_149, %add3A_166 : i32
      %add3A_168 = arith.constant 1152 : i32
      %add3A_169 = arith.addi %multiple_of3A_149, %add3A_168 : i32
      %add3A_170 = arith.constant 1280 : i32
      %add3A_171 = arith.addi %multiple_of3A_149, %add3A_170 : i32
      %add3A_172 = arith.constant 1408 : i32
      %add3A_173 = arith.addi %multiple_of3A_149, %add3A_172 : i32
      %add3A_174 = arith.constant 1536 : i32
      %add3A_175 = arith.addi %multiple_of3A_149, %add3A_174 : i32
      %dma_start3A_176 = arith.constant 0 : i32
      %dma_start3A_177 = arith.constant 0 : i32
      %dma_start3A_178 = tpu.memref_slice %arg7[%dma_start3A_176, %dma_start3A_177] : memref<1600x16xf32, #tpu.memory_space<vmem>> -> memref<128x16xf32, #tpu.memory_space<vmem>>
      %dma_start3A_179 = tpu.memref_slice %arg5[%add3A_151] : memref<25600xi32, #tpu.memory_space<vmem>> -> memref<128xi32, #tpu.memory_space<vmem>>
      %dma_start3A_180 = arith.constant 0 : i32
      %dma_start3A_181 = arith.constant 0 : i32
      %dma_start3A_182 = tpu.memref_slice %arg3[%dma_start3A_180, %dma_start3A_181] : memref<1048576x16xf32, #tpu.memory_space<hbm>> -> memref<1048576x16xf32, #tpu.memory_space<hbm>>
      tpu.enqueue_indirect_dma source(%dma_start3A_182 : memref<1048576x16xf32, #tpu.memory_space<hbm>>) target(%dma_start3A_178 : memref<128x16xf32, #tpu.memory_space<vmem>>) offsets(%dma_start3A_179 : memref<128xi32, #tpu.memory_space<vmem>>) semaphore(%arg10 : memref<!tpu.dma_semaphore, #tpu.memory_space<semaphore_mem>>)
      %dma_start3A_183 = arith.constant 128 : i32
      %dma_start3A_184 = arith.constant 0 : i32
      %dma_start3A_185 = tpu.memref_slice %arg7[%dma_start3A_183, %dma_start3A_184] : memref<1600x16xf32, #tpu.memory_space<vmem>> -> memref<128x16xf32, #tpu.memory_space<vmem>>
      %dma_start3A_186 = tpu.memref_slice %arg5[%add3A_153] : memref<25600xi32, #tpu.memory_space<vmem>> -> memref<128xi32, #tpu.memory_space<vmem>>
      %dma_start3A_187 = arith.constant 0 : i32
      %dma_start3A_188 = arith.constant 0 : i32
      %dma_start3A_189 = tpu.memref_slice %arg3[%dma_start3A_187, %dma_start3A_188] : memref<1048576x16xf32, #tpu.memory_space<hbm>> -> memref<1048576x16xf32, #tpu.memory_space<hbm>>
      tpu.enqueue_indirect_dma source(%dma_start3A_189 : memref<1048576x16xf32, #tpu.memory_space<hbm>>) target(%dma_start3A_185 : memref<128x16xf32, #tpu.memory_space<vmem>>) offsets(%dma_start3A_186 : memref<128xi32, #tpu.memory_space<vmem>>) semaphore(%arg10 : memref<!tpu.dma_semaphore, #tpu.memory_space<semaphore_mem>>)
      %dma_start3A_190 = arith.constant 256 : i32
      %dma_start3A_191 = arith.constant 0 : i32
      %dma_start3A_192 = tpu.memref_slice %arg7[%dma_start3A_190, %dma_start3A_191] : memref<1600x16xf32, #tpu.memory_space<vmem>> -> memref<128x16xf32, #tpu.memory_space<vmem>>
      %dma_start3A_193 = tpu.memref_slice %arg5[%add3A_155] : memref<25600xi32, #tpu.memory_space<vmem>> -> memref<128xi32, #tpu.memory_space<vmem>>
      %dma_start3A_194 = arith.constant 0 : i32
      %dma_start3A_195 = arith.constant 0 : i32
      %dma_start3A_196 = tpu.memref_slice %arg3[%dma_start3A_194, %dma_start3A_195] : memref<1048576x16xf32, #tpu.memory_space<hbm>> -> memref<1048576x16xf32, #tpu.memory_space<hbm>>
      tpu.enqueue_indirect_dma source(%dma_start3A_196 : memref<1048576x16xf32, #tpu.memory_space<hbm>>) target(%dma_start3A_192 : memref<128x16xf32, #tpu.memory_space<vmem>>) offsets(%dma_start3A_193 : memref<128xi32, #tpu.memory_space<vmem>>) semaphore(%arg10 : memref<!tpu.dma_semaphore, #tpu.memory_space<semaphore_mem>>)
      %dma_start3A_197 = arith.constant 384 : i32
      %dma_start3A_198 = arith.constant 0 : i32
      %dma_start3A_199 = tpu.memref_slice %arg7[%dma_start3A_197, %dma_start3A_198] : memref<1600x16xf32, #tpu.memory_space<vmem>> -> memref<128x16xf32, #tpu.memory_space<vmem>>
      %dma_start3A_200 = tpu.memref_slice %arg5[%add3A_157] : memref<25600xi32, #tpu.memory_space<vmem>> -> memref<128xi32, #tpu.memory_space<vmem>>
      %dma_start3A_201 = arith.constant 0 : i32
      %dma_start3A_202 = arith.constant 0 : i32
      %dma_start3A_203 = tpu.memref_slice %arg3[%dma_start3A_201, %dma_start3A_202] : memref<1048576x16xf32, #tpu.memory_space<hbm>> -> memref<1048576x16xf32, #tpu.memory_space<hbm>>
      tpu.enqueue_indirect_dma source(%dma_start3A_203 : memref<1048576x16xf32, #tpu.memory_space<hbm>>) target(%dma_start3A_199 : memref<128x16xf32, #tpu.memory_space<vmem>>) offsets(%dma_start3A_200 : memref<128xi32, #tpu.memory_space<vmem>>) semaphore(%arg10 : memref<!tpu.dma_semaphore, #tpu.memory_space<semaphore_mem>>)
      %dma_start3A_204 = arith.constant 512 : i32
      %dma_start3A_205 = arith.constant 0 : i32
      %dma_start3A_206 = tpu.memref_slice %arg7[%dma_start3A_204, %dma_start3A_205] : memref<1600x16xf32, #tpu.memory_space<vmem>> -> memref<128x16xf32, #tpu.memory_space<vmem>>
      %dma_start3A_207 = tpu.memref_slice %arg5[%add3A_159] : memref<25600xi32, #tpu.memory_space<vmem>> -> memref<128xi32, #tpu.memory_space<vmem>>
      %dma_start3A_208 = arith.constant 0 : i32
      %dma_start3A_209 = arith.constant 0 : i32
      %dma_start3A_210 = tpu.memref_slice %arg3[%dma_start3A_208, %dma_start3A_209] : memref<1048576x16xf32, #tpu.memory_space<hbm>> -> memref<1048576x16xf32, #tpu.memory_space<hbm>>
      tpu.enqueue_indirect_dma source(%dma_start3A_210 : memref<1048576x16xf32, #tpu.memory_space<hbm>>) target(%dma_start3A_206 : memref<128x16xf32, #tpu.memory_space<vmem>>) offsets(%dma_start3A_207 : memref<128xi32, #tpu.memory_space<vmem>>) semaphore(%arg10 : memref<!tpu.dma_semaphore, #tpu.memory_space<semaphore_mem>>)
      %dma_start3A_211 = arith.constant 640 : i32
      %dma_start3A_212 = arith.constant 0 : i32
      %dma_start3A_213 = tpu.memref_slice %arg7[%dma_start3A_211, %dma_start3A_212] : memref<1600x16xf32, #tpu.memory_space<vmem>> -> memref<128x16xf32, #tpu.memory_space<vmem>>
      %dma_start3A_214 = tpu.memref_slice %arg5[%add3A_161] : memref<25600xi32, #tpu.memory_space<vmem>> -> memref<128xi32, #tpu.memory_space<vmem>>
      %dma_start3A_215 = arith.constant 0 : i32
      %dma_start3A_216 = arith.constant 0 : i32
      %dma_start3A_217 = tpu.memref_slice %arg3[%dma_start3A_215, %dma_start3A_216] : memref<1048576x16xf32, #tpu.memory_space<hbm>> -> memref<1048576x16xf32, #tpu.memory_space<hbm>>
      tpu.enqueue_indirect_dma source(%dma_start3A_217 : memref<1048576x16xf32, #tpu.memory_space<hbm>>) target(%dma_start3A_213 : memref<128x16xf32, #tpu.memory_space<vmem>>) offsets(%dma_start3A_214 : memref<128xi32, #tpu.memory_space<vmem>>) semaphore(%arg10 : memref<!tpu.dma_semaphore, #tpu.memory_space<semaphore_mem>>)
      %dma_start3A_218 = arith.constant 768 : i32
      %dma_start3A_219 = arith.constant 0 : i32
      %dma_start3A_220 = tpu.memref_slice %arg7[%dma_start3A_218, %dma_start3A_219] : memref<1600x16xf32, #tpu.memory_space<vmem>> -> memref<128x16xf32, #tpu.memory_space<vmem>>
      %dma_start3A_221 = tpu.memref_slice %arg5[%add3A_163] : memref<25600xi32, #tpu.memory_space<vmem>> -> memref<128xi32, #tpu.memory_space<vmem>>
      %dma_start3A_222 = arith.constant 0 : i32
      %dma_start3A_223 = arith.constant 0 : i32
      %dma_start3A_224 = tpu.memref_slice %arg3[%dma_start3A_222, %dma_start3A_223] : memref<1048576x16xf32, #tpu.memory_space<hbm>> -> memref<1048576x16xf32, #tpu.memory_space<hbm>>
      tpu.enqueue_indirect_dma source(%dma_start3A_224 : memref<1048576x16xf32, #tpu.memory_space<hbm>>) target(%dma_start3A_220 : memref<128x16xf32, #tpu.memory_space<vmem>>) offsets(%dma_start3A_221 : memref<128xi32, #tpu.memory_space<vmem>>) semaphore(%arg10 : memref<!tpu.dma_semaphore, #tpu.memory_space<semaphore_mem>>)
      %dma_start3A_225 = arith.constant 896 : i32
      %dma_start3A_226 = arith.constant 0 : i32
      %dma_start3A_227 = tpu.memref_slice %arg7[%dma_start3A_225, %dma_start3A_226] : memref<1600x16xf32, #tpu.memory_space<vmem>> -> memref<128x16xf32, #tpu.memory_space<vmem>>
      %dma_start3A_228 = tpu.memref_slice %arg5[%add3A_165] : memref<25600xi32, #tpu.memory_space<vmem>> -> memref<128xi32, #tpu.memory_space<vmem>>
      %dma_start3A_229 = arith.constant 0 : i32
      %dma_start3A_230 = arith.constant 0 : i32
      %dma_start3A_231 = tpu.memref_slice %arg3[%dma_start3A_229, %dma_start3A_230] : memref<1048576x16xf32, #tpu.memory_space<hbm>> -> memref<1048576x16xf32, #tpu.memory_space<hbm>>
      tpu.enqueue_indirect_dma source(%dma_start3A_231 : memref<1048576x16xf32, #tpu.memory_space<hbm>>) target(%dma_start3A_227 : memref<128x16xf32, #tpu.memory_space<vmem>>) offsets(%dma_start3A_228 : memref<128xi32, #tpu.memory_space<vmem>>) semaphore(%arg10 : memref<!tpu.dma_semaphore, #tpu.memory_space<semaphore_mem>>)
      %dma_start3A_232 = arith.constant 1024 : i32
      %dma_start3A_233 = arith.constant 0 : i32
      %dma_start3A_234 = tpu.memref_slice %arg7[%dma_start3A_232, %dma_start3A_233] : memref<1600x16xf32, #tpu.memory_space<vmem>> -> memref<128x16xf32, #tpu.memory_space<vmem>>
      %dma_start3A_235 = tpu.memref_slice %arg5[%add3A_167] : memref<25600xi32, #tpu.memory_space<vmem>> -> memref<128xi32, #tpu.memory_space<vmem>>
      %dma_start3A_236 = arith.constant 0 : i32
      %dma_start3A_237 = arith.constant 0 : i32
      %dma_start3A_238 = tpu.memref_slice %arg3[%dma_start3A_236, %dma_start3A_237] : memref<1048576x16xf32, #tpu.memory_space<hbm>> -> memref<1048576x16xf32, #tpu.memory_space<hbm>>
      tpu.enqueue_indirect_dma source(%dma_start3A_238 : memref<1048576x16xf32, #tpu.memory_space<hbm>>) target(%dma_start3A_234 : memref<128x16xf32, #tpu.memory_space<vmem>>) offsets(%dma_start3A_235 : memref<128xi32, #tpu.memory_space<vmem>>) semaphore(%arg10 : memref<!tpu.dma_semaphore, #tpu.memory_space<semaphore_mem>>)
      %dma_start3A_239 = arith.constant 1152 : i32
      %dma_start3A_240 = arith.constant 0 : i32
      %dma_start3A_241 = tpu.memref_slice %arg7[%dma_start3A_239, %dma_start3A_240] : memref<1600x16xf32, #tpu.memory_space<vmem>> -> memref<128x16xf32, #tpu.memory_space<vmem>>
      %dma_start3A_242 = tpu.memref_slice %arg5[%add3A_169] : memref<25600xi32, #tpu.memory_space<vmem>> -> memref<128xi32, #tpu.memory_space<vmem>>
      %dma_start3A_243 = arith.constant 0 : i32
      %dma_start3A_244 = arith.constant 0 : i32
      %dma_start3A_245 = tpu.memref_slice %arg3[%dma_start3A_243, %dma_start3A_244] : memref<1048576x16xf32, #tpu.memory_space<hbm>> -> memref<1048576x16xf32, #tpu.memory_space<hbm>>
      tpu.enqueue_indirect_dma source(%dma_start3A_245 : memref<1048576x16xf32, #tpu.memory_space<hbm>>) target(%dma_start3A_241 : memref<128x16xf32, #tpu.memory_space<vmem>>) offsets(%dma_start3A_242 : memref<128xi32, #tpu.memory_space<vmem>>) semaphore(%arg10 : memref<!tpu.dma_semaphore, #tpu.memory_space<semaphore_mem>>)
      %dma_start3A_246 = arith.constant 1280 : i32
      %dma_start3A_247 = arith.constant 0 : i32
      %dma_start3A_248 = tpu.memref_slice %arg7[%dma_start3A_246, %dma_start3A_247] : memref<1600x16xf32, #tpu.memory_space<vmem>> -> memref<128x16xf32, #tpu.memory_space<vmem>>
      %dma_start3A_249 = tpu.memref_slice %arg5[%add3A_171] : memref<25600xi32, #tpu.memory_space<vmem>> -> memref<128xi32, #tpu.memory_space<vmem>>
      %dma_start3A_250 = arith.constant 0 : i32
      %dma_start3A_251 = arith.constant 0 : i32
      %dma_start3A_252 = tpu.memref_slice %arg3[%dma_start3A_250, %dma_start3A_251] : memref<1048576x16xf32, #tpu.memory_space<hbm>> -> memref<1048576x16xf32, #tpu.memory_space<hbm>>
      tpu.enqueue_indirect_dma source(%dma_start3A_252 : memref<1048576x16xf32, #tpu.memory_space<hbm>>) target(%dma_start3A_248 : memref<128x16xf32, #tpu.memory_space<vmem>>) offsets(%dma_start3A_249 : memref<128xi32, #tpu.memory_space<vmem>>) semaphore(%arg10 : memref<!tpu.dma_semaphore, #tpu.memory_space<semaphore_mem>>)
      %dma_start3A_253 = arith.constant 1408 : i32
      %dma_start3A_254 = arith.constant 0 : i32
      %dma_start3A_255 = tpu.memref_slice %arg7[%dma_start3A_253, %dma_start3A_254] : memref<1600x16xf32, #tpu.memory_space<vmem>> -> memref<128x16xf32, #tpu.memory_space<vmem>>
      %dma_start3A_256 = tpu.memref_slice %arg5[%add3A_173] : memref<25600xi32, #tpu.memory_space<vmem>> -> memref<128xi32, #tpu.memory_space<vmem>>
      %dma_start3A_257 = arith.constant 0 : i32
      %dma_start3A_258 = arith.constant 0 : i32
      %dma_start3A_259 = tpu.memref_slice %arg3[%dma_start3A_257, %dma_start3A_258] : memref<1048576x16xf32, #tpu.memory_space<hbm>> -> memref<1048576x16xf32, #tpu.memory_space<hbm>>
      tpu.enqueue_indirect_dma source(%dma_start3A_259 : memref<1048576x16xf32, #tpu.memory_space<hbm>>) target(%dma_start3A_255 : memref<128x16xf32, #tpu.memory_space<vmem>>) offsets(%dma_start3A_256 : memref<128xi32, #tpu.memory_space<vmem>>) semaphore(%arg10 : memref<!tpu.dma_semaphore, #tpu.memory_space<semaphore_mem>>)
      %dma_start3A_260 = arith.constant 1536 : i32
      %dma_start3A_261 = arith.constant 0 : i32
      %dma_start3A_262 = tpu.memref_slice %arg7[%dma_start3A_260, %dma_start3A_261] : memref<1600x16xf32, #tpu.memory_space<vmem>> -> memref<64x16xf32, #tpu.memory_space<vmem>>
      %dma_start3A_263 = tpu.memref_slice %arg5[%add3A_175] : memref<25600xi32, #tpu.memory_space<vmem>> -> memref<64xi32, #tpu.memory_space<vmem>>
      %dma_start3A_264 = arith.constant 0 : i32
      %dma_start3A_265 = arith.constant 0 : i32
      %dma_start3A_266 = tpu.memref_slice %arg3[%dma_start3A_264, %dma_start3A_265] : memref<1048576x16xf32, #tpu.memory_space<hbm>> -> memref<1048576x16xf32, #tpu.memory_space<hbm>>
      tpu.enqueue_indirect_dma source(%dma_start3A_266 : memref<1048576x16xf32, #tpu.memory_space<hbm>>) target(%dma_start3A_262 : memref<64x16xf32, #tpu.memory_space<vmem>>) offsets(%dma_start3A_263 : memref<64xi32, #tpu.memory_space<vmem>>) semaphore(%arg10 : memref<!tpu.dma_semaphore, #tpu.memory_space<semaphore_mem>>)
      %add3A_267 = arith.constant 2 : i32
      %add3A_268 = arith.addi %mul3A_144, %add3A_267 : i32
      %lt3A = arith.constant 16 : i32
      %lt3A_269 = arith.cmpi slt, %add3A_268, %lt3A : i32
      %convert_element_type3A = arith.extui %lt3A_269 : i1 to i32
      %cond3A = arith.constant 0 : i32
      %cond3A_270 = arith.cmpi ne, %convert_element_type3A, %cond3A : i32
      scf.if %cond3A_270 {
        %add3A_700 = arith.constant 2 : i32
        %add3A_701 = arith.addi %mul3A_144, %add3A_700 : i32
        %mul3A_702 = arith.constant 1600 : i32
        %mul3A_703 = arith.muli %add3A_701, %mul3A_702 : i32
        %scan3A_704 = arith.constant 0 : i32
        %scan3A_705 = arith.constant 0 : i32
        %scan3A_706 = arith.constant 100 : i32
        %scan3A_707 = arith.addi %scan3A_705, %scan3A_706 : i32
        %scan3A_708 = arith.constant 1 : i32
        scf.for %scan3A_710 = %scan3A_705 to %scan3A_707 step %scan3A_708  : i32 {
          %mul3A_711 = arith.constant 16 : i32
          %mul3A_712 = arith.muli %scan3A_710, %mul3A_711 : i32
          %add3A_713 = arith.addi %mul3A_703, %mul3A_712 : i32
          %multiple_of3A_714 = tpu.assume_multiple %add3A_713, 16 : i32
          %get3A = arith.index_cast %multiple_of3A_714 : i32 to index
          %get3A_715 = tpu.vector_load %arg5[%get3A] {strides = array<i32>} : memref<25600xi32, #tpu.memory_space<vmem>>, vector<16xi32>,
          %and3A = arith.constant -1024 : i32
          %and3A_716 = vector.broadcast %and3A : i32 to vector<16xi32>
          %and3A_717 = arith.andi %get3A_715, %and3A_716 : vector<16xi32>
          %and3A_718 = arith.constant 127 : i32
          %and3A_719 = vector.broadcast %and3A_718 : i32 to vector<16xi32>
          %and3A_720 = arith.andi %get3A_715, %and3A_719 : vector<16xi32>
          %shift_left3A = arith.constant 3 : i32
          %shift_left3A_721 = vector.broadcast %shift_left3A : i32 to vector<16xi32>
          %shift_left3A_722 = arith.shli %and3A_720, %shift_left3A_721 : vector<16xi32>
          %add3A_723 = arith.addi %and3A_717, %shift_left3A_722 : vector<16xi32>
          %shift_right_arithmetic3A = arith.constant 7 : i32
          %shift_right_arithmetic3A_724 = vector.broadcast %shift_right_arithmetic3A : i32 to vector<16xi32>
          %shift_right_arithmetic3A_725 = arith.shrsi %get3A_715, %shift_right_arithmetic3A_724 : vector<16xi32>
          %and3A_726 = arith.constant 7 : i32
          %and3A_727 = vector.broadcast %and3A_726 : i32 to vector<16xi32>
          %and3A_728 = arith.andi %shift_right_arithmetic3A_725, %and3A_727 : vector<16xi32>
          %add3A_729 = arith.addi %add3A_723, %and3A_728 : vector<16xi32>
          %swap3A = arith.index_cast %multiple_of3A_714 : i32 to index
          %swap3A_730 = tpu.vector_load %arg5[%swap3A] {strides = array<i32>} : memref<25600xi32, #tpu.memory_space<vmem>>, vector<16xi32>,
          tpu.vector_store %arg5[%swap3A], %add3A_729 {strides = array<i32>} : memref<25600xi32, #tpu.memory_space<vmem>>, vector<16xi32>,
        }
        %scan3A_709 = arith.constant 100 : i32
      } else {
      }
      %mul3A_271 = arith.constant 1600 : i32
      %mul3A_272 = arith.muli %mul3A_144, %mul3A_271 : i32
      %multiple_of3A_273 = tpu.assume_multiple %mul3A_272, 8 : i32
      %add3A_274 = arith.constant 0 : i32
      %add3A_275 = arith.addi %multiple_of3A_273, %add3A_274 : i32
      %add3A_276 = arith.constant 128 : i32
      %add3A_277 = arith.addi %multiple_of3A_273, %add3A_276 : i32
      %add3A_278 = arith.constant 256 : i32
      %add3A_279 = arith.addi %multiple_of3A_273, %add3A_278 : i32
      %add3A_280 = arith.constant 384 : i32
      %add3A_281 = arith.addi %multiple_of3A_273, %add3A_280 : i32
      %add3A_282 = arith.constant 512 : i32
      %add3A_283 = arith.addi %multiple_of3A_273, %add3A_282 : i32
      %add3A_284 = arith.constant 640 : i32
      %add3A_285 = arith.addi %multiple_of3A_273, %add3A_284 : i32
      %add3A_286 = arith.constant 768 : i32
      %add3A_287 = arith.addi %multiple_of3A_273, %add3A_286 : i32
      %add3A_288 = arith.constant 896 : i32
      %add3A_289 = arith.addi %multiple_of3A_273, %add3A_288 : i32
      %add3A_290 = arith.constant 1024 : i32
      %add3A_291 = arith.addi %multiple_of3A_273, %add3A_290 : i32
      %add3A_292 = arith.constant 1152 : i32
      %add3A_293 = arith.addi %multiple_of3A_273, %add3A_292 : i32
      %add3A_294 = arith.constant 1280 : i32
      %add3A_295 = arith.addi %multiple_of3A_273, %add3A_294 : i32
      %add3A_296 = arith.constant 1408 : i32
      %add3A_297 = arith.addi %multiple_of3A_273, %add3A_296 : i32
      %add3A_298 = arith.constant 1536 : i32
      %add3A_299 = arith.addi %multiple_of3A_273, %add3A_298 : i32
      %dma_wait3A = arith.constant 0 : i32
      %dma_wait3A_300 = arith.constant 0 : i32
      %dma_wait3A_301 = tpu.memref_slice %arg6[%dma_wait3A, %dma_wait3A_300] : memref<1600x16xf32, #tpu.memory_space<vmem>> -> memref<128x16xf32, #tpu.memory_space<vmem>>
      %dma_wait3A_302 = tpu.memref_slice %arg5[%add3A_275] : memref<25600xi32, #tpu.memory_space<vmem>> -> memref<128xi32, #tpu.memory_space<vmem>>
      %dma_wait3A_303 = arith.constant 0 : i32
      %dma_wait3A_304 = arith.constant 0 : i32
      %dma_wait3A_305 = tpu.memref_slice %arg3[%dma_wait3A_303, %dma_wait3A_304] : memref<1048576x16xf32, #tpu.memory_space<hbm>> -> memref<1048576x16xf32, #tpu.memory_space<hbm>>
      tpu.wait_indirect_dma semaphore(%arg9 : memref<!tpu.dma_semaphore, #tpu.memory_space<semaphore_mem>>) src(%dma_wait3A_305 : memref<1048576x16xf32, #tpu.memory_space<hbm>>) dst(%dma_wait3A_301 : memref<128x16xf32, #tpu.memory_space<vmem>>)
      %dma_wait3A_306 = arith.constant 128 : i32
      %dma_wait3A_307 = arith.constant 0 : i32
      %dma_wait3A_308 = tpu.memref_slice %arg6[%dma_wait3A_306, %dma_wait3A_307] : memref<1600x16xf32, #tpu.memory_space<vmem>> -> memref<128x16xf32, #tpu.memory_space<vmem>>
      %dma_wait3A_309 = tpu.memref_slice %arg5[%add3A_277] : memref<25600xi32, #tpu.memory_space<vmem>> -> memref<128xi32, #tpu.memory_space<vmem>>
      %dma_wait3A_310 = arith.constant 0 : i32
      %dma_wait3A_311 = arith.constant 0 : i32
      %dma_wait3A_312 = tpu.memref_slice %arg3[%dma_wait3A_310, %dma_wait3A_311] : memref<1048576x16xf32, #tpu.memory_space<hbm>> -> memref<1048576x16xf32, #tpu.memory_space<hbm>>
      tpu.wait_indirect_dma semaphore(%arg9 : memref<!tpu.dma_semaphore, #tpu.memory_space<semaphore_mem>>) src(%dma_wait3A_312 : memref<1048576x16xf32, #tpu.memory_space<hbm>>) dst(%dma_wait3A_308 : memref<128x16xf32, #tpu.memory_space<vmem>>)
      %dma_wait3A_313 = arith.constant 256 : i32
      %dma_wait3A_314 = arith.constant 0 : i32
      %dma_wait3A_315 = tpu.memref_slice %arg6[%dma_wait3A_313, %dma_wait3A_314] : memref<1600x16xf32, #tpu.memory_space<vmem>> -> memref<128x16xf32, #tpu.memory_space<vmem>>
      %dma_wait3A_316 = tpu.memref_slice %arg5[%add3A_279] : memref<25600xi32, #tpu.memory_space<vmem>> -> memref<128xi32, #tpu.memory_space<vmem>>
      %dma_wait3A_317 = arith.constant 0 : i32
      %dma_wait3A_318 = arith.constant 0 : i32
      %dma_wait3A_319 = tpu.memref_slice %arg3[%dma_wait3A_317, %dma_wait3A_318] : memref<1048576x16xf32, #tpu.memory_space<hbm>> -> memref<1048576x16xf32, #tpu.memory_space<hbm>>
      tpu.wait_indirect_dma semaphore(%arg9 : memref<!tpu.dma_semaphore, #tpu.memory_space<semaphore_mem>>) src(%dma_wait3A_319 : memref<1048576x16xf32, #tpu.memory_space<hbm>>) dst(%dma_wait3A_315 : memref<128x16xf32, #tpu.memory_space<vmem>>)
      %dma_wait3A_320 = arith.constant 384 : i32
      %dma_wait3A_321 = arith.constant 0 : i32
      %dma_wait3A_322 = tpu.memref_slice %arg6[%dma_wait3A_320, %dma_wait3A_321] : memref<1600x16xf32, #tpu.memory_space<vmem>> -> memref<128x16xf32, #tpu.memory_space<vmem>>
      %dma_wait3A_323 = tpu.memref_slice %arg5[%add3A_281] : memref<25600xi32, #tpu.memory_space<vmem>> -> memref<128xi32, #tpu.memory_space<vmem>>
      %dma_wait3A_324 = arith.constant 0 : i32
      %dma_wait3A_325 = arith.constant 0 : i32
      %dma_wait3A_326 = tpu.memref_slice %arg3[%dma_wait3A_324, %dma_wait3A_325] : memref<1048576x16xf32, #tpu.memory_space<hbm>> -> memref<1048576x16xf32, #tpu.memory_space<hbm>>
      tpu.wait_indirect_dma semaphore(%arg9 : memref<!tpu.dma_semaphore, #tpu.memory_space<semaphore_mem>>) src(%dma_wait3A_326 : memref<1048576x16xf32, #tpu.memory_space<hbm>>) dst(%dma_wait3A_322 : memref<128x16xf32, #tpu.memory_space<vmem>>)
      %dma_wait3A_327 = arith.constant 512 : i32
      %dma_wait3A_328 = arith.constant 0 : i32
      %dma_wait3A_329 = tpu.memref_slice %arg6[%dma_wait3A_327, %dma_wait3A_328] : memref<1600x16xf32, #tpu.memory_space<vmem>> -> memref<128x16xf32, #tpu.memory_space<vmem>>
      %dma_wait3A_330 = tpu.memref_slice %arg5[%add3A_283] : memref<25600xi32, #tpu.memory_space<vmem>> -> memref<128xi32, #tpu.memory_space<vmem>>
      %dma_wait3A_331 = arith.constant 0 : i32
      %dma_wait3A_332 = arith.constant 0 : i32
      %dma_wait3A_333 = tpu.memref_slice %arg3[%dma_wait3A_331, %dma_wait3A_332] : memref<1048576x16xf32, #tpu.memory_space<hbm>> -> memref<1048576x16xf32, #tpu.memory_space<hbm>>
      tpu.wait_indirect_dma semaphore(%arg9 : memref<!tpu.dma_semaphore, #tpu.memory_space<semaphore_mem>>) src(%dma_wait3A_333 : memref<1048576x16xf32, #tpu.memory_space<hbm>>) dst(%dma_wait3A_329 : memref<128x16xf32, #tpu.memory_space<vmem>>)
      %dma_wait3A_334 = arith.constant 640 : i32
      %dma_wait3A_335 = arith.constant 0 : i32
      %dma_wait3A_336 = tpu.memref_slice %arg6[%dma_wait3A_334, %dma_wait3A_335] : memref<1600x16xf32, #tpu.memory_space<vmem>> -> memref<128x16xf32, #tpu.memory_space<vmem>>
      %dma_wait3A_337 = tpu.memref_slice %arg5[%add3A_285] : memref<25600xi32, #tpu.memory_space<vmem>> -> memref<128xi32, #tpu.memory_space<vmem>>
      %dma_wait3A_338 = arith.constant 0 : i32
      %dma_wait3A_339 = arith.constant 0 : i32
      %dma_wait3A_340 = tpu.memref_slice %arg3[%dma_wait3A_338, %dma_wait3A_339] : memref<1048576x16xf32, #tpu.memory_space<hbm>> -> memref<1048576x16xf32, #tpu.memory_space<hbm>>
      tpu.wait_indirect_dma semaphore(%arg9 : memref<!tpu.dma_semaphore, #tpu.memory_space<semaphore_mem>>) src(%dma_wait3A_340 : memref<1048576x16xf32, #tpu.memory_space<hbm>>) dst(%dma_wait3A_336 : memref<128x16xf32, #tpu.memory_space<vmem>>)
      %dma_wait3A_341 = arith.constant 768 : i32
      %dma_wait3A_342 = arith.constant 0 : i32
      %dma_wait3A_343 = tpu.memref_slice %arg6[%dma_wait3A_341, %dma_wait3A_342] : memref<1600x16xf32, #tpu.memory_space<vmem>> -> memref<128x16xf32, #tpu.memory_space<vmem>>
      %dma_wait3A_344 = tpu.memref_slice %arg5[%add3A_287] : memref<25600xi32, #tpu.memory_space<vmem>> -> memref<128xi32, #tpu.memory_space<vmem>>
      %dma_wait3A_345 = arith.constant 0 : i32
      %dma_wait3A_346 = arith.constant 0 : i32
      %dma_wait3A_347 = tpu.memref_slice %arg3[%dma_wait3A_345, %dma_wait3A_346] : memref<1048576x16xf32, #tpu.memory_space<hbm>> -> memref<1048576x16xf32, #tpu.memory_space<hbm>>
      tpu.wait_indirect_dma semaphore(%arg9 : memref<!tpu.dma_semaphore, #tpu.memory_space<semaphore_mem>>) src(%dma_wait3A_347 : memref<1048576x16xf32, #tpu.memory_space<hbm>>) dst(%dma_wait3A_343 : memref<128x16xf32, #tpu.memory_space<vmem>>)
      %dma_wait3A_348 = arith.constant 896 : i32
      %dma_wait3A_349 = arith.constant 0 : i32
      %dma_wait3A_350 = tpu.memref_slice %arg6[%dma_wait3A_348, %dma_wait3A_349] : memref<1600x16xf32, #tpu.memory_space<vmem>> -> memref<128x16xf32, #tpu.memory_space<vmem>>
      %dma_wait3A_351 = tpu.memref_slice %arg5[%add3A_289] : memref<25600xi32, #tpu.memory_space<vmem>> -> memref<128xi32, #tpu.memory_space<vmem>>
      %dma_wait3A_352 = arith.constant 0 : i32
      %dma_wait3A_353 = arith.constant 0 : i32
      %dma_wait3A_354 = tpu.memref_slice %arg3[%dma_wait3A_352, %dma_wait3A_353] : memref<1048576x16xf32, #tpu.memory_space<hbm>> -> memref<1048576x16xf32, #tpu.memory_space<hbm>>
      tpu.wait_indirect_dma semaphore(%arg9 : memref<!tpu.dma_semaphore, #tpu.memory_space<semaphore_mem>>) src(%dma_wait3A_354 : memref<1048576x16xf32, #tpu.memory_space<hbm>>) dst(%dma_wait3A_350 : memref<128x16xf32, #tpu.memory_space<vmem>>)
      %dma_wait3A_355 = arith.constant 1024 : i32
      %dma_wait3A_356 = arith.constant 0 : i32
      %dma_wait3A_357 = tpu.memref_slice %arg6[%dma_wait3A_355, %dma_wait3A_356] : memref<1600x16xf32, #tpu.memory_space<vmem>> -> memref<128x16xf32, #tpu.memory_space<vmem>>
      %dma_wait3A_358 = tpu.memref_slice %arg5[%add3A_291] : memref<25600xi32, #tpu.memory_space<vmem>> -> memref<128xi32, #tpu.memory_space<vmem>>
      %dma_wait3A_359 = arith.constant 0 : i32
      %dma_wait3A_360 = arith.constant 0 : i32
      %dma_wait3A_361 = tpu.memref_slice %arg3[%dma_wait3A_359, %dma_wait3A_360] : memref<1048576x16xf32, #tpu.memory_space<hbm>> -> memref<1048576x16xf32, #tpu.memory_space<hbm>>
      tpu.wait_indirect_dma semaphore(%arg9 : memref<!tpu.dma_semaphore, #tpu.memory_space<semaphore_mem>>) src(%dma_wait3A_361 : memref<1048576x16xf32, #tpu.memory_space<hbm>>) dst(%dma_wait3A_357 : memref<128x16xf32, #tpu.memory_space<vmem>>)
      %dma_wait3A_362 = arith.constant 1152 : i32
      %dma_wait3A_363 = arith.constant 0 : i32
      %dma_wait3A_364 = tpu.memref_slice %arg6[%dma_wait3A_362, %dma_wait3A_363] : memref<1600x16xf32, #tpu.memory_space<vmem>> -> memref<128x16xf32, #tpu.memory_space<vmem>>
      %dma_wait3A_365 = tpu.memref_slice %arg5[%add3A_293] : memref<25600xi32, #tpu.memory_space<vmem>> -> memref<128xi32, #tpu.memory_space<vmem>>
      %dma_wait3A_366 = arith.constant 0 : i32
      %dma_wait3A_367 = arith.constant 0 : i32
      %dma_wait3A_368 = tpu.memref_slice %arg3[%dma_wait3A_366, %dma_wait3A_367] : memref<1048576x16xf32, #tpu.memory_space<hbm>> -> memref<1048576x16xf32, #tpu.memory_space<hbm>>
      tpu.wait_indirect_dma semaphore(%arg9 : memref<!tpu.dma_semaphore, #tpu.memory_space<semaphore_mem>>) src(%dma_wait3A_368 : memref<1048576x16xf32, #tpu.memory_space<hbm>>) dst(%dma_wait3A_364 : memref<128x16xf32, #tpu.memory_space<vmem>>)
      %dma_wait3A_369 = arith.constant 1280 : i32
      %dma_wait3A_370 = arith.constant 0 : i32
      %dma_wait3A_371 = tpu.memref_slice %arg6[%dma_wait3A_369, %dma_wait3A_370] : memref<1600x16xf32, #tpu.memory_space<vmem>> -> memref<128x16xf32, #tpu.memory_space<vmem>>
      %dma_wait3A_372 = tpu.memref_slice %arg5[%add3A_295] : memref<25600xi32, #tpu.memory_space<vmem>> -> memref<128xi32, #tpu.memory_space<vmem>>
      %dma_wait3A_373 = arith.constant 0 : i32
      %dma_wait3A_374 = arith.constant 0 : i32
      %dma_wait3A_375 = tpu.memref_slice %arg3[%dma_wait3A_373, %dma_wait3A_374] : memref<1048576x16xf32, #tpu.memory_space<hbm>> -> memref<1048576x16xf32, #tpu.memory_space<hbm>>
      tpu.wait_indirect_dma semaphore(%arg9 : memref<!tpu.dma_semaphore, #tpu.memory_space<semaphore_mem>>) src(%dma_wait3A_375 : memref<1048576x16xf32, #tpu.memory_space<hbm>>) dst(%dma_wait3A_371 : memref<128x16xf32, #tpu.memory_space<vmem>>)
      %dma_wait3A_376 = arith.constant 1408 : i32
      %dma_wait3A_377 = arith.constant 0 : i32
      %dma_wait3A_378 = tpu.memref_slice %arg6[%dma_wait3A_376, %dma_wait3A_377] : memref<1600x16xf32, #tpu.memory_space<vmem>> -> memref<128x16xf32, #tpu.memory_space<vmem>>
      %dma_wait3A_379 = tpu.memref_slice %arg5[%add3A_297] : memref<25600xi32, #tpu.memory_space<vmem>> -> memref<128xi32, #tpu.memory_space<vmem>>
      %dma_wait3A_380 = arith.constant 0 : i32
      %dma_wait3A_381 = arith.constant 0 : i32
      %dma_wait3A_382 = tpu.memref_slice %arg3[%dma_wait3A_380, %dma_wait3A_381] : memref<1048576x16xf32, #tpu.memory_space<hbm>> -> memref<1048576x16xf32, #tpu.memory_space<hbm>>
      tpu.wait_indirect_dma semaphore(%arg9 : memref<!tpu.dma_semaphore, #tpu.memory_space<semaphore_mem>>) src(%dma_wait3A_382 : memref<1048576x16xf32, #tpu.memory_space<hbm>>) dst(%dma_wait3A_378 : memref<128x16xf32, #tpu.memory_space<vmem>>)
      %dma_wait3A_383 = arith.constant 1536 : i32
      %dma_wait3A_384 = arith.constant 0 : i32
      %dma_wait3A_385 = tpu.memref_slice %arg6[%dma_wait3A_383, %dma_wait3A_384] : memref<1600x16xf32, #tpu.memory_space<vmem>> -> memref<64x16xf32, #tpu.memory_space<vmem>>
      %dma_wait3A_386 = tpu.memref_slice %arg5[%add3A_299] : memref<25600xi32, #tpu.memory_space<vmem>> -> memref<64xi32, #tpu.memory_space<vmem>>
      %dma_wait3A_387 = arith.constant 0 : i32
      %dma_wait3A_388 = arith.constant 0 : i32
      %dma_wait3A_389 = tpu.memref_slice %arg3[%dma_wait3A_387, %dma_wait3A_388] : memref<1048576x16xf32, #tpu.memory_space<hbm>> -> memref<1048576x16xf32, #tpu.memory_space<hbm>>
      tpu.wait_indirect_dma semaphore(%arg9 : memref<!tpu.dma_semaphore, #tpu.memory_space<semaphore_mem>>) src(%dma_wait3A_389 : memref<1048576x16xf32, #tpu.memory_space<hbm>>) dst(%dma_wait3A_385 : memref<64x16xf32, #tpu.memory_space<vmem>>)
      %scan3A_390 = arith.constant 0 : i32
      %scan3A_391 = arith.constant 0 : i32
      %scan3A_392 = arith.constant 32 : i32
      %scan3A_393 = arith.addi %scan3A_391, %scan3A_392 : i32
      %scan3A_394 = arith.constant 1 : i32
      scf.for %scan3A_700 = %scan3A_391 to %scan3A_393 step %scan3A_394  : i32 {
        %mul3A_701 = arith.constant 50 : i32
        %mul3A_702 = arith.muli %scan3A_700, %mul3A_701 : i32
        %add3A_703 = arith.constant 0 : i32
        %add3A_704 = arith.addi %mul3A_702, %add3A_703 : i32
        %get3A = arith.index_cast %add3A_704 : i32 to index
        %get3A_705 = arith.constant 0 : index
        %get3A_706 = tpu.vector_load %arg6[%get3A, %get3A_705] {strides = array<i32>} : memref<1600x16xf32, #tpu.memory_space<vmem>>, vector<16xf32>,
        %add3A_707 = arith.constant 1 : i32
        %add3A_708 = arith.addi %mul3A_702, %add3A_707 : i32
        %get3A_709 = arith.index_cast %add3A_708 : i32 to index
        %get3A_710 = arith.constant 0 : index
        %get3A_711 = tpu.vector_load %arg6[%get3A_709, %get3A_710] {strides = array<i32>} : memref<1600x16xf32, #tpu.memory_space<vmem>>, vector<16xf32>,
        %add3A_712 = arith.constant 2 : i32
        %add3A_713 = arith.addi %mul3A_702, %add3A_712 : i32
        %get3A_714 = arith.index_cast %add3A_713 : i32 to index
        %get3A_715 = arith.constant 0 : index
        %get3A_716 = tpu.vector_load %arg6[%get3A_714, %get3A_715] {strides = array<i32>} : memref<1600x16xf32, #tpu.memory_space<vmem>>, vector<16xf32>,
        %add3A_717 = arith.constant 3 : i32
        %add3A_718 = arith.addi %mul3A_702, %add3A_717 : i32
        %get3A_719 = arith.index_cast %add3A_718 : i32 to index
        %get3A_720 = arith.constant 0 : index
        %get3A_721 = tpu.vector_load %arg6[%get3A_719, %get3A_720] {strides = array<i32>} : memref<1600x16xf32, #tpu.memory_space<vmem>>, vector<16xf32>,
        %add3A_722 = arith.constant 4 : i32
        %add3A_723 = arith.addi %mul3A_702, %add3A_722 : i32
        %get3A_724 = arith.index_cast %add3A_723 : i32 to index
        %get3A_725 = arith.constant 0 : index
        %get3A_726 = tpu.vector_load %arg6[%get3A_724, %get3A_725] {strides = array<i32>} : memref<1600x16xf32, #tpu.memory_space<vmem>>, vector<16xf32>,
        %add3A_727 = arith.constant 5 : i32
        %add3A_728 = arith.addi %mul3A_702, %add3A_727 : i32
        %get3A_729 = arith.index_cast %add3A_728 : i32 to index
        %get3A_730 = arith.constant 0 : index
        %get3A_731 = tpu.vector_load %arg6[%get3A_729, %get3A_730] {strides = array<i32>} : memref<1600x16xf32, #tpu.memory_space<vmem>>, vector<16xf32>,
        %add3A_732 = arith.constant 6 : i32
        %add3A_733 = arith.addi %mul3A_702, %add3A_732 : i32
        %get3A_734 = arith.index_cast %add3A_733 : i32 to index
        %get3A_735 = arith.constant 0 : index
        %get3A_736 = tpu.vector_load %arg6[%get3A_734, %get3A_735] {strides = array<i32>} : memref<1600x16xf32, #tpu.memory_space<vmem>>, vector<16xf32>,
        %add3A_737 = arith.constant 7 : i32
        %add3A_738 = arith.addi %mul3A_702, %add3A_737 : i32
        %get3A_739 = arith.index_cast %add3A_738 : i32 to index
        %get3A_740 = arith.constant 0 : index
        %get3A_741 = tpu.vector_load %arg6[%get3A_739, %get3A_740] {strides = array<i32>} : memref<1600x16xf32, #tpu.memory_space<vmem>>, vector<16xf32>,
        %add3A_742 = arith.constant 8 : i32
        %add3A_743 = arith.addi %mul3A_702, %add3A_742 : i32
        %get3A_744 = arith.index_cast %add3A_743 : i32 to index
        %get3A_745 = arith.constant 0 : index
        %get3A_746 = tpu.vector_load %arg6[%get3A_744, %get3A_745] {strides = array<i32>} : memref<1600x16xf32, #tpu.memory_space<vmem>>, vector<16xf32>,
        %add3A_747 = arith.addf %get3A_706, %get3A_746 : vector<16xf32>
        %add3A_748 = arith.constant 9 : i32
        %add3A_749 = arith.addi %mul3A_702, %add3A_748 : i32
        %get3A_750 = arith.index_cast %add3A_749 : i32 to index
        %get3A_751 = arith.constant 0 : index
        %get3A_752 = tpu.vector_load %arg6[%get3A_750, %get3A_751] {strides = array<i32>} : memref<1600x16xf32, #tpu.memory_space<vmem>>, vector<16xf32>,
        %add3A_753 = arith.addf %get3A_711, %get3A_752 : vector<16xf32>
        %add3A_754 = arith.constant 10 : i32
        %add3A_755 = arith.addi %mul3A_702, %add3A_754 : i32
        %get3A_756 = arith.index_cast %add3A_755 : i32 to index
        %get3A_757 = arith.constant 0 : index
        %get3A_758 = tpu.vector_load %arg6[%get3A_756, %get3A_757] {strides = array<i32>} : memref<1600x16xf32, #tpu.memory_space<vmem>>, vector<16xf32>,
        %add3A_759 = arith.addf %get3A_716, %get3A_758 : vector<16xf32>
        %add3A_760 = arith.constant 11 : i32
        %add3A_761 = arith.addi %mul3A_702, %add3A_760 : i32
        %get3A_762 = arith.index_cast %add3A_761 : i32 to index
        %get3A_763 = arith.constant 0 : index
        %get3A_764 = tpu.vector_load %arg6[%get3A_762, %get3A_763] {strides = array<i32>} : memref<1600x16xf32, #tpu.memory_space<vmem>>, vector<16xf32>,
        %add3A_765 = arith.addf %get3A_721, %get3A_764 : vector<16xf32>
        %add3A_766 = arith.constant 12 : i32
        %add3A_767 = arith.addi %mul3A_702, %add3A_766 : i32
        %get3A_768 = arith.index_cast %add3A_767 : i32 to index
        %get3A_769 = arith.constant 0 : index
        %get3A_770 = tpu.vector_load %arg6[%get3A_768, %get3A_769] {strides = array<i32>} : memref<1600x16xf32, #tpu.memory_space<vmem>>, vector<16xf32>,
        %add3A_771 = arith.addf %get3A_726, %get3A_770 : vector<16xf32>
        %add3A_772 = arith.constant 13 : i32
        %add3A_773 = arith.addi %mul3A_702, %add3A_772 : i32
        %get3A_774 = arith.index_cast %add3A_773 : i32 to index
        %get3A_775 = arith.constant 0 : index
        %get3A_776 = tpu.vector_load %arg6[%get3A_774, %get3A_775] {strides = array<i32>} : memref<1600x16xf32, #tpu.memory_space<vmem>>, vector<16xf32>,
        %add3A_777 = arith.addf %get3A_731, %get3A_776 : vector<16xf32>
        %add3A_778 = arith.constant 14 : i32
        %add3A_779 = arith.addi %mul3A_702, %add3A_778 : i32
        %get3A_780 = arith.index_cast %add3A_779 : i32 to index
        %get3A_781 = arith.constant 0 : index
        %get3A_782 = tpu.vector_load %arg6[%get3A_780, %get3A_781] {strides = array<i32>} : memref<1600x16xf32, #tpu.memory_space<vmem>>, vector<16xf32>,
        %add3A_783 = arith.addf %get3A_736, %get3A_782 : vector<16xf32>
        %add3A_784 = arith.constant 15 : i32
        %add3A_785 = arith.addi %mul3A_702, %add3A_784 : i32
        %get3A_786 = arith.index_cast %add3A_785 : i32 to index
        %get3A_787 = arith.constant 0 : index
        %get3A_788 = tpu.vector_load %arg6[%get3A_786, %get3A_787] {strides = array<i32>} : memref<1600x16xf32, #tpu.memory_space<vmem>>, vector<16xf32>,
        %add3A_789 = arith.addf %get3A_741, %get3A_788 : vector<16xf32>
        %add3A_790 = arith.constant 16 : i32
        %add3A_791 = arith.addi %mul3A_702, %add3A_790 : i32
        %get3A_792 = arith.index_cast %add3A_791 : i32 to index
        %get3A_793 = arith.constant 0 : index
        %get3A_794 = tpu.vector_load %arg6[%get3A_792, %get3A_793] {strides = array<i32>} : memref<1600x16xf32, #tpu.memory_space<vmem>>, vector<16xf32>,
        %add3A_795 = arith.addf %add3A_747, %get3A_794 : vector<16xf32>
        %add3A_796 = arith.constant 17 : i32
        %add3A_797 = arith.addi %mul3A_702, %add3A_796 : i32
        %get3A_798 = arith.index_cast %add3A_797 : i32 to index
        %get3A_799 = arith.constant 0 : index
        %get3A_800 = tpu.vector_load %arg6[%get3A_798, %get3A_799] {strides = array<i32>} : memref<1600x16xf32, #tpu.memory_space<vmem>>, vector<16xf32>,
        %add3A_801 = arith.addf %add3A_753, %get3A_800 : vector<16xf32>
        %add3A_802 = arith.constant 18 : i32
        %add3A_803 = arith.addi %mul3A_702, %add3A_802 : i32
        %get3A_804 = arith.index_cast %add3A_803 : i32 to index
        %get3A_805 = arith.constant 0 : index
        %get3A_806 = tpu.vector_load %arg6[%get3A_804, %get3A_805] {strides = array<i32>} : memref<1600x16xf32, #tpu.memory_space<vmem>>, vector<16xf32>,
        %add3A_807 = arith.addf %add3A_759, %get3A_806 : vector<16xf32>
        %add3A_808 = arith.constant 19 : i32
        %add3A_809 = arith.addi %mul3A_702, %add3A_808 : i32
        %get3A_810 = arith.index_cast %add3A_809 : i32 to index
        %get3A_811 = arith.constant 0 : index
        %get3A_812 = tpu.vector_load %arg6[%get3A_810, %get3A_811] {strides = array<i32>} : memref<1600x16xf32, #tpu.memory_space<vmem>>, vector<16xf32>,
        %add3A_813 = arith.addf %add3A_765, %get3A_812 : vector<16xf32>
        %add3A_814 = arith.constant 20 : i32
        %add3A_815 = arith.addi %mul3A_702, %add3A_814 : i32
        %get3A_816 = arith.index_cast %add3A_815 : i32 to index
        %get3A_817 = arith.constant 0 : index
        %get3A_818 = tpu.vector_load %arg6[%get3A_816, %get3A_817] {strides = array<i32>} : memref<1600x16xf32, #tpu.memory_space<vmem>>, vector<16xf32>,
        %add3A_819 = arith.addf %add3A_771, %get3A_818 : vector<16xf32>
        %add3A_820 = arith.constant 21 : i32
        %add3A_821 = arith.addi %mul3A_702, %add3A_820 : i32
        %get3A_822 = arith.index_cast %add3A_821 : i32 to index
        %get3A_823 = arith.constant 0 : index
        %get3A_824 = tpu.vector_load %arg6[%get3A_822, %get3A_823] {strides = array<i32>} : memref<1600x16xf32, #tpu.memory_space<vmem>>, vector<16xf32>,
        %add3A_825 = arith.addf %add3A_777, %get3A_824 : vector<16xf32>
        %add3A_826 = arith.constant 22 : i32
        %add3A_827 = arith.addi %mul3A_702, %add3A_826 : i32
        %get3A_828 = arith.index_cast %add3A_827 : i32 to index
        %get3A_829 = arith.constant 0 : index
        %get3A_830 = tpu.vector_load %arg6[%get3A_828, %get3A_829] {strides = array<i32>} : memref<1600x16xf32, #tpu.memory_space<vmem>>, vector<16xf32>,
        %add3A_831 = arith.addf %add3A_783, %get3A_830 : vector<16xf32>
        %add3A_832 = arith.constant 23 : i32
        %add3A_833 = arith.addi %mul3A_702, %add3A_832 : i32
        %get3A_834 = arith.index_cast %add3A_833 : i32 to index
        %get3A_835 = arith.constant 0 : index
        %get3A_836 = tpu.vector_load %arg6[%get3A_834, %get3A_835] {strides = array<i32>} : memref<1600x16xf32, #tpu.memory_space<vmem>>, vector<16xf32>,
        %add3A_837 = arith.addf %add3A_789, %get3A_836 : vector<16xf32>
        %add3A_838 = arith.constant 24 : i32
        %add3A_839 = arith.addi %mul3A_702, %add3A_838 : i32
        %get3A_840 = arith.index_cast %add3A_839 : i32 to index
        %get3A_841 = arith.constant 0 : index
        %get3A_842 = tpu.vector_load %arg6[%get3A_840, %get3A_841] {strides = array<i32>} : memref<1600x16xf32, #tpu.memory_space<vmem>>, vector<16xf32>,
        %add3A_843 = arith.addf %add3A_795, %get3A_842 : vector<16xf32>
        %add3A_844 = arith.constant 25 : i32
        %add3A_845 = arith.addi %mul3A_702, %add3A_844 : i32
        %get3A_846 = arith.index_cast %add3A_845 : i32 to index
        %get3A_847 = arith.constant 0 : index
        %get3A_848 = tpu.vector_load %arg6[%get3A_846, %get3A_847] {strides = array<i32>} : memref<1600x16xf32, #tpu.memory_space<vmem>>, vector<16xf32>,
        %add3A_849 = arith.addf %add3A_801, %get3A_848 : vector<16xf32>
        %add3A_850 = arith.constant 26 : i32
        %add3A_851 = arith.addi %mul3A_702, %add3A_850 : i32
        %get3A_852 = arith.index_cast %add3A_851 : i32 to index
        %get3A_853 = arith.constant 0 : index
        %get3A_854 = tpu.vector_load %arg6[%get3A_852, %get3A_853] {strides = array<i32>} : memref<1600x16xf32, #tpu.memory_space<vmem>>, vector<16xf32>,
        %add3A_855 = arith.addf %add3A_807, %get3A_854 : vector<16xf32>
        %add3A_856 = arith.constant 27 : i32
        %add3A_857 = arith.addi %mul3A_702, %add3A_856 : i32
        %get3A_858 = arith.index_cast %add3A_857 : i32 to index
        %get3A_859 = arith.constant 0 : index
        %get3A_860 = tpu.vector_load %arg6[%get3A_858, %get3A_859] {strides = array<i32>} : memref<1600x16xf32, #tpu.memory_space<vmem>>, vector<16xf32>,
        %add3A_861 = arith.addf %add3A_813, %get3A_860 : vector<16xf32>
        %add3A_862 = arith.constant 28 : i32
        %add3A_863 = arith.addi %mul3A_702, %add3A_862 : i32
        %get3A_864 = arith.index_cast %add3A_863 : i32 to index
        %get3A_865 = arith.constant 0 : index
        %get3A_866 = tpu.vector_load %arg6[%get3A_864, %get3A_865] {strides = array<i32>} : memref<1600x16xf32, #tpu.memory_space<vmem>>, vector<16xf32>,
        %add3A_867 = arith.addf %add3A_819, %get3A_866 : vector<16xf32>
        %add3A_868 = arith.constant 29 : i32
        %add3A_869 = arith.addi %mul3A_702, %add3A_868 : i32
        %get3A_870 = arith.index_cast %add3A_869 : i32 to index
        %get3A_871 = arith.constant 0 : index
        %get3A_872 = tpu.vector_load %arg6[%get3A_870, %get3A_871] {strides = array<i32>} : memref<1600x16xf32, #tpu.memory_space<vmem>>, vector<16xf32>,
        %add3A_873 = arith.addf %add3A_825, %get3A_872 : vector<16xf32>
        %add3A_874 = arith.constant 30 : i32
        %add3A_875 = arith.addi %mul3A_702, %add3A_874 : i32
        %get3A_876 = arith.index_cast %add3A_875 : i32 to index
        %get3A_877 = arith.constant 0 : index
        %get3A_878 = tpu.vector_load %arg6[%get3A_876, %get3A_877] {strides = array<i32>} : memref<1600x16xf32, #tpu.memory_space<vmem>>, vector<16xf32>,
        %add3A_879 = arith.addf %add3A_831, %get3A_878 : vector<16xf32>
        %add3A_880 = arith.constant 31 : i32
        %add3A_881 = arith.addi %mul3A_702, %add3A_880 : i32
        %get3A_882 = arith.index_cast %add3A_881 : i32 to index
        %get3A_883 = arith.constant 0 : index
        %get3A_884 = tpu.vector_load %arg6[%get3A_882, %get3A_883] {strides = array<i32>} : memref<1600x16xf32, #tpu.memory_space<vmem>>, vector<16xf32>,
        %add3A_885 = arith.addf %add3A_837, %get3A_884 : vector<16xf32>
        %add3A_886 = arith.constant 32 : i32
        %add3A_887 = arith.addi %mul3A_702, %add3A_886 : i32
        %get3A_888 = arith.index_cast %add3A_887 : i32 to index
        %get3A_889 = arith.constant 0 : index
        %get3A_890 = tpu.vector_load %arg6[%get3A_888, %get3A_889] {strides = array<i32>} : memref<1600x16xf32, #tpu.memory_space<vmem>>, vector<16xf32>,
        %add3A_891 = arith.addf %add3A_843, %get3A_890 : vector<16xf32>
        %add3A_892 = arith.constant 33 : i32
        %add3A_893 = arith.addi %mul3A_702, %add3A_892 : i32
        %get3A_894 = arith.index_cast %add3A_893 : i32 to index
        %get3A_895 = arith.constant 0 : index
        %get3A_896 = tpu.vector_load %arg6[%get3A_894, %get3A_895] {strides = array<i32>} : memref<1600x16xf32, #tpu.memory_space<vmem>>, vector<16xf32>,
        %add3A_897 = arith.addf %add3A_849, %get3A_896 : vector<16xf32>
        %add3A_898 = arith.constant 34 : i32
        %add3A_899 = arith.addi %mul3A_702, %add3A_898 : i32
        %get3A_900 = arith.index_cast %add3A_899 : i32 to index
        %get3A_901 = arith.constant 0 : index
        %get3A_902 = tpu.vector_load %arg6[%get3A_900, %get3A_901] {strides = array<i32>} : memref<1600x16xf32, #tpu.memory_space<vmem>>, vector<16xf32>,
        %add3A_903 = arith.addf %add3A_855, %get3A_902 : vector<16xf32>
        %add3A_904 = arith.constant 35 : i32
        %add3A_905 = arith.addi %mul3A_702, %add3A_904 : i32
        %get3A_906 = arith.index_cast %add3A_905 : i32 to index
        %get3A_907 = arith.constant 0 : index
        %get3A_908 = tpu.vector_load %arg6[%get3A_906, %get3A_907] {strides = array<i32>} : memref<1600x16xf32, #tpu.memory_space<vmem>>, vector<16xf32>,
        %add3A_909 = arith.addf %add3A_861, %get3A_908 : vector<16xf32>
        %add3A_910 = arith.constant 36 : i32
        %add3A_911 = arith.addi %mul3A_702, %add3A_910 : i32
        %get3A_912 = arith.index_cast %add3A_911 : i32 to index
        %get3A_913 = arith.constant 0 : index
        %get3A_914 = tpu.vector_load %arg6[%get3A_912, %get3A_913] {strides = array<i32>} : memref<1600x16xf32, #tpu.memory_space<vmem>>, vector<16xf32>,
        %add3A_915 = arith.addf %add3A_867, %get3A_914 : vector<16xf32>
        %add3A_916 = arith.constant 37 : i32
        %add3A_917 = arith.addi %mul3A_702, %add3A_916 : i32
        %get3A_918 = arith.index_cast %add3A_917 : i32 to index
        %get3A_919 = arith.constant 0 : index
        %get3A_920 = tpu.vector_load %arg6[%get3A_918, %get3A_919] {strides = array<i32>} : memref<1600x16xf32, #tpu.memory_space<vmem>>, vector<16xf32>,
        %add3A_921 = arith.addf %add3A_873, %get3A_920 : vector<16xf32>
        %add3A_922 = arith.constant 38 : i32
        %add3A_923 = arith.addi %mul3A_702, %add3A_922 : i32
        %get3A_924 = arith.index_cast %add3A_923 : i32 to index
        %get3A_925 = arith.constant 0 : index
        %get3A_926 = tpu.vector_load %arg6[%get3A_924, %get3A_925] {strides = array<i32>} : memref<1600x16xf32, #tpu.memory_space<vmem>>, vector<16xf32>,
        %add3A_927 = arith.addf %add3A_879, %get3A_926 : vector<16xf32>
        %add3A_928 = arith.constant 39 : i32
        %add3A_929 = arith.addi %mul3A_702, %add3A_928 : i32
        %get3A_930 = arith.index_cast %add3A_929 : i32 to index
        %get3A_931 = arith.constant 0 : index
        %get3A_932 = tpu.vector_load %arg6[%get3A_930, %get3A_931] {strides = array<i32>} : memref<1600x16xf32, #tpu.memory_space<vmem>>, vector<16xf32>,
        %add3A_933 = arith.addf %add3A_885, %get3A_932 : vector<16xf32>
        %add3A_934 = arith.constant 40 : i32
        %add3A_935 = arith.addi %mul3A_702, %add3A_934 : i32
        %get3A_936 = arith.index_cast %add3A_935 : i32 to index
        %get3A_937 = arith.constant 0 : index
        %get3A_938 = tpu.vector_load %arg6[%get3A_936, %get3A_937] {strides = array<i32>} : memref<1600x16xf32, #tpu.memory_space<vmem>>, vector<16xf32>,
        %add3A_939 = arith.addf %add3A_891, %get3A_938 : vector<16xf32>
        %add3A_940 = arith.constant 41 : i32
        %add3A_941 = arith.addi %mul3A_702, %add3A_940 : i32
        %get3A_942 = arith.index_cast %add3A_941 : i32 to index
        %get3A_943 = arith.constant 0 : index
        %get3A_944 = tpu.vector_load %arg6[%get3A_942, %get3A_943] {strides = array<i32>} : memref<1600x16xf32, #tpu.memory_space<vmem>>, vector<16xf32>,
        %add3A_945 = arith.addf %add3A_897, %get3A_944 : vector<16xf32>
        %add3A_946 = arith.constant 42 : i32
        %add3A_947 = arith.addi %mul3A_702, %add3A_946 : i32
        %get3A_948 = arith.index_cast %add3A_947 : i32 to index
        %get3A_949 = arith.constant 0 : index
        %get3A_950 = tpu.vector_load %arg6[%get3A_948, %get3A_949] {strides = array<i32>} : memref<1600x16xf32, #tpu.memory_space<vmem>>, vector<16xf32>,
        %add3A_951 = arith.addf %add3A_903, %get3A_950 : vector<16xf32>
        %add3A_952 = arith.constant 43 : i32
        %add3A_953 = arith.addi %mul3A_702, %add3A_952 : i32
        %get3A_954 = arith.index_cast %add3A_953 : i32 to index
        %get3A_955 = arith.constant 0 : index
        %get3A_956 = tpu.vector_load %arg6[%get3A_954, %get3A_955] {strides = array<i32>} : memref<1600x16xf32, #tpu.memory_space<vmem>>, vector<16xf32>,
        %add3A_957 = arith.addf %add3A_909, %get3A_956 : vector<16xf32>
        %add3A_958 = arith.constant 44 : i32
        %add3A_959 = arith.addi %mul3A_702, %add3A_958 : i32
        %get3A_960 = arith.index_cast %add3A_959 : i32 to index
        %get3A_961 = arith.constant 0 : index
        %get3A_962 = tpu.vector_load %arg6[%get3A_960, %get3A_961] {strides = array<i32>} : memref<1600x16xf32, #tpu.memory_space<vmem>>, vector<16xf32>,
        %add3A_963 = arith.addf %add3A_915, %get3A_962 : vector<16xf32>
        %add3A_964 = arith.constant 45 : i32
        %add3A_965 = arith.addi %mul3A_702, %add3A_964 : i32
        %get3A_966 = arith.index_cast %add3A_965 : i32 to index
        %get3A_967 = arith.constant 0 : index
        %get3A_968 = tpu.vector_load %arg6[%get3A_966, %get3A_967] {strides = array<i32>} : memref<1600x16xf32, #tpu.memory_space<vmem>>, vector<16xf32>,
        %add3A_969 = arith.addf %add3A_921, %get3A_968 : vector<16xf32>
        %add3A_970 = arith.constant 46 : i32
        %add3A_971 = arith.addi %mul3A_702, %add3A_970 : i32
        %get3A_972 = arith.index_cast %add3A_971 : i32 to index
        %get3A_973 = arith.constant 0 : index
        %get3A_974 = tpu.vector_load %arg6[%get3A_972, %get3A_973] {strides = array<i32>} : memref<1600x16xf32, #tpu.memory_space<vmem>>, vector<16xf32>,
        %add3A_975 = arith.addf %add3A_927, %get3A_974 : vector<16xf32>
        %add3A_976 = arith.constant 47 : i32
        %add3A_977 = arith.addi %mul3A_702, %add3A_976 : i32
        %get3A_978 = arith.index_cast %add3A_977 : i32 to index
        %get3A_979 = arith.constant 0 : index
        %get3A_980 = tpu.vector_load %arg6[%get3A_978, %get3A_979] {strides = array<i32>} : memref<1600x16xf32, #tpu.memory_space<vmem>>, vector<16xf32>,
        %add3A_981 = arith.addf %add3A_933, %get3A_980 : vector<16xf32>
        %add3A_982 = arith.constant 48 : i32
        %add3A_983 = arith.addi %mul3A_702, %add3A_982 : i32
        %get3A_984 = arith.index_cast %add3A_983 : i32 to index
        %get3A_985 = arith.constant 0 : index
        %get3A_986 = tpu.vector_load %arg6[%get3A_984, %get3A_985] {strides = array<i32>} : memref<1600x16xf32, #tpu.memory_space<vmem>>, vector<16xf32>,
        %add3A_987 = arith.addf %add3A_939, %get3A_986 : vector<16xf32>
        %add3A_988 = arith.constant 49 : i32
        %add3A_989 = arith.addi %mul3A_702, %add3A_988 : i32
        %get3A_990 = arith.index_cast %add3A_989 : i32 to index
        %get3A_991 = arith.constant 0 : index
        %get3A_992 = tpu.vector_load %arg6[%get3A_990, %get3A_991] {strides = array<i32>} : memref<1600x16xf32, #tpu.memory_space<vmem>>, vector<16xf32>,
        %add3A_993 = arith.addf %add3A_945, %get3A_992 : vector<16xf32>
        %add3A_994 = arith.addf %add3A_987, %add3A_993 : vector<16xf32>
        %add3A_995 = arith.addf %add3A_951, %add3A_957 : vector<16xf32>
        %add3A_996 = arith.addf %add3A_994, %add3A_995 : vector<16xf32>
        %add3A_997 = arith.addf %add3A_963, %add3A_969 : vector<16xf32>
        %add3A_998 = arith.addf %add3A_975, %add3A_981 : vector<16xf32>
        %add3A_999 = arith.addf %add3A_997, %add3A_998 : vector<16xf32>
        %add3A_1000 = arith.addf %add3A_996, %add3A_999 : vector<16xf32>
        %add3A_1001 = vector.broadcast %scan3A_700 : i32 to vector<16xi32>
        %add3A_1002 = arith.addi %mul3A_7, %add3A_1001 : vector<16xi32>
        tpu.vector_store_idx %arg8[%add3A_1002], %add3A_1000 : memref<512xf32, #tpu.memory_space<vmem>>[vector<16xi32>], vector<16xf32>,
      }
      %scan3A_395 = arith.constant 32 : i32
      %add3A_396 = arith.constant 0 : i32
      %add3A_397 = arith.addi %add3A_396, %mul3A_2 : i32
      %mul3A_398 = arith.constant 32 : i32
      %mul3A_399 = arith.muli %mul3A_144, %mul3A_398 : i32
      %add3A_400 = arith.addi %add3A_397, %mul3A_399 : i32
      "tpu.region"() ({
        %run_scoped3A = tpu.sem_alloc : memref<!tpu.dma_semaphore, #tpu.memory_space<semaphore_mem>>
        %dma_start3A_700 = arith.constant 0 : i32
        %dma_start3A_701 = tpu.memref_slice %arg8[%dma_start3A_700] : memref<512xf32, #tpu.memory_space<vmem>> -> memref<32xf32, #tpu.memory_space<vmem>>
        %dma_start3A_702 = tpu.memref_slice %arg4[%add3A_400] : memref<262144xf32, #tpu.memory_space<hbm>> -> memref<32xf32, #tpu.memory_space<hbm>>
        %dma_start3A_703 = tpu.memref_slice %arg4[%add3A_400] : memref<262144xf32, #tpu.memory_space<hbm>> -> memref<32xf32, #tpu.memory_space<hbm>>
        %dma_start3A_704 = arith.constant 0 : i32
        %dma_start3A_705 = tpu.memref_slice %arg8[%dma_start3A_704] : memref<512xf32, #tpu.memory_space<vmem>> -> memref<32xf32, #tpu.memory_space<vmem>>
        tpu.enqueue_dma source(%dma_start3A_705 : memref<32xf32, #tpu.memory_space<vmem>>) target(%dma_start3A_703 : memref<32xf32, #tpu.memory_space<hbm>>) target_semaphore(%run_scoped3A : memref<!tpu.dma_semaphore, #tpu.memory_space<semaphore_mem>>)
        %dma_wait3A_706 = arith.constant 0 : i32
        %dma_wait3A_707 = tpu.memref_slice %arg8[%dma_wait3A_706] : memref<512xf32, #tpu.memory_space<vmem>> -> memref<32xf32, #tpu.memory_space<vmem>>
        %dma_wait3A_708 = tpu.memref_slice %arg4[%add3A_400] : memref<262144xf32, #tpu.memory_space<hbm>> -> memref<32xf32, #tpu.memory_space<hbm>>
        %dma_wait3A_709 = tpu.memref_slice %arg4[%add3A_400] : memref<262144xf32, #tpu.memory_space<hbm>> -> memref<32xf32, #tpu.memory_space<hbm>>
        %dma_wait3A_710 = arith.constant 0 : i32
        %dma_wait3A_711 = tpu.memref_slice %arg8[%dma_wait3A_710] : memref<512xf32, #tpu.memory_space<vmem>> -> memref<32xf32, #tpu.memory_space<vmem>>
        tpu.wait_dma2 semaphore(%run_scoped3A : memref<!tpu.dma_semaphore, #tpu.memory_space<semaphore_mem>>) src(%dma_wait3A_711 : memref<32xf32, #tpu.memory_space<vmem>>) dst(%dma_wait3A_709 : memref<32xf32, #tpu.memory_space<hbm>>)
        tpu.yield
      }) : () -> ()
      %add3A_401 = arith.constant 16384 : i32
      %add3A_402 = arith.addi %add3A_401, %mul3A_2 : i32
      %mul3A_403 = arith.constant 32 : i32
      %mul3A_404 = arith.muli %mul3A_144, %mul3A_403 : i32
      %add3A_405 = arith.addi %add3A_402, %mul3A_404 : i32
      "tpu.region"() ({
        %run_scoped3A = tpu.sem_alloc : memref<!tpu.dma_semaphore, #tpu.memory_space<semaphore_mem>>
        %dma_start3A_700 = arith.constant 32 : i32
        %dma_start3A_701 = tpu.memref_slice %arg8[%dma_start3A_700] : memref<512xf32, #tpu.memory_space<vmem>> -> memref<32xf32, #tpu.memory_space<vmem>>
        %dma_start3A_702 = tpu.memref_slice %arg4[%add3A_405] : memref<262144xf32, #tpu.memory_space<hbm>> -> memref<32xf32, #tpu.memory_space<hbm>>
        %dma_start3A_703 = tpu.memref_slice %arg4[%add3A_405] : memref<262144xf32, #tpu.memory_space<hbm>> -> memref<32xf32, #tpu.memory_space<hbm>>
        %dma_start3A_704 = arith.constant 32 : i32
        %dma_start3A_705 = tpu.memref_slice %arg8[%dma_start3A_704] : memref<512xf32, #tpu.memory_space<vmem>> -> memref<32xf32, #tpu.memory_space<vmem>>
        tpu.enqueue_dma source(%dma_start3A_705 : memref<32xf32, #tpu.memory_space<vmem>>) target(%dma_start3A_703 : memref<32xf32, #tpu.memory_space<hbm>>) target_semaphore(%run_scoped3A : memref<!tpu.dma_semaphore, #tpu.memory_space<semaphore_mem>>)
        %dma_wait3A_706 = arith.constant 32 : i32
        %dma_wait3A_707 = tpu.memref_slice %arg8[%dma_wait3A_706] : memref<512xf32, #tpu.memory_space<vmem>> -> memref<32xf32, #tpu.memory_space<vmem>>
        %dma_wait3A_708 = tpu.memref_slice %arg4[%add3A_405] : memref<262144xf32, #tpu.memory_space<hbm>> -> memref<32xf32, #tpu.memory_space<hbm>>
        %dma_wait3A_709 = tpu.memref_slice %arg4[%add3A_405] : memref<262144xf32, #tpu.memory_space<hbm>> -> memref<32xf32, #tpu.memory_space<hbm>>
        %dma_wait3A_710 = arith.constant 32 : i32
        %dma_wait3A_711 = tpu.memref_slice %arg8[%dma_wait3A_710] : memref<512xf32, #tpu.memory_space<vmem>> -> memref<32xf32, #tpu.memory_space<vmem>>
        tpu.wait_dma2 semaphore(%run_scoped3A : memref<!tpu.dma_semaphore, #tpu.memory_space<semaphore_mem>>) src(%dma_wait3A_711 : memref<32xf32, #tpu.memory_space<vmem>>) dst(%dma_wait3A_709 : memref<32xf32, #tpu.memory_space<hbm>>)
        tpu.yield
      }) : () -> ()
      %add3A_406 = arith.constant 32768 : i32
      %add3A_407 = arith.addi %add3A_406, %mul3A_2 : i32
      %mul3A_408 = arith.constant 32 : i32
      %mul3A_409 = arith.muli %mul3A_144, %mul3A_408 : i32
      %add3A_410 = arith.addi %add3A_407, %mul3A_409 : i32
      "tpu.region"() ({
        %run_scoped3A = tpu.sem_alloc : memref<!tpu.dma_semaphore, #tpu.memory_space<semaphore_mem>>
        %dma_start3A_700 = arith.constant 64 : i32
        %dma_start3A_701 = tpu.memref_slice %arg8[%dma_start3A_700] : memref<512xf32, #tpu.memory_space<vmem>> -> memref<32xf32, #tpu.memory_space<vmem>>
        %dma_start3A_702 = tpu.memref_slice %arg4[%add3A_410] : memref<262144xf32, #tpu.memory_space<hbm>> -> memref<32xf32, #tpu.memory_space<hbm>>
        %dma_start3A_703 = tpu.memref_slice %arg4[%add3A_410] : memref<262144xf32, #tpu.memory_space<hbm>> -> memref<32xf32, #tpu.memory_space<hbm>>
        %dma_start3A_704 = arith.constant 64 : i32
        %dma_start3A_705 = tpu.memref_slice %arg8[%dma_start3A_704] : memref<512xf32, #tpu.memory_space<vmem>> -> memref<32xf32, #tpu.memory_space<vmem>>
        tpu.enqueue_dma source(%dma_start3A_705 : memref<32xf32, #tpu.memory_space<vmem>>) target(%dma_start3A_703 : memref<32xf32, #tpu.memory_space<hbm>>) target_semaphore(%run_scoped3A : memref<!tpu.dma_semaphore, #tpu.memory_space<semaphore_mem>>)
        %dma_wait3A_706 = arith.constant 64 : i32
        %dma_wait3A_707 = tpu.memref_slice %arg8[%dma_wait3A_706] : memref<512xf32, #tpu.memory_space<vmem>> -> memref<32xf32, #tpu.memory_space<vmem>>
        %dma_wait3A_708 = tpu.memref_slice %arg4[%add3A_410] : memref<262144xf32, #tpu.memory_space<hbm>> -> memref<32xf32, #tpu.memory_space<hbm>>
        %dma_wait3A_709 = tpu.memref_slice %arg4[%add3A_410] : memref<262144xf32, #tpu.memory_space<hbm>> -> memref<32xf32, #tpu.memory_space<hbm>>
        %dma_wait3A_710 = arith.constant 64 : i32
        %dma_wait3A_711 = tpu.memref_slice %arg8[%dma_wait3A_710] : memref<512xf32, #tpu.memory_space<vmem>> -> memref<32xf32, #tpu.memory_space<vmem>>
        tpu.wait_dma2 semaphore(%run_scoped3A : memref<!tpu.dma_semaphore, #tpu.memory_space<semaphore_mem>>) src(%dma_wait3A_711 : memref<32xf32, #tpu.memory_space<vmem>>) dst(%dma_wait3A_709 : memref<32xf32, #tpu.memory_space<hbm>>)
        tpu.yield
      }) : () -> ()
      %add3A_411 = arith.constant 49152 : i32
      %add3A_412 = arith.addi %add3A_411, %mul3A_2 : i32
      %mul3A_413 = arith.constant 32 : i32
      %mul3A_414 = arith.muli %mul3A_144, %mul3A_413 : i32
      %add3A_415 = arith.addi %add3A_412, %mul3A_414 : i32
      "tpu.region"() ({
        %run_scoped3A = tpu.sem_alloc : memref<!tpu.dma_semaphore, #tpu.memory_space<semaphore_mem>>
        %dma_start3A_700 = arith.constant 96 : i32
        %dma_start3A_701 = tpu.memref_slice %arg8[%dma_start3A_700] : memref<512xf32, #tpu.memory_space<vmem>> -> memref<32xf32, #tpu.memory_space<vmem>>
        %dma_start3A_702 = tpu.memref_slice %arg4[%add3A_415] : memref<262144xf32, #tpu.memory_space<hbm>> -> memref<32xf32, #tpu.memory_space<hbm>>
        %dma_start3A_703 = tpu.memref_slice %arg4[%add3A_415] : memref<262144xf32, #tpu.memory_space<hbm>> -> memref<32xf32, #tpu.memory_space<hbm>>
        %dma_start3A_704 = arith.constant 96 : i32
        %dma_start3A_705 = tpu.memref_slice %arg8[%dma_start3A_704] : memref<512xf32, #tpu.memory_space<vmem>> -> memref<32xf32, #tpu.memory_space<vmem>>
        tpu.enqueue_dma source(%dma_start3A_705 : memref<32xf32, #tpu.memory_space<vmem>>) target(%dma_start3A_703 : memref<32xf32, #tpu.memory_space<hbm>>) target_semaphore(%run_scoped3A : memref<!tpu.dma_semaphore, #tpu.memory_space<semaphore_mem>>)
        %dma_wait3A_706 = arith.constant 96 : i32
        %dma_wait3A_707 = tpu.memref_slice %arg8[%dma_wait3A_706] : memref<512xf32, #tpu.memory_space<vmem>> -> memref<32xf32, #tpu.memory_space<vmem>>
        %dma_wait3A_708 = tpu.memref_slice %arg4[%add3A_415] : memref<262144xf32, #tpu.memory_space<hbm>> -> memref<32xf32, #tpu.memory_space<hbm>>
        %dma_wait3A_709 = tpu.memref_slice %arg4[%add3A_415] : memref<262144xf32, #tpu.memory_space<hbm>> -> memref<32xf32, #tpu.memory_space<hbm>>
        %dma_wait3A_710 = arith.constant 96 : i32
        %dma_wait3A_711 = tpu.memref_slice %arg8[%dma_wait3A_710] : memref<512xf32, #tpu.memory_space<vmem>> -> memref<32xf32, #tpu.memory_space<vmem>>
        tpu.wait_dma2 semaphore(%run_scoped3A : memref<!tpu.dma_semaphore, #tpu.memory_space<semaphore_mem>>) src(%dma_wait3A_711 : memref<32xf32, #tpu.memory_space<vmem>>) dst(%dma_wait3A_709 : memref<32xf32, #tpu.memory_space<hbm>>)
        tpu.yield
      }) : () -> ()
      %add3A_416 = arith.constant 65536 : i32
      %add3A_417 = arith.addi %add3A_416, %mul3A_2 : i32
      %mul3A_418 = arith.constant 32 : i32
      %mul3A_419 = arith.muli %mul3A_144, %mul3A_418 : i32
      %add3A_420 = arith.addi %add3A_417, %mul3A_419 : i32
      "tpu.region"() ({
        %run_scoped3A = tpu.sem_alloc : memref<!tpu.dma_semaphore, #tpu.memory_space<semaphore_mem>>
        %dma_start3A_700 = arith.constant 128 : i32
        %dma_start3A_701 = tpu.memref_slice %arg8[%dma_start3A_700] : memref<512xf32, #tpu.memory_space<vmem>> -> memref<32xf32, #tpu.memory_space<vmem>>
        %dma_start3A_702 = tpu.memref_slice %arg4[%add3A_420] : memref<262144xf32, #tpu.memory_space<hbm>> -> memref<32xf32, #tpu.memory_space<hbm>>
        %dma_start3A_703 = tpu.memref_slice %arg4[%add3A_420] : memref<262144xf32, #tpu.memory_space<hbm>> -> memref<32xf32, #tpu.memory_space<hbm>>
        %dma_start3A_704 = arith.constant 128 : i32
        %dma_start3A_705 = tpu.memref_slice %arg8[%dma_start3A_704] : memref<512xf32, #tpu.memory_space<vmem>> -> memref<32xf32, #tpu.memory_space<vmem>>
        tpu.enqueue_dma source(%dma_start3A_705 : memref<32xf32, #tpu.memory_space<vmem>>) target(%dma_start3A_703 : memref<32xf32, #tpu.memory_space<hbm>>) target_semaphore(%run_scoped3A : memref<!tpu.dma_semaphore, #tpu.memory_space<semaphore_mem>>)
        %dma_wait3A_706 = arith.constant 128 : i32
        %dma_wait3A_707 = tpu.memref_slice %arg8[%dma_wait3A_706] : memref<512xf32, #tpu.memory_space<vmem>> -> memref<32xf32, #tpu.memory_space<vmem>>
        %dma_wait3A_708 = tpu.memref_slice %arg4[%add3A_420] : memref<262144xf32, #tpu.memory_space<hbm>> -> memref<32xf32, #tpu.memory_space<hbm>>
        %dma_wait3A_709 = tpu.memref_slice %arg4[%add3A_420] : memref<262144xf32, #tpu.memory_space<hbm>> -> memref<32xf32, #tpu.memory_space<hbm>>
        %dma_wait3A_710 = arith.constant 128 : i32
        %dma_wait3A_711 = tpu.memref_slice %arg8[%dma_wait3A_710] : memref<512xf32, #tpu.memory_space<vmem>> -> memref<32xf32, #tpu.memory_space<vmem>>
        tpu.wait_dma2 semaphore(%run_scoped3A : memref<!tpu.dma_semaphore, #tpu.memory_space<semaphore_mem>>) src(%dma_wait3A_711 : memref<32xf32, #tpu.memory_space<vmem>>) dst(%dma_wait3A_709 : memref<32xf32, #tpu.memory_space<hbm>>)
        tpu.yield
      }) : () -> ()
      %add3A_421 = arith.constant 81920 : i32
      %add3A_422 = arith.addi %add3A_421, %mul3A_2 : i32
      %mul3A_423 = arith.constant 32 : i32
      %mul3A_424 = arith.muli %mul3A_144, %mul3A_423 : i32
      %add3A_425 = arith.addi %add3A_422, %mul3A_424 : i32
      "tpu.region"() ({
        %run_scoped3A = tpu.sem_alloc : memref<!tpu.dma_semaphore, #tpu.memory_space<semaphore_mem>>
        %dma_start3A_700 = arith.constant 160 : i32
        %dma_start3A_701 = tpu.memref_slice %arg8[%dma_start3A_700] : memref<512xf32, #tpu.memory_space<vmem>> -> memref<32xf32, #tpu.memory_space<vmem>>
        %dma_start3A_702 = tpu.memref_slice %arg4[%add3A_425] : memref<262144xf32, #tpu.memory_space<hbm>> -> memref<32xf32, #tpu.memory_space<hbm>>
        %dma_start3A_703 = tpu.memref_slice %arg4[%add3A_425] : memref<262144xf32, #tpu.memory_space<hbm>> -> memref<32xf32, #tpu.memory_space<hbm>>
        %dma_start3A_704 = arith.constant 160 : i32
        %dma_start3A_705 = tpu.memref_slice %arg8[%dma_start3A_704] : memref<512xf32, #tpu.memory_space<vmem>> -> memref<32xf32, #tpu.memory_space<vmem>>
        tpu.enqueue_dma source(%dma_start3A_705 : memref<32xf32, #tpu.memory_space<vmem>>) target(%dma_start3A_703 : memref<32xf32, #tpu.memory_space<hbm>>) target_semaphore(%run_scoped3A : memref<!tpu.dma_semaphore, #tpu.memory_space<semaphore_mem>>)
        %dma_wait3A_706 = arith.constant 160 : i32
        %dma_wait3A_707 = tpu.memref_slice %arg8[%dma_wait3A_706] : memref<512xf32, #tpu.memory_space<vmem>> -> memref<32xf32, #tpu.memory_space<vmem>>
        %dma_wait3A_708 = tpu.memref_slice %arg4[%add3A_425] : memref<262144xf32, #tpu.memory_space<hbm>> -> memref<32xf32, #tpu.memory_space<hbm>>
        %dma_wait3A_709 = tpu.memref_slice %arg4[%add3A_425] : memref<262144xf32, #tpu.memory_space<hbm>> -> memref<32xf32, #tpu.memory_space<hbm>>
        %dma_wait3A_710 = arith.constant 160 : i32
        %dma_wait3A_711 = tpu.memref_slice %arg8[%dma_wait3A_710] : memref<512xf32, #tpu.memory_space<vmem>> -> memref<32xf32, #tpu.memory_space<vmem>>
        tpu.wait_dma2 semaphore(%run_scoped3A : memref<!tpu.dma_semaphore, #tpu.memory_space<semaphore_mem>>) src(%dma_wait3A_711 : memref<32xf32, #tpu.memory_space<vmem>>) dst(%dma_wait3A_709 : memref<32xf32, #tpu.memory_space<hbm>>)
        tpu.yield
      }) : () -> ()
      %add3A_426 = arith.constant 98304 : i32
      %add3A_427 = arith.addi %add3A_426, %mul3A_2 : i32
      %mul3A_428 = arith.constant 32 : i32
      %mul3A_429 = arith.muli %mul3A_144, %mul3A_428 : i32
      %add3A_430 = arith.addi %add3A_427, %mul3A_429 : i32
      "tpu.region"() ({
        %run_scoped3A = tpu.sem_alloc : memref<!tpu.dma_semaphore, #tpu.memory_space<semaphore_mem>>
        %dma_start3A_700 = arith.constant 192 : i32
        %dma_start3A_701 = tpu.memref_slice %arg8[%dma_start3A_700] : memref<512xf32, #tpu.memory_space<vmem>> -> memref<32xf32, #tpu.memory_space<vmem>>
        %dma_start3A_702 = tpu.memref_slice %arg4[%add3A_430] : memref<262144xf32, #tpu.memory_space<hbm>> -> memref<32xf32, #tpu.memory_space<hbm>>
        %dma_start3A_703 = tpu.memref_slice %arg4[%add3A_430] : memref<262144xf32, #tpu.memory_space<hbm>> -> memref<32xf32, #tpu.memory_space<hbm>>
        %dma_start3A_704 = arith.constant 192 : i32
        %dma_start3A_705 = tpu.memref_slice %arg8[%dma_start3A_704] : memref<512xf32, #tpu.memory_space<vmem>> -> memref<32xf32, #tpu.memory_space<vmem>>
        tpu.enqueue_dma source(%dma_start3A_705 : memref<32xf32, #tpu.memory_space<vmem>>) target(%dma_start3A_703 : memref<32xf32, #tpu.memory_space<hbm>>) target_semaphore(%run_scoped3A : memref<!tpu.dma_semaphore, #tpu.memory_space<semaphore_mem>>)
        %dma_wait3A_706 = arith.constant 192 : i32
        %dma_wait3A_707 = tpu.memref_slice %arg8[%dma_wait3A_706] : memref<512xf32, #tpu.memory_space<vmem>> -> memref<32xf32, #tpu.memory_space<vmem>>
        %dma_wait3A_708 = tpu.memref_slice %arg4[%add3A_430] : memref<262144xf32, #tpu.memory_space<hbm>> -> memref<32xf32, #tpu.memory_space<hbm>>
        %dma_wait3A_709 = tpu.memref_slice %arg4[%add3A_430] : memref<262144xf32, #tpu.memory_space<hbm>> -> memref<32xf32, #tpu.memory_space<hbm>>
        %dma_wait3A_710 = arith.constant 192 : i32
        %dma_wait3A_711 = tpu.memref_slice %arg8[%dma_wait3A_710] : memref<512xf32, #tpu.memory_space<vmem>> -> memref<32xf32, #tpu.memory_space<vmem>>
        tpu.wait_dma2 semaphore(%run_scoped3A : memref<!tpu.dma_semaphore, #tpu.memory_space<semaphore_mem>>) src(%dma_wait3A_711 : memref<32xf32, #tpu.memory_space<vmem>>) dst(%dma_wait3A_709 : memref<32xf32, #tpu.memory_space<hbm>>)
        tpu.yield
      }) : () -> ()
      %add3A_431 = arith.constant 114688 : i32
      %add3A_432 = arith.addi %add3A_431, %mul3A_2 : i32
      %mul3A_433 = arith.constant 32 : i32
      %mul3A_434 = arith.muli %mul3A_144, %mul3A_433 : i32
      %add3A_435 = arith.addi %add3A_432, %mul3A_434 : i32
      "tpu.region"() ({
        %run_scoped3A = tpu.sem_alloc : memref<!tpu.dma_semaphore, #tpu.memory_space<semaphore_mem>>
        %dma_start3A_700 = arith.constant 224 : i32
        %dma_start3A_701 = tpu.memref_slice %arg8[%dma_start3A_700] : memref<512xf32, #tpu.memory_space<vmem>> -> memref<32xf32, #tpu.memory_space<vmem>>
        %dma_start3A_702 = tpu.memref_slice %arg4[%add3A_435] : memref<262144xf32, #tpu.memory_space<hbm>> -> memref<32xf32, #tpu.memory_space<hbm>>
        %dma_start3A_703 = tpu.memref_slice %arg4[%add3A_435] : memref<262144xf32, #tpu.memory_space<hbm>> -> memref<32xf32, #tpu.memory_space<hbm>>
        %dma_start3A_704 = arith.constant 224 : i32
        %dma_start3A_705 = tpu.memref_slice %arg8[%dma_start3A_704] : memref<512xf32, #tpu.memory_space<vmem>> -> memref<32xf32, #tpu.memory_space<vmem>>
        tpu.enqueue_dma source(%dma_start3A_705 : memref<32xf32, #tpu.memory_space<vmem>>) target(%dma_start3A_703 : memref<32xf32, #tpu.memory_space<hbm>>) target_semaphore(%run_scoped3A : memref<!tpu.dma_semaphore, #tpu.memory_space<semaphore_mem>>)
        %dma_wait3A_706 = arith.constant 224 : i32
        %dma_wait3A_707 = tpu.memref_slice %arg8[%dma_wait3A_706] : memref<512xf32, #tpu.memory_space<vmem>> -> memref<32xf32, #tpu.memory_space<vmem>>
        %dma_wait3A_708 = tpu.memref_slice %arg4[%add3A_435] : memref<262144xf32, #tpu.memory_space<hbm>> -> memref<32xf32, #tpu.memory_space<hbm>>
        %dma_wait3A_709 = tpu.memref_slice %arg4[%add3A_435] : memref<262144xf32, #tpu.memory_space<hbm>> -> memref<32xf32, #tpu.memory_space<hbm>>
        %dma_wait3A_710 = arith.constant 224 : i32
        %dma_wait3A_711 = tpu.memref_slice %arg8[%dma_wait3A_710] : memref<512xf32, #tpu.memory_space<vmem>> -> memref<32xf32, #tpu.memory_space<vmem>>
        tpu.wait_dma2 semaphore(%run_scoped3A : memref<!tpu.dma_semaphore, #tpu.memory_space<semaphore_mem>>) src(%dma_wait3A_711 : memref<32xf32, #tpu.memory_space<vmem>>) dst(%dma_wait3A_709 : memref<32xf32, #tpu.memory_space<hbm>>)
        tpu.yield
      }) : () -> ()
      %add3A_436 = arith.constant 131072 : i32
      %add3A_437 = arith.addi %add3A_436, %mul3A_2 : i32
      %mul3A_438 = arith.constant 32 : i32
      %mul3A_439 = arith.muli %mul3A_144, %mul3A_438 : i32
      %add3A_440 = arith.addi %add3A_437, %mul3A_439 : i32
      "tpu.region"() ({
        %run_scoped3A = tpu.sem_alloc : memref<!tpu.dma_semaphore, #tpu.memory_space<semaphore_mem>>
        %dma_start3A_700 = arith.constant 256 : i32
        %dma_start3A_701 = tpu.memref_slice %arg8[%dma_start3A_700] : memref<512xf32, #tpu.memory_space<vmem>> -> memref<32xf32, #tpu.memory_space<vmem>>
        %dma_start3A_702 = tpu.memref_slice %arg4[%add3A_440] : memref<262144xf32, #tpu.memory_space<hbm>> -> memref<32xf32, #tpu.memory_space<hbm>>
        %dma_start3A_703 = tpu.memref_slice %arg4[%add3A_440] : memref<262144xf32, #tpu.memory_space<hbm>> -> memref<32xf32, #tpu.memory_space<hbm>>
        %dma_start3A_704 = arith.constant 256 : i32
        %dma_start3A_705 = tpu.memref_slice %arg8[%dma_start3A_704] : memref<512xf32, #tpu.memory_space<vmem>> -> memref<32xf32, #tpu.memory_space<vmem>>
        tpu.enqueue_dma source(%dma_start3A_705 : memref<32xf32, #tpu.memory_space<vmem>>) target(%dma_start3A_703 : memref<32xf32, #tpu.memory_space<hbm>>) target_semaphore(%run_scoped3A : memref<!tpu.dma_semaphore, #tpu.memory_space<semaphore_mem>>)
        %dma_wait3A_706 = arith.constant 256 : i32
        %dma_wait3A_707 = tpu.memref_slice %arg8[%dma_wait3A_706] : memref<512xf32, #tpu.memory_space<vmem>> -> memref<32xf32, #tpu.memory_space<vmem>>
        %dma_wait3A_708 = tpu.memref_slice %arg4[%add3A_440] : memref<262144xf32, #tpu.memory_space<hbm>> -> memref<32xf32, #tpu.memory_space<hbm>>
        %dma_wait3A_709 = tpu.memref_slice %arg4[%add3A_440] : memref<262144xf32, #tpu.memory_space<hbm>> -> memref<32xf32, #tpu.memory_space<hbm>>
        %dma_wait3A_710 = arith.constant 256 : i32
        %dma_wait3A_711 = tpu.memref_slice %arg8[%dma_wait3A_710] : memref<512xf32, #tpu.memory_space<vmem>> -> memref<32xf32, #tpu.memory_space<vmem>>
        tpu.wait_dma2 semaphore(%run_scoped3A : memref<!tpu.dma_semaphore, #tpu.memory_space<semaphore_mem>>) src(%dma_wait3A_711 : memref<32xf32, #tpu.memory_space<vmem>>) dst(%dma_wait3A_709 : memref<32xf32, #tpu.memory_space<hbm>>)
        tpu.yield
      }) : () -> ()
      %add3A_441 = arith.constant 147456 : i32
      %add3A_442 = arith.addi %add3A_441, %mul3A_2 : i32
      %mul3A_443 = arith.constant 32 : i32
      %mul3A_444 = arith.muli %mul3A_144, %mul3A_443 : i32
      %add3A_445 = arith.addi %add3A_442, %mul3A_444 : i32
      "tpu.region"() ({
        %run_scoped3A = tpu.sem_alloc : memref<!tpu.dma_semaphore, #tpu.memory_space<semaphore_mem>>
        %dma_start3A_700 = arith.constant 288 : i32
        %dma_start3A_701 = tpu.memref_slice %arg8[%dma_start3A_700] : memref<512xf32, #tpu.memory_space<vmem>> -> memref<32xf32, #tpu.memory_space<vmem>>
        %dma_start3A_702 = tpu.memref_slice %arg4[%add3A_445] : memref<262144xf32, #tpu.memory_space<hbm>> -> memref<32xf32, #tpu.memory_space<hbm>>
        %dma_start3A_703 = tpu.memref_slice %arg4[%add3A_445] : memref<262144xf32, #tpu.memory_space<hbm>> -> memref<32xf32, #tpu.memory_space<hbm>>
        %dma_start3A_704 = arith.constant 288 : i32
        %dma_start3A_705 = tpu.memref_slice %arg8[%dma_start3A_704] : memref<512xf32, #tpu.memory_space<vmem>> -> memref<32xf32, #tpu.memory_space<vmem>>
        tpu.enqueue_dma source(%dma_start3A_705 : memref<32xf32, #tpu.memory_space<vmem>>) target(%dma_start3A_703 : memref<32xf32, #tpu.memory_space<hbm>>) target_semaphore(%run_scoped3A : memref<!tpu.dma_semaphore, #tpu.memory_space<semaphore_mem>>)
        %dma_wait3A_706 = arith.constant 288 : i32
        %dma_wait3A_707 = tpu.memref_slice %arg8[%dma_wait3A_706] : memref<512xf32, #tpu.memory_space<vmem>> -> memref<32xf32, #tpu.memory_space<vmem>>
        %dma_wait3A_708 = tpu.memref_slice %arg4[%add3A_445] : memref<262144xf32, #tpu.memory_space<hbm>> -> memref<32xf32, #tpu.memory_space<hbm>>
        %dma_wait3A_709 = tpu.memref_slice %arg4[%add3A_445] : memref<262144xf32, #tpu.memory_space<hbm>> -> memref<32xf32, #tpu.memory_space<hbm>>
        %dma_wait3A_710 = arith.constant 288 : i32
        %dma_wait3A_711 = tpu.memref_slice %arg8[%dma_wait3A_710] : memref<512xf32, #tpu.memory_space<vmem>> -> memref<32xf32, #tpu.memory_space<vmem>>
        tpu.wait_dma2 semaphore(%run_scoped3A : memref<!tpu.dma_semaphore, #tpu.memory_space<semaphore_mem>>) src(%dma_wait3A_711 : memref<32xf32, #tpu.memory_space<vmem>>) dst(%dma_wait3A_709 : memref<32xf32, #tpu.memory_space<hbm>>)
        tpu.yield
      }) : () -> ()
      %add3A_446 = arith.constant 163840 : i32
      %add3A_447 = arith.addi %add3A_446, %mul3A_2 : i32
      %mul3A_448 = arith.constant 32 : i32
      %mul3A_449 = arith.muli %mul3A_144, %mul3A_448 : i32
      %add3A_450 = arith.addi %add3A_447, %mul3A_449 : i32
      "tpu.region"() ({
        %run_scoped3A = tpu.sem_alloc : memref<!tpu.dma_semaphore, #tpu.memory_space<semaphore_mem>>
        %dma_start3A_700 = arith.constant 320 : i32
        %dma_start3A_701 = tpu.memref_slice %arg8[%dma_start3A_700] : memref<512xf32, #tpu.memory_space<vmem>> -> memref<32xf32, #tpu.memory_space<vmem>>
        %dma_start3A_702 = tpu.memref_slice %arg4[%add3A_450] : memref<262144xf32, #tpu.memory_space<hbm>> -> memref<32xf32, #tpu.memory_space<hbm>>
        %dma_start3A_703 = tpu.memref_slice %arg4[%add3A_450] : memref<262144xf32, #tpu.memory_space<hbm>> -> memref<32xf32, #tpu.memory_space<hbm>>
        %dma_start3A_704 = arith.constant 320 : i32
        %dma_start3A_705 = tpu.memref_slice %arg8[%dma_start3A_704] : memref<512xf32, #tpu.memory_space<vmem>> -> memref<32xf32, #tpu.memory_space<vmem>>
        tpu.enqueue_dma source(%dma_start3A_705 : memref<32xf32, #tpu.memory_space<vmem>>) target(%dma_start3A_703 : memref<32xf32, #tpu.memory_space<hbm>>) target_semaphore(%run_scoped3A : memref<!tpu.dma_semaphore, #tpu.memory_space<semaphore_mem>>)
        %dma_wait3A_706 = arith.constant 320 : i32
        %dma_wait3A_707 = tpu.memref_slice %arg8[%dma_wait3A_706] : memref<512xf32, #tpu.memory_space<vmem>> -> memref<32xf32, #tpu.memory_space<vmem>>
        %dma_wait3A_708 = tpu.memref_slice %arg4[%add3A_450] : memref<262144xf32, #tpu.memory_space<hbm>> -> memref<32xf32, #tpu.memory_space<hbm>>
        %dma_wait3A_709 = tpu.memref_slice %arg4[%add3A_450] : memref<262144xf32, #tpu.memory_space<hbm>> -> memref<32xf32, #tpu.memory_space<hbm>>
        %dma_wait3A_710 = arith.constant 320 : i32
        %dma_wait3A_711 = tpu.memref_slice %arg8[%dma_wait3A_710] : memref<512xf32, #tpu.memory_space<vmem>> -> memref<32xf32, #tpu.memory_space<vmem>>
        tpu.wait_dma2 semaphore(%run_scoped3A : memref<!tpu.dma_semaphore, #tpu.memory_space<semaphore_mem>>) src(%dma_wait3A_711 : memref<32xf32, #tpu.memory_space<vmem>>) dst(%dma_wait3A_709 : memref<32xf32, #tpu.memory_space<hbm>>)
        tpu.yield
      }) : () -> ()
      %add3A_451 = arith.constant 180224 : i32
      %add3A_452 = arith.addi %add3A_451, %mul3A_2 : i32
      %mul3A_453 = arith.constant 32 : i32
      %mul3A_454 = arith.muli %mul3A_144, %mul3A_453 : i32
      %add3A_455 = arith.addi %add3A_452, %mul3A_454 : i32
      "tpu.region"() ({
        %run_scoped3A = tpu.sem_alloc : memref<!tpu.dma_semaphore, #tpu.memory_space<semaphore_mem>>
        %dma_start3A_700 = arith.constant 352 : i32
        %dma_start3A_701 = tpu.memref_slice %arg8[%dma_start3A_700] : memref<512xf32, #tpu.memory_space<vmem>> -> memref<32xf32, #tpu.memory_space<vmem>>
        %dma_start3A_702 = tpu.memref_slice %arg4[%add3A_455] : memref<262144xf32, #tpu.memory_space<hbm>> -> memref<32xf32, #tpu.memory_space<hbm>>
        %dma_start3A_703 = tpu.memref_slice %arg4[%add3A_455] : memref<262144xf32, #tpu.memory_space<hbm>> -> memref<32xf32, #tpu.memory_space<hbm>>
        %dma_start3A_704 = arith.constant 352 : i32
        %dma_start3A_705 = tpu.memref_slice %arg8[%dma_start3A_704] : memref<512xf32, #tpu.memory_space<vmem>> -> memref<32xf32, #tpu.memory_space<vmem>>
        tpu.enqueue_dma source(%dma_start3A_705 : memref<32xf32, #tpu.memory_space<vmem>>) target(%dma_start3A_703 : memref<32xf32, #tpu.memory_space<hbm>>) target_semaphore(%run_scoped3A : memref<!tpu.dma_semaphore, #tpu.memory_space<semaphore_mem>>)
        %dma_wait3A_706 = arith.constant 352 : i32
        %dma_wait3A_707 = tpu.memref_slice %arg8[%dma_wait3A_706] : memref<512xf32, #tpu.memory_space<vmem>> -> memref<32xf32, #tpu.memory_space<vmem>>
        %dma_wait3A_708 = tpu.memref_slice %arg4[%add3A_455] : memref<262144xf32, #tpu.memory_space<hbm>> -> memref<32xf32, #tpu.memory_space<hbm>>
        %dma_wait3A_709 = tpu.memref_slice %arg4[%add3A_455] : memref<262144xf32, #tpu.memory_space<hbm>> -> memref<32xf32, #tpu.memory_space<hbm>>
        %dma_wait3A_710 = arith.constant 352 : i32
        %dma_wait3A_711 = tpu.memref_slice %arg8[%dma_wait3A_710] : memref<512xf32, #tpu.memory_space<vmem>> -> memref<32xf32, #tpu.memory_space<vmem>>
        tpu.wait_dma2 semaphore(%run_scoped3A : memref<!tpu.dma_semaphore, #tpu.memory_space<semaphore_mem>>) src(%dma_wait3A_711 : memref<32xf32, #tpu.memory_space<vmem>>) dst(%dma_wait3A_709 : memref<32xf32, #tpu.memory_space<hbm>>)
        tpu.yield
      }) : () -> ()
      %add3A_456 = arith.constant 196608 : i32
      %add3A_457 = arith.addi %add3A_456, %mul3A_2 : i32
      %mul3A_458 = arith.constant 32 : i32
      %mul3A_459 = arith.muli %mul3A_144, %mul3A_458 : i32
      %add3A_460 = arith.addi %add3A_457, %mul3A_459 : i32
      "tpu.region"() ({
        %run_scoped3A = tpu.sem_alloc : memref<!tpu.dma_semaphore, #tpu.memory_space<semaphore_mem>>
        %dma_start3A_700 = arith.constant 384 : i32
        %dma_start3A_701 = tpu.memref_slice %arg8[%dma_start3A_700] : memref<512xf32, #tpu.memory_space<vmem>> -> memref<32xf32, #tpu.memory_space<vmem>>
        %dma_start3A_702 = tpu.memref_slice %arg4[%add3A_460] : memref<262144xf32, #tpu.memory_space<hbm>> -> memref<32xf32, #tpu.memory_space<hbm>>
        %dma_start3A_703 = tpu.memref_slice %arg4[%add3A_460] : memref<262144xf32, #tpu.memory_space<hbm>> -> memref<32xf32, #tpu.memory_space<hbm>>
        %dma_start3A_704 = arith.constant 384 : i32
        %dma_start3A_705 = tpu.memref_slice %arg8[%dma_start3A_704] : memref<512xf32, #tpu.memory_space<vmem>> -> memref<32xf32, #tpu.memory_space<vmem>>
        tpu.enqueue_dma source(%dma_start3A_705 : memref<32xf32, #tpu.memory_space<vmem>>) target(%dma_start3A_703 : memref<32xf32, #tpu.memory_space<hbm>>) target_semaphore(%run_scoped3A : memref<!tpu.dma_semaphore, #tpu.memory_space<semaphore_mem>>)
        %dma_wait3A_706 = arith.constant 384 : i32
        %dma_wait3A_707 = tpu.memref_slice %arg8[%dma_wait3A_706] : memref<512xf32, #tpu.memory_space<vmem>> -> memref<32xf32, #tpu.memory_space<vmem>>
        %dma_wait3A_708 = tpu.memref_slice %arg4[%add3A_460] : memref<262144xf32, #tpu.memory_space<hbm>> -> memref<32xf32, #tpu.memory_space<hbm>>
        %dma_wait3A_709 = tpu.memref_slice %arg4[%add3A_460] : memref<262144xf32, #tpu.memory_space<hbm>> -> memref<32xf32, #tpu.memory_space<hbm>>
        %dma_wait3A_710 = arith.constant 384 : i32
        %dma_wait3A_711 = tpu.memref_slice %arg8[%dma_wait3A_710] : memref<512xf32, #tpu.memory_space<vmem>> -> memref<32xf32, #tpu.memory_space<vmem>>
        tpu.wait_dma2 semaphore(%run_scoped3A : memref<!tpu.dma_semaphore, #tpu.memory_space<semaphore_mem>>) src(%dma_wait3A_711 : memref<32xf32, #tpu.memory_space<vmem>>) dst(%dma_wait3A_709 : memref<32xf32, #tpu.memory_space<hbm>>)
        tpu.yield
      }) : () -> ()
      %add3A_461 = arith.constant 212992 : i32
      %add3A_462 = arith.addi %add3A_461, %mul3A_2 : i32
      %mul3A_463 = arith.constant 32 : i32
      %mul3A_464 = arith.muli %mul3A_144, %mul3A_463 : i32
      %add3A_465 = arith.addi %add3A_462, %mul3A_464 : i32
      "tpu.region"() ({
        %run_scoped3A = tpu.sem_alloc : memref<!tpu.dma_semaphore, #tpu.memory_space<semaphore_mem>>
        %dma_start3A_700 = arith.constant 416 : i32
        %dma_start3A_701 = tpu.memref_slice %arg8[%dma_start3A_700] : memref<512xf32, #tpu.memory_space<vmem>> -> memref<32xf32, #tpu.memory_space<vmem>>
        %dma_start3A_702 = tpu.memref_slice %arg4[%add3A_465] : memref<262144xf32, #tpu.memory_space<hbm>> -> memref<32xf32, #tpu.memory_space<hbm>>
        %dma_start3A_703 = tpu.memref_slice %arg4[%add3A_465] : memref<262144xf32, #tpu.memory_space<hbm>> -> memref<32xf32, #tpu.memory_space<hbm>>
        %dma_start3A_704 = arith.constant 416 : i32
        %dma_start3A_705 = tpu.memref_slice %arg8[%dma_start3A_704] : memref<512xf32, #tpu.memory_space<vmem>> -> memref<32xf32, #tpu.memory_space<vmem>>
        tpu.enqueue_dma source(%dma_start3A_705 : memref<32xf32, #tpu.memory_space<vmem>>) target(%dma_start3A_703 : memref<32xf32, #tpu.memory_space<hbm>>) target_semaphore(%run_scoped3A : memref<!tpu.dma_semaphore, #tpu.memory_space<semaphore_mem>>)
        %dma_wait3A_706 = arith.constant 416 : i32
        %dma_wait3A_707 = tpu.memref_slice %arg8[%dma_wait3A_706] : memref<512xf32, #tpu.memory_space<vmem>> -> memref<32xf32, #tpu.memory_space<vmem>>
        %dma_wait3A_708 = tpu.memref_slice %arg4[%add3A_465] : memref<262144xf32, #tpu.memory_space<hbm>> -> memref<32xf32, #tpu.memory_space<hbm>>
        %dma_wait3A_709 = tpu.memref_slice %arg4[%add3A_465] : memref<262144xf32, #tpu.memory_space<hbm>> -> memref<32xf32, #tpu.memory_space<hbm>>
        %dma_wait3A_710 = arith.constant 416 : i32
        %dma_wait3A_711 = tpu.memref_slice %arg8[%dma_wait3A_710] : memref<512xf32, #tpu.memory_space<vmem>> -> memref<32xf32, #tpu.memory_space<vmem>>
        tpu.wait_dma2 semaphore(%run_scoped3A : memref<!tpu.dma_semaphore, #tpu.memory_space<semaphore_mem>>) src(%dma_wait3A_711 : memref<32xf32, #tpu.memory_space<vmem>>) dst(%dma_wait3A_709 : memref<32xf32, #tpu.memory_space<hbm>>)
        tpu.yield
      }) : () -> ()
      %add3A_466 = arith.constant 229376 : i32
      %add3A_467 = arith.addi %add3A_466, %mul3A_2 : i32
      %mul3A_468 = arith.constant 32 : i32
      %mul3A_469 = arith.muli %mul3A_144, %mul3A_468 : i32
      %add3A_470 = arith.addi %add3A_467, %mul3A_469 : i32
      "tpu.region"() ({
        %run_scoped3A = tpu.sem_alloc : memref<!tpu.dma_semaphore, #tpu.memory_space<semaphore_mem>>
        %dma_start3A_700 = arith.constant 448 : i32
        %dma_start3A_701 = tpu.memref_slice %arg8[%dma_start3A_700] : memref<512xf32, #tpu.memory_space<vmem>> -> memref<32xf32, #tpu.memory_space<vmem>>
        %dma_start3A_702 = tpu.memref_slice %arg4[%add3A_470] : memref<262144xf32, #tpu.memory_space<hbm>> -> memref<32xf32, #tpu.memory_space<hbm>>
        %dma_start3A_703 = tpu.memref_slice %arg4[%add3A_470] : memref<262144xf32, #tpu.memory_space<hbm>> -> memref<32xf32, #tpu.memory_space<hbm>>
        %dma_start3A_704 = arith.constant 448 : i32
        %dma_start3A_705 = tpu.memref_slice %arg8[%dma_start3A_704] : memref<512xf32, #tpu.memory_space<vmem>> -> memref<32xf32, #tpu.memory_space<vmem>>
        tpu.enqueue_dma source(%dma_start3A_705 : memref<32xf32, #tpu.memory_space<vmem>>) target(%dma_start3A_703 : memref<32xf32, #tpu.memory_space<hbm>>) target_semaphore(%run_scoped3A : memref<!tpu.dma_semaphore, #tpu.memory_space<semaphore_mem>>)
        %dma_wait3A_706 = arith.constant 448 : i32
        %dma_wait3A_707 = tpu.memref_slice %arg8[%dma_wait3A_706] : memref<512xf32, #tpu.memory_space<vmem>> -> memref<32xf32, #tpu.memory_space<vmem>>
        %dma_wait3A_708 = tpu.memref_slice %arg4[%add3A_470] : memref<262144xf32, #tpu.memory_space<hbm>> -> memref<32xf32, #tpu.memory_space<hbm>>
        %dma_wait3A_709 = tpu.memref_slice %arg4[%add3A_470] : memref<262144xf32, #tpu.memory_space<hbm>> -> memref<32xf32, #tpu.memory_space<hbm>>
        %dma_wait3A_710 = arith.constant 448 : i32
        %dma_wait3A_711 = tpu.memref_slice %arg8[%dma_wait3A_710] : memref<512xf32, #tpu.memory_space<vmem>> -> memref<32xf32, #tpu.memory_space<vmem>>
        tpu.wait_dma2 semaphore(%run_scoped3A : memref<!tpu.dma_semaphore, #tpu.memory_space<semaphore_mem>>) src(%dma_wait3A_711 : memref<32xf32, #tpu.memory_space<vmem>>) dst(%dma_wait3A_709 : memref<32xf32, #tpu.memory_space<hbm>>)
        tpu.yield
      }) : () -> ()
      %add3A_471 = arith.constant 245760 : i32
      %add3A_472 = arith.addi %add3A_471, %mul3A_2 : i32
      %mul3A_473 = arith.constant 32 : i32
      %mul3A_474 = arith.muli %mul3A_144, %mul3A_473 : i32
      %add3A_475 = arith.addi %add3A_472, %mul3A_474 : i32
      "tpu.region"() ({
        %run_scoped3A = tpu.sem_alloc : memref<!tpu.dma_semaphore, #tpu.memory_space<semaphore_mem>>
        %dma_start3A_700 = arith.constant 480 : i32
        %dma_start3A_701 = tpu.memref_slice %arg8[%dma_start3A_700] : memref<512xf32, #tpu.memory_space<vmem>> -> memref<32xf32, #tpu.memory_space<vmem>>
        %dma_start3A_702 = tpu.memref_slice %arg4[%add3A_475] : memref<262144xf32, #tpu.memory_space<hbm>> -> memref<32xf32, #tpu.memory_space<hbm>>
        %dma_start3A_703 = tpu.memref_slice %arg4[%add3A_475] : memref<262144xf32, #tpu.memory_space<hbm>> -> memref<32xf32, #tpu.memory_space<hbm>>
        %dma_start3A_704 = arith.constant 480 : i32
        %dma_start3A_705 = tpu.memref_slice %arg8[%dma_start3A_704] : memref<512xf32, #tpu.memory_space<vmem>> -> memref<32xf32, #tpu.memory_space<vmem>>
        tpu.enqueue_dma source(%dma_start3A_705 : memref<32xf32, #tpu.memory_space<vmem>>) target(%dma_start3A_703 : memref<32xf32, #tpu.memory_space<hbm>>) target_semaphore(%run_scoped3A : memref<!tpu.dma_semaphore, #tpu.memory_space<semaphore_mem>>)
        %dma_wait3A_706 = arith.constant 480 : i32
        %dma_wait3A_707 = tpu.memref_slice %arg8[%dma_wait3A_706] : memref<512xf32, #tpu.memory_space<vmem>> -> memref<32xf32, #tpu.memory_space<vmem>>
        %dma_wait3A_708 = tpu.memref_slice %arg4[%add3A_475] : memref<262144xf32, #tpu.memory_space<hbm>> -> memref<32xf32, #tpu.memory_space<hbm>>
        %dma_wait3A_709 = tpu.memref_slice %arg4[%add3A_475] : memref<262144xf32, #tpu.memory_space<hbm>> -> memref<32xf32, #tpu.memory_space<hbm>>
        %dma_wait3A_710 = arith.constant 480 : i32
        %dma_wait3A_711 = tpu.memref_slice %arg8[%dma_wait3A_710] : memref<512xf32, #tpu.memory_space<vmem>> -> memref<32xf32, #tpu.memory_space<vmem>>
        tpu.wait_dma2 semaphore(%run_scoped3A : memref<!tpu.dma_semaphore, #tpu.memory_space<semaphore_mem>>) src(%dma_wait3A_711 : memref<32xf32, #tpu.memory_space<vmem>>) dst(%dma_wait3A_709 : memref<32xf32, #tpu.memory_space<hbm>>)
        tpu.yield
      }) : () -> ()
      %add3A_476 = arith.constant 2 : i32
      %add3A_477 = arith.addi %mul3A_144, %add3A_476 : i32
      %lt3A_478 = arith.constant 16 : i32
      %lt3A_479 = arith.cmpi slt, %add3A_477, %lt3A_478 : i32
      %convert_element_type3A_480 = arith.extui %lt3A_479 : i1 to i32
      %cond3A_481 = arith.constant 0 : i32
      %cond3A_482 = arith.cmpi ne, %convert_element_type3A_480, %cond3A_481 : i32
      scf.if %cond3A_482 {
        %add3A_700 = arith.constant 2 : i32
        %add3A_701 = arith.addi %mul3A_144, %add3A_700 : i32
        %mul3A_702 = arith.constant 1600 : i32
        %mul3A_703 = arith.muli %add3A_701, %mul3A_702 : i32
        %multiple_of3A_704 = tpu.assume_multiple %mul3A_703, 8 : i32
        %add3A_705 = arith.constant 0 : i32
        %add3A_706 = arith.addi %multiple_of3A_704, %add3A_705 : i32
        %add3A_707 = arith.constant 128 : i32
        %add3A_708 = arith.addi %multiple_of3A_704, %add3A_707 : i32
        %add3A_709 = arith.constant 256 : i32
        %add3A_710 = arith.addi %multiple_of3A_704, %add3A_709 : i32
        %add3A_711 = arith.constant 384 : i32
        %add3A_712 = arith.addi %multiple_of3A_704, %add3A_711 : i32
        %add3A_713 = arith.constant 512 : i32
        %add3A_714 = arith.addi %multiple_of3A_704, %add3A_713 : i32
        %add3A_715 = arith.constant 640 : i32
        %add3A_716 = arith.addi %multiple_of3A_704, %add3A_715 : i32
        %add3A_717 = arith.constant 768 : i32
        %add3A_718 = arith.addi %multiple_of3A_704, %add3A_717 : i32
        %add3A_719 = arith.constant 896 : i32
        %add3A_720 = arith.addi %multiple_of3A_704, %add3A_719 : i32
        %add3A_721 = arith.constant 1024 : i32
        %add3A_722 = arith.addi %multiple_of3A_704, %add3A_721 : i32
        %add3A_723 = arith.constant 1152 : i32
        %add3A_724 = arith.addi %multiple_of3A_704, %add3A_723 : i32
        %add3A_725 = arith.constant 1280 : i32
        %add3A_726 = arith.addi %multiple_of3A_704, %add3A_725 : i32
        %add3A_727 = arith.constant 1408 : i32
        %add3A_728 = arith.addi %multiple_of3A_704, %add3A_727 : i32
        %add3A_729 = arith.constant 1536 : i32
        %add3A_730 = arith.addi %multiple_of3A_704, %add3A_729 : i32
        %dma_start3A_731 = arith.constant 0 : i32
        %dma_start3A_732 = arith.constant 0 : i32
        %dma_start3A_733 = tpu.memref_slice %arg6[%dma_start3A_731, %dma_start3A_732] : memref<1600x16xf32, #tpu.memory_space<vmem>> -> memref<128x16xf32, #tpu.memory_space<vmem>>
        %dma_start3A_734 = tpu.memref_slice %arg5[%add3A_706] : memref<25600xi32, #tpu.memory_space<vmem>> -> memref<128xi32, #tpu.memory_space<vmem>>
        %dma_start3A_735 = arith.constant 0 : i32
        %dma_start3A_736 = arith.constant 0 : i32
        %dma_start3A_737 = tpu.memref_slice %arg3[%dma_start3A_735, %dma_start3A_736] : memref<1048576x16xf32, #tpu.memory_space<hbm>> -> memref<1048576x16xf32, #tpu.memory_space<hbm>>
        tpu.enqueue_indirect_dma source(%dma_start3A_737 : memref<1048576x16xf32, #tpu.memory_space<hbm>>) target(%dma_start3A_733 : memref<128x16xf32, #tpu.memory_space<vmem>>) offsets(%dma_start3A_734 : memref<128xi32, #tpu.memory_space<vmem>>) semaphore(%arg9 : memref<!tpu.dma_semaphore, #tpu.memory_space<semaphore_mem>>)
        %dma_start3A_738 = arith.constant 128 : i32
        %dma_start3A_739 = arith.constant 0 : i32
        %dma_start3A_740 = tpu.memref_slice %arg6[%dma_start3A_738, %dma_start3A_739] : memref<1600x16xf32, #tpu.memory_space<vmem>> -> memref<128x16xf32, #tpu.memory_space<vmem>>
        %dma_start3A_741 = tpu.memref_slice %arg5[%add3A_708] : memref<25600xi32, #tpu.memory_space<vmem>> -> memref<128xi32, #tpu.memory_space<vmem>>
        %dma_start3A_742 = arith.constant 0 : i32
        %dma_start3A_743 = arith.constant 0 : i32
        %dma_start3A_744 = tpu.memref_slice %arg3[%dma_start3A_742, %dma_start3A_743] : memref<1048576x16xf32, #tpu.memory_space<hbm>> -> memref<1048576x16xf32, #tpu.memory_space<hbm>>
        tpu.enqueue_indirect_dma source(%dma_start3A_744 : memref<1048576x16xf32, #tpu.memory_space<hbm>>) target(%dma_start3A_740 : memref<128x16xf32, #tpu.memory_space<vmem>>) offsets(%dma_start3A_741 : memref<128xi32, #tpu.memory_space<vmem>>) semaphore(%arg9 : memref<!tpu.dma_semaphore, #tpu.memory_space<semaphore_mem>>)
        %dma_start3A_745 = arith.constant 256 : i32
        %dma_start3A_746 = arith.constant 0 : i32
        %dma_start3A_747 = tpu.memref_slice %arg6[%dma_start3A_745, %dma_start3A_746] : memref<1600x16xf32, #tpu.memory_space<vmem>> -> memref<128x16xf32, #tpu.memory_space<vmem>>
        %dma_start3A_748 = tpu.memref_slice %arg5[%add3A_710] : memref<25600xi32, #tpu.memory_space<vmem>> -> memref<128xi32, #tpu.memory_space<vmem>>
        %dma_start3A_749 = arith.constant 0 : i32
        %dma_start3A_750 = arith.constant 0 : i32
        %dma_start3A_751 = tpu.memref_slice %arg3[%dma_start3A_749, %dma_start3A_750] : memref<1048576x16xf32, #tpu.memory_space<hbm>> -> memref<1048576x16xf32, #tpu.memory_space<hbm>>
        tpu.enqueue_indirect_dma source(%dma_start3A_751 : memref<1048576x16xf32, #tpu.memory_space<hbm>>) target(%dma_start3A_747 : memref<128x16xf32, #tpu.memory_space<vmem>>) offsets(%dma_start3A_748 : memref<128xi32, #tpu.memory_space<vmem>>) semaphore(%arg9 : memref<!tpu.dma_semaphore, #tpu.memory_space<semaphore_mem>>)
        %dma_start3A_752 = arith.constant 384 : i32
        %dma_start3A_753 = arith.constant 0 : i32
        %dma_start3A_754 = tpu.memref_slice %arg6[%dma_start3A_752, %dma_start3A_753] : memref<1600x16xf32, #tpu.memory_space<vmem>> -> memref<128x16xf32, #tpu.memory_space<vmem>>
        %dma_start3A_755 = tpu.memref_slice %arg5[%add3A_712] : memref<25600xi32, #tpu.memory_space<vmem>> -> memref<128xi32, #tpu.memory_space<vmem>>
        %dma_start3A_756 = arith.constant 0 : i32
        %dma_start3A_757 = arith.constant 0 : i32
        %dma_start3A_758 = tpu.memref_slice %arg3[%dma_start3A_756, %dma_start3A_757] : memref<1048576x16xf32, #tpu.memory_space<hbm>> -> memref<1048576x16xf32, #tpu.memory_space<hbm>>
        tpu.enqueue_indirect_dma source(%dma_start3A_758 : memref<1048576x16xf32, #tpu.memory_space<hbm>>) target(%dma_start3A_754 : memref<128x16xf32, #tpu.memory_space<vmem>>) offsets(%dma_start3A_755 : memref<128xi32, #tpu.memory_space<vmem>>) semaphore(%arg9 : memref<!tpu.dma_semaphore, #tpu.memory_space<semaphore_mem>>)
        %dma_start3A_759 = arith.constant 512 : i32
        %dma_start3A_760 = arith.constant 0 : i32
        %dma_start3A_761 = tpu.memref_slice %arg6[%dma_start3A_759, %dma_start3A_760] : memref<1600x16xf32, #tpu.memory_space<vmem>> -> memref<128x16xf32, #tpu.memory_space<vmem>>
        %dma_start3A_762 = tpu.memref_slice %arg5[%add3A_714] : memref<25600xi32, #tpu.memory_space<vmem>> -> memref<128xi32, #tpu.memory_space<vmem>>
        %dma_start3A_763 = arith.constant 0 : i32
        %dma_start3A_764 = arith.constant 0 : i32
        %dma_start3A_765 = tpu.memref_slice %arg3[%dma_start3A_763, %dma_start3A_764] : memref<1048576x16xf32, #tpu.memory_space<hbm>> -> memref<1048576x16xf32, #tpu.memory_space<hbm>>
        tpu.enqueue_indirect_dma source(%dma_start3A_765 : memref<1048576x16xf32, #tpu.memory_space<hbm>>) target(%dma_start3A_761 : memref<128x16xf32, #tpu.memory_space<vmem>>) offsets(%dma_start3A_762 : memref<128xi32, #tpu.memory_space<vmem>>) semaphore(%arg9 : memref<!tpu.dma_semaphore, #tpu.memory_space<semaphore_mem>>)
        %dma_start3A_766 = arith.constant 640 : i32
        %dma_start3A_767 = arith.constant 0 : i32
        %dma_start3A_768 = tpu.memref_slice %arg6[%dma_start3A_766, %dma_start3A_767] : memref<1600x16xf32, #tpu.memory_space<vmem>> -> memref<128x16xf32, #tpu.memory_space<vmem>>
        %dma_start3A_769 = tpu.memref_slice %arg5[%add3A_716] : memref<25600xi32, #tpu.memory_space<vmem>> -> memref<128xi32, #tpu.memory_space<vmem>>
        %dma_start3A_770 = arith.constant 0 : i32
        %dma_start3A_771 = arith.constant 0 : i32
        %dma_start3A_772 = tpu.memref_slice %arg3[%dma_start3A_770, %dma_start3A_771] : memref<1048576x16xf32, #tpu.memory_space<hbm>> -> memref<1048576x16xf32, #tpu.memory_space<hbm>>
        tpu.enqueue_indirect_dma source(%dma_start3A_772 : memref<1048576x16xf32, #tpu.memory_space<hbm>>) target(%dma_start3A_768 : memref<128x16xf32, #tpu.memory_space<vmem>>) offsets(%dma_start3A_769 : memref<128xi32, #tpu.memory_space<vmem>>) semaphore(%arg9 : memref<!tpu.dma_semaphore, #tpu.memory_space<semaphore_mem>>)
        %dma_start3A_773 = arith.constant 768 : i32
        %dma_start3A_774 = arith.constant 0 : i32
        %dma_start3A_775 = tpu.memref_slice %arg6[%dma_start3A_773, %dma_start3A_774] : memref<1600x16xf32, #tpu.memory_space<vmem>> -> memref<128x16xf32, #tpu.memory_space<vmem>>
        %dma_start3A_776 = tpu.memref_slice %arg5[%add3A_718] : memref<25600xi32, #tpu.memory_space<vmem>> -> memref<128xi32, #tpu.memory_space<vmem>>
        %dma_start3A_777 = arith.constant 0 : i32
        %dma_start3A_778 = arith.constant 0 : i32
        %dma_start3A_779 = tpu.memref_slice %arg3[%dma_start3A_777, %dma_start3A_778] : memref<1048576x16xf32, #tpu.memory_space<hbm>> -> memref<1048576x16xf32, #tpu.memory_space<hbm>>
        tpu.enqueue_indirect_dma source(%dma_start3A_779 : memref<1048576x16xf32, #tpu.memory_space<hbm>>) target(%dma_start3A_775 : memref<128x16xf32, #tpu.memory_space<vmem>>) offsets(%dma_start3A_776 : memref<128xi32, #tpu.memory_space<vmem>>) semaphore(%arg9 : memref<!tpu.dma_semaphore, #tpu.memory_space<semaphore_mem>>)
        %dma_start3A_780 = arith.constant 896 : i32
        %dma_start3A_781 = arith.constant 0 : i32
        %dma_start3A_782 = tpu.memref_slice %arg6[%dma_start3A_780, %dma_start3A_781] : memref<1600x16xf32, #tpu.memory_space<vmem>> -> memref<128x16xf32, #tpu.memory_space<vmem>>
        %dma_start3A_783 = tpu.memref_slice %arg5[%add3A_720] : memref<25600xi32, #tpu.memory_space<vmem>> -> memref<128xi32, #tpu.memory_space<vmem>>
        %dma_start3A_784 = arith.constant 0 : i32
        %dma_start3A_785 = arith.constant 0 : i32
        %dma_start3A_786 = tpu.memref_slice %arg3[%dma_start3A_784, %dma_start3A_785] : memref<1048576x16xf32, #tpu.memory_space<hbm>> -> memref<1048576x16xf32, #tpu.memory_space<hbm>>
        tpu.enqueue_indirect_dma source(%dma_start3A_786 : memref<1048576x16xf32, #tpu.memory_space<hbm>>) target(%dma_start3A_782 : memref<128x16xf32, #tpu.memory_space<vmem>>) offsets(%dma_start3A_783 : memref<128xi32, #tpu.memory_space<vmem>>) semaphore(%arg9 : memref<!tpu.dma_semaphore, #tpu.memory_space<semaphore_mem>>)
        %dma_start3A_787 = arith.constant 1024 : i32
        %dma_start3A_788 = arith.constant 0 : i32
        %dma_start3A_789 = tpu.memref_slice %arg6[%dma_start3A_787, %dma_start3A_788] : memref<1600x16xf32, #tpu.memory_space<vmem>> -> memref<128x16xf32, #tpu.memory_space<vmem>>
        %dma_start3A_790 = tpu.memref_slice %arg5[%add3A_722] : memref<25600xi32, #tpu.memory_space<vmem>> -> memref<128xi32, #tpu.memory_space<vmem>>
        %dma_start3A_791 = arith.constant 0 : i32
        %dma_start3A_792 = arith.constant 0 : i32
        %dma_start3A_793 = tpu.memref_slice %arg3[%dma_start3A_791, %dma_start3A_792] : memref<1048576x16xf32, #tpu.memory_space<hbm>> -> memref<1048576x16xf32, #tpu.memory_space<hbm>>
        tpu.enqueue_indirect_dma source(%dma_start3A_793 : memref<1048576x16xf32, #tpu.memory_space<hbm>>) target(%dma_start3A_789 : memref<128x16xf32, #tpu.memory_space<vmem>>) offsets(%dma_start3A_790 : memref<128xi32, #tpu.memory_space<vmem>>) semaphore(%arg9 : memref<!tpu.dma_semaphore, #tpu.memory_space<semaphore_mem>>)
        %dma_start3A_794 = arith.constant 1152 : i32
        %dma_start3A_795 = arith.constant 0 : i32
        %dma_start3A_796 = tpu.memref_slice %arg6[%dma_start3A_794, %dma_start3A_795] : memref<1600x16xf32, #tpu.memory_space<vmem>> -> memref<128x16xf32, #tpu.memory_space<vmem>>
        %dma_start3A_797 = tpu.memref_slice %arg5[%add3A_724] : memref<25600xi32, #tpu.memory_space<vmem>> -> memref<128xi32, #tpu.memory_space<vmem>>
        %dma_start3A_798 = arith.constant 0 : i32
        %dma_start3A_799 = arith.constant 0 : i32
        %dma_start3A_800 = tpu.memref_slice %arg3[%dma_start3A_798, %dma_start3A_799] : memref<1048576x16xf32, #tpu.memory_space<hbm>> -> memref<1048576x16xf32, #tpu.memory_space<hbm>>
        tpu.enqueue_indirect_dma source(%dma_start3A_800 : memref<1048576x16xf32, #tpu.memory_space<hbm>>) target(%dma_start3A_796 : memref<128x16xf32, #tpu.memory_space<vmem>>) offsets(%dma_start3A_797 : memref<128xi32, #tpu.memory_space<vmem>>) semaphore(%arg9 : memref<!tpu.dma_semaphore, #tpu.memory_space<semaphore_mem>>)
        %dma_start3A_801 = arith.constant 1280 : i32
        %dma_start3A_802 = arith.constant 0 : i32
        %dma_start3A_803 = tpu.memref_slice %arg6[%dma_start3A_801, %dma_start3A_802] : memref<1600x16xf32, #tpu.memory_space<vmem>> -> memref<128x16xf32, #tpu.memory_space<vmem>>
        %dma_start3A_804 = tpu.memref_slice %arg5[%add3A_726] : memref<25600xi32, #tpu.memory_space<vmem>> -> memref<128xi32, #tpu.memory_space<vmem>>
        %dma_start3A_805 = arith.constant 0 : i32
        %dma_start3A_806 = arith.constant 0 : i32
        %dma_start3A_807 = tpu.memref_slice %arg3[%dma_start3A_805, %dma_start3A_806] : memref<1048576x16xf32, #tpu.memory_space<hbm>> -> memref<1048576x16xf32, #tpu.memory_space<hbm>>
        tpu.enqueue_indirect_dma source(%dma_start3A_807 : memref<1048576x16xf32, #tpu.memory_space<hbm>>) target(%dma_start3A_803 : memref<128x16xf32, #tpu.memory_space<vmem>>) offsets(%dma_start3A_804 : memref<128xi32, #tpu.memory_space<vmem>>) semaphore(%arg9 : memref<!tpu.dma_semaphore, #tpu.memory_space<semaphore_mem>>)
        %dma_start3A_808 = arith.constant 1408 : i32
        %dma_start3A_809 = arith.constant 0 : i32
        %dma_start3A_810 = tpu.memref_slice %arg6[%dma_start3A_808, %dma_start3A_809] : memref<1600x16xf32, #tpu.memory_space<vmem>> -> memref<128x16xf32, #tpu.memory_space<vmem>>
        %dma_start3A_811 = tpu.memref_slice %arg5[%add3A_728] : memref<25600xi32, #tpu.memory_space<vmem>> -> memref<128xi32, #tpu.memory_space<vmem>>
        %dma_start3A_812 = arith.constant 0 : i32
        %dma_start3A_813 = arith.constant 0 : i32
        %dma_start3A_814 = tpu.memref_slice %arg3[%dma_start3A_812, %dma_start3A_813] : memref<1048576x16xf32, #tpu.memory_space<hbm>> -> memref<1048576x16xf32, #tpu.memory_space<hbm>>
        tpu.enqueue_indirect_dma source(%dma_start3A_814 : memref<1048576x16xf32, #tpu.memory_space<hbm>>) target(%dma_start3A_810 : memref<128x16xf32, #tpu.memory_space<vmem>>) offsets(%dma_start3A_811 : memref<128xi32, #tpu.memory_space<vmem>>) semaphore(%arg9 : memref<!tpu.dma_semaphore, #tpu.memory_space<semaphore_mem>>)
        %dma_start3A_815 = arith.constant 1536 : i32
        %dma_start3A_816 = arith.constant 0 : i32
        %dma_start3A_817 = tpu.memref_slice %arg6[%dma_start3A_815, %dma_start3A_816] : memref<1600x16xf32, #tpu.memory_space<vmem>> -> memref<64x16xf32, #tpu.memory_space<vmem>>
        %dma_start3A_818 = tpu.memref_slice %arg5[%add3A_730] : memref<25600xi32, #tpu.memory_space<vmem>> -> memref<64xi32, #tpu.memory_space<vmem>>
        %dma_start3A_819 = arith.constant 0 : i32
        %dma_start3A_820 = arith.constant 0 : i32
        %dma_start3A_821 = tpu.memref_slice %arg3[%dma_start3A_819, %dma_start3A_820] : memref<1048576x16xf32, #tpu.memory_space<hbm>> -> memref<1048576x16xf32, #tpu.memory_space<hbm>>
        tpu.enqueue_indirect_dma source(%dma_start3A_821 : memref<1048576x16xf32, #tpu.memory_space<hbm>>) target(%dma_start3A_817 : memref<64x16xf32, #tpu.memory_space<vmem>>) offsets(%dma_start3A_818 : memref<64xi32, #tpu.memory_space<vmem>>) semaphore(%arg9 : memref<!tpu.dma_semaphore, #tpu.memory_space<semaphore_mem>>)
      } else {
      }
      %add3A_483 = arith.constant 3 : i32
      %add3A_484 = arith.addi %mul3A_144, %add3A_483 : i32
      %lt3A_485 = arith.constant 16 : i32
      %lt3A_486 = arith.cmpi slt, %add3A_484, %lt3A_485 : i32
      %convert_element_type3A_487 = arith.extui %lt3A_486 : i1 to i32
      %cond3A_488 = arith.constant 0 : i32
      %cond3A_489 = arith.cmpi ne, %convert_element_type3A_487, %cond3A_488 : i32
      scf.if %cond3A_489 {
        %add3A_700 = arith.constant 3 : i32
        %add3A_701 = arith.addi %mul3A_144, %add3A_700 : i32
        %mul3A_702 = arith.constant 1600 : i32
        %mul3A_703 = arith.muli %add3A_701, %mul3A_702 : i32
        %scan3A_704 = arith.constant 0 : i32
        %scan3A_705 = arith.constant 0 : i32
        %scan3A_706 = arith.constant 100 : i32
        %scan3A_707 = arith.addi %scan3A_705, %scan3A_706 : i32
        %scan3A_708 = arith.constant 1 : i32
        scf.for %scan3A_710 = %scan3A_705 to %scan3A_707 step %scan3A_708  : i32 {
          %mul3A_711 = arith.constant 16 : i32
          %mul3A_712 = arith.muli %scan3A_710, %mul3A_711 : i32
          %add3A_713 = arith.addi %mul3A_703, %mul3A_712 : i32
          %multiple_of3A_714 = tpu.assume_multiple %add3A_713, 16 : i32
          %get3A = arith.index_cast %multiple_of3A_714 : i32 to index
          %get3A_715 = tpu.vector_load %arg5[%get3A] {strides = array<i32>} : memref<25600xi32, #tpu.memory_space<vmem>>, vector<16xi32>,
          %and3A = arith.constant -1024 : i32
          %and3A_716 = vector.broadcast %and3A : i32 to vector<16xi32>
          %and3A_717 = arith.andi %get3A_715, %and3A_716 : vector<16xi32>
          %and3A_718 = arith.constant 127 : i32
          %and3A_719 = vector.broadcast %and3A_718 : i32 to vector<16xi32>
          %and3A_720 = arith.andi %get3A_715, %and3A_719 : vector<16xi32>
          %shift_left3A = arith.constant 3 : i32
          %shift_left3A_721 = vector.broadcast %shift_left3A : i32 to vector<16xi32>
          %shift_left3A_722 = arith.shli %and3A_720, %shift_left3A_721 : vector<16xi32>
          %add3A_723 = arith.addi %and3A_717, %shift_left3A_722 : vector<16xi32>
          %shift_right_arithmetic3A = arith.constant 7 : i32
          %shift_right_arithmetic3A_724 = vector.broadcast %shift_right_arithmetic3A : i32 to vector<16xi32>
          %shift_right_arithmetic3A_725 = arith.shrsi %get3A_715, %shift_right_arithmetic3A_724 : vector<16xi32>
          %and3A_726 = arith.constant 7 : i32
          %and3A_727 = vector.broadcast %and3A_726 : i32 to vector<16xi32>
          %and3A_728 = arith.andi %shift_right_arithmetic3A_725, %and3A_727 : vector<16xi32>
          %add3A_729 = arith.addi %add3A_723, %and3A_728 : vector<16xi32>
          %swap3A = arith.index_cast %multiple_of3A_714 : i32 to index
          %swap3A_730 = tpu.vector_load %arg5[%swap3A] {strides = array<i32>} : memref<25600xi32, #tpu.memory_space<vmem>>, vector<16xi32>,
          tpu.vector_store %arg5[%swap3A], %add3A_729 {strides = array<i32>} : memref<25600xi32, #tpu.memory_space<vmem>>, vector<16xi32>,
        }
        %scan3A_709 = arith.constant 100 : i32
      } else {
      }
      %add3A_490 = arith.constant 1 : i32
      %add3A_491 = arith.addi %mul3A_144, %add3A_490 : i32
      %mul3A_492 = arith.constant 1600 : i32
      %mul3A_493 = arith.muli %add3A_491, %mul3A_492 : i32
      %multiple_of3A_494 = tpu.assume_multiple %mul3A_493, 8 : i32
      %add3A_495 = arith.constant 0 : i32
      %add3A_496 = arith.addi %multiple_of3A_494, %add3A_495 : i32
      %add3A_497 = arith.constant 128 : i32
      %add3A_498 = arith.addi %multiple_of3A_494, %add3A_497 : i32
      %add3A_499 = arith.constant 256 : i32
      %add3A_500 = arith.addi %multiple_of3A_494, %add3A_499 : i32
      %add3A_501 = arith.constant 384 : i32
      %add3A_502 = arith.addi %multiple_of3A_494, %add3A_501 : i32
      %add3A_503 = arith.constant 512 : i32
      %add3A_504 = arith.addi %multiple_of3A_494, %add3A_503 : i32
      %add3A_505 = arith.constant 640 : i32
      %add3A_506 = arith.addi %multiple_of3A_494, %add3A_505 : i32
      %add3A_507 = arith.constant 768 : i32
      %add3A_508 = arith.addi %multiple_of3A_494, %add3A_507 : i32
      %add3A_509 = arith.constant 896 : i32
      %add3A_510 = arith.addi %multiple_of3A_494, %add3A_509 : i32
      %add3A_511 = arith.constant 1024 : i32
      %add3A_512 = arith.addi %multiple_of3A_494, %add3A_511 : i32
      %add3A_513 = arith.constant 1152 : i32
      %add3A_514 = arith.addi %multiple_of3A_494, %add3A_513 : i32
      %add3A_515 = arith.constant 1280 : i32
      %add3A_516 = arith.addi %multiple_of3A_494, %add3A_515 : i32
      %add3A_517 = arith.constant 1408 : i32
      %add3A_518 = arith.addi %multiple_of3A_494, %add3A_517 : i32
      %add3A_519 = arith.constant 1536 : i32
      %add3A_520 = arith.addi %multiple_of3A_494, %add3A_519 : i32
      %dma_wait3A_521 = arith.constant 0 : i32
      %dma_wait3A_522 = arith.constant 0 : i32
      %dma_wait3A_523 = tpu.memref_slice %arg7[%dma_wait3A_521, %dma_wait3A_522] : memref<1600x16xf32, #tpu.memory_space<vmem>> -> memref<128x16xf32, #tpu.memory_space<vmem>>
      %dma_wait3A_524 = tpu.memref_slice %arg5[%add3A_496] : memref<25600xi32, #tpu.memory_space<vmem>> -> memref<128xi32, #tpu.memory_space<vmem>>
      %dma_wait3A_525 = arith.constant 0 : i32
      %dma_wait3A_526 = arith.constant 0 : i32
      %dma_wait3A_527 = tpu.memref_slice %arg3[%dma_wait3A_525, %dma_wait3A_526] : memref<1048576x16xf32, #tpu.memory_space<hbm>> -> memref<1048576x16xf32, #tpu.memory_space<hbm>>
      tpu.wait_indirect_dma semaphore(%arg10 : memref<!tpu.dma_semaphore, #tpu.memory_space<semaphore_mem>>) src(%dma_wait3A_527 : memref<1048576x16xf32, #tpu.memory_space<hbm>>) dst(%dma_wait3A_523 : memref<128x16xf32, #tpu.memory_space<vmem>>)
      %dma_wait3A_528 = arith.constant 128 : i32
      %dma_wait3A_529 = arith.constant 0 : i32
      %dma_wait3A_530 = tpu.memref_slice %arg7[%dma_wait3A_528, %dma_wait3A_529] : memref<1600x16xf32, #tpu.memory_space<vmem>> -> memref<128x16xf32, #tpu.memory_space<vmem>>
      %dma_wait3A_531 = tpu.memref_slice %arg5[%add3A_498] : memref<25600xi32, #tpu.memory_space<vmem>> -> memref<128xi32, #tpu.memory_space<vmem>>
      %dma_wait3A_532 = arith.constant 0 : i32
      %dma_wait3A_533 = arith.constant 0 : i32
      %dma_wait3A_534 = tpu.memref_slice %arg3[%dma_wait3A_532, %dma_wait3A_533] : memref<1048576x16xf32, #tpu.memory_space<hbm>> -> memref<1048576x16xf32, #tpu.memory_space<hbm>>
      tpu.wait_indirect_dma semaphore(%arg10 : memref<!tpu.dma_semaphore, #tpu.memory_space<semaphore_mem>>) src(%dma_wait3A_534 : memref<1048576x16xf32, #tpu.memory_space<hbm>>) dst(%dma_wait3A_530 : memref<128x16xf32, #tpu.memory_space<vmem>>)
      %dma_wait3A_535 = arith.constant 256 : i32
      %dma_wait3A_536 = arith.constant 0 : i32
      %dma_wait3A_537 = tpu.memref_slice %arg7[%dma_wait3A_535, %dma_wait3A_536] : memref<1600x16xf32, #tpu.memory_space<vmem>> -> memref<128x16xf32, #tpu.memory_space<vmem>>
      %dma_wait3A_538 = tpu.memref_slice %arg5[%add3A_500] : memref<25600xi32, #tpu.memory_space<vmem>> -> memref<128xi32, #tpu.memory_space<vmem>>
      %dma_wait3A_539 = arith.constant 0 : i32
      %dma_wait3A_540 = arith.constant 0 : i32
      %dma_wait3A_541 = tpu.memref_slice %arg3[%dma_wait3A_539, %dma_wait3A_540] : memref<1048576x16xf32, #tpu.memory_space<hbm>> -> memref<1048576x16xf32, #tpu.memory_space<hbm>>
      tpu.wait_indirect_dma semaphore(%arg10 : memref<!tpu.dma_semaphore, #tpu.memory_space<semaphore_mem>>) src(%dma_wait3A_541 : memref<1048576x16xf32, #tpu.memory_space<hbm>>) dst(%dma_wait3A_537 : memref<128x16xf32, #tpu.memory_space<vmem>>)
      %dma_wait3A_542 = arith.constant 384 : i32
      %dma_wait3A_543 = arith.constant 0 : i32
      %dma_wait3A_544 = tpu.memref_slice %arg7[%dma_wait3A_542, %dma_wait3A_543] : memref<1600x16xf32, #tpu.memory_space<vmem>> -> memref<128x16xf32, #tpu.memory_space<vmem>>
      %dma_wait3A_545 = tpu.memref_slice %arg5[%add3A_502] : memref<25600xi32, #tpu.memory_space<vmem>> -> memref<128xi32, #tpu.memory_space<vmem>>
      %dma_wait3A_546 = arith.constant 0 : i32
      %dma_wait3A_547 = arith.constant 0 : i32
      %dma_wait3A_548 = tpu.memref_slice %arg3[%dma_wait3A_546, %dma_wait3A_547] : memref<1048576x16xf32, #tpu.memory_space<hbm>> -> memref<1048576x16xf32, #tpu.memory_space<hbm>>
      tpu.wait_indirect_dma semaphore(%arg10 : memref<!tpu.dma_semaphore, #tpu.memory_space<semaphore_mem>>) src(%dma_wait3A_548 : memref<1048576x16xf32, #tpu.memory_space<hbm>>) dst(%dma_wait3A_544 : memref<128x16xf32, #tpu.memory_space<vmem>>)
      %dma_wait3A_549 = arith.constant 512 : i32
      %dma_wait3A_550 = arith.constant 0 : i32
      %dma_wait3A_551 = tpu.memref_slice %arg7[%dma_wait3A_549, %dma_wait3A_550] : memref<1600x16xf32, #tpu.memory_space<vmem>> -> memref<128x16xf32, #tpu.memory_space<vmem>>
      %dma_wait3A_552 = tpu.memref_slice %arg5[%add3A_504] : memref<25600xi32, #tpu.memory_space<vmem>> -> memref<128xi32, #tpu.memory_space<vmem>>
      %dma_wait3A_553 = arith.constant 0 : i32
      %dma_wait3A_554 = arith.constant 0 : i32
      %dma_wait3A_555 = tpu.memref_slice %arg3[%dma_wait3A_553, %dma_wait3A_554] : memref<1048576x16xf32, #tpu.memory_space<hbm>> -> memref<1048576x16xf32, #tpu.memory_space<hbm>>
      tpu.wait_indirect_dma semaphore(%arg10 : memref<!tpu.dma_semaphore, #tpu.memory_space<semaphore_mem>>) src(%dma_wait3A_555 : memref<1048576x16xf32, #tpu.memory_space<hbm>>) dst(%dma_wait3A_551 : memref<128x16xf32, #tpu.memory_space<vmem>>)
      %dma_wait3A_556 = arith.constant 640 : i32
      %dma_wait3A_557 = arith.constant 0 : i32
      %dma_wait3A_558 = tpu.memref_slice %arg7[%dma_wait3A_556, %dma_wait3A_557] : memref<1600x16xf32, #tpu.memory_space<vmem>> -> memref<128x16xf32, #tpu.memory_space<vmem>>
      %dma_wait3A_559 = tpu.memref_slice %arg5[%add3A_506] : memref<25600xi32, #tpu.memory_space<vmem>> -> memref<128xi32, #tpu.memory_space<vmem>>
      %dma_wait3A_560 = arith.constant 0 : i32
      %dma_wait3A_561 = arith.constant 0 : i32
      %dma_wait3A_562 = tpu.memref_slice %arg3[%dma_wait3A_560, %dma_wait3A_561] : memref<1048576x16xf32, #tpu.memory_space<hbm>> -> memref<1048576x16xf32, #tpu.memory_space<hbm>>
      tpu.wait_indirect_dma semaphore(%arg10 : memref<!tpu.dma_semaphore, #tpu.memory_space<semaphore_mem>>) src(%dma_wait3A_562 : memref<1048576x16xf32, #tpu.memory_space<hbm>>) dst(%dma_wait3A_558 : memref<128x16xf32, #tpu.memory_space<vmem>>)
      %dma_wait3A_563 = arith.constant 768 : i32
      %dma_wait3A_564 = arith.constant 0 : i32
      %dma_wait3A_565 = tpu.memref_slice %arg7[%dma_wait3A_563, %dma_wait3A_564] : memref<1600x16xf32, #tpu.memory_space<vmem>> -> memref<128x16xf32, #tpu.memory_space<vmem>>
      %dma_wait3A_566 = tpu.memref_slice %arg5[%add3A_508] : memref<25600xi32, #tpu.memory_space<vmem>> -> memref<128xi32, #tpu.memory_space<vmem>>
      %dma_wait3A_567 = arith.constant 0 : i32
      %dma_wait3A_568 = arith.constant 0 : i32
      %dma_wait3A_569 = tpu.memref_slice %arg3[%dma_wait3A_567, %dma_wait3A_568] : memref<1048576x16xf32, #tpu.memory_space<hbm>> -> memref<1048576x16xf32, #tpu.memory_space<hbm>>
      tpu.wait_indirect_dma semaphore(%arg10 : memref<!tpu.dma_semaphore, #tpu.memory_space<semaphore_mem>>) src(%dma_wait3A_569 : memref<1048576x16xf32, #tpu.memory_space<hbm>>) dst(%dma_wait3A_565 : memref<128x16xf32, #tpu.memory_space<vmem>>)
      %dma_wait3A_570 = arith.constant 896 : i32
      %dma_wait3A_571 = arith.constant 0 : i32
      %dma_wait3A_572 = tpu.memref_slice %arg7[%dma_wait3A_570, %dma_wait3A_571] : memref<1600x16xf32, #tpu.memory_space<vmem>> -> memref<128x16xf32, #tpu.memory_space<vmem>>
      %dma_wait3A_573 = tpu.memref_slice %arg5[%add3A_510] : memref<25600xi32, #tpu.memory_space<vmem>> -> memref<128xi32, #tpu.memory_space<vmem>>
      %dma_wait3A_574 = arith.constant 0 : i32
      %dma_wait3A_575 = arith.constant 0 : i32
      %dma_wait3A_576 = tpu.memref_slice %arg3[%dma_wait3A_574, %dma_wait3A_575] : memref<1048576x16xf32, #tpu.memory_space<hbm>> -> memref<1048576x16xf32, #tpu.memory_space<hbm>>
      tpu.wait_indirect_dma semaphore(%arg10 : memref<!tpu.dma_semaphore, #tpu.memory_space<semaphore_mem>>) src(%dma_wait3A_576 : memref<1048576x16xf32, #tpu.memory_space<hbm>>) dst(%dma_wait3A_572 : memref<128x16xf32, #tpu.memory_space<vmem>>)
      %dma_wait3A_577 = arith.constant 1024 : i32
      %dma_wait3A_578 = arith.constant 0 : i32
      %dma_wait3A_579 = tpu.memref_slice %arg7[%dma_wait3A_577, %dma_wait3A_578] : memref<1600x16xf32, #tpu.memory_space<vmem>> -> memref<128x16xf32, #tpu.memory_space<vmem>>
      %dma_wait3A_580 = tpu.memref_slice %arg5[%add3A_512] : memref<25600xi32, #tpu.memory_space<vmem>> -> memref<128xi32, #tpu.memory_space<vmem>>
      %dma_wait3A_581 = arith.constant 0 : i32
      %dma_wait3A_582 = arith.constant 0 : i32
      %dma_wait3A_583 = tpu.memref_slice %arg3[%dma_wait3A_581, %dma_wait3A_582] : memref<1048576x16xf32, #tpu.memory_space<hbm>> -> memref<1048576x16xf32, #tpu.memory_space<hbm>>
      tpu.wait_indirect_dma semaphore(%arg10 : memref<!tpu.dma_semaphore, #tpu.memory_space<semaphore_mem>>) src(%dma_wait3A_583 : memref<1048576x16xf32, #tpu.memory_space<hbm>>) dst(%dma_wait3A_579 : memref<128x16xf32, #tpu.memory_space<vmem>>)
      %dma_wait3A_584 = arith.constant 1152 : i32
      %dma_wait3A_585 = arith.constant 0 : i32
      %dma_wait3A_586 = tpu.memref_slice %arg7[%dma_wait3A_584, %dma_wait3A_585] : memref<1600x16xf32, #tpu.memory_space<vmem>> -> memref<128x16xf32, #tpu.memory_space<vmem>>
      %dma_wait3A_587 = tpu.memref_slice %arg5[%add3A_514] : memref<25600xi32, #tpu.memory_space<vmem>> -> memref<128xi32, #tpu.memory_space<vmem>>
      %dma_wait3A_588 = arith.constant 0 : i32
      %dma_wait3A_589 = arith.constant 0 : i32
      %dma_wait3A_590 = tpu.memref_slice %arg3[%dma_wait3A_588, %dma_wait3A_589] : memref<1048576x16xf32, #tpu.memory_space<hbm>> -> memref<1048576x16xf32, #tpu.memory_space<hbm>>
      tpu.wait_indirect_dma semaphore(%arg10 : memref<!tpu.dma_semaphore, #tpu.memory_space<semaphore_mem>>) src(%dma_wait3A_590 : memref<1048576x16xf32, #tpu.memory_space<hbm>>) dst(%dma_wait3A_586 : memref<128x16xf32, #tpu.memory_space<vmem>>)
      %dma_wait3A_591 = arith.constant 1280 : i32
      %dma_wait3A_592 = arith.constant 0 : i32
      %dma_wait3A_593 = tpu.memref_slice %arg7[%dma_wait3A_591, %dma_wait3A_592] : memref<1600x16xf32, #tpu.memory_space<vmem>> -> memref<128x16xf32, #tpu.memory_space<vmem>>
      %dma_wait3A_594 = tpu.memref_slice %arg5[%add3A_516] : memref<25600xi32, #tpu.memory_space<vmem>> -> memref<128xi32, #tpu.memory_space<vmem>>
      %dma_wait3A_595 = arith.constant 0 : i32
      %dma_wait3A_596 = arith.constant 0 : i32
      %dma_wait3A_597 = tpu.memref_slice %arg3[%dma_wait3A_595, %dma_wait3A_596] : memref<1048576x16xf32, #tpu.memory_space<hbm>> -> memref<1048576x16xf32, #tpu.memory_space<hbm>>
      tpu.wait_indirect_dma semaphore(%arg10 : memref<!tpu.dma_semaphore, #tpu.memory_space<semaphore_mem>>) src(%dma_wait3A_597 : memref<1048576x16xf32, #tpu.memory_space<hbm>>) dst(%dma_wait3A_593 : memref<128x16xf32, #tpu.memory_space<vmem>>)
      %dma_wait3A_598 = arith.constant 1408 : i32
      %dma_wait3A_599 = arith.constant 0 : i32
      %dma_wait3A_600 = tpu.memref_slice %arg7[%dma_wait3A_598, %dma_wait3A_599] : memref<1600x16xf32, #tpu.memory_space<vmem>> -> memref<128x16xf32, #tpu.memory_space<vmem>>
      %dma_wait3A_601 = tpu.memref_slice %arg5[%add3A_518] : memref<25600xi32, #tpu.memory_space<vmem>> -> memref<128xi32, #tpu.memory_space<vmem>>
      %dma_wait3A_602 = arith.constant 0 : i32
      %dma_wait3A_603 = arith.constant 0 : i32
      %dma_wait3A_604 = tpu.memref_slice %arg3[%dma_wait3A_602, %dma_wait3A_603] : memref<1048576x16xf32, #tpu.memory_space<hbm>> -> memref<1048576x16xf32, #tpu.memory_space<hbm>>
      tpu.wait_indirect_dma semaphore(%arg10 : memref<!tpu.dma_semaphore, #tpu.memory_space<semaphore_mem>>) src(%dma_wait3A_604 : memref<1048576x16xf32, #tpu.memory_space<hbm>>) dst(%dma_wait3A_600 : memref<128x16xf32, #tpu.memory_space<vmem>>)
      %dma_wait3A_605 = arith.constant 1536 : i32
      %dma_wait3A_606 = arith.constant 0 : i32
      %dma_wait3A_607 = tpu.memref_slice %arg7[%dma_wait3A_605, %dma_wait3A_606] : memref<1600x16xf32, #tpu.memory_space<vmem>> -> memref<64x16xf32, #tpu.memory_space<vmem>>
      %dma_wait3A_608 = tpu.memref_slice %arg5[%add3A_520] : memref<25600xi32, #tpu.memory_space<vmem>> -> memref<64xi32, #tpu.memory_space<vmem>>
      %dma_wait3A_609 = arith.constant 0 : i32
      %dma_wait3A_610 = arith.constant 0 : i32
      %dma_wait3A_611 = tpu.memref_slice %arg3[%dma_wait3A_609, %dma_wait3A_610] : memref<1048576x16xf32, #tpu.memory_space<hbm>> -> memref<1048576x16xf32, #tpu.memory_space<hbm>>
      tpu.wait_indirect_dma semaphore(%arg10 : memref<!tpu.dma_semaphore, #tpu.memory_space<semaphore_mem>>) src(%dma_wait3A_611 : memref<1048576x16xf32, #tpu.memory_space<hbm>>) dst(%dma_wait3A_607 : memref<64x16xf32, #tpu.memory_space<vmem>>)
      %add3A_612 = arith.constant 1 : i32
      %add3A_613 = arith.addi %mul3A_144, %add3A_612 : i32
      %scan3A_614 = arith.constant 0 : i32
      %scan3A_615 = arith.constant 0 : i32
      %scan3A_616 = arith.constant 32 : i32
      %scan3A_617 = arith.addi %scan3A_615, %scan3A_616 : i32
      %scan3A_618 = arith.constant 1 : i32
      scf.for %scan3A_700 = %scan3A_615 to %scan3A_617 step %scan3A_618  : i32 {
        %mul3A_701 = arith.constant 50 : i32
        %mul3A_702 = arith.muli %scan3A_700, %mul3A_701 : i32
        %add3A_703 = arith.constant 0 : i32
        %add3A_704 = arith.addi %mul3A_702, %add3A_703 : i32
        %get3A = arith.index_cast %add3A_704 : i32 to index
        %get3A_705 = arith.constant 0 : index
        %get3A_706 = tpu.vector_load %arg7[%get3A, %get3A_705] {strides = array<i32>} : memref<1600x16xf32, #tpu.memory_space<vmem>>, vector<16xf32>,
        %add3A_707 = arith.constant 1 : i32
        %add3A_708 = arith.addi %mul3A_702, %add3A_707 : i32
        %get3A_709 = arith.index_cast %add3A_708 : i32 to index
        %get3A_710 = arith.constant 0 : index
        %get3A_711 = tpu.vector_load %arg7[%get3A_709, %get3A_710] {strides = array<i32>} : memref<1600x16xf32, #tpu.memory_space<vmem>>, vector<16xf32>,
        %add3A_712 = arith.constant 2 : i32
        %add3A_713 = arith.addi %mul3A_702, %add3A_712 : i32
        %get3A_714 = arith.index_cast %add3A_713 : i32 to index
        %get3A_715 = arith.constant 0 : index
        %get3A_716 = tpu.vector_load %arg7[%get3A_714, %get3A_715] {strides = array<i32>} : memref<1600x16xf32, #tpu.memory_space<vmem>>, vector<16xf32>,
        %add3A_717 = arith.constant 3 : i32
        %add3A_718 = arith.addi %mul3A_702, %add3A_717 : i32
        %get3A_719 = arith.index_cast %add3A_718 : i32 to index
        %get3A_720 = arith.constant 0 : index
        %get3A_721 = tpu.vector_load %arg7[%get3A_719, %get3A_720] {strides = array<i32>} : memref<1600x16xf32, #tpu.memory_space<vmem>>, vector<16xf32>,
        %add3A_722 = arith.constant 4 : i32
        %add3A_723 = arith.addi %mul3A_702, %add3A_722 : i32
        %get3A_724 = arith.index_cast %add3A_723 : i32 to index
        %get3A_725 = arith.constant 0 : index
        %get3A_726 = tpu.vector_load %arg7[%get3A_724, %get3A_725] {strides = array<i32>} : memref<1600x16xf32, #tpu.memory_space<vmem>>, vector<16xf32>,
        %add3A_727 = arith.constant 5 : i32
        %add3A_728 = arith.addi %mul3A_702, %add3A_727 : i32
        %get3A_729 = arith.index_cast %add3A_728 : i32 to index
        %get3A_730 = arith.constant 0 : index
        %get3A_731 = tpu.vector_load %arg7[%get3A_729, %get3A_730] {strides = array<i32>} : memref<1600x16xf32, #tpu.memory_space<vmem>>, vector<16xf32>,
        %add3A_732 = arith.constant 6 : i32
        %add3A_733 = arith.addi %mul3A_702, %add3A_732 : i32
        %get3A_734 = arith.index_cast %add3A_733 : i32 to index
        %get3A_735 = arith.constant 0 : index
        %get3A_736 = tpu.vector_load %arg7[%get3A_734, %get3A_735] {strides = array<i32>} : memref<1600x16xf32, #tpu.memory_space<vmem>>, vector<16xf32>,
        %add3A_737 = arith.constant 7 : i32
        %add3A_738 = arith.addi %mul3A_702, %add3A_737 : i32
        %get3A_739 = arith.index_cast %add3A_738 : i32 to index
        %get3A_740 = arith.constant 0 : index
        %get3A_741 = tpu.vector_load %arg7[%get3A_739, %get3A_740] {strides = array<i32>} : memref<1600x16xf32, #tpu.memory_space<vmem>>, vector<16xf32>,
        %add3A_742 = arith.constant 8 : i32
        %add3A_743 = arith.addi %mul3A_702, %add3A_742 : i32
        %get3A_744 = arith.index_cast %add3A_743 : i32 to index
        %get3A_745 = arith.constant 0 : index
        %get3A_746 = tpu.vector_load %arg7[%get3A_744, %get3A_745] {strides = array<i32>} : memref<1600x16xf32, #tpu.memory_space<vmem>>, vector<16xf32>,
        %add3A_747 = arith.addf %get3A_706, %get3A_746 : vector<16xf32>
        %add3A_748 = arith.constant 9 : i32
        %add3A_749 = arith.addi %mul3A_702, %add3A_748 : i32
        %get3A_750 = arith.index_cast %add3A_749 : i32 to index
        %get3A_751 = arith.constant 0 : index
        %get3A_752 = tpu.vector_load %arg7[%get3A_750, %get3A_751] {strides = array<i32>} : memref<1600x16xf32, #tpu.memory_space<vmem>>, vector<16xf32>,
        %add3A_753 = arith.addf %get3A_711, %get3A_752 : vector<16xf32>
        %add3A_754 = arith.constant 10 : i32
        %add3A_755 = arith.addi %mul3A_702, %add3A_754 : i32
        %get3A_756 = arith.index_cast %add3A_755 : i32 to index
        %get3A_757 = arith.constant 0 : index
        %get3A_758 = tpu.vector_load %arg7[%get3A_756, %get3A_757] {strides = array<i32>} : memref<1600x16xf32, #tpu.memory_space<vmem>>, vector<16xf32>,
        %add3A_759 = arith.addf %get3A_716, %get3A_758 : vector<16xf32>
        %add3A_760 = arith.constant 11 : i32
        %add3A_761 = arith.addi %mul3A_702, %add3A_760 : i32
        %get3A_762 = arith.index_cast %add3A_761 : i32 to index
        %get3A_763 = arith.constant 0 : index
        %get3A_764 = tpu.vector_load %arg7[%get3A_762, %get3A_763] {strides = array<i32>} : memref<1600x16xf32, #tpu.memory_space<vmem>>, vector<16xf32>,
        %add3A_765 = arith.addf %get3A_721, %get3A_764 : vector<16xf32>
        %add3A_766 = arith.constant 12 : i32
        %add3A_767 = arith.addi %mul3A_702, %add3A_766 : i32
        %get3A_768 = arith.index_cast %add3A_767 : i32 to index
        %get3A_769 = arith.constant 0 : index
        %get3A_770 = tpu.vector_load %arg7[%get3A_768, %get3A_769] {strides = array<i32>} : memref<1600x16xf32, #tpu.memory_space<vmem>>, vector<16xf32>,
        %add3A_771 = arith.addf %get3A_726, %get3A_770 : vector<16xf32>
        %add3A_772 = arith.constant 13 : i32
        %add3A_773 = arith.addi %mul3A_702, %add3A_772 : i32
        %get3A_774 = arith.index_cast %add3A_773 : i32 to index
        %get3A_775 = arith.constant 0 : index
        %get3A_776 = tpu.vector_load %arg7[%get3A_774, %get3A_775] {strides = array<i32>} : memref<1600x16xf32, #tpu.memory_space<vmem>>, vector<16xf32>,
        %add3A_777 = arith.addf %get3A_731, %get3A_776 : vector<16xf32>
        %add3A_778 = arith.constant 14 : i32
        %add3A_779 = arith.addi %mul3A_702, %add3A_778 : i32
        %get3A_780 = arith.index_cast %add3A_779 : i32 to index
        %get3A_781 = arith.constant 0 : index
        %get3A_782 = tpu.vector_load %arg7[%get3A_780, %get3A_781] {strides = array<i32>} : memref<1600x16xf32, #tpu.memory_space<vmem>>, vector<16xf32>,
        %add3A_783 = arith.addf %get3A_736, %get3A_782 : vector<16xf32>
        %add3A_784 = arith.constant 15 : i32
        %add3A_785 = arith.addi %mul3A_702, %add3A_784 : i32
        %get3A_786 = arith.index_cast %add3A_785 : i32 to index
        %get3A_787 = arith.constant 0 : index
        %get3A_788 = tpu.vector_load %arg7[%get3A_786, %get3A_787] {strides = array<i32>} : memref<1600x16xf32, #tpu.memory_space<vmem>>, vector<16xf32>,
        %add3A_789 = arith.addf %get3A_741, %get3A_788 : vector<16xf32>
        %add3A_790 = arith.constant 16 : i32
        %add3A_791 = arith.addi %mul3A_702, %add3A_790 : i32
        %get3A_792 = arith.index_cast %add3A_791 : i32 to index
        %get3A_793 = arith.constant 0 : index
        %get3A_794 = tpu.vector_load %arg7[%get3A_792, %get3A_793] {strides = array<i32>} : memref<1600x16xf32, #tpu.memory_space<vmem>>, vector<16xf32>,
        %add3A_795 = arith.addf %add3A_747, %get3A_794 : vector<16xf32>
        %add3A_796 = arith.constant 17 : i32
        %add3A_797 = arith.addi %mul3A_702, %add3A_796 : i32
        %get3A_798 = arith.index_cast %add3A_797 : i32 to index
        %get3A_799 = arith.constant 0 : index
        %get3A_800 = tpu.vector_load %arg7[%get3A_798, %get3A_799] {strides = array<i32>} : memref<1600x16xf32, #tpu.memory_space<vmem>>, vector<16xf32>,
        %add3A_801 = arith.addf %add3A_753, %get3A_800 : vector<16xf32>
        %add3A_802 = arith.constant 18 : i32
        %add3A_803 = arith.addi %mul3A_702, %add3A_802 : i32
        %get3A_804 = arith.index_cast %add3A_803 : i32 to index
        %get3A_805 = arith.constant 0 : index
        %get3A_806 = tpu.vector_load %arg7[%get3A_804, %get3A_805] {strides = array<i32>} : memref<1600x16xf32, #tpu.memory_space<vmem>>, vector<16xf32>,
        %add3A_807 = arith.addf %add3A_759, %get3A_806 : vector<16xf32>
        %add3A_808 = arith.constant 19 : i32
        %add3A_809 = arith.addi %mul3A_702, %add3A_808 : i32
        %get3A_810 = arith.index_cast %add3A_809 : i32 to index
        %get3A_811 = arith.constant 0 : index
        %get3A_812 = tpu.vector_load %arg7[%get3A_810, %get3A_811] {strides = array<i32>} : memref<1600x16xf32, #tpu.memory_space<vmem>>, vector<16xf32>,
        %add3A_813 = arith.addf %add3A_765, %get3A_812 : vector<16xf32>
        %add3A_814 = arith.constant 20 : i32
        %add3A_815 = arith.addi %mul3A_702, %add3A_814 : i32
        %get3A_816 = arith.index_cast %add3A_815 : i32 to index
        %get3A_817 = arith.constant 0 : index
        %get3A_818 = tpu.vector_load %arg7[%get3A_816, %get3A_817] {strides = array<i32>} : memref<1600x16xf32, #tpu.memory_space<vmem>>, vector<16xf32>,
        %add3A_819 = arith.addf %add3A_771, %get3A_818 : vector<16xf32>
        %add3A_820 = arith.constant 21 : i32
        %add3A_821 = arith.addi %mul3A_702, %add3A_820 : i32
        %get3A_822 = arith.index_cast %add3A_821 : i32 to index
        %get3A_823 = arith.constant 0 : index
        %get3A_824 = tpu.vector_load %arg7[%get3A_822, %get3A_823] {strides = array<i32>} : memref<1600x16xf32, #tpu.memory_space<vmem>>, vector<16xf32>,
        %add3A_825 = arith.addf %add3A_777, %get3A_824 : vector<16xf32>
        %add3A_826 = arith.constant 22 : i32
        %add3A_827 = arith.addi %mul3A_702, %add3A_826 : i32
        %get3A_828 = arith.index_cast %add3A_827 : i32 to index
        %get3A_829 = arith.constant 0 : index
        %get3A_830 = tpu.vector_load %arg7[%get3A_828, %get3A_829] {strides = array<i32>} : memref<1600x16xf32, #tpu.memory_space<vmem>>, vector<16xf32>,
        %add3A_831 = arith.addf %add3A_783, %get3A_830 : vector<16xf32>
        %add3A_832 = arith.constant 23 : i32
        %add3A_833 = arith.addi %mul3A_702, %add3A_832 : i32
        %get3A_834 = arith.index_cast %add3A_833 : i32 to index
        %get3A_835 = arith.constant 0 : index
        %get3A_836 = tpu.vector_load %arg7[%get3A_834, %get3A_835] {strides = array<i32>} : memref<1600x16xf32, #tpu.memory_space<vmem>>, vector<16xf32>,
        %add3A_837 = arith.addf %add3A_789, %get3A_836 : vector<16xf32>
        %add3A_838 = arith.constant 24 : i32
        %add3A_839 = arith.addi %mul3A_702, %add3A_838 : i32
        %get3A_840 = arith.index_cast %add3A_839 : i32 to index
        %get3A_841 = arith.constant 0 : index
        %get3A_842 = tpu.vector_load %arg7[%get3A_840, %get3A_841] {strides = array<i32>} : memref<1600x16xf32, #tpu.memory_space<vmem>>, vector<16xf32>,
        %add3A_843 = arith.addf %add3A_795, %get3A_842 : vector<16xf32>
        %add3A_844 = arith.constant 25 : i32
        %add3A_845 = arith.addi %mul3A_702, %add3A_844 : i32
        %get3A_846 = arith.index_cast %add3A_845 : i32 to index
        %get3A_847 = arith.constant 0 : index
        %get3A_848 = tpu.vector_load %arg7[%get3A_846, %get3A_847] {strides = array<i32>} : memref<1600x16xf32, #tpu.memory_space<vmem>>, vector<16xf32>,
        %add3A_849 = arith.addf %add3A_801, %get3A_848 : vector<16xf32>
        %add3A_850 = arith.constant 26 : i32
        %add3A_851 = arith.addi %mul3A_702, %add3A_850 : i32
        %get3A_852 = arith.index_cast %add3A_851 : i32 to index
        %get3A_853 = arith.constant 0 : index
        %get3A_854 = tpu.vector_load %arg7[%get3A_852, %get3A_853] {strides = array<i32>} : memref<1600x16xf32, #tpu.memory_space<vmem>>, vector<16xf32>,
        %add3A_855 = arith.addf %add3A_807, %get3A_854 : vector<16xf32>
        %add3A_856 = arith.constant 27 : i32
        %add3A_857 = arith.addi %mul3A_702, %add3A_856 : i32
        %get3A_858 = arith.index_cast %add3A_857 : i32 to index
        %get3A_859 = arith.constant 0 : index
        %get3A_860 = tpu.vector_load %arg7[%get3A_858, %get3A_859] {strides = array<i32>} : memref<1600x16xf32, #tpu.memory_space<vmem>>, vector<16xf32>,
        %add3A_861 = arith.addf %add3A_813, %get3A_860 : vector<16xf32>
        %add3A_862 = arith.constant 28 : i32
        %add3A_863 = arith.addi %mul3A_702, %add3A_862 : i32
        %get3A_864 = arith.index_cast %add3A_863 : i32 to index
        %get3A_865 = arith.constant 0 : index
        %get3A_866 = tpu.vector_load %arg7[%get3A_864, %get3A_865] {strides = array<i32>} : memref<1600x16xf32, #tpu.memory_space<vmem>>, vector<16xf32>,
        %add3A_867 = arith.addf %add3A_819, %get3A_866 : vector<16xf32>
        %add3A_868 = arith.constant 29 : i32
        %add3A_869 = arith.addi %mul3A_702, %add3A_868 : i32
        %get3A_870 = arith.index_cast %add3A_869 : i32 to index
        %get3A_871 = arith.constant 0 : index
        %get3A_872 = tpu.vector_load %arg7[%get3A_870, %get3A_871] {strides = array<i32>} : memref<1600x16xf32, #tpu.memory_space<vmem>>, vector<16xf32>,
        %add3A_873 = arith.addf %add3A_825, %get3A_872 : vector<16xf32>
        %add3A_874 = arith.constant 30 : i32
        %add3A_875 = arith.addi %mul3A_702, %add3A_874 : i32
        %get3A_876 = arith.index_cast %add3A_875 : i32 to index
        %get3A_877 = arith.constant 0 : index
        %get3A_878 = tpu.vector_load %arg7[%get3A_876, %get3A_877] {strides = array<i32>} : memref<1600x16xf32, #tpu.memory_space<vmem>>, vector<16xf32>,
        %add3A_879 = arith.addf %add3A_831, %get3A_878 : vector<16xf32>
        %add3A_880 = arith.constant 31 : i32
        %add3A_881 = arith.addi %mul3A_702, %add3A_880 : i32
        %get3A_882 = arith.index_cast %add3A_881 : i32 to index
        %get3A_883 = arith.constant 0 : index
        %get3A_884 = tpu.vector_load %arg7[%get3A_882, %get3A_883] {strides = array<i32>} : memref<1600x16xf32, #tpu.memory_space<vmem>>, vector<16xf32>,
        %add3A_885 = arith.addf %add3A_837, %get3A_884 : vector<16xf32>
        %add3A_886 = arith.constant 32 : i32
        %add3A_887 = arith.addi %mul3A_702, %add3A_886 : i32
        %get3A_888 = arith.index_cast %add3A_887 : i32 to index
        %get3A_889 = arith.constant 0 : index
        %get3A_890 = tpu.vector_load %arg7[%get3A_888, %get3A_889] {strides = array<i32>} : memref<1600x16xf32, #tpu.memory_space<vmem>>, vector<16xf32>,
        %add3A_891 = arith.addf %add3A_843, %get3A_890 : vector<16xf32>
        %add3A_892 = arith.constant 33 : i32
        %add3A_893 = arith.addi %mul3A_702, %add3A_892 : i32
        %get3A_894 = arith.index_cast %add3A_893 : i32 to index
        %get3A_895 = arith.constant 0 : index
        %get3A_896 = tpu.vector_load %arg7[%get3A_894, %get3A_895] {strides = array<i32>} : memref<1600x16xf32, #tpu.memory_space<vmem>>, vector<16xf32>,
        %add3A_897 = arith.addf %add3A_849, %get3A_896 : vector<16xf32>
        %add3A_898 = arith.constant 34 : i32
        %add3A_899 = arith.addi %mul3A_702, %add3A_898 : i32
        %get3A_900 = arith.index_cast %add3A_899 : i32 to index
        %get3A_901 = arith.constant 0 : index
        %get3A_902 = tpu.vector_load %arg7[%get3A_900, %get3A_901] {strides = array<i32>} : memref<1600x16xf32, #tpu.memory_space<vmem>>, vector<16xf32>,
        %add3A_903 = arith.addf %add3A_855, %get3A_902 : vector<16xf32>
        %add3A_904 = arith.constant 35 : i32
        %add3A_905 = arith.addi %mul3A_702, %add3A_904 : i32
        %get3A_906 = arith.index_cast %add3A_905 : i32 to index
        %get3A_907 = arith.constant 0 : index
        %get3A_908 = tpu.vector_load %arg7[%get3A_906, %get3A_907] {strides = array<i32>} : memref<1600x16xf32, #tpu.memory_space<vmem>>, vector<16xf32>,
        %add3A_909 = arith.addf %add3A_861, %get3A_908 : vector<16xf32>
        %add3A_910 = arith.constant 36 : i32
        %add3A_911 = arith.addi %mul3A_702, %add3A_910 : i32
        %get3A_912 = arith.index_cast %add3A_911 : i32 to index
        %get3A_913 = arith.constant 0 : index
        %get3A_914 = tpu.vector_load %arg7[%get3A_912, %get3A_913] {strides = array<i32>} : memref<1600x16xf32, #tpu.memory_space<vmem>>, vector<16xf32>,
        %add3A_915 = arith.addf %add3A_867, %get3A_914 : vector<16xf32>
        %add3A_916 = arith.constant 37 : i32
        %add3A_917 = arith.addi %mul3A_702, %add3A_916 : i32
        %get3A_918 = arith.index_cast %add3A_917 : i32 to index
        %get3A_919 = arith.constant 0 : index
        %get3A_920 = tpu.vector_load %arg7[%get3A_918, %get3A_919] {strides = array<i32>} : memref<1600x16xf32, #tpu.memory_space<vmem>>, vector<16xf32>,
        %add3A_921 = arith.addf %add3A_873, %get3A_920 : vector<16xf32>
        %add3A_922 = arith.constant 38 : i32
        %add3A_923 = arith.addi %mul3A_702, %add3A_922 : i32
        %get3A_924 = arith.index_cast %add3A_923 : i32 to index
        %get3A_925 = arith.constant 0 : index
        %get3A_926 = tpu.vector_load %arg7[%get3A_924, %get3A_925] {strides = array<i32>} : memref<1600x16xf32, #tpu.memory_space<vmem>>, vector<16xf32>,
        %add3A_927 = arith.addf %add3A_879, %get3A_926 : vector<16xf32>
        %add3A_928 = arith.constant 39 : i32
        %add3A_929 = arith.addi %mul3A_702, %add3A_928 : i32
        %get3A_930 = arith.index_cast %add3A_929 : i32 to index
        %get3A_931 = arith.constant 0 : index
        %get3A_932 = tpu.vector_load %arg7[%get3A_930, %get3A_931] {strides = array<i32>} : memref<1600x16xf32, #tpu.memory_space<vmem>>, vector<16xf32>,
        %add3A_933 = arith.addf %add3A_885, %get3A_932 : vector<16xf32>
        %add3A_934 = arith.constant 40 : i32
        %add3A_935 = arith.addi %mul3A_702, %add3A_934 : i32
        %get3A_936 = arith.index_cast %add3A_935 : i32 to index
        %get3A_937 = arith.constant 0 : index
        %get3A_938 = tpu.vector_load %arg7[%get3A_936, %get3A_937] {strides = array<i32>} : memref<1600x16xf32, #tpu.memory_space<vmem>>, vector<16xf32>,
        %add3A_939 = arith.addf %add3A_891, %get3A_938 : vector<16xf32>
        %add3A_940 = arith.constant 41 : i32
        %add3A_941 = arith.addi %mul3A_702, %add3A_940 : i32
        %get3A_942 = arith.index_cast %add3A_941 : i32 to index
        %get3A_943 = arith.constant 0 : index
        %get3A_944 = tpu.vector_load %arg7[%get3A_942, %get3A_943] {strides = array<i32>} : memref<1600x16xf32, #tpu.memory_space<vmem>>, vector<16xf32>,
        %add3A_945 = arith.addf %add3A_897, %get3A_944 : vector<16xf32>
        %add3A_946 = arith.constant 42 : i32
        %add3A_947 = arith.addi %mul3A_702, %add3A_946 : i32
        %get3A_948 = arith.index_cast %add3A_947 : i32 to index
        %get3A_949 = arith.constant 0 : index
        %get3A_950 = tpu.vector_load %arg7[%get3A_948, %get3A_949] {strides = array<i32>} : memref<1600x16xf32, #tpu.memory_space<vmem>>, vector<16xf32>,
        %add3A_951 = arith.addf %add3A_903, %get3A_950 : vector<16xf32>
        %add3A_952 = arith.constant 43 : i32
        %add3A_953 = arith.addi %mul3A_702, %add3A_952 : i32
        %get3A_954 = arith.index_cast %add3A_953 : i32 to index
        %get3A_955 = arith.constant 0 : index
        %get3A_956 = tpu.vector_load %arg7[%get3A_954, %get3A_955] {strides = array<i32>} : memref<1600x16xf32, #tpu.memory_space<vmem>>, vector<16xf32>,
        %add3A_957 = arith.addf %add3A_909, %get3A_956 : vector<16xf32>
        %add3A_958 = arith.constant 44 : i32
        %add3A_959 = arith.addi %mul3A_702, %add3A_958 : i32
        %get3A_960 = arith.index_cast %add3A_959 : i32 to index
        %get3A_961 = arith.constant 0 : index
        %get3A_962 = tpu.vector_load %arg7[%get3A_960, %get3A_961] {strides = array<i32>} : memref<1600x16xf32, #tpu.memory_space<vmem>>, vector<16xf32>,
        %add3A_963 = arith.addf %add3A_915, %get3A_962 : vector<16xf32>
        %add3A_964 = arith.constant 45 : i32
        %add3A_965 = arith.addi %mul3A_702, %add3A_964 : i32
        %get3A_966 = arith.index_cast %add3A_965 : i32 to index
        %get3A_967 = arith.constant 0 : index
        %get3A_968 = tpu.vector_load %arg7[%get3A_966, %get3A_967] {strides = array<i32>} : memref<1600x16xf32, #tpu.memory_space<vmem>>, vector<16xf32>,
        %add3A_969 = arith.addf %add3A_921, %get3A_968 : vector<16xf32>
        %add3A_970 = arith.constant 46 : i32
        %add3A_971 = arith.addi %mul3A_702, %add3A_970 : i32
        %get3A_972 = arith.index_cast %add3A_971 : i32 to index
        %get3A_973 = arith.constant 0 : index
        %get3A_974 = tpu.vector_load %arg7[%get3A_972, %get3A_973] {strides = array<i32>} : memref<1600x16xf32, #tpu.memory_space<vmem>>, vector<16xf32>,
        %add3A_975 = arith.addf %add3A_927, %get3A_974 : vector<16xf32>
        %add3A_976 = arith.constant 47 : i32
        %add3A_977 = arith.addi %mul3A_702, %add3A_976 : i32
        %get3A_978 = arith.index_cast %add3A_977 : i32 to index
        %get3A_979 = arith.constant 0 : index
        %get3A_980 = tpu.vector_load %arg7[%get3A_978, %get3A_979] {strides = array<i32>} : memref<1600x16xf32, #tpu.memory_space<vmem>>, vector<16xf32>,
        %add3A_981 = arith.addf %add3A_933, %get3A_980 : vector<16xf32>
        %add3A_982 = arith.constant 48 : i32
        %add3A_983 = arith.addi %mul3A_702, %add3A_982 : i32
        %get3A_984 = arith.index_cast %add3A_983 : i32 to index
        %get3A_985 = arith.constant 0 : index
        %get3A_986 = tpu.vector_load %arg7[%get3A_984, %get3A_985] {strides = array<i32>} : memref<1600x16xf32, #tpu.memory_space<vmem>>, vector<16xf32>,
        %add3A_987 = arith.addf %add3A_939, %get3A_986 : vector<16xf32>
        %add3A_988 = arith.constant 49 : i32
        %add3A_989 = arith.addi %mul3A_702, %add3A_988 : i32
        %get3A_990 = arith.index_cast %add3A_989 : i32 to index
        %get3A_991 = arith.constant 0 : index
        %get3A_992 = tpu.vector_load %arg7[%get3A_990, %get3A_991] {strides = array<i32>} : memref<1600x16xf32, #tpu.memory_space<vmem>>, vector<16xf32>,
        %add3A_993 = arith.addf %add3A_945, %get3A_992 : vector<16xf32>
        %add3A_994 = arith.addf %add3A_987, %add3A_993 : vector<16xf32>
        %add3A_995 = arith.addf %add3A_951, %add3A_957 : vector<16xf32>
        %add3A_996 = arith.addf %add3A_994, %add3A_995 : vector<16xf32>
        %add3A_997 = arith.addf %add3A_963, %add3A_969 : vector<16xf32>
        %add3A_998 = arith.addf %add3A_975, %add3A_981 : vector<16xf32>
        %add3A_999 = arith.addf %add3A_997, %add3A_998 : vector<16xf32>
        %add3A_1000 = arith.addf %add3A_996, %add3A_999 : vector<16xf32>
        %add3A_1001 = vector.broadcast %scan3A_700 : i32 to vector<16xi32>
        %add3A_1002 = arith.addi %mul3A_7, %add3A_1001 : vector<16xi32>
        tpu.vector_store_idx %arg8[%add3A_1002], %add3A_1000 : memref<512xf32, #tpu.memory_space<vmem>>[vector<16xi32>], vector<16xf32>,
      }
      %scan3A_619 = arith.constant 32 : i32
      %add3A_620 = arith.constant 0 : i32
      %add3A_621 = arith.addi %add3A_620, %mul3A_2 : i32
      %mul3A_622 = arith.constant 32 : i32
      %mul3A_623 = arith.muli %add3A_613, %mul3A_622 : i32
      %add3A_624 = arith.addi %add3A_621, %mul3A_623 : i32
      "tpu.region"() ({
        %run_scoped3A = tpu.sem_alloc : memref<!tpu.dma_semaphore, #tpu.memory_space<semaphore_mem>>
        %dma_start3A_700 = arith.constant 0 : i32
        %dma_start3A_701 = tpu.memref_slice %arg8[%dma_start3A_700] : memref<512xf32, #tpu.memory_space<vmem>> -> memref<32xf32, #tpu.memory_space<vmem>>
        %dma_start3A_702 = tpu.memref_slice %arg4[%add3A_624] : memref<262144xf32, #tpu.memory_space<hbm>> -> memref<32xf32, #tpu.memory_space<hbm>>
        %dma_start3A_703 = tpu.memref_slice %arg4[%add3A_624] : memref<262144xf32, #tpu.memory_space<hbm>> -> memref<32xf32, #tpu.memory_space<hbm>>
        %dma_start3A_704 = arith.constant 0 : i32
        %dma_start3A_705 = tpu.memref_slice %arg8[%dma_start3A_704] : memref<512xf32, #tpu.memory_space<vmem>> -> memref<32xf32, #tpu.memory_space<vmem>>
        tpu.enqueue_dma source(%dma_start3A_705 : memref<32xf32, #tpu.memory_space<vmem>>) target(%dma_start3A_703 : memref<32xf32, #tpu.memory_space<hbm>>) target_semaphore(%run_scoped3A : memref<!tpu.dma_semaphore, #tpu.memory_space<semaphore_mem>>)
        %dma_wait3A_706 = arith.constant 0 : i32
        %dma_wait3A_707 = tpu.memref_slice %arg8[%dma_wait3A_706] : memref<512xf32, #tpu.memory_space<vmem>> -> memref<32xf32, #tpu.memory_space<vmem>>
        %dma_wait3A_708 = tpu.memref_slice %arg4[%add3A_624] : memref<262144xf32, #tpu.memory_space<hbm>> -> memref<32xf32, #tpu.memory_space<hbm>>
        %dma_wait3A_709 = tpu.memref_slice %arg4[%add3A_624] : memref<262144xf32, #tpu.memory_space<hbm>> -> memref<32xf32, #tpu.memory_space<hbm>>
        %dma_wait3A_710 = arith.constant 0 : i32
        %dma_wait3A_711 = tpu.memref_slice %arg8[%dma_wait3A_710] : memref<512xf32, #tpu.memory_space<vmem>> -> memref<32xf32, #tpu.memory_space<vmem>>
        tpu.wait_dma2 semaphore(%run_scoped3A : memref<!tpu.dma_semaphore, #tpu.memory_space<semaphore_mem>>) src(%dma_wait3A_711 : memref<32xf32, #tpu.memory_space<vmem>>) dst(%dma_wait3A_709 : memref<32xf32, #tpu.memory_space<hbm>>)
        tpu.yield
      }) : () -> ()
      %add3A_625 = arith.constant 16384 : i32
      %add3A_626 = arith.addi %add3A_625, %mul3A_2 : i32
      %mul3A_627 = arith.constant 32 : i32
      %mul3A_628 = arith.muli %add3A_613, %mul3A_627 : i32
      %add3A_629 = arith.addi %add3A_626, %mul3A_628 : i32
      "tpu.region"() ({
        %run_scoped3A = tpu.sem_alloc : memref<!tpu.dma_semaphore, #tpu.memory_space<semaphore_mem>>
        %dma_start3A_700 = arith.constant 32 : i32
        %dma_start3A_701 = tpu.memref_slice %arg8[%dma_start3A_700] : memref<512xf32, #tpu.memory_space<vmem>> -> memref<32xf32, #tpu.memory_space<vmem>>
        %dma_start3A_702 = tpu.memref_slice %arg4[%add3A_629] : memref<262144xf32, #tpu.memory_space<hbm>> -> memref<32xf32, #tpu.memory_space<hbm>>
        %dma_start3A_703 = tpu.memref_slice %arg4[%add3A_629] : memref<262144xf32, #tpu.memory_space<hbm>> -> memref<32xf32, #tpu.memory_space<hbm>>
        %dma_start3A_704 = arith.constant 32 : i32
        %dma_start3A_705 = tpu.memref_slice %arg8[%dma_start3A_704] : memref<512xf32, #tpu.memory_space<vmem>> -> memref<32xf32, #tpu.memory_space<vmem>>
        tpu.enqueue_dma source(%dma_start3A_705 : memref<32xf32, #tpu.memory_space<vmem>>) target(%dma_start3A_703 : memref<32xf32, #tpu.memory_space<hbm>>) target_semaphore(%run_scoped3A : memref<!tpu.dma_semaphore, #tpu.memory_space<semaphore_mem>>)
        %dma_wait3A_706 = arith.constant 32 : i32
        %dma_wait3A_707 = tpu.memref_slice %arg8[%dma_wait3A_706] : memref<512xf32, #tpu.memory_space<vmem>> -> memref<32xf32, #tpu.memory_space<vmem>>
        %dma_wait3A_708 = tpu.memref_slice %arg4[%add3A_629] : memref<262144xf32, #tpu.memory_space<hbm>> -> memref<32xf32, #tpu.memory_space<hbm>>
        %dma_wait3A_709 = tpu.memref_slice %arg4[%add3A_629] : memref<262144xf32, #tpu.memory_space<hbm>> -> memref<32xf32, #tpu.memory_space<hbm>>
        %dma_wait3A_710 = arith.constant 32 : i32
        %dma_wait3A_711 = tpu.memref_slice %arg8[%dma_wait3A_710] : memref<512xf32, #tpu.memory_space<vmem>> -> memref<32xf32, #tpu.memory_space<vmem>>
        tpu.wait_dma2 semaphore(%run_scoped3A : memref<!tpu.dma_semaphore, #tpu.memory_space<semaphore_mem>>) src(%dma_wait3A_711 : memref<32xf32, #tpu.memory_space<vmem>>) dst(%dma_wait3A_709 : memref<32xf32, #tpu.memory_space<hbm>>)
        tpu.yield
      }) : () -> ()
      %add3A_630 = arith.constant 32768 : i32
      %add3A_631 = arith.addi %add3A_630, %mul3A_2 : i32
      %mul3A_632 = arith.constant 32 : i32
      %mul3A_633 = arith.muli %add3A_613, %mul3A_632 : i32
      %add3A_634 = arith.addi %add3A_631, %mul3A_633 : i32
      "tpu.region"() ({
        %run_scoped3A = tpu.sem_alloc : memref<!tpu.dma_semaphore, #tpu.memory_space<semaphore_mem>>
        %dma_start3A_700 = arith.constant 64 : i32
        %dma_start3A_701 = tpu.memref_slice %arg8[%dma_start3A_700] : memref<512xf32, #tpu.memory_space<vmem>> -> memref<32xf32, #tpu.memory_space<vmem>>
        %dma_start3A_702 = tpu.memref_slice %arg4[%add3A_634] : memref<262144xf32, #tpu.memory_space<hbm>> -> memref<32xf32, #tpu.memory_space<hbm>>
        %dma_start3A_703 = tpu.memref_slice %arg4[%add3A_634] : memref<262144xf32, #tpu.memory_space<hbm>> -> memref<32xf32, #tpu.memory_space<hbm>>
        %dma_start3A_704 = arith.constant 64 : i32
        %dma_start3A_705 = tpu.memref_slice %arg8[%dma_start3A_704] : memref<512xf32, #tpu.memory_space<vmem>> -> memref<32xf32, #tpu.memory_space<vmem>>
        tpu.enqueue_dma source(%dma_start3A_705 : memref<32xf32, #tpu.memory_space<vmem>>) target(%dma_start3A_703 : memref<32xf32, #tpu.memory_space<hbm>>) target_semaphore(%run_scoped3A : memref<!tpu.dma_semaphore, #tpu.memory_space<semaphore_mem>>)
        %dma_wait3A_706 = arith.constant 64 : i32
        %dma_wait3A_707 = tpu.memref_slice %arg8[%dma_wait3A_706] : memref<512xf32, #tpu.memory_space<vmem>> -> memref<32xf32, #tpu.memory_space<vmem>>
        %dma_wait3A_708 = tpu.memref_slice %arg4[%add3A_634] : memref<262144xf32, #tpu.memory_space<hbm>> -> memref<32xf32, #tpu.memory_space<hbm>>
        %dma_wait3A_709 = tpu.memref_slice %arg4[%add3A_634] : memref<262144xf32, #tpu.memory_space<hbm>> -> memref<32xf32, #tpu.memory_space<hbm>>
        %dma_wait3A_710 = arith.constant 64 : i32
        %dma_wait3A_711 = tpu.memref_slice %arg8[%dma_wait3A_710] : memref<512xf32, #tpu.memory_space<vmem>> -> memref<32xf32, #tpu.memory_space<vmem>>
        tpu.wait_dma2 semaphore(%run_scoped3A : memref<!tpu.dma_semaphore, #tpu.memory_space<semaphore_mem>>) src(%dma_wait3A_711 : memref<32xf32, #tpu.memory_space<vmem>>) dst(%dma_wait3A_709 : memref<32xf32, #tpu.memory_space<hbm>>)
        tpu.yield
      }) : () -> ()
      %add3A_635 = arith.constant 49152 : i32
      %add3A_636 = arith.addi %add3A_635, %mul3A_2 : i32
      %mul3A_637 = arith.constant 32 : i32
      %mul3A_638 = arith.muli %add3A_613, %mul3A_637 : i32
      %add3A_639 = arith.addi %add3A_636, %mul3A_638 : i32
      "tpu.region"() ({
        %run_scoped3A = tpu.sem_alloc : memref<!tpu.dma_semaphore, #tpu.memory_space<semaphore_mem>>
        %dma_start3A_700 = arith.constant 96 : i32
        %dma_start3A_701 = tpu.memref_slice %arg8[%dma_start3A_700] : memref<512xf32, #tpu.memory_space<vmem>> -> memref<32xf32, #tpu.memory_space<vmem>>
        %dma_start3A_702 = tpu.memref_slice %arg4[%add3A_639] : memref<262144xf32, #tpu.memory_space<hbm>> -> memref<32xf32, #tpu.memory_space<hbm>>
        %dma_start3A_703 = tpu.memref_slice %arg4[%add3A_639] : memref<262144xf32, #tpu.memory_space<hbm>> -> memref<32xf32, #tpu.memory_space<hbm>>
        %dma_start3A_704 = arith.constant 96 : i32
        %dma_start3A_705 = tpu.memref_slice %arg8[%dma_start3A_704] : memref<512xf32, #tpu.memory_space<vmem>> -> memref<32xf32, #tpu.memory_space<vmem>>
        tpu.enqueue_dma source(%dma_start3A_705 : memref<32xf32, #tpu.memory_space<vmem>>) target(%dma_start3A_703 : memref<32xf32, #tpu.memory_space<hbm>>) target_semaphore(%run_scoped3A : memref<!tpu.dma_semaphore, #tpu.memory_space<semaphore_mem>>)
        %dma_wait3A_706 = arith.constant 96 : i32
        %dma_wait3A_707 = tpu.memref_slice %arg8[%dma_wait3A_706] : memref<512xf32, #tpu.memory_space<vmem>> -> memref<32xf32, #tpu.memory_space<vmem>>
        %dma_wait3A_708 = tpu.memref_slice %arg4[%add3A_639] : memref<262144xf32, #tpu.memory_space<hbm>> -> memref<32xf32, #tpu.memory_space<hbm>>
        %dma_wait3A_709 = tpu.memref_slice %arg4[%add3A_639] : memref<262144xf32, #tpu.memory_space<hbm>> -> memref<32xf32, #tpu.memory_space<hbm>>
        %dma_wait3A_710 = arith.constant 96 : i32
        %dma_wait3A_711 = tpu.memref_slice %arg8[%dma_wait3A_710] : memref<512xf32, #tpu.memory_space<vmem>> -> memref<32xf32, #tpu.memory_space<vmem>>
        tpu.wait_dma2 semaphore(%run_scoped3A : memref<!tpu.dma_semaphore, #tpu.memory_space<semaphore_mem>>) src(%dma_wait3A_711 : memref<32xf32, #tpu.memory_space<vmem>>) dst(%dma_wait3A_709 : memref<32xf32, #tpu.memory_space<hbm>>)
        tpu.yield
      }) : () -> ()
      %add3A_640 = arith.constant 65536 : i32
      %add3A_641 = arith.addi %add3A_640, %mul3A_2 : i32
      %mul3A_642 = arith.constant 32 : i32
      %mul3A_643 = arith.muli %add3A_613, %mul3A_642 : i32
      %add3A_644 = arith.addi %add3A_641, %mul3A_643 : i32
      "tpu.region"() ({
        %run_scoped3A = tpu.sem_alloc : memref<!tpu.dma_semaphore, #tpu.memory_space<semaphore_mem>>
        %dma_start3A_700 = arith.constant 128 : i32
        %dma_start3A_701 = tpu.memref_slice %arg8[%dma_start3A_700] : memref<512xf32, #tpu.memory_space<vmem>> -> memref<32xf32, #tpu.memory_space<vmem>>
        %dma_start3A_702 = tpu.memref_slice %arg4[%add3A_644] : memref<262144xf32, #tpu.memory_space<hbm>> -> memref<32xf32, #tpu.memory_space<hbm>>
        %dma_start3A_703 = tpu.memref_slice %arg4[%add3A_644] : memref<262144xf32, #tpu.memory_space<hbm>> -> memref<32xf32, #tpu.memory_space<hbm>>
        %dma_start3A_704 = arith.constant 128 : i32
        %dma_start3A_705 = tpu.memref_slice %arg8[%dma_start3A_704] : memref<512xf32, #tpu.memory_space<vmem>> -> memref<32xf32, #tpu.memory_space<vmem>>
        tpu.enqueue_dma source(%dma_start3A_705 : memref<32xf32, #tpu.memory_space<vmem>>) target(%dma_start3A_703 : memref<32xf32, #tpu.memory_space<hbm>>) target_semaphore(%run_scoped3A : memref<!tpu.dma_semaphore, #tpu.memory_space<semaphore_mem>>)
        %dma_wait3A_706 = arith.constant 128 : i32
        %dma_wait3A_707 = tpu.memref_slice %arg8[%dma_wait3A_706] : memref<512xf32, #tpu.memory_space<vmem>> -> memref<32xf32, #tpu.memory_space<vmem>>
        %dma_wait3A_708 = tpu.memref_slice %arg4[%add3A_644] : memref<262144xf32, #tpu.memory_space<hbm>> -> memref<32xf32, #tpu.memory_space<hbm>>
        %dma_wait3A_709 = tpu.memref_slice %arg4[%add3A_644] : memref<262144xf32, #tpu.memory_space<hbm>> -> memref<32xf32, #tpu.memory_space<hbm>>
        %dma_wait3A_710 = arith.constant 128 : i32
        %dma_wait3A_711 = tpu.memref_slice %arg8[%dma_wait3A_710] : memref<512xf32, #tpu.memory_space<vmem>> -> memref<32xf32, #tpu.memory_space<vmem>>
        tpu.wait_dma2 semaphore(%run_scoped3A : memref<!tpu.dma_semaphore, #tpu.memory_space<semaphore_mem>>) src(%dma_wait3A_711 : memref<32xf32, #tpu.memory_space<vmem>>) dst(%dma_wait3A_709 : memref<32xf32, #tpu.memory_space<hbm>>)
        tpu.yield
      }) : () -> ()
      %add3A_645 = arith.constant 81920 : i32
      %add3A_646 = arith.addi %add3A_645, %mul3A_2 : i32
      %mul3A_647 = arith.constant 32 : i32
      %mul3A_648 = arith.muli %add3A_613, %mul3A_647 : i32
      %add3A_649 = arith.addi %add3A_646, %mul3A_648 : i32
      "tpu.region"() ({
        %run_scoped3A = tpu.sem_alloc : memref<!tpu.dma_semaphore, #tpu.memory_space<semaphore_mem>>
        %dma_start3A_700 = arith.constant 160 : i32
        %dma_start3A_701 = tpu.memref_slice %arg8[%dma_start3A_700] : memref<512xf32, #tpu.memory_space<vmem>> -> memref<32xf32, #tpu.memory_space<vmem>>
        %dma_start3A_702 = tpu.memref_slice %arg4[%add3A_649] : memref<262144xf32, #tpu.memory_space<hbm>> -> memref<32xf32, #tpu.memory_space<hbm>>
        %dma_start3A_703 = tpu.memref_slice %arg4[%add3A_649] : memref<262144xf32, #tpu.memory_space<hbm>> -> memref<32xf32, #tpu.memory_space<hbm>>
        %dma_start3A_704 = arith.constant 160 : i32
        %dma_start3A_705 = tpu.memref_slice %arg8[%dma_start3A_704] : memref<512xf32, #tpu.memory_space<vmem>> -> memref<32xf32, #tpu.memory_space<vmem>>
        tpu.enqueue_dma source(%dma_start3A_705 : memref<32xf32, #tpu.memory_space<vmem>>) target(%dma_start3A_703 : memref<32xf32, #tpu.memory_space<hbm>>) target_semaphore(%run_scoped3A : memref<!tpu.dma_semaphore, #tpu.memory_space<semaphore_mem>>)
        %dma_wait3A_706 = arith.constant 160 : i32
        %dma_wait3A_707 = tpu.memref_slice %arg8[%dma_wait3A_706] : memref<512xf32, #tpu.memory_space<vmem>> -> memref<32xf32, #tpu.memory_space<vmem>>
        %dma_wait3A_708 = tpu.memref_slice %arg4[%add3A_649] : memref<262144xf32, #tpu.memory_space<hbm>> -> memref<32xf32, #tpu.memory_space<hbm>>
        %dma_wait3A_709 = tpu.memref_slice %arg4[%add3A_649] : memref<262144xf32, #tpu.memory_space<hbm>> -> memref<32xf32, #tpu.memory_space<hbm>>
        %dma_wait3A_710 = arith.constant 160 : i32
        %dma_wait3A_711 = tpu.memref_slice %arg8[%dma_wait3A_710] : memref<512xf32, #tpu.memory_space<vmem>> -> memref<32xf32, #tpu.memory_space<vmem>>
        tpu.wait_dma2 semaphore(%run_scoped3A : memref<!tpu.dma_semaphore, #tpu.memory_space<semaphore_mem>>) src(%dma_wait3A_711 : memref<32xf32, #tpu.memory_space<vmem>>) dst(%dma_wait3A_709 : memref<32xf32, #tpu.memory_space<hbm>>)
        tpu.yield
      }) : () -> ()
      %add3A_650 = arith.constant 98304 : i32
      %add3A_651 = arith.addi %add3A_650, %mul3A_2 : i32
      %mul3A_652 = arith.constant 32 : i32
      %mul3A_653 = arith.muli %add3A_613, %mul3A_652 : i32
      %add3A_654 = arith.addi %add3A_651, %mul3A_653 : i32
      "tpu.region"() ({
        %run_scoped3A = tpu.sem_alloc : memref<!tpu.dma_semaphore, #tpu.memory_space<semaphore_mem>>
        %dma_start3A_700 = arith.constant 192 : i32
        %dma_start3A_701 = tpu.memref_slice %arg8[%dma_start3A_700] : memref<512xf32, #tpu.memory_space<vmem>> -> memref<32xf32, #tpu.memory_space<vmem>>
        %dma_start3A_702 = tpu.memref_slice %arg4[%add3A_654] : memref<262144xf32, #tpu.memory_space<hbm>> -> memref<32xf32, #tpu.memory_space<hbm>>
        %dma_start3A_703 = tpu.memref_slice %arg4[%add3A_654] : memref<262144xf32, #tpu.memory_space<hbm>> -> memref<32xf32, #tpu.memory_space<hbm>>
        %dma_start3A_704 = arith.constant 192 : i32
        %dma_start3A_705 = tpu.memref_slice %arg8[%dma_start3A_704] : memref<512xf32, #tpu.memory_space<vmem>> -> memref<32xf32, #tpu.memory_space<vmem>>
        tpu.enqueue_dma source(%dma_start3A_705 : memref<32xf32, #tpu.memory_space<vmem>>) target(%dma_start3A_703 : memref<32xf32, #tpu.memory_space<hbm>>) target_semaphore(%run_scoped3A : memref<!tpu.dma_semaphore, #tpu.memory_space<semaphore_mem>>)
        %dma_wait3A_706 = arith.constant 192 : i32
        %dma_wait3A_707 = tpu.memref_slice %arg8[%dma_wait3A_706] : memref<512xf32, #tpu.memory_space<vmem>> -> memref<32xf32, #tpu.memory_space<vmem>>
        %dma_wait3A_708 = tpu.memref_slice %arg4[%add3A_654] : memref<262144xf32, #tpu.memory_space<hbm>> -> memref<32xf32, #tpu.memory_space<hbm>>
        %dma_wait3A_709 = tpu.memref_slice %arg4[%add3A_654] : memref<262144xf32, #tpu.memory_space<hbm>> -> memref<32xf32, #tpu.memory_space<hbm>>
        %dma_wait3A_710 = arith.constant 192 : i32
        %dma_wait3A_711 = tpu.memref_slice %arg8[%dma_wait3A_710] : memref<512xf32, #tpu.memory_space<vmem>> -> memref<32xf32, #tpu.memory_space<vmem>>
        tpu.wait_dma2 semaphore(%run_scoped3A : memref<!tpu.dma_semaphore, #tpu.memory_space<semaphore_mem>>) src(%dma_wait3A_711 : memref<32xf32, #tpu.memory_space<vmem>>) dst(%dma_wait3A_709 : memref<32xf32, #tpu.memory_space<hbm>>)
        tpu.yield
      }) : () -> ()
      %add3A_655 = arith.constant 114688 : i32
      %add3A_656 = arith.addi %add3A_655, %mul3A_2 : i32
      %mul3A_657 = arith.constant 32 : i32
      %mul3A_658 = arith.muli %add3A_613, %mul3A_657 : i32
      %add3A_659 = arith.addi %add3A_656, %mul3A_658 : i32
      "tpu.region"() ({
        %run_scoped3A = tpu.sem_alloc : memref<!tpu.dma_semaphore, #tpu.memory_space<semaphore_mem>>
        %dma_start3A_700 = arith.constant 224 : i32
        %dma_start3A_701 = tpu.memref_slice %arg8[%dma_start3A_700] : memref<512xf32, #tpu.memory_space<vmem>> -> memref<32xf32, #tpu.memory_space<vmem>>
        %dma_start3A_702 = tpu.memref_slice %arg4[%add3A_659] : memref<262144xf32, #tpu.memory_space<hbm>> -> memref<32xf32, #tpu.memory_space<hbm>>
        %dma_start3A_703 = tpu.memref_slice %arg4[%add3A_659] : memref<262144xf32, #tpu.memory_space<hbm>> -> memref<32xf32, #tpu.memory_space<hbm>>
        %dma_start3A_704 = arith.constant 224 : i32
        %dma_start3A_705 = tpu.memref_slice %arg8[%dma_start3A_704] : memref<512xf32, #tpu.memory_space<vmem>> -> memref<32xf32, #tpu.memory_space<vmem>>
        tpu.enqueue_dma source(%dma_start3A_705 : memref<32xf32, #tpu.memory_space<vmem>>) target(%dma_start3A_703 : memref<32xf32, #tpu.memory_space<hbm>>) target_semaphore(%run_scoped3A : memref<!tpu.dma_semaphore, #tpu.memory_space<semaphore_mem>>)
        %dma_wait3A_706 = arith.constant 224 : i32
        %dma_wait3A_707 = tpu.memref_slice %arg8[%dma_wait3A_706] : memref<512xf32, #tpu.memory_space<vmem>> -> memref<32xf32, #tpu.memory_space<vmem>>
        %dma_wait3A_708 = tpu.memref_slice %arg4[%add3A_659] : memref<262144xf32, #tpu.memory_space<hbm>> -> memref<32xf32, #tpu.memory_space<hbm>>
        %dma_wait3A_709 = tpu.memref_slice %arg4[%add3A_659] : memref<262144xf32, #tpu.memory_space<hbm>> -> memref<32xf32, #tpu.memory_space<hbm>>
        %dma_wait3A_710 = arith.constant 224 : i32
        %dma_wait3A_711 = tpu.memref_slice %arg8[%dma_wait3A_710] : memref<512xf32, #tpu.memory_space<vmem>> -> memref<32xf32, #tpu.memory_space<vmem>>
        tpu.wait_dma2 semaphore(%run_scoped3A : memref<!tpu.dma_semaphore, #tpu.memory_space<semaphore_mem>>) src(%dma_wait3A_711 : memref<32xf32, #tpu.memory_space<vmem>>) dst(%dma_wait3A_709 : memref<32xf32, #tpu.memory_space<hbm>>)
        tpu.yield
      }) : () -> ()
      %add3A_660 = arith.constant 131072 : i32
      %add3A_661 = arith.addi %add3A_660, %mul3A_2 : i32
      %mul3A_662 = arith.constant 32 : i32
      %mul3A_663 = arith.muli %add3A_613, %mul3A_662 : i32
      %add3A_664 = arith.addi %add3A_661, %mul3A_663 : i32
      "tpu.region"() ({
        %run_scoped3A = tpu.sem_alloc : memref<!tpu.dma_semaphore, #tpu.memory_space<semaphore_mem>>
        %dma_start3A_700 = arith.constant 256 : i32
        %dma_start3A_701 = tpu.memref_slice %arg8[%dma_start3A_700] : memref<512xf32, #tpu.memory_space<vmem>> -> memref<32xf32, #tpu.memory_space<vmem>>
        %dma_start3A_702 = tpu.memref_slice %arg4[%add3A_664] : memref<262144xf32, #tpu.memory_space<hbm>> -> memref<32xf32, #tpu.memory_space<hbm>>
        %dma_start3A_703 = tpu.memref_slice %arg4[%add3A_664] : memref<262144xf32, #tpu.memory_space<hbm>> -> memref<32xf32, #tpu.memory_space<hbm>>
        %dma_start3A_704 = arith.constant 256 : i32
        %dma_start3A_705 = tpu.memref_slice %arg8[%dma_start3A_704] : memref<512xf32, #tpu.memory_space<vmem>> -> memref<32xf32, #tpu.memory_space<vmem>>
        tpu.enqueue_dma source(%dma_start3A_705 : memref<32xf32, #tpu.memory_space<vmem>>) target(%dma_start3A_703 : memref<32xf32, #tpu.memory_space<hbm>>) target_semaphore(%run_scoped3A : memref<!tpu.dma_semaphore, #tpu.memory_space<semaphore_mem>>)
        %dma_wait3A_706 = arith.constant 256 : i32
        %dma_wait3A_707 = tpu.memref_slice %arg8[%dma_wait3A_706] : memref<512xf32, #tpu.memory_space<vmem>> -> memref<32xf32, #tpu.memory_space<vmem>>
        %dma_wait3A_708 = tpu.memref_slice %arg4[%add3A_664] : memref<262144xf32, #tpu.memory_space<hbm>> -> memref<32xf32, #tpu.memory_space<hbm>>
        %dma_wait3A_709 = tpu.memref_slice %arg4[%add3A_664] : memref<262144xf32, #tpu.memory_space<hbm>> -> memref<32xf32, #tpu.memory_space<hbm>>
        %dma_wait3A_710 = arith.constant 256 : i32
        %dma_wait3A_711 = tpu.memref_slice %arg8[%dma_wait3A_710] : memref<512xf32, #tpu.memory_space<vmem>> -> memref<32xf32, #tpu.memory_space<vmem>>
        tpu.wait_dma2 semaphore(%run_scoped3A : memref<!tpu.dma_semaphore, #tpu.memory_space<semaphore_mem>>) src(%dma_wait3A_711 : memref<32xf32, #tpu.memory_space<vmem>>) dst(%dma_wait3A_709 : memref<32xf32, #tpu.memory_space<hbm>>)
        tpu.yield
      }) : () -> ()
      %add3A_665 = arith.constant 147456 : i32
      %add3A_666 = arith.addi %add3A_665, %mul3A_2 : i32
      %mul3A_667 = arith.constant 32 : i32
      %mul3A_668 = arith.muli %add3A_613, %mul3A_667 : i32
      %add3A_669 = arith.addi %add3A_666, %mul3A_668 : i32
      "tpu.region"() ({
        %run_scoped3A = tpu.sem_alloc : memref<!tpu.dma_semaphore, #tpu.memory_space<semaphore_mem>>
        %dma_start3A_700 = arith.constant 288 : i32
        %dma_start3A_701 = tpu.memref_slice %arg8[%dma_start3A_700] : memref<512xf32, #tpu.memory_space<vmem>> -> memref<32xf32, #tpu.memory_space<vmem>>
        %dma_start3A_702 = tpu.memref_slice %arg4[%add3A_669] : memref<262144xf32, #tpu.memory_space<hbm>> -> memref<32xf32, #tpu.memory_space<hbm>>
        %dma_start3A_703 = tpu.memref_slice %arg4[%add3A_669] : memref<262144xf32, #tpu.memory_space<hbm>> -> memref<32xf32, #tpu.memory_space<hbm>>
        %dma_start3A_704 = arith.constant 288 : i32
        %dma_start3A_705 = tpu.memref_slice %arg8[%dma_start3A_704] : memref<512xf32, #tpu.memory_space<vmem>> -> memref<32xf32, #tpu.memory_space<vmem>>
        tpu.enqueue_dma source(%dma_start3A_705 : memref<32xf32, #tpu.memory_space<vmem>>) target(%dma_start3A_703 : memref<32xf32, #tpu.memory_space<hbm>>) target_semaphore(%run_scoped3A : memref<!tpu.dma_semaphore, #tpu.memory_space<semaphore_mem>>)
        %dma_wait3A_706 = arith.constant 288 : i32
        %dma_wait3A_707 = tpu.memref_slice %arg8[%dma_wait3A_706] : memref<512xf32, #tpu.memory_space<vmem>> -> memref<32xf32, #tpu.memory_space<vmem>>
        %dma_wait3A_708 = tpu.memref_slice %arg4[%add3A_669] : memref<262144xf32, #tpu.memory_space<hbm>> -> memref<32xf32, #tpu.memory_space<hbm>>
        %dma_wait3A_709 = tpu.memref_slice %arg4[%add3A_669] : memref<262144xf32, #tpu.memory_space<hbm>> -> memref<32xf32, #tpu.memory_space<hbm>>
        %dma_wait3A_710 = arith.constant 288 : i32
        %dma_wait3A_711 = tpu.memref_slice %arg8[%dma_wait3A_710] : memref<512xf32, #tpu.memory_space<vmem>> -> memref<32xf32, #tpu.memory_space<vmem>>
        tpu.wait_dma2 semaphore(%run_scoped3A : memref<!tpu.dma_semaphore, #tpu.memory_space<semaphore_mem>>) src(%dma_wait3A_711 : memref<32xf32, #tpu.memory_space<vmem>>) dst(%dma_wait3A_709 : memref<32xf32, #tpu.memory_space<hbm>>)
        tpu.yield
      }) : () -> ()
      %add3A_670 = arith.constant 163840 : i32
      %add3A_671 = arith.addi %add3A_670, %mul3A_2 : i32
      %mul3A_672 = arith.constant 32 : i32
      %mul3A_673 = arith.muli %add3A_613, %mul3A_672 : i32
      %add3A_674 = arith.addi %add3A_671, %mul3A_673 : i32
      "tpu.region"() ({
        %run_scoped3A = tpu.sem_alloc : memref<!tpu.dma_semaphore, #tpu.memory_space<semaphore_mem>>
        %dma_start3A_700 = arith.constant 320 : i32
        %dma_start3A_701 = tpu.memref_slice %arg8[%dma_start3A_700] : memref<512xf32, #tpu.memory_space<vmem>> -> memref<32xf32, #tpu.memory_space<vmem>>
        %dma_start3A_702 = tpu.memref_slice %arg4[%add3A_674] : memref<262144xf32, #tpu.memory_space<hbm>> -> memref<32xf32, #tpu.memory_space<hbm>>
        %dma_start3A_703 = tpu.memref_slice %arg4[%add3A_674] : memref<262144xf32, #tpu.memory_space<hbm>> -> memref<32xf32, #tpu.memory_space<hbm>>
        %dma_start3A_704 = arith.constant 320 : i32
        %dma_start3A_705 = tpu.memref_slice %arg8[%dma_start3A_704] : memref<512xf32, #tpu.memory_space<vmem>> -> memref<32xf32, #tpu.memory_space<vmem>>
        tpu.enqueue_dma source(%dma_start3A_705 : memref<32xf32, #tpu.memory_space<vmem>>) target(%dma_start3A_703 : memref<32xf32, #tpu.memory_space<hbm>>) target_semaphore(%run_scoped3A : memref<!tpu.dma_semaphore, #tpu.memory_space<semaphore_mem>>)
        %dma_wait3A_706 = arith.constant 320 : i32
        %dma_wait3A_707 = tpu.memref_slice %arg8[%dma_wait3A_706] : memref<512xf32, #tpu.memory_space<vmem>> -> memref<32xf32, #tpu.memory_space<vmem>>
        %dma_wait3A_708 = tpu.memref_slice %arg4[%add3A_674] : memref<262144xf32, #tpu.memory_space<hbm>> -> memref<32xf32, #tpu.memory_space<hbm>>
        %dma_wait3A_709 = tpu.memref_slice %arg4[%add3A_674] : memref<262144xf32, #tpu.memory_space<hbm>> -> memref<32xf32, #tpu.memory_space<hbm>>
        %dma_wait3A_710 = arith.constant 320 : i32
        %dma_wait3A_711 = tpu.memref_slice %arg8[%dma_wait3A_710] : memref<512xf32, #tpu.memory_space<vmem>> -> memref<32xf32, #tpu.memory_space<vmem>>
        tpu.wait_dma2 semaphore(%run_scoped3A : memref<!tpu.dma_semaphore, #tpu.memory_space<semaphore_mem>>) src(%dma_wait3A_711 : memref<32xf32, #tpu.memory_space<vmem>>) dst(%dma_wait3A_709 : memref<32xf32, #tpu.memory_space<hbm>>)
        tpu.yield
      }) : () -> ()
      %add3A_675 = arith.constant 180224 : i32
      %add3A_676 = arith.addi %add3A_675, %mul3A_2 : i32
      %mul3A_677 = arith.constant 32 : i32
      %mul3A_678 = arith.muli %add3A_613, %mul3A_677 : i32
      %add3A_679 = arith.addi %add3A_676, %mul3A_678 : i32
      "tpu.region"() ({
        %run_scoped3A = tpu.sem_alloc : memref<!tpu.dma_semaphore, #tpu.memory_space<semaphore_mem>>
        %dma_start3A_700 = arith.constant 352 : i32
        %dma_start3A_701 = tpu.memref_slice %arg8[%dma_start3A_700] : memref<512xf32, #tpu.memory_space<vmem>> -> memref<32xf32, #tpu.memory_space<vmem>>
        %dma_start3A_702 = tpu.memref_slice %arg4[%add3A_679] : memref<262144xf32, #tpu.memory_space<hbm>> -> memref<32xf32, #tpu.memory_space<hbm>>
        %dma_start3A_703 = tpu.memref_slice %arg4[%add3A_679] : memref<262144xf32, #tpu.memory_space<hbm>> -> memref<32xf32, #tpu.memory_space<hbm>>
        %dma_start3A_704 = arith.constant 352 : i32
        %dma_start3A_705 = tpu.memref_slice %arg8[%dma_start3A_704] : memref<512xf32, #tpu.memory_space<vmem>> -> memref<32xf32, #tpu.memory_space<vmem>>
        tpu.enqueue_dma source(%dma_start3A_705 : memref<32xf32, #tpu.memory_space<vmem>>) target(%dma_start3A_703 : memref<32xf32, #tpu.memory_space<hbm>>) target_semaphore(%run_scoped3A : memref<!tpu.dma_semaphore, #tpu.memory_space<semaphore_mem>>)
        %dma_wait3A_706 = arith.constant 352 : i32
        %dma_wait3A_707 = tpu.memref_slice %arg8[%dma_wait3A_706] : memref<512xf32, #tpu.memory_space<vmem>> -> memref<32xf32, #tpu.memory_space<vmem>>
        %dma_wait3A_708 = tpu.memref_slice %arg4[%add3A_679] : memref<262144xf32, #tpu.memory_space<hbm>> -> memref<32xf32, #tpu.memory_space<hbm>>
        %dma_wait3A_709 = tpu.memref_slice %arg4[%add3A_679] : memref<262144xf32, #tpu.memory_space<hbm>> -> memref<32xf32, #tpu.memory_space<hbm>>
        %dma_wait3A_710 = arith.constant 352 : i32
        %dma_wait3A_711 = tpu.memref_slice %arg8[%dma_wait3A_710] : memref<512xf32, #tpu.memory_space<vmem>> -> memref<32xf32, #tpu.memory_space<vmem>>
        tpu.wait_dma2 semaphore(%run_scoped3A : memref<!tpu.dma_semaphore, #tpu.memory_space<semaphore_mem>>) src(%dma_wait3A_711 : memref<32xf32, #tpu.memory_space<vmem>>) dst(%dma_wait3A_709 : memref<32xf32, #tpu.memory_space<hbm>>)
        tpu.yield
      }) : () -> ()
      %add3A_680 = arith.constant 196608 : i32
      %add3A_681 = arith.addi %add3A_680, %mul3A_2 : i32
      %mul3A_682 = arith.constant 32 : i32
      %mul3A_683 = arith.muli %add3A_613, %mul3A_682 : i32
      %add3A_684 = arith.addi %add3A_681, %mul3A_683 : i32
      "tpu.region"() ({
        %run_scoped3A = tpu.sem_alloc : memref<!tpu.dma_semaphore, #tpu.memory_space<semaphore_mem>>
        %dma_start3A_700 = arith.constant 384 : i32
        %dma_start3A_701 = tpu.memref_slice %arg8[%dma_start3A_700] : memref<512xf32, #tpu.memory_space<vmem>> -> memref<32xf32, #tpu.memory_space<vmem>>
        %dma_start3A_702 = tpu.memref_slice %arg4[%add3A_684] : memref<262144xf32, #tpu.memory_space<hbm>> -> memref<32xf32, #tpu.memory_space<hbm>>
        %dma_start3A_703 = tpu.memref_slice %arg4[%add3A_684] : memref<262144xf32, #tpu.memory_space<hbm>> -> memref<32xf32, #tpu.memory_space<hbm>>
        %dma_start3A_704 = arith.constant 384 : i32
        %dma_start3A_705 = tpu.memref_slice %arg8[%dma_start3A_704] : memref<512xf32, #tpu.memory_space<vmem>> -> memref<32xf32, #tpu.memory_space<vmem>>
        tpu.enqueue_dma source(%dma_start3A_705 : memref<32xf32, #tpu.memory_space<vmem>>) target(%dma_start3A_703 : memref<32xf32, #tpu.memory_space<hbm>>) target_semaphore(%run_scoped3A : memref<!tpu.dma_semaphore, #tpu.memory_space<semaphore_mem>>)
        %dma_wait3A_706 = arith.constant 384 : i32
        %dma_wait3A_707 = tpu.memref_slice %arg8[%dma_wait3A_706] : memref<512xf32, #tpu.memory_space<vmem>> -> memref<32xf32, #tpu.memory_space<vmem>>
        %dma_wait3A_708 = tpu.memref_slice %arg4[%add3A_684] : memref<262144xf32, #tpu.memory_space<hbm>> -> memref<32xf32, #tpu.memory_space<hbm>>
        %dma_wait3A_709 = tpu.memref_slice %arg4[%add3A_684] : memref<262144xf32, #tpu.memory_space<hbm>> -> memref<32xf32, #tpu.memory_space<hbm>>
        %dma_wait3A_710 = arith.constant 384 : i32
        %dma_wait3A_711 = tpu.memref_slice %arg8[%dma_wait3A_710] : memref<512xf32, #tpu.memory_space<vmem>> -> memref<32xf32, #tpu.memory_space<vmem>>
        tpu.wait_dma2 semaphore(%run_scoped3A : memref<!tpu.dma_semaphore, #tpu.memory_space<semaphore_mem>>) src(%dma_wait3A_711 : memref<32xf32, #tpu.memory_space<vmem>>) dst(%dma_wait3A_709 : memref<32xf32, #tpu.memory_space<hbm>>)
        tpu.yield
      }) : () -> ()
      %add3A_685 = arith.constant 212992 : i32
      %add3A_686 = arith.addi %add3A_685, %mul3A_2 : i32
      %mul3A_687 = arith.constant 32 : i32
      %mul3A_688 = arith.muli %add3A_613, %mul3A_687 : i32
      %add3A_689 = arith.addi %add3A_686, %mul3A_688 : i32
      "tpu.region"() ({
        %run_scoped3A = tpu.sem_alloc : memref<!tpu.dma_semaphore, #tpu.memory_space<semaphore_mem>>
        %dma_start3A_700 = arith.constant 416 : i32
        %dma_start3A_701 = tpu.memref_slice %arg8[%dma_start3A_700] : memref<512xf32, #tpu.memory_space<vmem>> -> memref<32xf32, #tpu.memory_space<vmem>>
        %dma_start3A_702 = tpu.memref_slice %arg4[%add3A_689] : memref<262144xf32, #tpu.memory_space<hbm>> -> memref<32xf32, #tpu.memory_space<hbm>>
        %dma_start3A_703 = tpu.memref_slice %arg4[%add3A_689] : memref<262144xf32, #tpu.memory_space<hbm>> -> memref<32xf32, #tpu.memory_space<hbm>>
        %dma_start3A_704 = arith.constant 416 : i32
        %dma_start3A_705 = tpu.memref_slice %arg8[%dma_start3A_704] : memref<512xf32, #tpu.memory_space<vmem>> -> memref<32xf32, #tpu.memory_space<vmem>>
        tpu.enqueue_dma source(%dma_start3A_705 : memref<32xf32, #tpu.memory_space<vmem>>) target(%dma_start3A_703 : memref<32xf32, #tpu.memory_space<hbm>>) target_semaphore(%run_scoped3A : memref<!tpu.dma_semaphore, #tpu.memory_space<semaphore_mem>>)
        %dma_wait3A_706 = arith.constant 416 : i32
        %dma_wait3A_707 = tpu.memref_slice %arg8[%dma_wait3A_706] : memref<512xf32, #tpu.memory_space<vmem>> -> memref<32xf32, #tpu.memory_space<vmem>>
        %dma_wait3A_708 = tpu.memref_slice %arg4[%add3A_689] : memref<262144xf32, #tpu.memory_space<hbm>> -> memref<32xf32, #tpu.memory_space<hbm>>
        %dma_wait3A_709 = tpu.memref_slice %arg4[%add3A_689] : memref<262144xf32, #tpu.memory_space<hbm>> -> memref<32xf32, #tpu.memory_space<hbm>>
        %dma_wait3A_710 = arith.constant 416 : i32
        %dma_wait3A_711 = tpu.memref_slice %arg8[%dma_wait3A_710] : memref<512xf32, #tpu.memory_space<vmem>> -> memref<32xf32, #tpu.memory_space<vmem>>
        tpu.wait_dma2 semaphore(%run_scoped3A : memref<!tpu.dma_semaphore, #tpu.memory_space<semaphore_mem>>) src(%dma_wait3A_711 : memref<32xf32, #tpu.memory_space<vmem>>) dst(%dma_wait3A_709 : memref<32xf32, #tpu.memory_space<hbm>>)
        tpu.yield
      }) : () -> ()
      %add3A_690 = arith.constant 229376 : i32
      %add3A_691 = arith.addi %add3A_690, %mul3A_2 : i32
      %mul3A_692 = arith.constant 32 : i32
      %mul3A_693 = arith.muli %add3A_613, %mul3A_692 : i32
      %add3A_694 = arith.addi %add3A_691, %mul3A_693 : i32
      "tpu.region"() ({
        %run_scoped3A = tpu.sem_alloc : memref<!tpu.dma_semaphore, #tpu.memory_space<semaphore_mem>>
        %dma_start3A_700 = arith.constant 448 : i32
        %dma_start3A_701 = tpu.memref_slice %arg8[%dma_start3A_700] : memref<512xf32, #tpu.memory_space<vmem>> -> memref<32xf32, #tpu.memory_space<vmem>>
        %dma_start3A_702 = tpu.memref_slice %arg4[%add3A_694] : memref<262144xf32, #tpu.memory_space<hbm>> -> memref<32xf32, #tpu.memory_space<hbm>>
        %dma_start3A_703 = tpu.memref_slice %arg4[%add3A_694] : memref<262144xf32, #tpu.memory_space<hbm>> -> memref<32xf32, #tpu.memory_space<hbm>>
        %dma_start3A_704 = arith.constant 448 : i32
        %dma_start3A_705 = tpu.memref_slice %arg8[%dma_start3A_704] : memref<512xf32, #tpu.memory_space<vmem>> -> memref<32xf32, #tpu.memory_space<vmem>>
        tpu.enqueue_dma source(%dma_start3A_705 : memref<32xf32, #tpu.memory_space<vmem>>) target(%dma_start3A_703 : memref<32xf32, #tpu.memory_space<hbm>>) target_semaphore(%run_scoped3A : memref<!tpu.dma_semaphore, #tpu.memory_space<semaphore_mem>>)
        %dma_wait3A_706 = arith.constant 448 : i32
        %dma_wait3A_707 = tpu.memref_slice %arg8[%dma_wait3A_706] : memref<512xf32, #tpu.memory_space<vmem>> -> memref<32xf32, #tpu.memory_space<vmem>>
        %dma_wait3A_708 = tpu.memref_slice %arg4[%add3A_694] : memref<262144xf32, #tpu.memory_space<hbm>> -> memref<32xf32, #tpu.memory_space<hbm>>
        %dma_wait3A_709 = tpu.memref_slice %arg4[%add3A_694] : memref<262144xf32, #tpu.memory_space<hbm>> -> memref<32xf32, #tpu.memory_space<hbm>>
        %dma_wait3A_710 = arith.constant 448 : i32
        %dma_wait3A_711 = tpu.memref_slice %arg8[%dma_wait3A_710] : memref<512xf32, #tpu.memory_space<vmem>> -> memref<32xf32, #tpu.memory_space<vmem>>
        tpu.wait_dma2 semaphore(%run_scoped3A : memref<!tpu.dma_semaphore, #tpu.memory_space<semaphore_mem>>) src(%dma_wait3A_711 : memref<32xf32, #tpu.memory_space<vmem>>) dst(%dma_wait3A_709 : memref<32xf32, #tpu.memory_space<hbm>>)
        tpu.yield
      }) : () -> ()
      %add3A_695 = arith.constant 245760 : i32
      %add3A_696 = arith.addi %add3A_695, %mul3A_2 : i32
      %mul3A_697 = arith.constant 32 : i32
      %mul3A_698 = arith.muli %add3A_613, %mul3A_697 : i32
      %add3A_699 = arith.addi %add3A_696, %mul3A_698 : i32
      "tpu.region"() ({
        %run_scoped3A = tpu.sem_alloc : memref<!tpu.dma_semaphore, #tpu.memory_space<semaphore_mem>>
        %dma_start3A_700 = arith.constant 480 : i32
        %dma_start3A_701 = tpu.memref_slice %arg8[%dma_start3A_700] : memref<512xf32, #tpu.memory_space<vmem>> -> memref<32xf32, #tpu.memory_space<vmem>>
        %dma_start3A_702 = tpu.memref_slice %arg4[%add3A_699] : memref<262144xf32, #tpu.memory_space<hbm>> -> memref<32xf32, #tpu.memory_space<hbm>>
        %dma_start3A_703 = tpu.memref_slice %arg4[%add3A_699] : memref<262144xf32, #tpu.memory_space<hbm>> -> memref<32xf32, #tpu.memory_space<hbm>>
        %dma_start3A_704 = arith.constant 480 : i32
        %dma_start3A_705 = tpu.memref_slice %arg8[%dma_start3A_704] : memref<512xf32, #tpu.memory_space<vmem>> -> memref<32xf32, #tpu.memory_space<vmem>>
        tpu.enqueue_dma source(%dma_start3A_705 : memref<32xf32, #tpu.memory_space<vmem>>) target(%dma_start3A_703 : memref<32xf32, #tpu.memory_space<hbm>>) target_semaphore(%run_scoped3A : memref<!tpu.dma_semaphore, #tpu.memory_space<semaphore_mem>>)
        %dma_wait3A_706 = arith.constant 480 : i32
        %dma_wait3A_707 = tpu.memref_slice %arg8[%dma_wait3A_706] : memref<512xf32, #tpu.memory_space<vmem>> -> memref<32xf32, #tpu.memory_space<vmem>>
        %dma_wait3A_708 = tpu.memref_slice %arg4[%add3A_699] : memref<262144xf32, #tpu.memory_space<hbm>> -> memref<32xf32, #tpu.memory_space<hbm>>
        %dma_wait3A_709 = tpu.memref_slice %arg4[%add3A_699] : memref<262144xf32, #tpu.memory_space<hbm>> -> memref<32xf32, #tpu.memory_space<hbm>>
        %dma_wait3A_710 = arith.constant 480 : i32
        %dma_wait3A_711 = tpu.memref_slice %arg8[%dma_wait3A_710] : memref<512xf32, #tpu.memory_space<vmem>> -> memref<32xf32, #tpu.memory_space<vmem>>
        tpu.wait_dma2 semaphore(%run_scoped3A : memref<!tpu.dma_semaphore, #tpu.memory_space<semaphore_mem>>) src(%dma_wait3A_711 : memref<32xf32, #tpu.memory_space<vmem>>) dst(%dma_wait3A_709 : memref<32xf32, #tpu.memory_space<hbm>>)
        tpu.yield
      }) : () -> ()
    }
    %scan3A_141 = arith.constant 8 : i32
    return
  }
}

module attributes {stable_mosaic.version = 14 : i64} {
  func.func @body(%arg0: i32, %arg1: memref<16x131072xf32, #tpu.memory_space<vmem>>, %arg2: memref<16384x128xf32, #tpu.memory_space<vmem>>) attributes {dimension_semantics = [#tpu.dimension_semantics<arbitrary>], iteration_bounds = array<i64: 8>, scalar_prefetch = 0 : i64, scratch_operands = 0 : i64, tpu.core_type = #tpu.core_type<tc>, window_params = [{transform_indices = @transform_0, window_bounds = array<i64: 16, 131072>}, {transform_indices = @transform_1, window_bounds = array<i64: 16384, 128>}]} {
    %get3A = arith.constant 0 : index
    %get3A_0 = arith.constant 0 : index
    %get3A_1 = vector.load %arg1[%get3A, %get3A_0] : memref<16x131072xf32, #tpu.memory_space<vmem>>, vector<16x131072xf32>
    %mul3A = arith.mulf %get3A_1, %get3A_1 : vector<16x131072xf32>
    %reduce_sum3A = arith.constant dense<0.000000e+00> : vector<131072xf32>
    %reduce_sum3A_2 = vector.multi_reduction <add>, %mul3A, %reduce_sum3A [0] : vector<16x131072xf32> to vector<131072xf32>
    %broadcast_in_dim3A = vector.shape_cast %reduce_sum3A_2 : vector<131072xf32> to vector<1x131072xf32>
    %gt3A = arith.constant 1.000000e+00 : f32
    %gt3A_3 = vector.broadcast %gt3A : f32 to vector<1x131072xf32>
    %gt3A_4 = arith.cmpf ogt, %broadcast_in_dim3A, %gt3A_3 : vector<1x131072xf32>
    %div3A = arith.constant 1.000000e+00 : f32
    %div3A_5 = vector.broadcast %div3A : f32 to vector<1x131072xf32>
    %div3A_6 = arith.divf %div3A_5, %broadcast_in_dim3A : vector<1x131072xf32>
    %jit3A = arith.constant 1.000000e+00 : f32
    %broadcast_in_dim3A_7 = vector.broadcast %jit3A : f32 to vector<1x131072xf32>
    %select_n3A = arith.select %gt3A_4, %div3A_6, %broadcast_in_dim3A_7 : vector<1x131072xi1>, vector<1x131072xf32>
    %max3A = arith.constant 0.000000e+00 : f32
    %max3A_8 = vector.broadcast %max3A : f32 to vector<16x131072xf32>
    %max3A_9 = arith.maximumf %get3A_1, %max3A_8 : vector<16x131072xf32>
    %mul3A_10 = arith.mulf %max3A_9, %max3A_9 : vector<16x131072xf32>
    %mul3A_11 = vector.broadcast %select_n3A : vector<1x131072xf32> to vector<16x131072xf32>
    %mul3A_12 = arith.mulf %mul3A_10, %mul3A_11 : vector<16x131072xf32>
    %slice3A = vector.extract_strided_slice %mul3A_12 {offsets = [0, 0], sizes = [16, 128], strides = [1, 1]} : vector<16x131072xf32> to vector<16x128xf32>
    %slice3A_13 = vector.extract_strided_slice %mul3A_12 {offsets = [0, 128], sizes = [16, 128], strides = [1, 1]} : vector<16x131072xf32> to vector<16x128xf32>
    %slice3A_14 = vector.extract_strided_slice %mul3A_12 {offsets = [0, 256], sizes = [16, 128], strides = [1, 1]} : vector<16x131072xf32> to vector<16x128xf32>
    %slice3A_15 = vector.extract_strided_slice %mul3A_12 {offsets = [0, 384], sizes = [16, 128], strides = [1, 1]} : vector<16x131072xf32> to vector<16x128xf32>
    %slice3A_16 = vector.extract_strided_slice %mul3A_12 {offsets = [0, 512], sizes = [16, 128], strides = [1, 1]} : vector<16x131072xf32> to vector<16x128xf32>
    %slice3A_17 = vector.extract_strided_slice %mul3A_12 {offsets = [0, 640], sizes = [16, 128], strides = [1, 1]} : vector<16x131072xf32> to vector<16x128xf32>
    %slice3A_18 = vector.extract_strided_slice %mul3A_12 {offsets = [0, 768], sizes = [16, 128], strides = [1, 1]} : vector<16x131072xf32> to vector<16x128xf32>
    %slice3A_19 = vector.extract_strided_slice %mul3A_12 {offsets = [0, 896], sizes = [16, 128], strides = [1, 1]} : vector<16x131072xf32> to vector<16x128xf32>
    %concatenate3A = tpu.concatenate %slice3A, %slice3A_13, %slice3A_14, %slice3A_15, %slice3A_16, %slice3A_17, %slice3A_18, %slice3A_19 in 0 : vector<16x128xf32>, vector<16x128xf32>, vector<16x128xf32>, vector<16x128xf32>, vector<16x128xf32>, vector<16x128xf32>, vector<16x128xf32>, vector<16x128xf32> -> vector<128x128xf32>
    %transpose3A = tpu.transpose %concatenate3A, [1, 0] : vector<128x128xf32> -> vector<128x128xf32>
    %swap3A = arith.constant 0 : index
    %swap3A_20 = arith.constant 0 : index
    %swap3A_21 = vector.load %arg2[%swap3A, %swap3A_20] : memref<16384x128xf32, #tpu.memory_space<vmem>>, vector<128x128xf32>
    tpu.vector_store %arg2[%swap3A, %swap3A_20], %transpose3A {strides = array<i32>} : memref<16384x128xf32, #tpu.memory_space<vmem>>, vector<128x128xf32>,
    %slice3A_22 = vector.extract_strided_slice %mul3A_12 {offsets = [0, 1024], sizes = [16, 128], strides = [1, 1]} : vector<16x131072xf32> to vector<16x128xf32>
    %slice3A_23 = vector.extract_strided_slice %mul3A_12 {offsets = [0, 1152], sizes = [16, 128], strides = [1, 1]} : vector<16x131072xf32> to vector<16x128xf32>
    %slice3A_24 = vector.extract_strided_slice %mul3A_12 {offsets = [0, 1280], sizes = [16, 128], strides = [1, 1]} : vector<16x131072xf32> to vector<16x128xf32>
    %slice3A_25 = vector.extract_strided_slice %mul3A_12 {offsets = [0, 1408], sizes = [16, 128], strides = [1, 1]} : vector<16x131072xf32> to vector<16x128xf32>
    %slice3A_26 = vector.extract_strided_slice %mul3A_12 {offsets = [0, 1536], sizes = [16, 128], strides = [1, 1]} : vector<16x131072xf32> to vector<16x128xf32>
    %slice3A_27 = vector.extract_strided_slice %mul3A_12 {offsets = [0, 1664], sizes = [16, 128], strides = [1, 1]} : vector<16x131072xf32> to vector<16x128xf32>
    %slice3A_28 = vector.extract_strided_slice %mul3A_12 {offsets = [0, 1792], sizes = [16, 128], strides = [1, 1]} : vector<16x131072xf32> to vector<16x128xf32>
    %slice3A_29 = vector.extract_strided_slice %mul3A_12 {offsets = [0, 1920], sizes = [16, 128], strides = [1, 1]} : vector<16x131072xf32> to vector<16x128xf32>
    %concatenate3A_30 = tpu.concatenate %slice3A_22, %slice3A_23, %slice3A_24, %slice3A_25, %slice3A_26, %slice3A_27, %slice3A_28, %slice3A_29 in 0 : vector<16x128xf32>, vector<16x128xf32>, vector<16x128xf32>, vector<16x128xf32>, vector<16x128xf32>, vector<16x128xf32>, vector<16x128xf32>, vector<16x128xf32> -> vector<128x128xf32>
    %transpose3A_31 = tpu.transpose %concatenate3A_30, [1, 0] : vector<128x128xf32> -> vector<128x128xf32>
    %swap3A_32 = arith.constant 128 : index
    %swap3A_33 = arith.constant 0 : index
    %swap3A_34 = vector.load %arg2[%swap3A_32, %swap3A_33] : memref<16384x128xf32, #tpu.memory_space<vmem>>, vector<128x128xf32>
    tpu.vector_store %arg2[%swap3A_32, %swap3A_33], %transpose3A_31 {strides = array<i32>} : memref<16384x128xf32, #tpu.memory_space<vmem>>, vector<128x128xf32>,
    %slice3A_35 = vector.extract_strided_slice %mul3A_12 {offsets = [0, 2048], sizes = [16, 128], strides = [1, 1]} : vector<16x131072xf32> to vector<16x128xf32>
    %slice3A_36 = vector.extract_strided_slice %mul3A_12 {offsets = [0, 2176], sizes = [16, 128], strides = [1, 1]} : vector<16x131072xf32> to vector<16x128xf32>
    %slice3A_37 = vector.extract_strided_slice %mul3A_12 {offsets = [0, 2304], sizes = [16, 128], strides = [1, 1]} : vector<16x131072xf32> to vector<16x128xf32>
    %slice3A_38 = vector.extract_strided_slice %mul3A_12 {offsets = [0, 2432], sizes = [16, 128], strides = [1, 1]} : vector<16x131072xf32> to vector<16x128xf32>
    %slice3A_39 = vector.extract_strided_slice %mul3A_12 {offsets = [0, 2560], sizes = [16, 128], strides = [1, 1]} : vector<16x131072xf32> to vector<16x128xf32>
    %slice3A_40 = vector.extract_strided_slice %mul3A_12 {offsets = [0, 2688], sizes = [16, 128], strides = [1, 1]} : vector<16x131072xf32> to vector<16x128xf32>
    %slice3A_41 = vector.extract_strided_slice %mul3A_12 {offsets = [0, 2816], sizes = [16, 128], strides = [1, 1]} : vector<16x131072xf32> to vector<16x128xf32>
    %slice3A_42 = vector.extract_strided_slice %mul3A_12 {offsets = [0, 2944], sizes = [16, 128], strides = [1, 1]} : vector<16x131072xf32> to vector<16x128xf32>
    %concatenate3A_43 = tpu.concatenate %slice3A_35, %slice3A_36, %slice3A_37, %slice3A_38, %slice3A_39, %slice3A_40, %slice3A_41, %slice3A_42 in 0 : vector<16x128xf32>, vector<16x128xf32>, vector<16x128xf32>, vector<16x128xf32>, vector<16x128xf32>, vector<16x128xf32>, vector<16x128xf32>, vector<16x128xf32> -> vector<128x128xf32>
    %transpose3A_44 = tpu.transpose %concatenate3A_43, [1, 0] : vector<128x128xf32> -> vector<128x128xf32>
    %swap3A_45 = arith.constant 256 : index
    %swap3A_46 = arith.constant 0 : index
    %swap3A_47 = vector.load %arg2[%swap3A_45, %swap3A_46] : memref<16384x128xf32, #tpu.memory_space<vmem>>, vector<128x128xf32>
    tpu.vector_store %arg2[%swap3A_45, %swap3A_46], %transpose3A_44 {strides = array<i32>} : memref<16384x128xf32, #tpu.memory_space<vmem>>, vector<128x128xf32>,
    %slice3A_48 = vector.extract_strided_slice %mul3A_12 {offsets = [0, 3072], sizes = [16, 128], strides = [1, 1]} : vector<16x131072xf32> to vector<16x128xf32>
    %slice3A_49 = vector.extract_strided_slice %mul3A_12 {offsets = [0, 3200], sizes = [16, 128], strides = [1, 1]} : vector<16x131072xf32> to vector<16x128xf32>
    %slice3A_50 = vector.extract_strided_slice %mul3A_12 {offsets = [0, 3328], sizes = [16, 128], strides = [1, 1]} : vector<16x131072xf32> to vector<16x128xf32>
    %slice3A_51 = vector.extract_strided_slice %mul3A_12 {offsets = [0, 3456], sizes = [16, 128], strides = [1, 1]} : vector<16x131072xf32> to vector<16x128xf32>
    %slice3A_52 = vector.extract_strided_slice %mul3A_12 {offsets = [0, 3584], sizes = [16, 128], strides = [1, 1]} : vector<16x131072xf32> to vector<16x128xf32>
    %slice3A_53 = vector.extract_strided_slice %mul3A_12 {offsets = [0, 3712], sizes = [16, 128], strides = [1, 1]} : vector<16x131072xf32> to vector<16x128xf32>
    %slice3A_54 = vector.extract_strided_slice %mul3A_12 {offsets = [0, 3840], sizes = [16, 128], strides = [1, 1]} : vector<16x131072xf32> to vector<16x128xf32>
    %slice3A_55 = vector.extract_strided_slice %mul3A_12 {offsets = [0, 3968], sizes = [16, 128], strides = [1, 1]} : vector<16x131072xf32> to vector<16x128xf32>
    %concatenate3A_56 = tpu.concatenate %slice3A_48, %slice3A_49, %slice3A_50, %slice3A_51, %slice3A_52, %slice3A_53, %slice3A_54, %slice3A_55 in 0 : vector<16x128xf32>, vector<16x128xf32>, vector<16x128xf32>, vector<16x128xf32>, vector<16x128xf32>, vector<16x128xf32>, vector<16x128xf32>, vector<16x128xf32> -> vector<128x128xf32>
    %transpose3A_57 = tpu.transpose %concatenate3A_56, [1, 0] : vector<128x128xf32> -> vector<128x128xf32>
    %swap3A_58 = arith.constant 384 : index
    %swap3A_59 = arith.constant 0 : index
    %swap3A_60 = vector.load %arg2[%swap3A_58, %swap3A_59] : memref<16384x128xf32, #tpu.memory_space<vmem>>, vector<128x128xf32>
    tpu.vector_store %arg2[%swap3A_58, %swap3A_59], %transpose3A_57 {strides = array<i32>} : memref<16384x128xf32, #tpu.memory_space<vmem>>, vector<128x128xf32>,
    %slice3A_61 = vector.extract_strided_slice %mul3A_12 {offsets = [0, 4096], sizes = [16, 128], strides = [1, 1]} : vector<16x131072xf32> to vector<16x128xf32>
    %slice3A_62 = vector.extract_strided_slice %mul3A_12 {offsets = [0, 4224], sizes = [16, 128], strides = [1, 1]} : vector<16x131072xf32> to vector<16x128xf32>
    %slice3A_63 = vector.extract_strided_slice %mul3A_12 {offsets = [0, 4352], sizes = [16, 128], strides = [1, 1]} : vector<16x131072xf32> to vector<16x128xf32>
    %slice3A_64 = vector.extract_strided_slice %mul3A_12 {offsets = [0, 4480], sizes = [16, 128], strides = [1, 1]} : vector<16x131072xf32> to vector<16x128xf32>
    %slice3A_65 = vector.extract_strided_slice %mul3A_12 {offsets = [0, 4608], sizes = [16, 128], strides = [1, 1]} : vector<16x131072xf32> to vector<16x128xf32>
    %slice3A_66 = vector.extract_strided_slice %mul3A_12 {offsets = [0, 4736], sizes = [16, 128], strides = [1, 1]} : vector<16x131072xf32> to vector<16x128xf32>
    %slice3A_67 = vector.extract_strided_slice %mul3A_12 {offsets = [0, 4864], sizes = [16, 128], strides = [1, 1]} : vector<16x131072xf32> to vector<16x128xf32>
    %slice3A_68 = vector.extract_strided_slice %mul3A_12 {offsets = [0, 4992], sizes = [16, 128], strides = [1, 1]} : vector<16x131072xf32> to vector<16x128xf32>
    %concatenate3A_69 = tpu.concatenate %slice3A_61, %slice3A_62, %slice3A_63, %slice3A_64, %slice3A_65, %slice3A_66, %slice3A_67, %slice3A_68 in 0 : vector<16x128xf32>, vector<16x128xf32>, vector<16x128xf32>, vector<16x128xf32>, vector<16x128xf32>, vector<16x128xf32>, vector<16x128xf32>, vector<16x128xf32> -> vector<128x128xf32>
    %transpose3A_70 = tpu.transpose %concatenate3A_69, [1, 0] : vector<128x128xf32> -> vector<128x128xf32>
    %swap3A_71 = arith.constant 512 : index
    %swap3A_72 = arith.constant 0 : index
    %swap3A_73 = vector.load %arg2[%swap3A_71, %swap3A_72] : memref<16384x128xf32, #tpu.memory_space<vmem>>, vector<128x128xf32>
    tpu.vector_store %arg2[%swap3A_71, %swap3A_72], %transpose3A_70 {strides = array<i32>} : memref<16384x128xf32, #tpu.memory_space<vmem>>, vector<128x128xf32>,
    %slice3A_74 = vector.extract_strided_slice %mul3A_12 {offsets = [0, 5120], sizes = [16, 128], strides = [1, 1]} : vector<16x131072xf32> to vector<16x128xf32>
    %slice3A_75 = vector.extract_strided_slice %mul3A_12 {offsets = [0, 5248], sizes = [16, 128], strides = [1, 1]} : vector<16x131072xf32> to vector<16x128xf32>
    %slice3A_76 = vector.extract_strided_slice %mul3A_12 {offsets = [0, 5376], sizes = [16, 128], strides = [1, 1]} : vector<16x131072xf32> to vector<16x128xf32>
    %slice3A_77 = vector.extract_strided_slice %mul3A_12 {offsets = [0, 5504], sizes = [16, 128], strides = [1, 1]} : vector<16x131072xf32> to vector<16x128xf32>
    %slice3A_78 = vector.extract_strided_slice %mul3A_12 {offsets = [0, 5632], sizes = [16, 128], strides = [1, 1]} : vector<16x131072xf32> to vector<16x128xf32>
    %slice3A_79 = vector.extract_strided_slice %mul3A_12 {offsets = [0, 5760], sizes = [16, 128], strides = [1, 1]} : vector<16x131072xf32> to vector<16x128xf32>
    %slice3A_80 = vector.extract_strided_slice %mul3A_12 {offsets = [0, 5888], sizes = [16, 128], strides = [1, 1]} : vector<16x131072xf32> to vector<16x128xf32>
    %slice3A_81 = vector.extract_strided_slice %mul3A_12 {offsets = [0, 6016], sizes = [16, 128], strides = [1, 1]} : vector<16x131072xf32> to vector<16x128xf32>
    %concatenate3A_82 = tpu.concatenate %slice3A_74, %slice3A_75, %slice3A_76, %slice3A_77, %slice3A_78, %slice3A_79, %slice3A_80, %slice3A_81 in 0 : vector<16x128xf32>, vector<16x128xf32>, vector<16x128xf32>, vector<16x128xf32>, vector<16x128xf32>, vector<16x128xf32>, vector<16x128xf32>, vector<16x128xf32> -> vector<128x128xf32>
    %transpose3A_83 = tpu.transpose %concatenate3A_82, [1, 0] : vector<128x128xf32> -> vector<128x128xf32>
    %swap3A_84 = arith.constant 640 : index
    %swap3A_85 = arith.constant 0 : index
    %swap3A_86 = vector.load %arg2[%swap3A_84, %swap3A_85] : memref<16384x128xf32, #tpu.memory_space<vmem>>, vector<128x128xf32>
    tpu.vector_store %arg2[%swap3A_84, %swap3A_85], %transpose3A_83 {strides = array<i32>} : memref<16384x128xf32, #tpu.memory_space<vmem>>, vector<128x128xf32>,
    %slice3A_87 = vector.extract_strided_slice %mul3A_12 {offsets = [0, 6144], sizes = [16, 128], strides = [1, 1]} : vector<16x131072xf32> to vector<16x128xf32>
    %slice3A_88 = vector.extract_strided_slice %mul3A_12 {offsets = [0, 6272], sizes = [16, 128], strides = [1, 1]} : vector<16x131072xf32> to vector<16x128xf32>
    %slice3A_89 = vector.extract_strided_slice %mul3A_12 {offsets = [0, 6400], sizes = [16, 128], strides = [1, 1]} : vector<16x131072xf32> to vector<16x128xf32>
    %slice3A_90 = vector.extract_strided_slice %mul3A_12 {offsets = [0, 6528], sizes = [16, 128], strides = [1, 1]} : vector<16x131072xf32> to vector<16x128xf32>
    %slice3A_91 = vector.extract_strided_slice %mul3A_12 {offsets = [0, 6656], sizes = [16, 128], strides = [1, 1]} : vector<16x131072xf32> to vector<16x128xf32>
    %slice3A_92 = vector.extract_strided_slice %mul3A_12 {offsets = [0, 6784], sizes = [16, 128], strides = [1, 1]} : vector<16x131072xf32> to vector<16x128xf32>
    %slice3A_93 = vector.extract_strided_slice %mul3A_12 {offsets = [0, 6912], sizes = [16, 128], strides = [1, 1]} : vector<16x131072xf32> to vector<16x128xf32>
    %slice3A_94 = vector.extract_strided_slice %mul3A_12 {offsets = [0, 7040], sizes = [16, 128], strides = [1, 1]} : vector<16x131072xf32> to vector<16x128xf32>
    %concatenate3A_95 = tpu.concatenate %slice3A_87, %slice3A_88, %slice3A_89, %slice3A_90, %slice3A_91, %slice3A_92, %slice3A_93, %slice3A_94 in 0 : vector<16x128xf32>, vector<16x128xf32>, vector<16x128xf32>, vector<16x128xf32>, vector<16x128xf32>, vector<16x128xf32>, vector<16x128xf32>, vector<16x128xf32> -> vector<128x128xf32>
    %transpose3A_96 = tpu.transpose %concatenate3A_95, [1, 0] : vector<128x128xf32> -> vector<128x128xf32>
    %swap3A_97 = arith.constant 768 : index
    %swap3A_98 = arith.constant 0 : index
    %swap3A_99 = vector.load %arg2[%swap3A_97, %swap3A_98] : memref<16384x128xf32, #tpu.memory_space<vmem>>, vector<128x128xf32>
    tpu.vector_store %arg2[%swap3A_97, %swap3A_98], %transpose3A_96 {strides = array<i32>} : memref<16384x128xf32, #tpu.memory_space<vmem>>, vector<128x128xf32>,
    %slice3A_100 = vector.extract_strided_slice %mul3A_12 {offsets = [0, 7168], sizes = [16, 128], strides = [1, 1]} : vector<16x131072xf32> to vector<16x128xf32>
    %slice3A_101 = vector.extract_strided_slice %mul3A_12 {offsets = [0, 7296], sizes = [16, 128], strides = [1, 1]} : vector<16x131072xf32> to vector<16x128xf32>
    %slice3A_102 = vector.extract_strided_slice %mul3A_12 {offsets = [0, 7424], sizes = [16, 128], strides = [1, 1]} : vector<16x131072xf32> to vector<16x128xf32>
    %slice3A_103 = vector.extract_strided_slice %mul3A_12 {offsets = [0, 7552], sizes = [16, 128], strides = [1, 1]} : vector<16x131072xf32> to vector<16x128xf32>
    %slice3A_104 = vector.extract_strided_slice %mul3A_12 {offsets = [0, 7680], sizes = [16, 128], strides = [1, 1]} : vector<16x131072xf32> to vector<16x128xf32>
    %slice3A_105 = vector.extract_strided_slice %mul3A_12 {offsets = [0, 7808], sizes = [16, 128], strides = [1, 1]} : vector<16x131072xf32> to vector<16x128xf32>
    %slice3A_106 = vector.extract_strided_slice %mul3A_12 {offsets = [0, 7936], sizes = [16, 128], strides = [1, 1]} : vector<16x131072xf32> to vector<16x128xf32>
    %slice3A_107 = vector.extract_strided_slice %mul3A_12 {offsets = [0, 8064], sizes = [16, 128], strides = [1, 1]} : vector<16x131072xf32> to vector<16x128xf32>
    %concatenate3A_108 = tpu.concatenate %slice3A_100, %slice3A_101, %slice3A_102, %slice3A_103, %slice3A_104, %slice3A_105, %slice3A_106, %slice3A_107 in 0 : vector<16x128xf32>, vector<16x128xf32>, vector<16x128xf32>, vector<16x128xf32>, vector<16x128xf32>, vector<16x128xf32>, vector<16x128xf32>, vector<16x128xf32> -> vector<128x128xf32>
    %transpose3A_109 = tpu.transpose %concatenate3A_108, [1, 0] : vector<128x128xf32> -> vector<128x128xf32>
    %swap3A_110 = arith.constant 896 : index
    %swap3A_111 = arith.constant 0 : index
    %swap3A_112 = vector.load %arg2[%swap3A_110, %swap3A_111] : memref<16384x128xf32, #tpu.memory_space<vmem>>, vector<128x128xf32>
    tpu.vector_store %arg2[%swap3A_110, %swap3A_111], %transpose3A_109 {strides = array<i32>} : memref<16384x128xf32, #tpu.memory_space<vmem>>, vector<128x128xf32>,
    %slice3A_113 = vector.extract_strided_slice %mul3A_12 {offsets = [0, 8192], sizes = [16, 128], strides = [1, 1]} : vector<16x131072xf32> to vector<16x128xf32>
    %slice3A_114 = vector.extract_strided_slice %mul3A_12 {offsets = [0, 8320], sizes = [16, 128], strides = [1, 1]} : vector<16x131072xf32> to vector<16x128xf32>
    %slice3A_115 = vector.extract_strided_slice %mul3A_12 {offsets = [0, 8448], sizes = [16, 128], strides = [1, 1]} : vector<16x131072xf32> to vector<16x128xf32>
    %slice3A_116 = vector.extract_strided_slice %mul3A_12 {offsets = [0, 8576], sizes = [16, 128], strides = [1, 1]} : vector<16x131072xf32> to vector<16x128xf32>
    %slice3A_117 = vector.extract_strided_slice %mul3A_12 {offsets = [0, 8704], sizes = [16, 128], strides = [1, 1]} : vector<16x131072xf32> to vector<16x128xf32>
    %slice3A_118 = vector.extract_strided_slice %mul3A_12 {offsets = [0, 8832], sizes = [16, 128], strides = [1, 1]} : vector<16x131072xf32> to vector<16x128xf32>
    %slice3A_119 = vector.extract_strided_slice %mul3A_12 {offsets = [0, 8960], sizes = [16, 128], strides = [1, 1]} : vector<16x131072xf32> to vector<16x128xf32>
    %slice3A_120 = vector.extract_strided_slice %mul3A_12 {offsets = [0, 9088], sizes = [16, 128], strides = [1, 1]} : vector<16x131072xf32> to vector<16x128xf32>
    %concatenate3A_121 = tpu.concatenate %slice3A_113, %slice3A_114, %slice3A_115, %slice3A_116, %slice3A_117, %slice3A_118, %slice3A_119, %slice3A_120 in 0 : vector<16x128xf32>, vector<16x128xf32>, vector<16x128xf32>, vector<16x128xf32>, vector<16x128xf32>, vector<16x128xf32>, vector<16x128xf32>, vector<16x128xf32> -> vector<128x128xf32>
    %transpose3A_122 = tpu.transpose %concatenate3A_121, [1, 0] : vector<128x128xf32> -> vector<128x128xf32>
    %swap3A_123 = arith.constant 1024 : index
    %swap3A_124 = arith.constant 0 : index
    %swap3A_125 = vector.load %arg2[%swap3A_123, %swap3A_124] : memref<16384x128xf32, #tpu.memory_space<vmem>>, vector<128x128xf32>
    tpu.vector_store %arg2[%swap3A_123, %swap3A_124], %transpose3A_122 {strides = array<i32>} : memref<16384x128xf32, #tpu.memory_space<vmem>>, vector<128x128xf32>,
    %slice3A_126 = vector.extract_strided_slice %mul3A_12 {offsets = [0, 9216], sizes = [16, 128], strides = [1, 1]} : vector<16x131072xf32> to vector<16x128xf32>
    %slice3A_127 = vector.extract_strided_slice %mul3A_12 {offsets = [0, 9344], sizes = [16, 128], strides = [1, 1]} : vector<16x131072xf32> to vector<16x128xf32>
    %slice3A_128 = vector.extract_strided_slice %mul3A_12 {offsets = [0, 9472], sizes = [16, 128], strides = [1, 1]} : vector<16x131072xf32> to vector<16x128xf32>
    %slice3A_129 = vector.extract_strided_slice %mul3A_12 {offsets = [0, 9600], sizes = [16, 128], strides = [1, 1]} : vector<16x131072xf32> to vector<16x128xf32>
    %slice3A_130 = vector.extract_strided_slice %mul3A_12 {offsets = [0, 9728], sizes = [16, 128], strides = [1, 1]} : vector<16x131072xf32> to vector<16x128xf32>
    %slice3A_131 = vector.extract_strided_slice %mul3A_12 {offsets = [0, 9856], sizes = [16, 128], strides = [1, 1]} : vector<16x131072xf32> to vector<16x128xf32>
    %slice3A_132 = vector.extract_strided_slice %mul3A_12 {offsets = [0, 9984], sizes = [16, 128], strides = [1, 1]} : vector<16x131072xf32> to vector<16x128xf32>
    %slice3A_133 = vector.extract_strided_slice %mul3A_12 {offsets = [0, 10112], sizes = [16, 128], strides = [1, 1]} : vector<16x131072xf32> to vector<16x128xf32>
    %concatenate3A_134 = tpu.concatenate %slice3A_126, %slice3A_127, %slice3A_128, %slice3A_129, %slice3A_130, %slice3A_131, %slice3A_132, %slice3A_133 in 0 : vector<16x128xf32>, vector<16x128xf32>, vector<16x128xf32>, vector<16x128xf32>, vector<16x128xf32>, vector<16x128xf32>, vector<16x128xf32>, vector<16x128xf32> -> vector<128x128xf32>
    %transpose3A_135 = tpu.transpose %concatenate3A_134, [1, 0] : vector<128x128xf32> -> vector<128x128xf32>
    %swap3A_136 = arith.constant 1152 : index
    %swap3A_137 = arith.constant 0 : index
    %swap3A_138 = vector.load %arg2[%swap3A_136, %swap3A_137] : memref<16384x128xf32, #tpu.memory_space<vmem>>, vector<128x128xf32>
    tpu.vector_store %arg2[%swap3A_136, %swap3A_137], %transpose3A_135 {strides = array<i32>} : memref<16384x128xf32, #tpu.memory_space<vmem>>, vector<128x128xf32>,
    %slice3A_139 = vector.extract_strided_slice %mul3A_12 {offsets = [0, 10240], sizes = [16, 128], strides = [1, 1]} : vector<16x131072xf32> to vector<16x128xf32>
    %slice3A_140 = vector.extract_strided_slice %mul3A_12 {offsets = [0, 10368], sizes = [16, 128], strides = [1, 1]} : vector<16x131072xf32> to vector<16x128xf32>
    %slice3A_141 = vector.extract_strided_slice %mul3A_12 {offsets = [0, 10496], sizes = [16, 128], strides = [1, 1]} : vector<16x131072xf32> to vector<16x128xf32>
    %slice3A_142 = vector.extract_strided_slice %mul3A_12 {offsets = [0, 10624], sizes = [16, 128], strides = [1, 1]} : vector<16x131072xf32> to vector<16x128xf32>
    %slice3A_143 = vector.extract_strided_slice %mul3A_12 {offsets = [0, 10752], sizes = [16, 128], strides = [1, 1]} : vector<16x131072xf32> to vector<16x128xf32>
    %slice3A_144 = vector.extract_strided_slice %mul3A_12 {offsets = [0, 10880], sizes = [16, 128], strides = [1, 1]} : vector<16x131072xf32> to vector<16x128xf32>
    %slice3A_145 = vector.extract_strided_slice %mul3A_12 {offsets = [0, 11008], sizes = [16, 128], strides = [1, 1]} : vector<16x131072xf32> to vector<16x128xf32>
    %slice3A_146 = vector.extract_strided_slice %mul3A_12 {offsets = [0, 11136], sizes = [16, 128], strides = [1, 1]} : vector<16x131072xf32> to vector<16x128xf32>
    %concatenate3A_147 = tpu.concatenate %slice3A_139, %slice3A_140, %slice3A_141, %slice3A_142, %slice3A_143, %slice3A_144, %slice3A_145, %slice3A_146 in 0 : vector<16x128xf32>, vector<16x128xf32>, vector<16x128xf32>, vector<16x128xf32>, vector<16x128xf32>, vector<16x128xf32>, vector<16x128xf32>, vector<16x128xf32> -> vector<128x128xf32>
    %transpose3A_148 = tpu.transpose %concatenate3A_147, [1, 0] : vector<128x128xf32> -> vector<128x128xf32>
    %swap3A_149 = arith.constant 1280 : index
    %swap3A_150 = arith.constant 0 : index
    %swap3A_151 = vector.load %arg2[%swap3A_149, %swap3A_150] : memref<16384x128xf32, #tpu.memory_space<vmem>>, vector<128x128xf32>
    tpu.vector_store %arg2[%swap3A_149, %swap3A_150], %transpose3A_148 {strides = array<i32>} : memref<16384x128xf32, #tpu.memory_space<vmem>>, vector<128x128xf32>,
    %slice3A_152 = vector.extract_strided_slice %mul3A_12 {offsets = [0, 11264], sizes = [16, 128], strides = [1, 1]} : vector<16x131072xf32> to vector<16x128xf32>
    %slice3A_153 = vector.extract_strided_slice %mul3A_12 {offsets = [0, 11392], sizes = [16, 128], strides = [1, 1]} : vector<16x131072xf32> to vector<16x128xf32>
    %slice3A_154 = vector.extract_strided_slice %mul3A_12 {offsets = [0, 11520], sizes = [16, 128], strides = [1, 1]} : vector<16x131072xf32> to vector<16x128xf32>
    %slice3A_155 = vector.extract_strided_slice %mul3A_12 {offsets = [0, 11648], sizes = [16, 128], strides = [1, 1]} : vector<16x131072xf32> to vector<16x128xf32>
    %slice3A_156 = vector.extract_strided_slice %mul3A_12 {offsets = [0, 11776], sizes = [16, 128], strides = [1, 1]} : vector<16x131072xf32> to vector<16x128xf32>
    %slice3A_157 = vector.extract_strided_slice %mul3A_12 {offsets = [0, 11904], sizes = [16, 128], strides = [1, 1]} : vector<16x131072xf32> to vector<16x128xf32>
    %slice3A_158 = vector.extract_strided_slice %mul3A_12 {offsets = [0, 12032], sizes = [16, 128], strides = [1, 1]} : vector<16x131072xf32> to vector<16x128xf32>
    %slice3A_159 = vector.extract_strided_slice %mul3A_12 {offsets = [0, 12160], sizes = [16, 128], strides = [1, 1]} : vector<16x131072xf32> to vector<16x128xf32>
    %concatenate3A_160 = tpu.concatenate %slice3A_152, %slice3A_153, %slice3A_154, %slice3A_155, %slice3A_156, %slice3A_157, %slice3A_158, %slice3A_159 in 0 : vector<16x128xf32>, vector<16x128xf32>, vector<16x128xf32>, vector<16x128xf32>, vector<16x128xf32>, vector<16x128xf32>, vector<16x128xf32>, vector<16x128xf32> -> vector<128x128xf32>
    %transpose3A_161 = tpu.transpose %concatenate3A_160, [1, 0] : vector<128x128xf32> -> vector<128x128xf32>
    %swap3A_162 = arith.constant 1408 : index
    %swap3A_163 = arith.constant 0 : index
    %swap3A_164 = vector.load %arg2[%swap3A_162, %swap3A_163] : memref<16384x128xf32, #tpu.memory_space<vmem>>, vector<128x128xf32>
    tpu.vector_store %arg2[%swap3A_162, %swap3A_163], %transpose3A_161 {strides = array<i32>} : memref<16384x128xf32, #tpu.memory_space<vmem>>, vector<128x128xf32>,
    %slice3A_165 = vector.extract_strided_slice %mul3A_12 {offsets = [0, 12288], sizes = [16, 128], strides = [1, 1]} : vector<16x131072xf32> to vector<16x128xf32>
    %slice3A_166 = vector.extract_strided_slice %mul3A_12 {offsets = [0, 12416], sizes = [16, 128], strides = [1, 1]} : vector<16x131072xf32> to vector<16x128xf32>
    %slice3A_167 = vector.extract_strided_slice %mul3A_12 {offsets = [0, 12544], sizes = [16, 128], strides = [1, 1]} : vector<16x131072xf32> to vector<16x128xf32>
    %slice3A_168 = vector.extract_strided_slice %mul3A_12 {offsets = [0, 12672], sizes = [16, 128], strides = [1, 1]} : vector<16x131072xf32> to vector<16x128xf32>
    %slice3A_169 = vector.extract_strided_slice %mul3A_12 {offsets = [0, 12800], sizes = [16, 128], strides = [1, 1]} : vector<16x131072xf32> to vector<16x128xf32>
    %slice3A_170 = vector.extract_strided_slice %mul3A_12 {offsets = [0, 12928], sizes = [16, 128], strides = [1, 1]} : vector<16x131072xf32> to vector<16x128xf32>
    %slice3A_171 = vector.extract_strided_slice %mul3A_12 {offsets = [0, 13056], sizes = [16, 128], strides = [1, 1]} : vector<16x131072xf32> to vector<16x128xf32>
    %slice3A_172 = vector.extract_strided_slice %mul3A_12 {offsets = [0, 13184], sizes = [16, 128], strides = [1, 1]} : vector<16x131072xf32> to vector<16x128xf32>
    %concatenate3A_173 = tpu.concatenate %slice3A_165, %slice3A_166, %slice3A_167, %slice3A_168, %slice3A_169, %slice3A_170, %slice3A_171, %slice3A_172 in 0 : vector<16x128xf32>, vector<16x128xf32>, vector<16x128xf32>, vector<16x128xf32>, vector<16x128xf32>, vector<16x128xf32>, vector<16x128xf32>, vector<16x128xf32> -> vector<128x128xf32>
    %transpose3A_174 = tpu.transpose %concatenate3A_173, [1, 0] : vector<128x128xf32> -> vector<128x128xf32>
    %swap3A_175 = arith.constant 1536 : index
    %swap3A_176 = arith.constant 0 : index
    %swap3A_177 = vector.load %arg2[%swap3A_175, %swap3A_176] : memref<16384x128xf32, #tpu.memory_space<vmem>>, vector<128x128xf32>
    tpu.vector_store %arg2[%swap3A_175, %swap3A_176], %transpose3A_174 {strides = array<i32>} : memref<16384x128xf32, #tpu.memory_space<vmem>>, vector<128x128xf32>,
    %slice3A_178 = vector.extract_strided_slice %mul3A_12 {offsets = [0, 13312], sizes = [16, 128], strides = [1, 1]} : vector<16x131072xf32> to vector<16x128xf32>
    %slice3A_179 = vector.extract_strided_slice %mul3A_12 {offsets = [0, 13440], sizes = [16, 128], strides = [1, 1]} : vector<16x131072xf32> to vector<16x128xf32>
    %slice3A_180 = vector.extract_strided_slice %mul3A_12 {offsets = [0, 13568], sizes = [16, 128], strides = [1, 1]} : vector<16x131072xf32> to vector<16x128xf32>
    %slice3A_181 = vector.extract_strided_slice %mul3A_12 {offsets = [0, 13696], sizes = [16, 128], strides = [1, 1]} : vector<16x131072xf32> to vector<16x128xf32>
    %slice3A_182 = vector.extract_strided_slice %mul3A_12 {offsets = [0, 13824], sizes = [16, 128], strides = [1, 1]} : vector<16x131072xf32> to vector<16x128xf32>
    %slice3A_183 = vector.extract_strided_slice %mul3A_12 {offsets = [0, 13952], sizes = [16, 128], strides = [1, 1]} : vector<16x131072xf32> to vector<16x128xf32>
    %slice3A_184 = vector.extract_strided_slice %mul3A_12 {offsets = [0, 14080], sizes = [16, 128], strides = [1, 1]} : vector<16x131072xf32> to vector<16x128xf32>
    %slice3A_185 = vector.extract_strided_slice %mul3A_12 {offsets = [0, 14208], sizes = [16, 128], strides = [1, 1]} : vector<16x131072xf32> to vector<16x128xf32>
    %concatenate3A_186 = tpu.concatenate %slice3A_178, %slice3A_179, %slice3A_180, %slice3A_181, %slice3A_182, %slice3A_183, %slice3A_184, %slice3A_185 in 0 : vector<16x128xf32>, vector<16x128xf32>, vector<16x128xf32>, vector<16x128xf32>, vector<16x128xf32>, vector<16x128xf32>, vector<16x128xf32>, vector<16x128xf32> -> vector<128x128xf32>
    %transpose3A_187 = tpu.transpose %concatenate3A_186, [1, 0] : vector<128x128xf32> -> vector<128x128xf32>
    %swap3A_188 = arith.constant 1664 : index
    %swap3A_189 = arith.constant 0 : index
    %swap3A_190 = vector.load %arg2[%swap3A_188, %swap3A_189] : memref<16384x128xf32, #tpu.memory_space<vmem>>, vector<128x128xf32>
    tpu.vector_store %arg2[%swap3A_188, %swap3A_189], %transpose3A_187 {strides = array<i32>} : memref<16384x128xf32, #tpu.memory_space<vmem>>, vector<128x128xf32>,
    %slice3A_191 = vector.extract_strided_slice %mul3A_12 {offsets = [0, 14336], sizes = [16, 128], strides = [1, 1]} : vector<16x131072xf32> to vector<16x128xf32>
    %slice3A_192 = vector.extract_strided_slice %mul3A_12 {offsets = [0, 14464], sizes = [16, 128], strides = [1, 1]} : vector<16x131072xf32> to vector<16x128xf32>
    %slice3A_193 = vector.extract_strided_slice %mul3A_12 {offsets = [0, 14592], sizes = [16, 128], strides = [1, 1]} : vector<16x131072xf32> to vector<16x128xf32>
    %slice3A_194 = vector.extract_strided_slice %mul3A_12 {offsets = [0, 14720], sizes = [16, 128], strides = [1, 1]} : vector<16x131072xf32> to vector<16x128xf32>
    %slice3A_195 = vector.extract_strided_slice %mul3A_12 {offsets = [0, 14848], sizes = [16, 128], strides = [1, 1]} : vector<16x131072xf32> to vector<16x128xf32>
    %slice3A_196 = vector.extract_strided_slice %mul3A_12 {offsets = [0, 14976], sizes = [16, 128], strides = [1, 1]} : vector<16x131072xf32> to vector<16x128xf32>
    %slice3A_197 = vector.extract_strided_slice %mul3A_12 {offsets = [0, 15104], sizes = [16, 128], strides = [1, 1]} : vector<16x131072xf32> to vector<16x128xf32>
    %slice3A_198 = vector.extract_strided_slice %mul3A_12 {offsets = [0, 15232], sizes = [16, 128], strides = [1, 1]} : vector<16x131072xf32> to vector<16x128xf32>
    %concatenate3A_199 = tpu.concatenate %slice3A_191, %slice3A_192, %slice3A_193, %slice3A_194, %slice3A_195, %slice3A_196, %slice3A_197, %slice3A_198 in 0 : vector<16x128xf32>, vector<16x128xf32>, vector<16x128xf32>, vector<16x128xf32>, vector<16x128xf32>, vector<16x128xf32>, vector<16x128xf32>, vector<16x128xf32> -> vector<128x128xf32>
    %transpose3A_200 = tpu.transpose %concatenate3A_199, [1, 0] : vector<128x128xf32> -> vector<128x128xf32>
    %swap3A_201 = arith.constant 1792 : index
    %swap3A_202 = arith.constant 0 : index
    %swap3A_203 = vector.load %arg2[%swap3A_201, %swap3A_202] : memref<16384x128xf32, #tpu.memory_space<vmem>>, vector<128x128xf32>
    tpu.vector_store %arg2[%swap3A_201, %swap3A_202], %transpose3A_200 {strides = array<i32>} : memref<16384x128xf32, #tpu.memory_space<vmem>>, vector<128x128xf32>,
    %slice3A_204 = vector.extract_strided_slice %mul3A_12 {offsets = [0, 15360], sizes = [16, 128], strides = [1, 1]} : vector<16x131072xf32> to vector<16x128xf32>
    %slice3A_205 = vector.extract_strided_slice %mul3A_12 {offsets = [0, 15488], sizes = [16, 128], strides = [1, 1]} : vector<16x131072xf32> to vector<16x128xf32>
    %slice3A_206 = vector.extract_strided_slice %mul3A_12 {offsets = [0, 15616], sizes = [16, 128], strides = [1, 1]} : vector<16x131072xf32> to vector<16x128xf32>
    %slice3A_207 = vector.extract_strided_slice %mul3A_12 {offsets = [0, 15744], sizes = [16, 128], strides = [1, 1]} : vector<16x131072xf32> to vector<16x128xf32>
    %slice3A_208 = vector.extract_strided_slice %mul3A_12 {offsets = [0, 15872], sizes = [16, 128], strides = [1, 1]} : vector<16x131072xf32> to vector<16x128xf32>
    %slice3A_209 = vector.extract_strided_slice %mul3A_12 {offsets = [0, 16000], sizes = [16, 128], strides = [1, 1]} : vector<16x131072xf32> to vector<16x128xf32>
    %slice3A_210 = vector.extract_strided_slice %mul3A_12 {offsets = [0, 16128], sizes = [16, 128], strides = [1, 1]} : vector<16x131072xf32> to vector<16x128xf32>
    %slice3A_211 = vector.extract_strided_slice %mul3A_12 {offsets = [0, 16256], sizes = [16, 128], strides = [1, 1]} : vector<16x131072xf32> to vector<16x128xf32>
    %concatenate3A_212 = tpu.concatenate %slice3A_204, %slice3A_205, %slice3A_206, %slice3A_207, %slice3A_208, %slice3A_209, %slice3A_210, %slice3A_211 in 0 : vector<16x128xf32>, vector<16x128xf32>, vector<16x128xf32>, vector<16x128xf32>, vector<16x128xf32>, vector<16x128xf32>, vector<16x128xf32>, vector<16x128xf32> -> vector<128x128xf32>
    %transpose3A_213 = tpu.transpose %concatenate3A_212, [1, 0] : vector<128x128xf32> -> vector<128x128xf32>
    %swap3A_214 = arith.constant 1920 : index
    %swap3A_215 = arith.constant 0 : index
    %swap3A_216 = vector.load %arg2[%swap3A_214, %swap3A_215] : memref<16384x128xf32, #tpu.memory_space<vmem>>, vector<128x128xf32>
    tpu.vector_store %arg2[%swap3A_214, %swap3A_215], %transpose3A_213 {strides = array<i32>} : memref<16384x128xf32, #tpu.memory_space<vmem>>, vector<128x128xf32>,
    %slice3A_217 = vector.extract_strided_slice %mul3A_12 {offsets = [0, 16384], sizes = [16, 128], strides = [1, 1]} : vector<16x131072xf32> to vector<16x128xf32>
    %slice3A_218 = vector.extract_strided_slice %mul3A_12 {offsets = [0, 16512], sizes = [16, 128], strides = [1, 1]} : vector<16x131072xf32> to vector<16x128xf32>
    %slice3A_219 = vector.extract_strided_slice %mul3A_12 {offsets = [0, 16640], sizes = [16, 128], strides = [1, 1]} : vector<16x131072xf32> to vector<16x128xf32>
    %slice3A_220 = vector.extract_strided_slice %mul3A_12 {offsets = [0, 16768], sizes = [16, 128], strides = [1, 1]} : vector<16x131072xf32> to vector<16x128xf32>
    %slice3A_221 = vector.extract_strided_slice %mul3A_12 {offsets = [0, 16896], sizes = [16, 128], strides = [1, 1]} : vector<16x131072xf32> to vector<16x128xf32>
    %slice3A_222 = vector.extract_strided_slice %mul3A_12 {offsets = [0, 17024], sizes = [16, 128], strides = [1, 1]} : vector<16x131072xf32> to vector<16x128xf32>
    %slice3A_223 = vector.extract_strided_slice %mul3A_12 {offsets = [0, 17152], sizes = [16, 128], strides = [1, 1]} : vector<16x131072xf32> to vector<16x128xf32>
    %slice3A_224 = vector.extract_strided_slice %mul3A_12 {offsets = [0, 17280], sizes = [16, 128], strides = [1, 1]} : vector<16x131072xf32> to vector<16x128xf32>
    %concatenate3A_225 = tpu.concatenate %slice3A_217, %slice3A_218, %slice3A_219, %slice3A_220, %slice3A_221, %slice3A_222, %slice3A_223, %slice3A_224 in 0 : vector<16x128xf32>, vector<16x128xf32>, vector<16x128xf32>, vector<16x128xf32>, vector<16x128xf32>, vector<16x128xf32>, vector<16x128xf32>, vector<16x128xf32> -> vector<128x128xf32>
    %transpose3A_226 = tpu.transpose %concatenate3A_225, [1, 0] : vector<128x128xf32> -> vector<128x128xf32>
    %swap3A_227 = arith.constant 2048 : index
    %swap3A_228 = arith.constant 0 : index
    %swap3A_229 = vector.load %arg2[%swap3A_227, %swap3A_228] : memref<16384x128xf32, #tpu.memory_space<vmem>>, vector<128x128xf32>
    tpu.vector_store %arg2[%swap3A_227, %swap3A_228], %transpose3A_226 {strides = array<i32>} : memref<16384x128xf32, #tpu.memory_space<vmem>>, vector<128x128xf32>,
    %slice3A_230 = vector.extract_strided_slice %mul3A_12 {offsets = [0, 17408], sizes = [16, 128], strides = [1, 1]} : vector<16x131072xf32> to vector<16x128xf32>
    %slice3A_231 = vector.extract_strided_slice %mul3A_12 {offsets = [0, 17536], sizes = [16, 128], strides = [1, 1]} : vector<16x131072xf32> to vector<16x128xf32>
    %slice3A_232 = vector.extract_strided_slice %mul3A_12 {offsets = [0, 17664], sizes = [16, 128], strides = [1, 1]} : vector<16x131072xf32> to vector<16x128xf32>
    %slice3A_233 = vector.extract_strided_slice %mul3A_12 {offsets = [0, 17792], sizes = [16, 128], strides = [1, 1]} : vector<16x131072xf32> to vector<16x128xf32>
    %slice3A_234 = vector.extract_strided_slice %mul3A_12 {offsets = [0, 17920], sizes = [16, 128], strides = [1, 1]} : vector<16x131072xf32> to vector<16x128xf32>
    %slice3A_235 = vector.extract_strided_slice %mul3A_12 {offsets = [0, 18048], sizes = [16, 128], strides = [1, 1]} : vector<16x131072xf32> to vector<16x128xf32>
    %slice3A_236 = vector.extract_strided_slice %mul3A_12 {offsets = [0, 18176], sizes = [16, 128], strides = [1, 1]} : vector<16x131072xf32> to vector<16x128xf32>
    %slice3A_237 = vector.extract_strided_slice %mul3A_12 {offsets = [0, 18304], sizes = [16, 128], strides = [1, 1]} : vector<16x131072xf32> to vector<16x128xf32>
    %concatenate3A_238 = tpu.concatenate %slice3A_230, %slice3A_231, %slice3A_232, %slice3A_233, %slice3A_234, %slice3A_235, %slice3A_236, %slice3A_237 in 0 : vector<16x128xf32>, vector<16x128xf32>, vector<16x128xf32>, vector<16x128xf32>, vector<16x128xf32>, vector<16x128xf32>, vector<16x128xf32>, vector<16x128xf32> -> vector<128x128xf32>
    %transpose3A_239 = tpu.transpose %concatenate3A_238, [1, 0] : vector<128x128xf32> -> vector<128x128xf32>
    %swap3A_240 = arith.constant 2176 : index
    %swap3A_241 = arith.constant 0 : index
    %swap3A_242 = vector.load %arg2[%swap3A_240, %swap3A_241] : memref<16384x128xf32, #tpu.memory_space<vmem>>, vector<128x128xf32>
    tpu.vector_store %arg2[%swap3A_240, %swap3A_241], %transpose3A_239 {strides = array<i32>} : memref<16384x128xf32, #tpu.memory_space<vmem>>, vector<128x128xf32>,
    %slice3A_243 = vector.extract_strided_slice %mul3A_12 {offsets = [0, 18432], sizes = [16, 128], strides = [1, 1]} : vector<16x131072xf32> to vector<16x128xf32>
    %slice3A_244 = vector.extract_strided_slice %mul3A_12 {offsets = [0, 18560], sizes = [16, 128], strides = [1, 1]} : vector<16x131072xf32> to vector<16x128xf32>
    %slice3A_245 = vector.extract_strided_slice %mul3A_12 {offsets = [0, 18688], sizes = [16, 128], strides = [1, 1]} : vector<16x131072xf32> to vector<16x128xf32>
    %slice3A_246 = vector.extract_strided_slice %mul3A_12 {offsets = [0, 18816], sizes = [16, 128], strides = [1, 1]} : vector<16x131072xf32> to vector<16x128xf32>
    %slice3A_247 = vector.extract_strided_slice %mul3A_12 {offsets = [0, 18944], sizes = [16, 128], strides = [1, 1]} : vector<16x131072xf32> to vector<16x128xf32>
    %slice3A_248 = vector.extract_strided_slice %mul3A_12 {offsets = [0, 19072], sizes = [16, 128], strides = [1, 1]} : vector<16x131072xf32> to vector<16x128xf32>
    %slice3A_249 = vector.extract_strided_slice %mul3A_12 {offsets = [0, 19200], sizes = [16, 128], strides = [1, 1]} : vector<16x131072xf32> to vector<16x128xf32>
    %slice3A_250 = vector.extract_strided_slice %mul3A_12 {offsets = [0, 19328], sizes = [16, 128], strides = [1, 1]} : vector<16x131072xf32> to vector<16x128xf32>
    %concatenate3A_251 = tpu.concatenate %slice3A_243, %slice3A_244, %slice3A_245, %slice3A_246, %slice3A_247, %slice3A_248, %slice3A_249, %slice3A_250 in 0 : vector<16x128xf32>, vector<16x128xf32>, vector<16x128xf32>, vector<16x128xf32>, vector<16x128xf32>, vector<16x128xf32>, vector<16x128xf32>, vector<16x128xf32> -> vector<128x128xf32>
    %transpose3A_252 = tpu.transpose %concatenate3A_251, [1, 0] : vector<128x128xf32> -> vector<128x128xf32>
    %swap3A_253 = arith.constant 2304 : index
    %swap3A_254 = arith.constant 0 : index
    %swap3A_255 = vector.load %arg2[%swap3A_253, %swap3A_254] : memref<16384x128xf32, #tpu.memory_space<vmem>>, vector<128x128xf32>
    tpu.vector_store %arg2[%swap3A_253, %swap3A_254], %transpose3A_252 {strides = array<i32>} : memref<16384x128xf32, #tpu.memory_space<vmem>>, vector<128x128xf32>,
    %slice3A_256 = vector.extract_strided_slice %mul3A_12 {offsets = [0, 19456], sizes = [16, 128], strides = [1, 1]} : vector<16x131072xf32> to vector<16x128xf32>
    %slice3A_257 = vector.extract_strided_slice %mul3A_12 {offsets = [0, 19584], sizes = [16, 128], strides = [1, 1]} : vector<16x131072xf32> to vector<16x128xf32>
    %slice3A_258 = vector.extract_strided_slice %mul3A_12 {offsets = [0, 19712], sizes = [16, 128], strides = [1, 1]} : vector<16x131072xf32> to vector<16x128xf32>
    %slice3A_259 = vector.extract_strided_slice %mul3A_12 {offsets = [0, 19840], sizes = [16, 128], strides = [1, 1]} : vector<16x131072xf32> to vector<16x128xf32>
    %slice3A_260 = vector.extract_strided_slice %mul3A_12 {offsets = [0, 19968], sizes = [16, 128], strides = [1, 1]} : vector<16x131072xf32> to vector<16x128xf32>
    %slice3A_261 = vector.extract_strided_slice %mul3A_12 {offsets = [0, 20096], sizes = [16, 128], strides = [1, 1]} : vector<16x131072xf32> to vector<16x128xf32>
    %slice3A_262 = vector.extract_strided_slice %mul3A_12 {offsets = [0, 20224], sizes = [16, 128], strides = [1, 1]} : vector<16x131072xf32> to vector<16x128xf32>
    %slice3A_263 = vector.extract_strided_slice %mul3A_12 {offsets = [0, 20352], sizes = [16, 128], strides = [1, 1]} : vector<16x131072xf32> to vector<16x128xf32>
    %concatenate3A_264 = tpu.concatenate %slice3A_256, %slice3A_257, %slice3A_258, %slice3A_259, %slice3A_260, %slice3A_261, %slice3A_262, %slice3A_263 in 0 : vector<16x128xf32>, vector<16x128xf32>, vector<16x128xf32>, vector<16x128xf32>, vector<16x128xf32>, vector<16x128xf32>, vector<16x128xf32>, vector<16x128xf32> -> vector<128x128xf32>
    %transpose3A_265 = tpu.transpose %concatenate3A_264, [1, 0] : vector<128x128xf32> -> vector<128x128xf32>
    %swap3A_266 = arith.constant 2432 : index
    %swap3A_267 = arith.constant 0 : index
    %swap3A_268 = vector.load %arg2[%swap3A_266, %swap3A_267] : memref<16384x128xf32, #tpu.memory_space<vmem>>, vector<128x128xf32>
    tpu.vector_store %arg2[%swap3A_266, %swap3A_267], %transpose3A_265 {strides = array<i32>} : memref<16384x128xf32, #tpu.memory_space<vmem>>, vector<128x128xf32>,
    %slice3A_269 = vector.extract_strided_slice %mul3A_12 {offsets = [0, 20480], sizes = [16, 128], strides = [1, 1]} : vector<16x131072xf32> to vector<16x128xf32>
    %slice3A_270 = vector.extract_strided_slice %mul3A_12 {offsets = [0, 20608], sizes = [16, 128], strides = [1, 1]} : vector<16x131072xf32> to vector<16x128xf32>
    %slice3A_271 = vector.extract_strided_slice %mul3A_12 {offsets = [0, 20736], sizes = [16, 128], strides = [1, 1]} : vector<16x131072xf32> to vector<16x128xf32>
    %slice3A_272 = vector.extract_strided_slice %mul3A_12 {offsets = [0, 20864], sizes = [16, 128], strides = [1, 1]} : vector<16x131072xf32> to vector<16x128xf32>
    %slice3A_273 = vector.extract_strided_slice %mul3A_12 {offsets = [0, 20992], sizes = [16, 128], strides = [1, 1]} : vector<16x131072xf32> to vector<16x128xf32>
    %slice3A_274 = vector.extract_strided_slice %mul3A_12 {offsets = [0, 21120], sizes = [16, 128], strides = [1, 1]} : vector<16x131072xf32> to vector<16x128xf32>
    %slice3A_275 = vector.extract_strided_slice %mul3A_12 {offsets = [0, 21248], sizes = [16, 128], strides = [1, 1]} : vector<16x131072xf32> to vector<16x128xf32>
    %slice3A_276 = vector.extract_strided_slice %mul3A_12 {offsets = [0, 21376], sizes = [16, 128], strides = [1, 1]} : vector<16x131072xf32> to vector<16x128xf32>
    %concatenate3A_277 = tpu.concatenate %slice3A_269, %slice3A_270, %slice3A_271, %slice3A_272, %slice3A_273, %slice3A_274, %slice3A_275, %slice3A_276 in 0 : vector<16x128xf32>, vector<16x128xf32>, vector<16x128xf32>, vector<16x128xf32>, vector<16x128xf32>, vector<16x128xf32>, vector<16x128xf32>, vector<16x128xf32> -> vector<128x128xf32>
    %transpose3A_278 = tpu.transpose %concatenate3A_277, [1, 0] : vector<128x128xf32> -> vector<128x128xf32>
    %swap3A_279 = arith.constant 2560 : index
    %swap3A_280 = arith.constant 0 : index
    %swap3A_281 = vector.load %arg2[%swap3A_279, %swap3A_280] : memref<16384x128xf32, #tpu.memory_space<vmem>>, vector<128x128xf32>
    tpu.vector_store %arg2[%swap3A_279, %swap3A_280], %transpose3A_278 {strides = array<i32>} : memref<16384x128xf32, #tpu.memory_space<vmem>>, vector<128x128xf32>,
    %slice3A_282 = vector.extract_strided_slice %mul3A_12 {offsets = [0, 21504], sizes = [16, 128], strides = [1, 1]} : vector<16x131072xf32> to vector<16x128xf32>
    %slice3A_283 = vector.extract_strided_slice %mul3A_12 {offsets = [0, 21632], sizes = [16, 128], strides = [1, 1]} : vector<16x131072xf32> to vector<16x128xf32>
    %slice3A_284 = vector.extract_strided_slice %mul3A_12 {offsets = [0, 21760], sizes = [16, 128], strides = [1, 1]} : vector<16x131072xf32> to vector<16x128xf32>
    %slice3A_285 = vector.extract_strided_slice %mul3A_12 {offsets = [0, 21888], sizes = [16, 128], strides = [1, 1]} : vector<16x131072xf32> to vector<16x128xf32>
    %slice3A_286 = vector.extract_strided_slice %mul3A_12 {offsets = [0, 22016], sizes = [16, 128], strides = [1, 1]} : vector<16x131072xf32> to vector<16x128xf32>
    %slice3A_287 = vector.extract_strided_slice %mul3A_12 {offsets = [0, 22144], sizes = [16, 128], strides = [1, 1]} : vector<16x131072xf32> to vector<16x128xf32>
    %slice3A_288 = vector.extract_strided_slice %mul3A_12 {offsets = [0, 22272], sizes = [16, 128], strides = [1, 1]} : vector<16x131072xf32> to vector<16x128xf32>
    %slice3A_289 = vector.extract_strided_slice %mul3A_12 {offsets = [0, 22400], sizes = [16, 128], strides = [1, 1]} : vector<16x131072xf32> to vector<16x128xf32>
    %concatenate3A_290 = tpu.concatenate %slice3A_282, %slice3A_283, %slice3A_284, %slice3A_285, %slice3A_286, %slice3A_287, %slice3A_288, %slice3A_289 in 0 : vector<16x128xf32>, vector<16x128xf32>, vector<16x128xf32>, vector<16x128xf32>, vector<16x128xf32>, vector<16x128xf32>, vector<16x128xf32>, vector<16x128xf32> -> vector<128x128xf32>
    %transpose3A_291 = tpu.transpose %concatenate3A_290, [1, 0] : vector<128x128xf32> -> vector<128x128xf32>
    %swap3A_292 = arith.constant 2688 : index
    %swap3A_293 = arith.constant 0 : index
    %swap3A_294 = vector.load %arg2[%swap3A_292, %swap3A_293] : memref<16384x128xf32, #tpu.memory_space<vmem>>, vector<128x128xf32>
    tpu.vector_store %arg2[%swap3A_292, %swap3A_293], %transpose3A_291 {strides = array<i32>} : memref<16384x128xf32, #tpu.memory_space<vmem>>, vector<128x128xf32>,
    %slice3A_295 = vector.extract_strided_slice %mul3A_12 {offsets = [0, 22528], sizes = [16, 128], strides = [1, 1]} : vector<16x131072xf32> to vector<16x128xf32>
    %slice3A_296 = vector.extract_strided_slice %mul3A_12 {offsets = [0, 22656], sizes = [16, 128], strides = [1, 1]} : vector<16x131072xf32> to vector<16x128xf32>
    %slice3A_297 = vector.extract_strided_slice %mul3A_12 {offsets = [0, 22784], sizes = [16, 128], strides = [1, 1]} : vector<16x131072xf32> to vector<16x128xf32>
    %slice3A_298 = vector.extract_strided_slice %mul3A_12 {offsets = [0, 22912], sizes = [16, 128], strides = [1, 1]} : vector<16x131072xf32> to vector<16x128xf32>
    %slice3A_299 = vector.extract_strided_slice %mul3A_12 {offsets = [0, 23040], sizes = [16, 128], strides = [1, 1]} : vector<16x131072xf32> to vector<16x128xf32>
    %slice3A_300 = vector.extract_strided_slice %mul3A_12 {offsets = [0, 23168], sizes = [16, 128], strides = [1, 1]} : vector<16x131072xf32> to vector<16x128xf32>
    %slice3A_301 = vector.extract_strided_slice %mul3A_12 {offsets = [0, 23296], sizes = [16, 128], strides = [1, 1]} : vector<16x131072xf32> to vector<16x128xf32>
    %slice3A_302 = vector.extract_strided_slice %mul3A_12 {offsets = [0, 23424], sizes = [16, 128], strides = [1, 1]} : vector<16x131072xf32> to vector<16x128xf32>
    %concatenate3A_303 = tpu.concatenate %slice3A_295, %slice3A_296, %slice3A_297, %slice3A_298, %slice3A_299, %slice3A_300, %slice3A_301, %slice3A_302 in 0 : vector<16x128xf32>, vector<16x128xf32>, vector<16x128xf32>, vector<16x128xf32>, vector<16x128xf32>, vector<16x128xf32>, vector<16x128xf32>, vector<16x128xf32> -> vector<128x128xf32>
    %transpose3A_304 = tpu.transpose %concatenate3A_303, [1, 0] : vector<128x128xf32> -> vector<128x128xf32>
    %swap3A_305 = arith.constant 2816 : index
    %swap3A_306 = arith.constant 0 : index
    %swap3A_307 = vector.load %arg2[%swap3A_305, %swap3A_306] : memref<16384x128xf32, #tpu.memory_space<vmem>>, vector<128x128xf32>
    tpu.vector_store %arg2[%swap3A_305, %swap3A_306], %transpose3A_304 {strides = array<i32>} : memref<16384x128xf32, #tpu.memory_space<vmem>>, vector<128x128xf32>,
    %slice3A_308 = vector.extract_strided_slice %mul3A_12 {offsets = [0, 23552], sizes = [16, 128], strides = [1, 1]} : vector<16x131072xf32> to vector<16x128xf32>
    %slice3A_309 = vector.extract_strided_slice %mul3A_12 {offsets = [0, 23680], sizes = [16, 128], strides = [1, 1]} : vector<16x131072xf32> to vector<16x128xf32>
    %slice3A_310 = vector.extract_strided_slice %mul3A_12 {offsets = [0, 23808], sizes = [16, 128], strides = [1, 1]} : vector<16x131072xf32> to vector<16x128xf32>
    %slice3A_311 = vector.extract_strided_slice %mul3A_12 {offsets = [0, 23936], sizes = [16, 128], strides = [1, 1]} : vector<16x131072xf32> to vector<16x128xf32>
    %slice3A_312 = vector.extract_strided_slice %mul3A_12 {offsets = [0, 24064], sizes = [16, 128], strides = [1, 1]} : vector<16x131072xf32> to vector<16x128xf32>
    %slice3A_313 = vector.extract_strided_slice %mul3A_12 {offsets = [0, 24192], sizes = [16, 128], strides = [1, 1]} : vector<16x131072xf32> to vector<16x128xf32>
    %slice3A_314 = vector.extract_strided_slice %mul3A_12 {offsets = [0, 24320], sizes = [16, 128], strides = [1, 1]} : vector<16x131072xf32> to vector<16x128xf32>
    %slice3A_315 = vector.extract_strided_slice %mul3A_12 {offsets = [0, 24448], sizes = [16, 128], strides = [1, 1]} : vector<16x131072xf32> to vector<16x128xf32>
    %concatenate3A_316 = tpu.concatenate %slice3A_308, %slice3A_309, %slice3A_310, %slice3A_311, %slice3A_312, %slice3A_313, %slice3A_314, %slice3A_315 in 0 : vector<16x128xf32>, vector<16x128xf32>, vector<16x128xf32>, vector<16x128xf32>, vector<16x128xf32>, vector<16x128xf32>, vector<16x128xf32>, vector<16x128xf32> -> vector<128x128xf32>
    %transpose3A_317 = tpu.transpose %concatenate3A_316, [1, 0] : vector<128x128xf32> -> vector<128x128xf32>
    %swap3A_318 = arith.constant 2944 : index
    %swap3A_319 = arith.constant 0 : index
    %swap3A_320 = vector.load %arg2[%swap3A_318, %swap3A_319] : memref<16384x128xf32, #tpu.memory_space<vmem>>, vector<128x128xf32>
    tpu.vector_store %arg2[%swap3A_318, %swap3A_319], %transpose3A_317 {strides = array<i32>} : memref<16384x128xf32, #tpu.memory_space<vmem>>, vector<128x128xf32>,
    %slice3A_321 = vector.extract_strided_slice %mul3A_12 {offsets = [0, 24576], sizes = [16, 128], strides = [1, 1]} : vector<16x131072xf32> to vector<16x128xf32>
    %slice3A_322 = vector.extract_strided_slice %mul3A_12 {offsets = [0, 24704], sizes = [16, 128], strides = [1, 1]} : vector<16x131072xf32> to vector<16x128xf32>
    %slice3A_323 = vector.extract_strided_slice %mul3A_12 {offsets = [0, 24832], sizes = [16, 128], strides = [1, 1]} : vector<16x131072xf32> to vector<16x128xf32>
    %slice3A_324 = vector.extract_strided_slice %mul3A_12 {offsets = [0, 24960], sizes = [16, 128], strides = [1, 1]} : vector<16x131072xf32> to vector<16x128xf32>
    %slice3A_325 = vector.extract_strided_slice %mul3A_12 {offsets = [0, 25088], sizes = [16, 128], strides = [1, 1]} : vector<16x131072xf32> to vector<16x128xf32>
    %slice3A_326 = vector.extract_strided_slice %mul3A_12 {offsets = [0, 25216], sizes = [16, 128], strides = [1, 1]} : vector<16x131072xf32> to vector<16x128xf32>
    %slice3A_327 = vector.extract_strided_slice %mul3A_12 {offsets = [0, 25344], sizes = [16, 128], strides = [1, 1]} : vector<16x131072xf32> to vector<16x128xf32>
    %slice3A_328 = vector.extract_strided_slice %mul3A_12 {offsets = [0, 25472], sizes = [16, 128], strides = [1, 1]} : vector<16x131072xf32> to vector<16x128xf32>
    %concatenate3A_329 = tpu.concatenate %slice3A_321, %slice3A_322, %slice3A_323, %slice3A_324, %slice3A_325, %slice3A_326, %slice3A_327, %slice3A_328 in 0 : vector<16x128xf32>, vector<16x128xf32>, vector<16x128xf32>, vector<16x128xf32>, vector<16x128xf32>, vector<16x128xf32>, vector<16x128xf32>, vector<16x128xf32> -> vector<128x128xf32>
    %transpose3A_330 = tpu.transpose %concatenate3A_329, [1, 0] : vector<128x128xf32> -> vector<128x128xf32>
    %swap3A_331 = arith.constant 3072 : index
    %swap3A_332 = arith.constant 0 : index
    %swap3A_333 = vector.load %arg2[%swap3A_331, %swap3A_332] : memref<16384x128xf32, #tpu.memory_space<vmem>>, vector<128x128xf32>
    tpu.vector_store %arg2[%swap3A_331, %swap3A_332], %transpose3A_330 {strides = array<i32>} : memref<16384x128xf32, #tpu.memory_space<vmem>>, vector<128x128xf32>,
    %slice3A_334 = vector.extract_strided_slice %mul3A_12 {offsets = [0, 25600], sizes = [16, 128], strides = [1, 1]} : vector<16x131072xf32> to vector<16x128xf32>
    %slice3A_335 = vector.extract_strided_slice %mul3A_12 {offsets = [0, 25728], sizes = [16, 128], strides = [1, 1]} : vector<16x131072xf32> to vector<16x128xf32>
    %slice3A_336 = vector.extract_strided_slice %mul3A_12 {offsets = [0, 25856], sizes = [16, 128], strides = [1, 1]} : vector<16x131072xf32> to vector<16x128xf32>
    %slice3A_337 = vector.extract_strided_slice %mul3A_12 {offsets = [0, 25984], sizes = [16, 128], strides = [1, 1]} : vector<16x131072xf32> to vector<16x128xf32>
    %slice3A_338 = vector.extract_strided_slice %mul3A_12 {offsets = [0, 26112], sizes = [16, 128], strides = [1, 1]} : vector<16x131072xf32> to vector<16x128xf32>
    %slice3A_339 = vector.extract_strided_slice %mul3A_12 {offsets = [0, 26240], sizes = [16, 128], strides = [1, 1]} : vector<16x131072xf32> to vector<16x128xf32>
    %slice3A_340 = vector.extract_strided_slice %mul3A_12 {offsets = [0, 26368], sizes = [16, 128], strides = [1, 1]} : vector<16x131072xf32> to vector<16x128xf32>
    %slice3A_341 = vector.extract_strided_slice %mul3A_12 {offsets = [0, 26496], sizes = [16, 128], strides = [1, 1]} : vector<16x131072xf32> to vector<16x128xf32>
    %concatenate3A_342 = tpu.concatenate %slice3A_334, %slice3A_335, %slice3A_336, %slice3A_337, %slice3A_338, %slice3A_339, %slice3A_340, %slice3A_341 in 0 : vector<16x128xf32>, vector<16x128xf32>, vector<16x128xf32>, vector<16x128xf32>, vector<16x128xf32>, vector<16x128xf32>, vector<16x128xf32>, vector<16x128xf32> -> vector<128x128xf32>
    %transpose3A_343 = tpu.transpose %concatenate3A_342, [1, 0] : vector<128x128xf32> -> vector<128x128xf32>
    %swap3A_344 = arith.constant 3200 : index
    %swap3A_345 = arith.constant 0 : index
    %swap3A_346 = vector.load %arg2[%swap3A_344, %swap3A_345] : memref<16384x128xf32, #tpu.memory_space<vmem>>, vector<128x128xf32>
    tpu.vector_store %arg2[%swap3A_344, %swap3A_345], %transpose3A_343 {strides = array<i32>} : memref<16384x128xf32, #tpu.memory_space<vmem>>, vector<128x128xf32>,
    %slice3A_347 = vector.extract_strided_slice %mul3A_12 {offsets = [0, 26624], sizes = [16, 128], strides = [1, 1]} : vector<16x131072xf32> to vector<16x128xf32>
    %slice3A_348 = vector.extract_strided_slice %mul3A_12 {offsets = [0, 26752], sizes = [16, 128], strides = [1, 1]} : vector<16x131072xf32> to vector<16x128xf32>
    %slice3A_349 = vector.extract_strided_slice %mul3A_12 {offsets = [0, 26880], sizes = [16, 128], strides = [1, 1]} : vector<16x131072xf32> to vector<16x128xf32>
    %slice3A_350 = vector.extract_strided_slice %mul3A_12 {offsets = [0, 27008], sizes = [16, 128], strides = [1, 1]} : vector<16x131072xf32> to vector<16x128xf32>
    %slice3A_351 = vector.extract_strided_slice %mul3A_12 {offsets = [0, 27136], sizes = [16, 128], strides = [1, 1]} : vector<16x131072xf32> to vector<16x128xf32>
    %slice3A_352 = vector.extract_strided_slice %mul3A_12 {offsets = [0, 27264], sizes = [16, 128], strides = [1, 1]} : vector<16x131072xf32> to vector<16x128xf32>
    %slice3A_353 = vector.extract_strided_slice %mul3A_12 {offsets = [0, 27392], sizes = [16, 128], strides = [1, 1]} : vector<16x131072xf32> to vector<16x128xf32>
    %slice3A_354 = vector.extract_strided_slice %mul3A_12 {offsets = [0, 27520], sizes = [16, 128], strides = [1, 1]} : vector<16x131072xf32> to vector<16x128xf32>
    %concatenate3A_355 = tpu.concatenate %slice3A_347, %slice3A_348, %slice3A_349, %slice3A_350, %slice3A_351, %slice3A_352, %slice3A_353, %slice3A_354 in 0 : vector<16x128xf32>, vector<16x128xf32>, vector<16x128xf32>, vector<16x128xf32>, vector<16x128xf32>, vector<16x128xf32>, vector<16x128xf32>, vector<16x128xf32> -> vector<128x128xf32>
    %transpose3A_356 = tpu.transpose %concatenate3A_355, [1, 0] : vector<128x128xf32> -> vector<128x128xf32>
    %swap3A_357 = arith.constant 3328 : index
    %swap3A_358 = arith.constant 0 : index
    %swap3A_359 = vector.load %arg2[%swap3A_357, %swap3A_358] : memref<16384x128xf32, #tpu.memory_space<vmem>>, vector<128x128xf32>
    tpu.vector_store %arg2[%swap3A_357, %swap3A_358], %transpose3A_356 {strides = array<i32>} : memref<16384x128xf32, #tpu.memory_space<vmem>>, vector<128x128xf32>,
    %slice3A_360 = vector.extract_strided_slice %mul3A_12 {offsets = [0, 27648], sizes = [16, 128], strides = [1, 1]} : vector<16x131072xf32> to vector<16x128xf32>
    %slice3A_361 = vector.extract_strided_slice %mul3A_12 {offsets = [0, 27776], sizes = [16, 128], strides = [1, 1]} : vector<16x131072xf32> to vector<16x128xf32>
    %slice3A_362 = vector.extract_strided_slice %mul3A_12 {offsets = [0, 27904], sizes = [16, 128], strides = [1, 1]} : vector<16x131072xf32> to vector<16x128xf32>
    %slice3A_363 = vector.extract_strided_slice %mul3A_12 {offsets = [0, 28032], sizes = [16, 128], strides = [1, 1]} : vector<16x131072xf32> to vector<16x128xf32>
    %slice3A_364 = vector.extract_strided_slice %mul3A_12 {offsets = [0, 28160], sizes = [16, 128], strides = [1, 1]} : vector<16x131072xf32> to vector<16x128xf32>
    %slice3A_365 = vector.extract_strided_slice %mul3A_12 {offsets = [0, 28288], sizes = [16, 128], strides = [1, 1]} : vector<16x131072xf32> to vector<16x128xf32>
    %slice3A_366 = vector.extract_strided_slice %mul3A_12 {offsets = [0, 28416], sizes = [16, 128], strides = [1, 1]} : vector<16x131072xf32> to vector<16x128xf32>
    %slice3A_367 = vector.extract_strided_slice %mul3A_12 {offsets = [0, 28544], sizes = [16, 128], strides = [1, 1]} : vector<16x131072xf32> to vector<16x128xf32>
    %concatenate3A_368 = tpu.concatenate %slice3A_360, %slice3A_361, %slice3A_362, %slice3A_363, %slice3A_364, %slice3A_365, %slice3A_366, %slice3A_367 in 0 : vector<16x128xf32>, vector<16x128xf32>, vector<16x128xf32>, vector<16x128xf32>, vector<16x128xf32>, vector<16x128xf32>, vector<16x128xf32>, vector<16x128xf32> -> vector<128x128xf32>
    %transpose3A_369 = tpu.transpose %concatenate3A_368, [1, 0] : vector<128x128xf32> -> vector<128x128xf32>
    %swap3A_370 = arith.constant 3456 : index
    %swap3A_371 = arith.constant 0 : index
    %swap3A_372 = vector.load %arg2[%swap3A_370, %swap3A_371] : memref<16384x128xf32, #tpu.memory_space<vmem>>, vector<128x128xf32>
    tpu.vector_store %arg2[%swap3A_370, %swap3A_371], %transpose3A_369 {strides = array<i32>} : memref<16384x128xf32, #tpu.memory_space<vmem>>, vector<128x128xf32>,
    %slice3A_373 = vector.extract_strided_slice %mul3A_12 {offsets = [0, 28672], sizes = [16, 128], strides = [1, 1]} : vector<16x131072xf32> to vector<16x128xf32>
    %slice3A_374 = vector.extract_strided_slice %mul3A_12 {offsets = [0, 28800], sizes = [16, 128], strides = [1, 1]} : vector<16x131072xf32> to vector<16x128xf32>
    %slice3A_375 = vector.extract_strided_slice %mul3A_12 {offsets = [0, 28928], sizes = [16, 128], strides = [1, 1]} : vector<16x131072xf32> to vector<16x128xf32>
    %slice3A_376 = vector.extract_strided_slice %mul3A_12 {offsets = [0, 29056], sizes = [16, 128], strides = [1, 1]} : vector<16x131072xf32> to vector<16x128xf32>
    %slice3A_377 = vector.extract_strided_slice %mul3A_12 {offsets = [0, 29184], sizes = [16, 128], strides = [1, 1]} : vector<16x131072xf32> to vector<16x128xf32>
    %slice3A_378 = vector.extract_strided_slice %mul3A_12 {offsets = [0, 29312], sizes = [16, 128], strides = [1, 1]} : vector<16x131072xf32> to vector<16x128xf32>
    %slice3A_379 = vector.extract_strided_slice %mul3A_12 {offsets = [0, 29440], sizes = [16, 128], strides = [1, 1]} : vector<16x131072xf32> to vector<16x128xf32>
    %slice3A_380 = vector.extract_strided_slice %mul3A_12 {offsets = [0, 29568], sizes = [16, 128], strides = [1, 1]} : vector<16x131072xf32> to vector<16x128xf32>
    %concatenate3A_381 = tpu.concatenate %slice3A_373, %slice3A_374, %slice3A_375, %slice3A_376, %slice3A_377, %slice3A_378, %slice3A_379, %slice3A_380 in 0 : vector<16x128xf32>, vector<16x128xf32>, vector<16x128xf32>, vector<16x128xf32>, vector<16x128xf32>, vector<16x128xf32>, vector<16x128xf32>, vector<16x128xf32> -> vector<128x128xf32>
    %transpose3A_382 = tpu.transpose %concatenate3A_381, [1, 0] : vector<128x128xf32> -> vector<128x128xf32>
    %swap3A_383 = arith.constant 3584 : index
    %swap3A_384 = arith.constant 0 : index
    %swap3A_385 = vector.load %arg2[%swap3A_383, %swap3A_384] : memref<16384x128xf32, #tpu.memory_space<vmem>>, vector<128x128xf32>
    tpu.vector_store %arg2[%swap3A_383, %swap3A_384], %transpose3A_382 {strides = array<i32>} : memref<16384x128xf32, #tpu.memory_space<vmem>>, vector<128x128xf32>,
    %slice3A_386 = vector.extract_strided_slice %mul3A_12 {offsets = [0, 29696], sizes = [16, 128], strides = [1, 1]} : vector<16x131072xf32> to vector<16x128xf32>
    %slice3A_387 = vector.extract_strided_slice %mul3A_12 {offsets = [0, 29824], sizes = [16, 128], strides = [1, 1]} : vector<16x131072xf32> to vector<16x128xf32>
    %slice3A_388 = vector.extract_strided_slice %mul3A_12 {offsets = [0, 29952], sizes = [16, 128], strides = [1, 1]} : vector<16x131072xf32> to vector<16x128xf32>
    %slice3A_389 = vector.extract_strided_slice %mul3A_12 {offsets = [0, 30080], sizes = [16, 128], strides = [1, 1]} : vector<16x131072xf32> to vector<16x128xf32>
    %slice3A_390 = vector.extract_strided_slice %mul3A_12 {offsets = [0, 30208], sizes = [16, 128], strides = [1, 1]} : vector<16x131072xf32> to vector<16x128xf32>
    %slice3A_391 = vector.extract_strided_slice %mul3A_12 {offsets = [0, 30336], sizes = [16, 128], strides = [1, 1]} : vector<16x131072xf32> to vector<16x128xf32>
    %slice3A_392 = vector.extract_strided_slice %mul3A_12 {offsets = [0, 30464], sizes = [16, 128], strides = [1, 1]} : vector<16x131072xf32> to vector<16x128xf32>
    %slice3A_393 = vector.extract_strided_slice %mul3A_12 {offsets = [0, 30592], sizes = [16, 128], strides = [1, 1]} : vector<16x131072xf32> to vector<16x128xf32>
    %concatenate3A_394 = tpu.concatenate %slice3A_386, %slice3A_387, %slice3A_388, %slice3A_389, %slice3A_390, %slice3A_391, %slice3A_392, %slice3A_393 in 0 : vector<16x128xf32>, vector<16x128xf32>, vector<16x128xf32>, vector<16x128xf32>, vector<16x128xf32>, vector<16x128xf32>, vector<16x128xf32>, vector<16x128xf32> -> vector<128x128xf32>
    %transpose3A_395 = tpu.transpose %concatenate3A_394, [1, 0] : vector<128x128xf32> -> vector<128x128xf32>
    %swap3A_396 = arith.constant 3712 : index
    %swap3A_397 = arith.constant 0 : index
    %swap3A_398 = vector.load %arg2[%swap3A_396, %swap3A_397] : memref<16384x128xf32, #tpu.memory_space<vmem>>, vector<128x128xf32>
    tpu.vector_store %arg2[%swap3A_396, %swap3A_397], %transpose3A_395 {strides = array<i32>} : memref<16384x128xf32, #tpu.memory_space<vmem>>, vector<128x128xf32>,
    %slice3A_399 = vector.extract_strided_slice %mul3A_12 {offsets = [0, 30720], sizes = [16, 128], strides = [1, 1]} : vector<16x131072xf32> to vector<16x128xf32>
    %slice3A_400 = vector.extract_strided_slice %mul3A_12 {offsets = [0, 30848], sizes = [16, 128], strides = [1, 1]} : vector<16x131072xf32> to vector<16x128xf32>
    %slice3A_401 = vector.extract_strided_slice %mul3A_12 {offsets = [0, 30976], sizes = [16, 128], strides = [1, 1]} : vector<16x131072xf32> to vector<16x128xf32>
    %slice3A_402 = vector.extract_strided_slice %mul3A_12 {offsets = [0, 31104], sizes = [16, 128], strides = [1, 1]} : vector<16x131072xf32> to vector<16x128xf32>
    %slice3A_403 = vector.extract_strided_slice %mul3A_12 {offsets = [0, 31232], sizes = [16, 128], strides = [1, 1]} : vector<16x131072xf32> to vector<16x128xf32>
    %slice3A_404 = vector.extract_strided_slice %mul3A_12 {offsets = [0, 31360], sizes = [16, 128], strides = [1, 1]} : vector<16x131072xf32> to vector<16x128xf32>
    %slice3A_405 = vector.extract_strided_slice %mul3A_12 {offsets = [0, 31488], sizes = [16, 128], strides = [1, 1]} : vector<16x131072xf32> to vector<16x128xf32>
    %slice3A_406 = vector.extract_strided_slice %mul3A_12 {offsets = [0, 31616], sizes = [16, 128], strides = [1, 1]} : vector<16x131072xf32> to vector<16x128xf32>
    %concatenate3A_407 = tpu.concatenate %slice3A_399, %slice3A_400, %slice3A_401, %slice3A_402, %slice3A_403, %slice3A_404, %slice3A_405, %slice3A_406 in 0 : vector<16x128xf32>, vector<16x128xf32>, vector<16x128xf32>, vector<16x128xf32>, vector<16x128xf32>, vector<16x128xf32>, vector<16x128xf32>, vector<16x128xf32> -> vector<128x128xf32>
    %transpose3A_408 = tpu.transpose %concatenate3A_407, [1, 0] : vector<128x128xf32> -> vector<128x128xf32>
    %swap3A_409 = arith.constant 3840 : index
    %swap3A_410 = arith.constant 0 : index
    %swap3A_411 = vector.load %arg2[%swap3A_409, %swap3A_410] : memref<16384x128xf32, #tpu.memory_space<vmem>>, vector<128x128xf32>
    tpu.vector_store %arg2[%swap3A_409, %swap3A_410], %transpose3A_408 {strides = array<i32>} : memref<16384x128xf32, #tpu.memory_space<vmem>>, vector<128x128xf32>,
    %slice3A_412 = vector.extract_strided_slice %mul3A_12 {offsets = [0, 31744], sizes = [16, 128], strides = [1, 1]} : vector<16x131072xf32> to vector<16x128xf32>
    %slice3A_413 = vector.extract_strided_slice %mul3A_12 {offsets = [0, 31872], sizes = [16, 128], strides = [1, 1]} : vector<16x131072xf32> to vector<16x128xf32>
    %slice3A_414 = vector.extract_strided_slice %mul3A_12 {offsets = [0, 32000], sizes = [16, 128], strides = [1, 1]} : vector<16x131072xf32> to vector<16x128xf32>
    %slice3A_415 = vector.extract_strided_slice %mul3A_12 {offsets = [0, 32128], sizes = [16, 128], strides = [1, 1]} : vector<16x131072xf32> to vector<16x128xf32>
    %slice3A_416 = vector.extract_strided_slice %mul3A_12 {offsets = [0, 32256], sizes = [16, 128], strides = [1, 1]} : vector<16x131072xf32> to vector<16x128xf32>
    %slice3A_417 = vector.extract_strided_slice %mul3A_12 {offsets = [0, 32384], sizes = [16, 128], strides = [1, 1]} : vector<16x131072xf32> to vector<16x128xf32>
    %slice3A_418 = vector.extract_strided_slice %mul3A_12 {offsets = [0, 32512], sizes = [16, 128], strides = [1, 1]} : vector<16x131072xf32> to vector<16x128xf32>
    %slice3A_419 = vector.extract_strided_slice %mul3A_12 {offsets = [0, 32640], sizes = [16, 128], strides = [1, 1]} : vector<16x131072xf32> to vector<16x128xf32>
    %concatenate3A_420 = tpu.concatenate %slice3A_412, %slice3A_413, %slice3A_414, %slice3A_415, %slice3A_416, %slice3A_417, %slice3A_418, %slice3A_419 in 0 : vector<16x128xf32>, vector<16x128xf32>, vector<16x128xf32>, vector<16x128xf32>, vector<16x128xf32>, vector<16x128xf32>, vector<16x128xf32>, vector<16x128xf32> -> vector<128x128xf32>
    %transpose3A_421 = tpu.transpose %concatenate3A_420, [1, 0] : vector<128x128xf32> -> vector<128x128xf32>
    %swap3A_422 = arith.constant 3968 : index
    %swap3A_423 = arith.constant 0 : index
    %swap3A_424 = vector.load %arg2[%swap3A_422, %swap3A_423] : memref<16384x128xf32, #tpu.memory_space<vmem>>, vector<128x128xf32>
    tpu.vector_store %arg2[%swap3A_422, %swap3A_423], %transpose3A_421 {strides = array<i32>} : memref<16384x128xf32, #tpu.memory_space<vmem>>, vector<128x128xf32>,
    %slice3A_425 = vector.extract_strided_slice %mul3A_12 {offsets = [0, 32768], sizes = [16, 128], strides = [1, 1]} : vector<16x131072xf32> to vector<16x128xf32>
    %slice3A_426 = vector.extract_strided_slice %mul3A_12 {offsets = [0, 32896], sizes = [16, 128], strides = [1, 1]} : vector<16x131072xf32> to vector<16x128xf32>
    %slice3A_427 = vector.extract_strided_slice %mul3A_12 {offsets = [0, 33024], sizes = [16, 128], strides = [1, 1]} : vector<16x131072xf32> to vector<16x128xf32>
    %slice3A_428 = vector.extract_strided_slice %mul3A_12 {offsets = [0, 33152], sizes = [16, 128], strides = [1, 1]} : vector<16x131072xf32> to vector<16x128xf32>
    %slice3A_429 = vector.extract_strided_slice %mul3A_12 {offsets = [0, 33280], sizes = [16, 128], strides = [1, 1]} : vector<16x131072xf32> to vector<16x128xf32>
    %slice3A_430 = vector.extract_strided_slice %mul3A_12 {offsets = [0, 33408], sizes = [16, 128], strides = [1, 1]} : vector<16x131072xf32> to vector<16x128xf32>
    %slice3A_431 = vector.extract_strided_slice %mul3A_12 {offsets = [0, 33536], sizes = [16, 128], strides = [1, 1]} : vector<16x131072xf32> to vector<16x128xf32>
    %slice3A_432 = vector.extract_strided_slice %mul3A_12 {offsets = [0, 33664], sizes = [16, 128], strides = [1, 1]} : vector<16x131072xf32> to vector<16x128xf32>
    %concatenate3A_433 = tpu.concatenate %slice3A_425, %slice3A_426, %slice3A_427, %slice3A_428, %slice3A_429, %slice3A_430, %slice3A_431, %slice3A_432 in 0 : vector<16x128xf32>, vector<16x128xf32>, vector<16x128xf32>, vector<16x128xf32>, vector<16x128xf32>, vector<16x128xf32>, vector<16x128xf32>, vector<16x128xf32> -> vector<128x128xf32>
    %transpose3A_434 = tpu.transpose %concatenate3A_433, [1, 0] : vector<128x128xf32> -> vector<128x128xf32>
    %swap3A_435 = arith.constant 4096 : index
    %swap3A_436 = arith.constant 0 : index
    %swap3A_437 = vector.load %arg2[%swap3A_435, %swap3A_436] : memref<16384x128xf32, #tpu.memory_space<vmem>>, vector<128x128xf32>
    tpu.vector_store %arg2[%swap3A_435, %swap3A_436], %transpose3A_434 {strides = array<i32>} : memref<16384x128xf32, #tpu.memory_space<vmem>>, vector<128x128xf32>,
    %slice3A_438 = vector.extract_strided_slice %mul3A_12 {offsets = [0, 33792], sizes = [16, 128], strides = [1, 1]} : vector<16x131072xf32> to vector<16x128xf32>
    %slice3A_439 = vector.extract_strided_slice %mul3A_12 {offsets = [0, 33920], sizes = [16, 128], strides = [1, 1]} : vector<16x131072xf32> to vector<16x128xf32>
    %slice3A_440 = vector.extract_strided_slice %mul3A_12 {offsets = [0, 34048], sizes = [16, 128], strides = [1, 1]} : vector<16x131072xf32> to vector<16x128xf32>
    %slice3A_441 = vector.extract_strided_slice %mul3A_12 {offsets = [0, 34176], sizes = [16, 128], strides = [1, 1]} : vector<16x131072xf32> to vector<16x128xf32>
    %slice3A_442 = vector.extract_strided_slice %mul3A_12 {offsets = [0, 34304], sizes = [16, 128], strides = [1, 1]} : vector<16x131072xf32> to vector<16x128xf32>
    %slice3A_443 = vector.extract_strided_slice %mul3A_12 {offsets = [0, 34432], sizes = [16, 128], strides = [1, 1]} : vector<16x131072xf32> to vector<16x128xf32>
    %slice3A_444 = vector.extract_strided_slice %mul3A_12 {offsets = [0, 34560], sizes = [16, 128], strides = [1, 1]} : vector<16x131072xf32> to vector<16x128xf32>
    %slice3A_445 = vector.extract_strided_slice %mul3A_12 {offsets = [0, 34688], sizes = [16, 128], strides = [1, 1]} : vector<16x131072xf32> to vector<16x128xf32>
    %concatenate3A_446 = tpu.concatenate %slice3A_438, %slice3A_439, %slice3A_440, %slice3A_441, %slice3A_442, %slice3A_443, %slice3A_444, %slice3A_445 in 0 : vector<16x128xf32>, vector<16x128xf32>, vector<16x128xf32>, vector<16x128xf32>, vector<16x128xf32>, vector<16x128xf32>, vector<16x128xf32>, vector<16x128xf32> -> vector<128x128xf32>
    %transpose3A_447 = tpu.transpose %concatenate3A_446, [1, 0] : vector<128x128xf32> -> vector<128x128xf32>
    %swap3A_448 = arith.constant 4224 : index
    %swap3A_449 = arith.constant 0 : index
    %swap3A_450 = vector.load %arg2[%swap3A_448, %swap3A_449] : memref<16384x128xf32, #tpu.memory_space<vmem>>, vector<128x128xf32>
    tpu.vector_store %arg2[%swap3A_448, %swap3A_449], %transpose3A_447 {strides = array<i32>} : memref<16384x128xf32, #tpu.memory_space<vmem>>, vector<128x128xf32>,
    %slice3A_451 = vector.extract_strided_slice %mul3A_12 {offsets = [0, 34816], sizes = [16, 128], strides = [1, 1]} : vector<16x131072xf32> to vector<16x128xf32>
    %slice3A_452 = vector.extract_strided_slice %mul3A_12 {offsets = [0, 34944], sizes = [16, 128], strides = [1, 1]} : vector<16x131072xf32> to vector<16x128xf32>
    %slice3A_453 = vector.extract_strided_slice %mul3A_12 {offsets = [0, 35072], sizes = [16, 128], strides = [1, 1]} : vector<16x131072xf32> to vector<16x128xf32>
    %slice3A_454 = vector.extract_strided_slice %mul3A_12 {offsets = [0, 35200], sizes = [16, 128], strides = [1, 1]} : vector<16x131072xf32> to vector<16x128xf32>
    %slice3A_455 = vector.extract_strided_slice %mul3A_12 {offsets = [0, 35328], sizes = [16, 128], strides = [1, 1]} : vector<16x131072xf32> to vector<16x128xf32>
    %slice3A_456 = vector.extract_strided_slice %mul3A_12 {offsets = [0, 35456], sizes = [16, 128], strides = [1, 1]} : vector<16x131072xf32> to vector<16x128xf32>
    %slice3A_457 = vector.extract_strided_slice %mul3A_12 {offsets = [0, 35584], sizes = [16, 128], strides = [1, 1]} : vector<16x131072xf32> to vector<16x128xf32>
    %slice3A_458 = vector.extract_strided_slice %mul3A_12 {offsets = [0, 35712], sizes = [16, 128], strides = [1, 1]} : vector<16x131072xf32> to vector<16x128xf32>
    %concatenate3A_459 = tpu.concatenate %slice3A_451, %slice3A_452, %slice3A_453, %slice3A_454, %slice3A_455, %slice3A_456, %slice3A_457, %slice3A_458 in 0 : vector<16x128xf32>, vector<16x128xf32>, vector<16x128xf32>, vector<16x128xf32>, vector<16x128xf32>, vector<16x128xf32>, vector<16x128xf32>, vector<16x128xf32> -> vector<128x128xf32>
    %transpose3A_460 = tpu.transpose %concatenate3A_459, [1, 0] : vector<128x128xf32> -> vector<128x128xf32>
    %swap3A_461 = arith.constant 4352 : index
    %swap3A_462 = arith.constant 0 : index
    %swap3A_463 = vector.load %arg2[%swap3A_461, %swap3A_462] : memref<16384x128xf32, #tpu.memory_space<vmem>>, vector<128x128xf32>
    tpu.vector_store %arg2[%swap3A_461, %swap3A_462], %transpose3A_460 {strides = array<i32>} : memref<16384x128xf32, #tpu.memory_space<vmem>>, vector<128x128xf32>,
    %slice3A_464 = vector.extract_strided_slice %mul3A_12 {offsets = [0, 35840], sizes = [16, 128], strides = [1, 1]} : vector<16x131072xf32> to vector<16x128xf32>
    %slice3A_465 = vector.extract_strided_slice %mul3A_12 {offsets = [0, 35968], sizes = [16, 128], strides = [1, 1]} : vector<16x131072xf32> to vector<16x128xf32>
    %slice3A_466 = vector.extract_strided_slice %mul3A_12 {offsets = [0, 36096], sizes = [16, 128], strides = [1, 1]} : vector<16x131072xf32> to vector<16x128xf32>
    %slice3A_467 = vector.extract_strided_slice %mul3A_12 {offsets = [0, 36224], sizes = [16, 128], strides = [1, 1]} : vector<16x131072xf32> to vector<16x128xf32>
    %slice3A_468 = vector.extract_strided_slice %mul3A_12 {offsets = [0, 36352], sizes = [16, 128], strides = [1, 1]} : vector<16x131072xf32> to vector<16x128xf32>
    %slice3A_469 = vector.extract_strided_slice %mul3A_12 {offsets = [0, 36480], sizes = [16, 128], strides = [1, 1]} : vector<16x131072xf32> to vector<16x128xf32>
    %slice3A_470 = vector.extract_strided_slice %mul3A_12 {offsets = [0, 36608], sizes = [16, 128], strides = [1, 1]} : vector<16x131072xf32> to vector<16x128xf32>
    %slice3A_471 = vector.extract_strided_slice %mul3A_12 {offsets = [0, 36736], sizes = [16, 128], strides = [1, 1]} : vector<16x131072xf32> to vector<16x128xf32>
    %concatenate3A_472 = tpu.concatenate %slice3A_464, %slice3A_465, %slice3A_466, %slice3A_467, %slice3A_468, %slice3A_469, %slice3A_470, %slice3A_471 in 0 : vector<16x128xf32>, vector<16x128xf32>, vector<16x128xf32>, vector<16x128xf32>, vector<16x128xf32>, vector<16x128xf32>, vector<16x128xf32>, vector<16x128xf32> -> vector<128x128xf32>
    %transpose3A_473 = tpu.transpose %concatenate3A_472, [1, 0] : vector<128x128xf32> -> vector<128x128xf32>
    %swap3A_474 = arith.constant 4480 : index
    %swap3A_475 = arith.constant 0 : index
    %swap3A_476 = vector.load %arg2[%swap3A_474, %swap3A_475] : memref<16384x128xf32, #tpu.memory_space<vmem>>, vector<128x128xf32>
    tpu.vector_store %arg2[%swap3A_474, %swap3A_475], %transpose3A_473 {strides = array<i32>} : memref<16384x128xf32, #tpu.memory_space<vmem>>, vector<128x128xf32>,
    %slice3A_477 = vector.extract_strided_slice %mul3A_12 {offsets = [0, 36864], sizes = [16, 128], strides = [1, 1]} : vector<16x131072xf32> to vector<16x128xf32>
    %slice3A_478 = vector.extract_strided_slice %mul3A_12 {offsets = [0, 36992], sizes = [16, 128], strides = [1, 1]} : vector<16x131072xf32> to vector<16x128xf32>
    %slice3A_479 = vector.extract_strided_slice %mul3A_12 {offsets = [0, 37120], sizes = [16, 128], strides = [1, 1]} : vector<16x131072xf32> to vector<16x128xf32>
    %slice3A_480 = vector.extract_strided_slice %mul3A_12 {offsets = [0, 37248], sizes = [16, 128], strides = [1, 1]} : vector<16x131072xf32> to vector<16x128xf32>
    %slice3A_481 = vector.extract_strided_slice %mul3A_12 {offsets = [0, 37376], sizes = [16, 128], strides = [1, 1]} : vector<16x131072xf32> to vector<16x128xf32>
    %slice3A_482 = vector.extract_strided_slice %mul3A_12 {offsets = [0, 37504], sizes = [16, 128], strides = [1, 1]} : vector<16x131072xf32> to vector<16x128xf32>
    %slice3A_483 = vector.extract_strided_slice %mul3A_12 {offsets = [0, 37632], sizes = [16, 128], strides = [1, 1]} : vector<16x131072xf32> to vector<16x128xf32>
    %slice3A_484 = vector.extract_strided_slice %mul3A_12 {offsets = [0, 37760], sizes = [16, 128], strides = [1, 1]} : vector<16x131072xf32> to vector<16x128xf32>
    %concatenate3A_485 = tpu.concatenate %slice3A_477, %slice3A_478, %slice3A_479, %slice3A_480, %slice3A_481, %slice3A_482, %slice3A_483, %slice3A_484 in 0 : vector<16x128xf32>, vector<16x128xf32>, vector<16x128xf32>, vector<16x128xf32>, vector<16x128xf32>, vector<16x128xf32>, vector<16x128xf32>, vector<16x128xf32> -> vector<128x128xf32>
    %transpose3A_486 = tpu.transpose %concatenate3A_485, [1, 0] : vector<128x128xf32> -> vector<128x128xf32>
    %swap3A_487 = arith.constant 4608 : index
    %swap3A_488 = arith.constant 0 : index
    %swap3A_489 = vector.load %arg2[%swap3A_487, %swap3A_488] : memref<16384x128xf32, #tpu.memory_space<vmem>>, vector<128x128xf32>
    tpu.vector_store %arg2[%swap3A_487, %swap3A_488], %transpose3A_486 {strides = array<i32>} : memref<16384x128xf32, #tpu.memory_space<vmem>>, vector<128x128xf32>,
    %slice3A_490 = vector.extract_strided_slice %mul3A_12 {offsets = [0, 37888], sizes = [16, 128], strides = [1, 1]} : vector<16x131072xf32> to vector<16x128xf32>
    %slice3A_491 = vector.extract_strided_slice %mul3A_12 {offsets = [0, 38016], sizes = [16, 128], strides = [1, 1]} : vector<16x131072xf32> to vector<16x128xf32>
    %slice3A_492 = vector.extract_strided_slice %mul3A_12 {offsets = [0, 38144], sizes = [16, 128], strides = [1, 1]} : vector<16x131072xf32> to vector<16x128xf32>
    %slice3A_493 = vector.extract_strided_slice %mul3A_12 {offsets = [0, 38272], sizes = [16, 128], strides = [1, 1]} : vector<16x131072xf32> to vector<16x128xf32>
    %slice3A_494 = vector.extract_strided_slice %mul3A_12 {offsets = [0, 38400], sizes = [16, 128], strides = [1, 1]} : vector<16x131072xf32> to vector<16x128xf32>
    %slice3A_495 = vector.extract_strided_slice %mul3A_12 {offsets = [0, 38528], sizes = [16, 128], strides = [1, 1]} : vector<16x131072xf32> to vector<16x128xf32>
    %slice3A_496 = vector.extract_strided_slice %mul3A_12 {offsets = [0, 38656], sizes = [16, 128], strides = [1, 1]} : vector<16x131072xf32> to vector<16x128xf32>
    %slice3A_497 = vector.extract_strided_slice %mul3A_12 {offsets = [0, 38784], sizes = [16, 128], strides = [1, 1]} : vector<16x131072xf32> to vector<16x128xf32>
    %concatenate3A_498 = tpu.concatenate %slice3A_490, %slice3A_491, %slice3A_492, %slice3A_493, %slice3A_494, %slice3A_495, %slice3A_496, %slice3A_497 in 0 : vector<16x128xf32>, vector<16x128xf32>, vector<16x128xf32>, vector<16x128xf32>, vector<16x128xf32>, vector<16x128xf32>, vector<16x128xf32>, vector<16x128xf32> -> vector<128x128xf32>
    %transpose3A_499 = tpu.transpose %concatenate3A_498, [1, 0] : vector<128x128xf32> -> vector<128x128xf32>
    %swap3A_500 = arith.constant 4736 : index
    %swap3A_501 = arith.constant 0 : index
    %swap3A_502 = vector.load %arg2[%swap3A_500, %swap3A_501] : memref<16384x128xf32, #tpu.memory_space<vmem>>, vector<128x128xf32>
    tpu.vector_store %arg2[%swap3A_500, %swap3A_501], %transpose3A_499 {strides = array<i32>} : memref<16384x128xf32, #tpu.memory_space<vmem>>, vector<128x128xf32>,
    %slice3A_503 = vector.extract_strided_slice %mul3A_12 {offsets = [0, 38912], sizes = [16, 128], strides = [1, 1]} : vector<16x131072xf32> to vector<16x128xf32>
    %slice3A_504 = vector.extract_strided_slice %mul3A_12 {offsets = [0, 39040], sizes = [16, 128], strides = [1, 1]} : vector<16x131072xf32> to vector<16x128xf32>
    %slice3A_505 = vector.extract_strided_slice %mul3A_12 {offsets = [0, 39168], sizes = [16, 128], strides = [1, 1]} : vector<16x131072xf32> to vector<16x128xf32>
    %slice3A_506 = vector.extract_strided_slice %mul3A_12 {offsets = [0, 39296], sizes = [16, 128], strides = [1, 1]} : vector<16x131072xf32> to vector<16x128xf32>
    %slice3A_507 = vector.extract_strided_slice %mul3A_12 {offsets = [0, 39424], sizes = [16, 128], strides = [1, 1]} : vector<16x131072xf32> to vector<16x128xf32>
    %slice3A_508 = vector.extract_strided_slice %mul3A_12 {offsets = [0, 39552], sizes = [16, 128], strides = [1, 1]} : vector<16x131072xf32> to vector<16x128xf32>
    %slice3A_509 = vector.extract_strided_slice %mul3A_12 {offsets = [0, 39680], sizes = [16, 128], strides = [1, 1]} : vector<16x131072xf32> to vector<16x128xf32>
    %slice3A_510 = vector.extract_strided_slice %mul3A_12 {offsets = [0, 39808], sizes = [16, 128], strides = [1, 1]} : vector<16x131072xf32> to vector<16x128xf32>
    %concatenate3A_511 = tpu.concatenate %slice3A_503, %slice3A_504, %slice3A_505, %slice3A_506, %slice3A_507, %slice3A_508, %slice3A_509, %slice3A_510 in 0 : vector<16x128xf32>, vector<16x128xf32>, vector<16x128xf32>, vector<16x128xf32>, vector<16x128xf32>, vector<16x128xf32>, vector<16x128xf32>, vector<16x128xf32> -> vector<128x128xf32>
    %transpose3A_512 = tpu.transpose %concatenate3A_511, [1, 0] : vector<128x128xf32> -> vector<128x128xf32>
    %swap3A_513 = arith.constant 4864 : index
    %swap3A_514 = arith.constant 0 : index
    %swap3A_515 = vector.load %arg2[%swap3A_513, %swap3A_514] : memref<16384x128xf32, #tpu.memory_space<vmem>>, vector<128x128xf32>
    tpu.vector_store %arg2[%swap3A_513, %swap3A_514], %transpose3A_512 {strides = array<i32>} : memref<16384x128xf32, #tpu.memory_space<vmem>>, vector<128x128xf32>,
    %slice3A_516 = vector.extract_strided_slice %mul3A_12 {offsets = [0, 39936], sizes = [16, 128], strides = [1, 1]} : vector<16x131072xf32> to vector<16x128xf32>
    %slice3A_517 = vector.extract_strided_slice %mul3A_12 {offsets = [0, 40064], sizes = [16, 128], strides = [1, 1]} : vector<16x131072xf32> to vector<16x128xf32>
    %slice3A_518 = vector.extract_strided_slice %mul3A_12 {offsets = [0, 40192], sizes = [16, 128], strides = [1, 1]} : vector<16x131072xf32> to vector<16x128xf32>
    %slice3A_519 = vector.extract_strided_slice %mul3A_12 {offsets = [0, 40320], sizes = [16, 128], strides = [1, 1]} : vector<16x131072xf32> to vector<16x128xf32>
    %slice3A_520 = vector.extract_strided_slice %mul3A_12 {offsets = [0, 40448], sizes = [16, 128], strides = [1, 1]} : vector<16x131072xf32> to vector<16x128xf32>
    %slice3A_521 = vector.extract_strided_slice %mul3A_12 {offsets = [0, 40576], sizes = [16, 128], strides = [1, 1]} : vector<16x131072xf32> to vector<16x128xf32>
    %slice3A_522 = vector.extract_strided_slice %mul3A_12 {offsets = [0, 40704], sizes = [16, 128], strides = [1, 1]} : vector<16x131072xf32> to vector<16x128xf32>
    %slice3A_523 = vector.extract_strided_slice %mul3A_12 {offsets = [0, 40832], sizes = [16, 128], strides = [1, 1]} : vector<16x131072xf32> to vector<16x128xf32>
    %concatenate3A_524 = tpu.concatenate %slice3A_516, %slice3A_517, %slice3A_518, %slice3A_519, %slice3A_520, %slice3A_521, %slice3A_522, %slice3A_523 in 0 : vector<16x128xf32>, vector<16x128xf32>, vector<16x128xf32>, vector<16x128xf32>, vector<16x128xf32>, vector<16x128xf32>, vector<16x128xf32>, vector<16x128xf32> -> vector<128x128xf32>
    %transpose3A_525 = tpu.transpose %concatenate3A_524, [1, 0] : vector<128x128xf32> -> vector<128x128xf32>
    %swap3A_526 = arith.constant 4992 : index
    %swap3A_527 = arith.constant 0 : index
    %swap3A_528 = vector.load %arg2[%swap3A_526, %swap3A_527] : memref<16384x128xf32, #tpu.memory_space<vmem>>, vector<128x128xf32>
    tpu.vector_store %arg2[%swap3A_526, %swap3A_527], %transpose3A_525 {strides = array<i32>} : memref<16384x128xf32, #tpu.memory_space<vmem>>, vector<128x128xf32>,
    %slice3A_529 = vector.extract_strided_slice %mul3A_12 {offsets = [0, 40960], sizes = [16, 128], strides = [1, 1]} : vector<16x131072xf32> to vector<16x128xf32>
    %slice3A_530 = vector.extract_strided_slice %mul3A_12 {offsets = [0, 41088], sizes = [16, 128], strides = [1, 1]} : vector<16x131072xf32> to vector<16x128xf32>
    %slice3A_531 = vector.extract_strided_slice %mul3A_12 {offsets = [0, 41216], sizes = [16, 128], strides = [1, 1]} : vector<16x131072xf32> to vector<16x128xf32>
    %slice3A_532 = vector.extract_strided_slice %mul3A_12 {offsets = [0, 41344], sizes = [16, 128], strides = [1, 1]} : vector<16x131072xf32> to vector<16x128xf32>
    %slice3A_533 = vector.extract_strided_slice %mul3A_12 {offsets = [0, 41472], sizes = [16, 128], strides = [1, 1]} : vector<16x131072xf32> to vector<16x128xf32>
    %slice3A_534 = vector.extract_strided_slice %mul3A_12 {offsets = [0, 41600], sizes = [16, 128], strides = [1, 1]} : vector<16x131072xf32> to vector<16x128xf32>
    %slice3A_535 = vector.extract_strided_slice %mul3A_12 {offsets = [0, 41728], sizes = [16, 128], strides = [1, 1]} : vector<16x131072xf32> to vector<16x128xf32>
    %slice3A_536 = vector.extract_strided_slice %mul3A_12 {offsets = [0, 41856], sizes = [16, 128], strides = [1, 1]} : vector<16x131072xf32> to vector<16x128xf32>
    %concatenate3A_537 = tpu.concatenate %slice3A_529, %slice3A_530, %slice3A_531, %slice3A_532, %slice3A_533, %slice3A_534, %slice3A_535, %slice3A_536 in 0 : vector<16x128xf32>, vector<16x128xf32>, vector<16x128xf32>, vector<16x128xf32>, vector<16x128xf32>, vector<16x128xf32>, vector<16x128xf32>, vector<16x128xf32> -> vector<128x128xf32>
    %transpose3A_538 = tpu.transpose %concatenate3A_537, [1, 0] : vector<128x128xf32> -> vector<128x128xf32>
    %swap3A_539 = arith.constant 5120 : index
    %swap3A_540 = arith.constant 0 : index
    %swap3A_541 = vector.load %arg2[%swap3A_539, %swap3A_540] : memref<16384x128xf32, #tpu.memory_space<vmem>>, vector<128x128xf32>
    tpu.vector_store %arg2[%swap3A_539, %swap3A_540], %transpose3A_538 {strides = array<i32>} : memref<16384x128xf32, #tpu.memory_space<vmem>>, vector<128x128xf32>,
    %slice3A_542 = vector.extract_strided_slice %mul3A_12 {offsets = [0, 41984], sizes = [16, 128], strides = [1, 1]} : vector<16x131072xf32> to vector<16x128xf32>
    %slice3A_543 = vector.extract_strided_slice %mul3A_12 {offsets = [0, 42112], sizes = [16, 128], strides = [1, 1]} : vector<16x131072xf32> to vector<16x128xf32>
    %slice3A_544 = vector.extract_strided_slice %mul3A_12 {offsets = [0, 42240], sizes = [16, 128], strides = [1, 1]} : vector<16x131072xf32> to vector<16x128xf32>
    %slice3A_545 = vector.extract_strided_slice %mul3A_12 {offsets = [0, 42368], sizes = [16, 128], strides = [1, 1]} : vector<16x131072xf32> to vector<16x128xf32>
    %slice3A_546 = vector.extract_strided_slice %mul3A_12 {offsets = [0, 42496], sizes = [16, 128], strides = [1, 1]} : vector<16x131072xf32> to vector<16x128xf32>
    %slice3A_547 = vector.extract_strided_slice %mul3A_12 {offsets = [0, 42624], sizes = [16, 128], strides = [1, 1]} : vector<16x131072xf32> to vector<16x128xf32>
    %slice3A_548 = vector.extract_strided_slice %mul3A_12 {offsets = [0, 42752], sizes = [16, 128], strides = [1, 1]} : vector<16x131072xf32> to vector<16x128xf32>
    %slice3A_549 = vector.extract_strided_slice %mul3A_12 {offsets = [0, 42880], sizes = [16, 128], strides = [1, 1]} : vector<16x131072xf32> to vector<16x128xf32>
    %concatenate3A_550 = tpu.concatenate %slice3A_542, %slice3A_543, %slice3A_544, %slice3A_545, %slice3A_546, %slice3A_547, %slice3A_548, %slice3A_549 in 0 : vector<16x128xf32>, vector<16x128xf32>, vector<16x128xf32>, vector<16x128xf32>, vector<16x128xf32>, vector<16x128xf32>, vector<16x128xf32>, vector<16x128xf32> -> vector<128x128xf32>
    %transpose3A_551 = tpu.transpose %concatenate3A_550, [1, 0] : vector<128x128xf32> -> vector<128x128xf32>
    %swap3A_552 = arith.constant 5248 : index
    %swap3A_553 = arith.constant 0 : index
    %swap3A_554 = vector.load %arg2[%swap3A_552, %swap3A_553] : memref<16384x128xf32, #tpu.memory_space<vmem>>, vector<128x128xf32>
    tpu.vector_store %arg2[%swap3A_552, %swap3A_553], %transpose3A_551 {strides = array<i32>} : memref<16384x128xf32, #tpu.memory_space<vmem>>, vector<128x128xf32>,
    %slice3A_555 = vector.extract_strided_slice %mul3A_12 {offsets = [0, 43008], sizes = [16, 128], strides = [1, 1]} : vector<16x131072xf32> to vector<16x128xf32>
    %slice3A_556 = vector.extract_strided_slice %mul3A_12 {offsets = [0, 43136], sizes = [16, 128], strides = [1, 1]} : vector<16x131072xf32> to vector<16x128xf32>
    %slice3A_557 = vector.extract_strided_slice %mul3A_12 {offsets = [0, 43264], sizes = [16, 128], strides = [1, 1]} : vector<16x131072xf32> to vector<16x128xf32>
    %slice3A_558 = vector.extract_strided_slice %mul3A_12 {offsets = [0, 43392], sizes = [16, 128], strides = [1, 1]} : vector<16x131072xf32> to vector<16x128xf32>
    %slice3A_559 = vector.extract_strided_slice %mul3A_12 {offsets = [0, 43520], sizes = [16, 128], strides = [1, 1]} : vector<16x131072xf32> to vector<16x128xf32>
    %slice3A_560 = vector.extract_strided_slice %mul3A_12 {offsets = [0, 43648], sizes = [16, 128], strides = [1, 1]} : vector<16x131072xf32> to vector<16x128xf32>
    %slice3A_561 = vector.extract_strided_slice %mul3A_12 {offsets = [0, 43776], sizes = [16, 128], strides = [1, 1]} : vector<16x131072xf32> to vector<16x128xf32>
    %slice3A_562 = vector.extract_strided_slice %mul3A_12 {offsets = [0, 43904], sizes = [16, 128], strides = [1, 1]} : vector<16x131072xf32> to vector<16x128xf32>
    %concatenate3A_563 = tpu.concatenate %slice3A_555, %slice3A_556, %slice3A_557, %slice3A_558, %slice3A_559, %slice3A_560, %slice3A_561, %slice3A_562 in 0 : vector<16x128xf32>, vector<16x128xf32>, vector<16x128xf32>, vector<16x128xf32>, vector<16x128xf32>, vector<16x128xf32>, vector<16x128xf32>, vector<16x128xf32> -> vector<128x128xf32>
    %transpose3A_564 = tpu.transpose %concatenate3A_563, [1, 0] : vector<128x128xf32> -> vector<128x128xf32>
    %swap3A_565 = arith.constant 5376 : index
    %swap3A_566 = arith.constant 0 : index
    %swap3A_567 = vector.load %arg2[%swap3A_565, %swap3A_566] : memref<16384x128xf32, #tpu.memory_space<vmem>>, vector<128x128xf32>
    tpu.vector_store %arg2[%swap3A_565, %swap3A_566], %transpose3A_564 {strides = array<i32>} : memref<16384x128xf32, #tpu.memory_space<vmem>>, vector<128x128xf32>,
    %slice3A_568 = vector.extract_strided_slice %mul3A_12 {offsets = [0, 44032], sizes = [16, 128], strides = [1, 1]} : vector<16x131072xf32> to vector<16x128xf32>
    %slice3A_569 = vector.extract_strided_slice %mul3A_12 {offsets = [0, 44160], sizes = [16, 128], strides = [1, 1]} : vector<16x131072xf32> to vector<16x128xf32>
    %slice3A_570 = vector.extract_strided_slice %mul3A_12 {offsets = [0, 44288], sizes = [16, 128], strides = [1, 1]} : vector<16x131072xf32> to vector<16x128xf32>
    %slice3A_571 = vector.extract_strided_slice %mul3A_12 {offsets = [0, 44416], sizes = [16, 128], strides = [1, 1]} : vector<16x131072xf32> to vector<16x128xf32>
    %slice3A_572 = vector.extract_strided_slice %mul3A_12 {offsets = [0, 44544], sizes = [16, 128], strides = [1, 1]} : vector<16x131072xf32> to vector<16x128xf32>
    %slice3A_573 = vector.extract_strided_slice %mul3A_12 {offsets = [0, 44672], sizes = [16, 128], strides = [1, 1]} : vector<16x131072xf32> to vector<16x128xf32>
    %slice3A_574 = vector.extract_strided_slice %mul3A_12 {offsets = [0, 44800], sizes = [16, 128], strides = [1, 1]} : vector<16x131072xf32> to vector<16x128xf32>
    %slice3A_575 = vector.extract_strided_slice %mul3A_12 {offsets = [0, 44928], sizes = [16, 128], strides = [1, 1]} : vector<16x131072xf32> to vector<16x128xf32>
    %concatenate3A_576 = tpu.concatenate %slice3A_568, %slice3A_569, %slice3A_570, %slice3A_571, %slice3A_572, %slice3A_573, %slice3A_574, %slice3A_575 in 0 : vector<16x128xf32>, vector<16x128xf32>, vector<16x128xf32>, vector<16x128xf32>, vector<16x128xf32>, vector<16x128xf32>, vector<16x128xf32>, vector<16x128xf32> -> vector<128x128xf32>
    %transpose3A_577 = tpu.transpose %concatenate3A_576, [1, 0] : vector<128x128xf32> -> vector<128x128xf32>
    %swap3A_578 = arith.constant 5504 : index
    %swap3A_579 = arith.constant 0 : index
    %swap3A_580 = vector.load %arg2[%swap3A_578, %swap3A_579] : memref<16384x128xf32, #tpu.memory_space<vmem>>, vector<128x128xf32>
    tpu.vector_store %arg2[%swap3A_578, %swap3A_579], %transpose3A_577 {strides = array<i32>} : memref<16384x128xf32, #tpu.memory_space<vmem>>, vector<128x128xf32>,
    %slice3A_581 = vector.extract_strided_slice %mul3A_12 {offsets = [0, 45056], sizes = [16, 128], strides = [1, 1]} : vector<16x131072xf32> to vector<16x128xf32>
    %slice3A_582 = vector.extract_strided_slice %mul3A_12 {offsets = [0, 45184], sizes = [16, 128], strides = [1, 1]} : vector<16x131072xf32> to vector<16x128xf32>
    %slice3A_583 = vector.extract_strided_slice %mul3A_12 {offsets = [0, 45312], sizes = [16, 128], strides = [1, 1]} : vector<16x131072xf32> to vector<16x128xf32>
    %slice3A_584 = vector.extract_strided_slice %mul3A_12 {offsets = [0, 45440], sizes = [16, 128], strides = [1, 1]} : vector<16x131072xf32> to vector<16x128xf32>
    %slice3A_585 = vector.extract_strided_slice %mul3A_12 {offsets = [0, 45568], sizes = [16, 128], strides = [1, 1]} : vector<16x131072xf32> to vector<16x128xf32>
    %slice3A_586 = vector.extract_strided_slice %mul3A_12 {offsets = [0, 45696], sizes = [16, 128], strides = [1, 1]} : vector<16x131072xf32> to vector<16x128xf32>
    %slice3A_587 = vector.extract_strided_slice %mul3A_12 {offsets = [0, 45824], sizes = [16, 128], strides = [1, 1]} : vector<16x131072xf32> to vector<16x128xf32>
    %slice3A_588 = vector.extract_strided_slice %mul3A_12 {offsets = [0, 45952], sizes = [16, 128], strides = [1, 1]} : vector<16x131072xf32> to vector<16x128xf32>
    %concatenate3A_589 = tpu.concatenate %slice3A_581, %slice3A_582, %slice3A_583, %slice3A_584, %slice3A_585, %slice3A_586, %slice3A_587, %slice3A_588 in 0 : vector<16x128xf32>, vector<16x128xf32>, vector<16x128xf32>, vector<16x128xf32>, vector<16x128xf32>, vector<16x128xf32>, vector<16x128xf32>, vector<16x128xf32> -> vector<128x128xf32>
    %transpose3A_590 = tpu.transpose %concatenate3A_589, [1, 0] : vector<128x128xf32> -> vector<128x128xf32>
    %swap3A_591 = arith.constant 5632 : index
    %swap3A_592 = arith.constant 0 : index
    %swap3A_593 = vector.load %arg2[%swap3A_591, %swap3A_592] : memref<16384x128xf32, #tpu.memory_space<vmem>>, vector<128x128xf32>
    tpu.vector_store %arg2[%swap3A_591, %swap3A_592], %transpose3A_590 {strides = array<i32>} : memref<16384x128xf32, #tpu.memory_space<vmem>>, vector<128x128xf32>,
    %slice3A_594 = vector.extract_strided_slice %mul3A_12 {offsets = [0, 46080], sizes = [16, 128], strides = [1, 1]} : vector<16x131072xf32> to vector<16x128xf32>
    %slice3A_595 = vector.extract_strided_slice %mul3A_12 {offsets = [0, 46208], sizes = [16, 128], strides = [1, 1]} : vector<16x131072xf32> to vector<16x128xf32>
    %slice3A_596 = vector.extract_strided_slice %mul3A_12 {offsets = [0, 46336], sizes = [16, 128], strides = [1, 1]} : vector<16x131072xf32> to vector<16x128xf32>
    %slice3A_597 = vector.extract_strided_slice %mul3A_12 {offsets = [0, 46464], sizes = [16, 128], strides = [1, 1]} : vector<16x131072xf32> to vector<16x128xf32>
    %slice3A_598 = vector.extract_strided_slice %mul3A_12 {offsets = [0, 46592], sizes = [16, 128], strides = [1, 1]} : vector<16x131072xf32> to vector<16x128xf32>
    %slice3A_599 = vector.extract_strided_slice %mul3A_12 {offsets = [0, 46720], sizes = [16, 128], strides = [1, 1]} : vector<16x131072xf32> to vector<16x128xf32>
    %slice3A_600 = vector.extract_strided_slice %mul3A_12 {offsets = [0, 46848], sizes = [16, 128], strides = [1, 1]} : vector<16x131072xf32> to vector<16x128xf32>
    %slice3A_601 = vector.extract_strided_slice %mul3A_12 {offsets = [0, 46976], sizes = [16, 128], strides = [1, 1]} : vector<16x131072xf32> to vector<16x128xf32>
    %concatenate3A_602 = tpu.concatenate %slice3A_594, %slice3A_595, %slice3A_596, %slice3A_597, %slice3A_598, %slice3A_599, %slice3A_600, %slice3A_601 in 0 : vector<16x128xf32>, vector<16x128xf32>, vector<16x128xf32>, vector<16x128xf32>, vector<16x128xf32>, vector<16x128xf32>, vector<16x128xf32>, vector<16x128xf32> -> vector<128x128xf32>
    %transpose3A_603 = tpu.transpose %concatenate3A_602, [1, 0] : vector<128x128xf32> -> vector<128x128xf32>
    %swap3A_604 = arith.constant 5760 : index
    %swap3A_605 = arith.constant 0 : index
    %swap3A_606 = vector.load %arg2[%swap3A_604, %swap3A_605] : memref<16384x128xf32, #tpu.memory_space<vmem>>, vector<128x128xf32>
    tpu.vector_store %arg2[%swap3A_604, %swap3A_605], %transpose3A_603 {strides = array<i32>} : memref<16384x128xf32, #tpu.memory_space<vmem>>, vector<128x128xf32>,
    %slice3A_607 = vector.extract_strided_slice %mul3A_12 {offsets = [0, 47104], sizes = [16, 128], strides = [1, 1]} : vector<16x131072xf32> to vector<16x128xf32>
    %slice3A_608 = vector.extract_strided_slice %mul3A_12 {offsets = [0, 47232], sizes = [16, 128], strides = [1, 1]} : vector<16x131072xf32> to vector<16x128xf32>
    %slice3A_609 = vector.extract_strided_slice %mul3A_12 {offsets = [0, 47360], sizes = [16, 128], strides = [1, 1]} : vector<16x131072xf32> to vector<16x128xf32>
    %slice3A_610 = vector.extract_strided_slice %mul3A_12 {offsets = [0, 47488], sizes = [16, 128], strides = [1, 1]} : vector<16x131072xf32> to vector<16x128xf32>
    %slice3A_611 = vector.extract_strided_slice %mul3A_12 {offsets = [0, 47616], sizes = [16, 128], strides = [1, 1]} : vector<16x131072xf32> to vector<16x128xf32>
    %slice3A_612 = vector.extract_strided_slice %mul3A_12 {offsets = [0, 47744], sizes = [16, 128], strides = [1, 1]} : vector<16x131072xf32> to vector<16x128xf32>
    %slice3A_613 = vector.extract_strided_slice %mul3A_12 {offsets = [0, 47872], sizes = [16, 128], strides = [1, 1]} : vector<16x131072xf32> to vector<16x128xf32>
    %slice3A_614 = vector.extract_strided_slice %mul3A_12 {offsets = [0, 48000], sizes = [16, 128], strides = [1, 1]} : vector<16x131072xf32> to vector<16x128xf32>
    %concatenate3A_615 = tpu.concatenate %slice3A_607, %slice3A_608, %slice3A_609, %slice3A_610, %slice3A_611, %slice3A_612, %slice3A_613, %slice3A_614 in 0 : vector<16x128xf32>, vector<16x128xf32>, vector<16x128xf32>, vector<16x128xf32>, vector<16x128xf32>, vector<16x128xf32>, vector<16x128xf32>, vector<16x128xf32> -> vector<128x128xf32>
    %transpose3A_616 = tpu.transpose %concatenate3A_615, [1, 0] : vector<128x128xf32> -> vector<128x128xf32>
    %swap3A_617 = arith.constant 5888 : index
    %swap3A_618 = arith.constant 0 : index
    %swap3A_619 = vector.load %arg2[%swap3A_617, %swap3A_618] : memref<16384x128xf32, #tpu.memory_space<vmem>>, vector<128x128xf32>
    tpu.vector_store %arg2[%swap3A_617, %swap3A_618], %transpose3A_616 {strides = array<i32>} : memref<16384x128xf32, #tpu.memory_space<vmem>>, vector<128x128xf32>,
    %slice3A_620 = vector.extract_strided_slice %mul3A_12 {offsets = [0, 48128], sizes = [16, 128], strides = [1, 1]} : vector<16x131072xf32> to vector<16x128xf32>
    %slice3A_621 = vector.extract_strided_slice %mul3A_12 {offsets = [0, 48256], sizes = [16, 128], strides = [1, 1]} : vector<16x131072xf32> to vector<16x128xf32>
    %slice3A_622 = vector.extract_strided_slice %mul3A_12 {offsets = [0, 48384], sizes = [16, 128], strides = [1, 1]} : vector<16x131072xf32> to vector<16x128xf32>
    %slice3A_623 = vector.extract_strided_slice %mul3A_12 {offsets = [0, 48512], sizes = [16, 128], strides = [1, 1]} : vector<16x131072xf32> to vector<16x128xf32>
    %slice3A_624 = vector.extract_strided_slice %mul3A_12 {offsets = [0, 48640], sizes = [16, 128], strides = [1, 1]} : vector<16x131072xf32> to vector<16x128xf32>
    %slice3A_625 = vector.extract_strided_slice %mul3A_12 {offsets = [0, 48768], sizes = [16, 128], strides = [1, 1]} : vector<16x131072xf32> to vector<16x128xf32>
    %slice3A_626 = vector.extract_strided_slice %mul3A_12 {offsets = [0, 48896], sizes = [16, 128], strides = [1, 1]} : vector<16x131072xf32> to vector<16x128xf32>
    %slice3A_627 = vector.extract_strided_slice %mul3A_12 {offsets = [0, 49024], sizes = [16, 128], strides = [1, 1]} : vector<16x131072xf32> to vector<16x128xf32>
    %concatenate3A_628 = tpu.concatenate %slice3A_620, %slice3A_621, %slice3A_622, %slice3A_623, %slice3A_624, %slice3A_625, %slice3A_626, %slice3A_627 in 0 : vector<16x128xf32>, vector<16x128xf32>, vector<16x128xf32>, vector<16x128xf32>, vector<16x128xf32>, vector<16x128xf32>, vector<16x128xf32>, vector<16x128xf32> -> vector<128x128xf32>
    %transpose3A_629 = tpu.transpose %concatenate3A_628, [1, 0] : vector<128x128xf32> -> vector<128x128xf32>
    %swap3A_630 = arith.constant 6016 : index
    %swap3A_631 = arith.constant 0 : index
    %swap3A_632 = vector.load %arg2[%swap3A_630, %swap3A_631] : memref<16384x128xf32, #tpu.memory_space<vmem>>, vector<128x128xf32>
    tpu.vector_store %arg2[%swap3A_630, %swap3A_631], %transpose3A_629 {strides = array<i32>} : memref<16384x128xf32, #tpu.memory_space<vmem>>, vector<128x128xf32>,
    %slice3A_633 = vector.extract_strided_slice %mul3A_12 {offsets = [0, 49152], sizes = [16, 128], strides = [1, 1]} : vector<16x131072xf32> to vector<16x128xf32>
    %slice3A_634 = vector.extract_strided_slice %mul3A_12 {offsets = [0, 49280], sizes = [16, 128], strides = [1, 1]} : vector<16x131072xf32> to vector<16x128xf32>
    %slice3A_635 = vector.extract_strided_slice %mul3A_12 {offsets = [0, 49408], sizes = [16, 128], strides = [1, 1]} : vector<16x131072xf32> to vector<16x128xf32>
    %slice3A_636 = vector.extract_strided_slice %mul3A_12 {offsets = [0, 49536], sizes = [16, 128], strides = [1, 1]} : vector<16x131072xf32> to vector<16x128xf32>
    %slice3A_637 = vector.extract_strided_slice %mul3A_12 {offsets = [0, 49664], sizes = [16, 128], strides = [1, 1]} : vector<16x131072xf32> to vector<16x128xf32>
    %slice3A_638 = vector.extract_strided_slice %mul3A_12 {offsets = [0, 49792], sizes = [16, 128], strides = [1, 1]} : vector<16x131072xf32> to vector<16x128xf32>
    %slice3A_639 = vector.extract_strided_slice %mul3A_12 {offsets = [0, 49920], sizes = [16, 128], strides = [1, 1]} : vector<16x131072xf32> to vector<16x128xf32>
    %slice3A_640 = vector.extract_strided_slice %mul3A_12 {offsets = [0, 50048], sizes = [16, 128], strides = [1, 1]} : vector<16x131072xf32> to vector<16x128xf32>
    %concatenate3A_641 = tpu.concatenate %slice3A_633, %slice3A_634, %slice3A_635, %slice3A_636, %slice3A_637, %slice3A_638, %slice3A_639, %slice3A_640 in 0 : vector<16x128xf32>, vector<16x128xf32>, vector<16x128xf32>, vector<16x128xf32>, vector<16x128xf32>, vector<16x128xf32>, vector<16x128xf32>, vector<16x128xf32> -> vector<128x128xf32>
    %transpose3A_642 = tpu.transpose %concatenate3A_641, [1, 0] : vector<128x128xf32> -> vector<128x128xf32>
    %swap3A_643 = arith.constant 6144 : index
    %swap3A_644 = arith.constant 0 : index
    %swap3A_645 = vector.load %arg2[%swap3A_643, %swap3A_644] : memref<16384x128xf32, #tpu.memory_space<vmem>>, vector<128x128xf32>
    tpu.vector_store %arg2[%swap3A_643, %swap3A_644], %transpose3A_642 {strides = array<i32>} : memref<16384x128xf32, #tpu.memory_space<vmem>>, vector<128x128xf32>,
    %slice3A_646 = vector.extract_strided_slice %mul3A_12 {offsets = [0, 50176], sizes = [16, 128], strides = [1, 1]} : vector<16x131072xf32> to vector<16x128xf32>
    %slice3A_647 = vector.extract_strided_slice %mul3A_12 {offsets = [0, 50304], sizes = [16, 128], strides = [1, 1]} : vector<16x131072xf32> to vector<16x128xf32>
    %slice3A_648 = vector.extract_strided_slice %mul3A_12 {offsets = [0, 50432], sizes = [16, 128], strides = [1, 1]} : vector<16x131072xf32> to vector<16x128xf32>
    %slice3A_649 = vector.extract_strided_slice %mul3A_12 {offsets = [0, 50560], sizes = [16, 128], strides = [1, 1]} : vector<16x131072xf32> to vector<16x128xf32>
    %slice3A_650 = vector.extract_strided_slice %mul3A_12 {offsets = [0, 50688], sizes = [16, 128], strides = [1, 1]} : vector<16x131072xf32> to vector<16x128xf32>
    %slice3A_651 = vector.extract_strided_slice %mul3A_12 {offsets = [0, 50816], sizes = [16, 128], strides = [1, 1]} : vector<16x131072xf32> to vector<16x128xf32>
    %slice3A_652 = vector.extract_strided_slice %mul3A_12 {offsets = [0, 50944], sizes = [16, 128], strides = [1, 1]} : vector<16x131072xf32> to vector<16x128xf32>
    %slice3A_653 = vector.extract_strided_slice %mul3A_12 {offsets = [0, 51072], sizes = [16, 128], strides = [1, 1]} : vector<16x131072xf32> to vector<16x128xf32>
    %concatenate3A_654 = tpu.concatenate %slice3A_646, %slice3A_647, %slice3A_648, %slice3A_649, %slice3A_650, %slice3A_651, %slice3A_652, %slice3A_653 in 0 : vector<16x128xf32>, vector<16x128xf32>, vector<16x128xf32>, vector<16x128xf32>, vector<16x128xf32>, vector<16x128xf32>, vector<16x128xf32>, vector<16x128xf32> -> vector<128x128xf32>
    %transpose3A_655 = tpu.transpose %concatenate3A_654, [1, 0] : vector<128x128xf32> -> vector<128x128xf32>
    %swap3A_656 = arith.constant 6272 : index
    %swap3A_657 = arith.constant 0 : index
    %swap3A_658 = vector.load %arg2[%swap3A_656, %swap3A_657] : memref<16384x128xf32, #tpu.memory_space<vmem>>, vector<128x128xf32>
    tpu.vector_store %arg2[%swap3A_656, %swap3A_657], %transpose3A_655 {strides = array<i32>} : memref<16384x128xf32, #tpu.memory_space<vmem>>, vector<128x128xf32>,
    %slice3A_659 = vector.extract_strided_slice %mul3A_12 {offsets = [0, 51200], sizes = [16, 128], strides = [1, 1]} : vector<16x131072xf32> to vector<16x128xf32>
    %slice3A_660 = vector.extract_strided_slice %mul3A_12 {offsets = [0, 51328], sizes = [16, 128], strides = [1, 1]} : vector<16x131072xf32> to vector<16x128xf32>
    %slice3A_661 = vector.extract_strided_slice %mul3A_12 {offsets = [0, 51456], sizes = [16, 128], strides = [1, 1]} : vector<16x131072xf32> to vector<16x128xf32>
    %slice3A_662 = vector.extract_strided_slice %mul3A_12 {offsets = [0, 51584], sizes = [16, 128], strides = [1, 1]} : vector<16x131072xf32> to vector<16x128xf32>
    %slice3A_663 = vector.extract_strided_slice %mul3A_12 {offsets = [0, 51712], sizes = [16, 128], strides = [1, 1]} : vector<16x131072xf32> to vector<16x128xf32>
    %slice3A_664 = vector.extract_strided_slice %mul3A_12 {offsets = [0, 51840], sizes = [16, 128], strides = [1, 1]} : vector<16x131072xf32> to vector<16x128xf32>
    %slice3A_665 = vector.extract_strided_slice %mul3A_12 {offsets = [0, 51968], sizes = [16, 128], strides = [1, 1]} : vector<16x131072xf32> to vector<16x128xf32>
    %slice3A_666 = vector.extract_strided_slice %mul3A_12 {offsets = [0, 52096], sizes = [16, 128], strides = [1, 1]} : vector<16x131072xf32> to vector<16x128xf32>
    %concatenate3A_667 = tpu.concatenate %slice3A_659, %slice3A_660, %slice3A_661, %slice3A_662, %slice3A_663, %slice3A_664, %slice3A_665, %slice3A_666 in 0 : vector<16x128xf32>, vector<16x128xf32>, vector<16x128xf32>, vector<16x128xf32>, vector<16x128xf32>, vector<16x128xf32>, vector<16x128xf32>, vector<16x128xf32> -> vector<128x128xf32>
    %transpose3A_668 = tpu.transpose %concatenate3A_667, [1, 0] : vector<128x128xf32> -> vector<128x128xf32>
    %swap3A_669 = arith.constant 6400 : index
    %swap3A_670 = arith.constant 0 : index
    %swap3A_671 = vector.load %arg2[%swap3A_669, %swap3A_670] : memref<16384x128xf32, #tpu.memory_space<vmem>>, vector<128x128xf32>
    tpu.vector_store %arg2[%swap3A_669, %swap3A_670], %transpose3A_668 {strides = array<i32>} : memref<16384x128xf32, #tpu.memory_space<vmem>>, vector<128x128xf32>,
    %slice3A_672 = vector.extract_strided_slice %mul3A_12 {offsets = [0, 52224], sizes = [16, 128], strides = [1, 1]} : vector<16x131072xf32> to vector<16x128xf32>
    %slice3A_673 = vector.extract_strided_slice %mul3A_12 {offsets = [0, 52352], sizes = [16, 128], strides = [1, 1]} : vector<16x131072xf32> to vector<16x128xf32>
    %slice3A_674 = vector.extract_strided_slice %mul3A_12 {offsets = [0, 52480], sizes = [16, 128], strides = [1, 1]} : vector<16x131072xf32> to vector<16x128xf32>
    %slice3A_675 = vector.extract_strided_slice %mul3A_12 {offsets = [0, 52608], sizes = [16, 128], strides = [1, 1]} : vector<16x131072xf32> to vector<16x128xf32>
    %slice3A_676 = vector.extract_strided_slice %mul3A_12 {offsets = [0, 52736], sizes = [16, 128], strides = [1, 1]} : vector<16x131072xf32> to vector<16x128xf32>
    %slice3A_677 = vector.extract_strided_slice %mul3A_12 {offsets = [0, 52864], sizes = [16, 128], strides = [1, 1]} : vector<16x131072xf32> to vector<16x128xf32>
    %slice3A_678 = vector.extract_strided_slice %mul3A_12 {offsets = [0, 52992], sizes = [16, 128], strides = [1, 1]} : vector<16x131072xf32> to vector<16x128xf32>
    %slice3A_679 = vector.extract_strided_slice %mul3A_12 {offsets = [0, 53120], sizes = [16, 128], strides = [1, 1]} : vector<16x131072xf32> to vector<16x128xf32>
    %concatenate3A_680 = tpu.concatenate %slice3A_672, %slice3A_673, %slice3A_674, %slice3A_675, %slice3A_676, %slice3A_677, %slice3A_678, %slice3A_679 in 0 : vector<16x128xf32>, vector<16x128xf32>, vector<16x128xf32>, vector<16x128xf32>, vector<16x128xf32>, vector<16x128xf32>, vector<16x128xf32>, vector<16x128xf32> -> vector<128x128xf32>
    %transpose3A_681 = tpu.transpose %concatenate3A_680, [1, 0] : vector<128x128xf32> -> vector<128x128xf32>
    %swap3A_682 = arith.constant 6528 : index
    %swap3A_683 = arith.constant 0 : index
    %swap3A_684 = vector.load %arg2[%swap3A_682, %swap3A_683] : memref<16384x128xf32, #tpu.memory_space<vmem>>, vector<128x128xf32>
    tpu.vector_store %arg2[%swap3A_682, %swap3A_683], %transpose3A_681 {strides = array<i32>} : memref<16384x128xf32, #tpu.memory_space<vmem>>, vector<128x128xf32>,
    %slice3A_685 = vector.extract_strided_slice %mul3A_12 {offsets = [0, 53248], sizes = [16, 128], strides = [1, 1]} : vector<16x131072xf32> to vector<16x128xf32>
    %slice3A_686 = vector.extract_strided_slice %mul3A_12 {offsets = [0, 53376], sizes = [16, 128], strides = [1, 1]} : vector<16x131072xf32> to vector<16x128xf32>
    %slice3A_687 = vector.extract_strided_slice %mul3A_12 {offsets = [0, 53504], sizes = [16, 128], strides = [1, 1]} : vector<16x131072xf32> to vector<16x128xf32>
    %slice3A_688 = vector.extract_strided_slice %mul3A_12 {offsets = [0, 53632], sizes = [16, 128], strides = [1, 1]} : vector<16x131072xf32> to vector<16x128xf32>
    %slice3A_689 = vector.extract_strided_slice %mul3A_12 {offsets = [0, 53760], sizes = [16, 128], strides = [1, 1]} : vector<16x131072xf32> to vector<16x128xf32>
    %slice3A_690 = vector.extract_strided_slice %mul3A_12 {offsets = [0, 53888], sizes = [16, 128], strides = [1, 1]} : vector<16x131072xf32> to vector<16x128xf32>
    %slice3A_691 = vector.extract_strided_slice %mul3A_12 {offsets = [0, 54016], sizes = [16, 128], strides = [1, 1]} : vector<16x131072xf32> to vector<16x128xf32>
    %slice3A_692 = vector.extract_strided_slice %mul3A_12 {offsets = [0, 54144], sizes = [16, 128], strides = [1, 1]} : vector<16x131072xf32> to vector<16x128xf32>
    %concatenate3A_693 = tpu.concatenate %slice3A_685, %slice3A_686, %slice3A_687, %slice3A_688, %slice3A_689, %slice3A_690, %slice3A_691, %slice3A_692 in 0 : vector<16x128xf32>, vector<16x128xf32>, vector<16x128xf32>, vector<16x128xf32>, vector<16x128xf32>, vector<16x128xf32>, vector<16x128xf32>, vector<16x128xf32> -> vector<128x128xf32>
    %transpose3A_694 = tpu.transpose %concatenate3A_693, [1, 0] : vector<128x128xf32> -> vector<128x128xf32>
    %swap3A_695 = arith.constant 6656 : index
    %swap3A_696 = arith.constant 0 : index
    %swap3A_697 = vector.load %arg2[%swap3A_695, %swap3A_696] : memref<16384x128xf32, #tpu.memory_space<vmem>>, vector<128x128xf32>
    tpu.vector_store %arg2[%swap3A_695, %swap3A_696], %transpose3A_694 {strides = array<i32>} : memref<16384x128xf32, #tpu.memory_space<vmem>>, vector<128x128xf32>,
    %slice3A_698 = vector.extract_strided_slice %mul3A_12 {offsets = [0, 54272], sizes = [16, 128], strides = [1, 1]} : vector<16x131072xf32> to vector<16x128xf32>
    %slice3A_699 = vector.extract_strided_slice %mul3A_12 {offsets = [0, 54400], sizes = [16, 128], strides = [1, 1]} : vector<16x131072xf32> to vector<16x128xf32>
    %slice3A_700 = vector.extract_strided_slice %mul3A_12 {offsets = [0, 54528], sizes = [16, 128], strides = [1, 1]} : vector<16x131072xf32> to vector<16x128xf32>
    %slice3A_701 = vector.extract_strided_slice %mul3A_12 {offsets = [0, 54656], sizes = [16, 128], strides = [1, 1]} : vector<16x131072xf32> to vector<16x128xf32>
    %slice3A_702 = vector.extract_strided_slice %mul3A_12 {offsets = [0, 54784], sizes = [16, 128], strides = [1, 1]} : vector<16x131072xf32> to vector<16x128xf32>
    %slice3A_703 = vector.extract_strided_slice %mul3A_12 {offsets = [0, 54912], sizes = [16, 128], strides = [1, 1]} : vector<16x131072xf32> to vector<16x128xf32>
    %slice3A_704 = vector.extract_strided_slice %mul3A_12 {offsets = [0, 55040], sizes = [16, 128], strides = [1, 1]} : vector<16x131072xf32> to vector<16x128xf32>
    %slice3A_705 = vector.extract_strided_slice %mul3A_12 {offsets = [0, 55168], sizes = [16, 128], strides = [1, 1]} : vector<16x131072xf32> to vector<16x128xf32>
    %concatenate3A_706 = tpu.concatenate %slice3A_698, %slice3A_699, %slice3A_700, %slice3A_701, %slice3A_702, %slice3A_703, %slice3A_704, %slice3A_705 in 0 : vector<16x128xf32>, vector<16x128xf32>, vector<16x128xf32>, vector<16x128xf32>, vector<16x128xf32>, vector<16x128xf32>, vector<16x128xf32>, vector<16x128xf32> -> vector<128x128xf32>
    %transpose3A_707 = tpu.transpose %concatenate3A_706, [1, 0] : vector<128x128xf32> -> vector<128x128xf32>
    %swap3A_708 = arith.constant 6784 : index
    %swap3A_709 = arith.constant 0 : index
    %swap3A_710 = vector.load %arg2[%swap3A_708, %swap3A_709] : memref<16384x128xf32, #tpu.memory_space<vmem>>, vector<128x128xf32>
    tpu.vector_store %arg2[%swap3A_708, %swap3A_709], %transpose3A_707 {strides = array<i32>} : memref<16384x128xf32, #tpu.memory_space<vmem>>, vector<128x128xf32>,
    %slice3A_711 = vector.extract_strided_slice %mul3A_12 {offsets = [0, 55296], sizes = [16, 128], strides = [1, 1]} : vector<16x131072xf32> to vector<16x128xf32>
    %slice3A_712 = vector.extract_strided_slice %mul3A_12 {offsets = [0, 55424], sizes = [16, 128], strides = [1, 1]} : vector<16x131072xf32> to vector<16x128xf32>
    %slice3A_713 = vector.extract_strided_slice %mul3A_12 {offsets = [0, 55552], sizes = [16, 128], strides = [1, 1]} : vector<16x131072xf32> to vector<16x128xf32>
    %slice3A_714 = vector.extract_strided_slice %mul3A_12 {offsets = [0, 55680], sizes = [16, 128], strides = [1, 1]} : vector<16x131072xf32> to vector<16x128xf32>
    %slice3A_715 = vector.extract_strided_slice %mul3A_12 {offsets = [0, 55808], sizes = [16, 128], strides = [1, 1]} : vector<16x131072xf32> to vector<16x128xf32>
    %slice3A_716 = vector.extract_strided_slice %mul3A_12 {offsets = [0, 55936], sizes = [16, 128], strides = [1, 1]} : vector<16x131072xf32> to vector<16x128xf32>
    %slice3A_717 = vector.extract_strided_slice %mul3A_12 {offsets = [0, 56064], sizes = [16, 128], strides = [1, 1]} : vector<16x131072xf32> to vector<16x128xf32>
    %slice3A_718 = vector.extract_strided_slice %mul3A_12 {offsets = [0, 56192], sizes = [16, 128], strides = [1, 1]} : vector<16x131072xf32> to vector<16x128xf32>
    %concatenate3A_719 = tpu.concatenate %slice3A_711, %slice3A_712, %slice3A_713, %slice3A_714, %slice3A_715, %slice3A_716, %slice3A_717, %slice3A_718 in 0 : vector<16x128xf32>, vector<16x128xf32>, vector<16x128xf32>, vector<16x128xf32>, vector<16x128xf32>, vector<16x128xf32>, vector<16x128xf32>, vector<16x128xf32> -> vector<128x128xf32>
    %transpose3A_720 = tpu.transpose %concatenate3A_719, [1, 0] : vector<128x128xf32> -> vector<128x128xf32>
    %swap3A_721 = arith.constant 6912 : index
    %swap3A_722 = arith.constant 0 : index
    %swap3A_723 = vector.load %arg2[%swap3A_721, %swap3A_722] : memref<16384x128xf32, #tpu.memory_space<vmem>>, vector<128x128xf32>
    tpu.vector_store %arg2[%swap3A_721, %swap3A_722], %transpose3A_720 {strides = array<i32>} : memref<16384x128xf32, #tpu.memory_space<vmem>>, vector<128x128xf32>,
    %slice3A_724 = vector.extract_strided_slice %mul3A_12 {offsets = [0, 56320], sizes = [16, 128], strides = [1, 1]} : vector<16x131072xf32> to vector<16x128xf32>
    %slice3A_725 = vector.extract_strided_slice %mul3A_12 {offsets = [0, 56448], sizes = [16, 128], strides = [1, 1]} : vector<16x131072xf32> to vector<16x128xf32>
    %slice3A_726 = vector.extract_strided_slice %mul3A_12 {offsets = [0, 56576], sizes = [16, 128], strides = [1, 1]} : vector<16x131072xf32> to vector<16x128xf32>
    %slice3A_727 = vector.extract_strided_slice %mul3A_12 {offsets = [0, 56704], sizes = [16, 128], strides = [1, 1]} : vector<16x131072xf32> to vector<16x128xf32>
    %slice3A_728 = vector.extract_strided_slice %mul3A_12 {offsets = [0, 56832], sizes = [16, 128], strides = [1, 1]} : vector<16x131072xf32> to vector<16x128xf32>
    %slice3A_729 = vector.extract_strided_slice %mul3A_12 {offsets = [0, 56960], sizes = [16, 128], strides = [1, 1]} : vector<16x131072xf32> to vector<16x128xf32>
    %slice3A_730 = vector.extract_strided_slice %mul3A_12 {offsets = [0, 57088], sizes = [16, 128], strides = [1, 1]} : vector<16x131072xf32> to vector<16x128xf32>
    %slice3A_731 = vector.extract_strided_slice %mul3A_12 {offsets = [0, 57216], sizes = [16, 128], strides = [1, 1]} : vector<16x131072xf32> to vector<16x128xf32>
    %concatenate3A_732 = tpu.concatenate %slice3A_724, %slice3A_725, %slice3A_726, %slice3A_727, %slice3A_728, %slice3A_729, %slice3A_730, %slice3A_731 in 0 : vector<16x128xf32>, vector<16x128xf32>, vector<16x128xf32>, vector<16x128xf32>, vector<16x128xf32>, vector<16x128xf32>, vector<16x128xf32>, vector<16x128xf32> -> vector<128x128xf32>
    %transpose3A_733 = tpu.transpose %concatenate3A_732, [1, 0] : vector<128x128xf32> -> vector<128x128xf32>
    %swap3A_734 = arith.constant 7040 : index
    %swap3A_735 = arith.constant 0 : index
    %swap3A_736 = vector.load %arg2[%swap3A_734, %swap3A_735] : memref<16384x128xf32, #tpu.memory_space<vmem>>, vector<128x128xf32>
    tpu.vector_store %arg2[%swap3A_734, %swap3A_735], %transpose3A_733 {strides = array<i32>} : memref<16384x128xf32, #tpu.memory_space<vmem>>, vector<128x128xf32>,
    %slice3A_737 = vector.extract_strided_slice %mul3A_12 {offsets = [0, 57344], sizes = [16, 128], strides = [1, 1]} : vector<16x131072xf32> to vector<16x128xf32>
    %slice3A_738 = vector.extract_strided_slice %mul3A_12 {offsets = [0, 57472], sizes = [16, 128], strides = [1, 1]} : vector<16x131072xf32> to vector<16x128xf32>
    %slice3A_739 = vector.extract_strided_slice %mul3A_12 {offsets = [0, 57600], sizes = [16, 128], strides = [1, 1]} : vector<16x131072xf32> to vector<16x128xf32>
    %slice3A_740 = vector.extract_strided_slice %mul3A_12 {offsets = [0, 57728], sizes = [16, 128], strides = [1, 1]} : vector<16x131072xf32> to vector<16x128xf32>
    %slice3A_741 = vector.extract_strided_slice %mul3A_12 {offsets = [0, 57856], sizes = [16, 128], strides = [1, 1]} : vector<16x131072xf32> to vector<16x128xf32>
    %slice3A_742 = vector.extract_strided_slice %mul3A_12 {offsets = [0, 57984], sizes = [16, 128], strides = [1, 1]} : vector<16x131072xf32> to vector<16x128xf32>
    %slice3A_743 = vector.extract_strided_slice %mul3A_12 {offsets = [0, 58112], sizes = [16, 128], strides = [1, 1]} : vector<16x131072xf32> to vector<16x128xf32>
    %slice3A_744 = vector.extract_strided_slice %mul3A_12 {offsets = [0, 58240], sizes = [16, 128], strides = [1, 1]} : vector<16x131072xf32> to vector<16x128xf32>
    %concatenate3A_745 = tpu.concatenate %slice3A_737, %slice3A_738, %slice3A_739, %slice3A_740, %slice3A_741, %slice3A_742, %slice3A_743, %slice3A_744 in 0 : vector<16x128xf32>, vector<16x128xf32>, vector<16x128xf32>, vector<16x128xf32>, vector<16x128xf32>, vector<16x128xf32>, vector<16x128xf32>, vector<16x128xf32> -> vector<128x128xf32>
    %transpose3A_746 = tpu.transpose %concatenate3A_745, [1, 0] : vector<128x128xf32> -> vector<128x128xf32>
    %swap3A_747 = arith.constant 7168 : index
    %swap3A_748 = arith.constant 0 : index
    %swap3A_749 = vector.load %arg2[%swap3A_747, %swap3A_748] : memref<16384x128xf32, #tpu.memory_space<vmem>>, vector<128x128xf32>
    tpu.vector_store %arg2[%swap3A_747, %swap3A_748], %transpose3A_746 {strides = array<i32>} : memref<16384x128xf32, #tpu.memory_space<vmem>>, vector<128x128xf32>,
    %slice3A_750 = vector.extract_strided_slice %mul3A_12 {offsets = [0, 58368], sizes = [16, 128], strides = [1, 1]} : vector<16x131072xf32> to vector<16x128xf32>
    %slice3A_751 = vector.extract_strided_slice %mul3A_12 {offsets = [0, 58496], sizes = [16, 128], strides = [1, 1]} : vector<16x131072xf32> to vector<16x128xf32>
    %slice3A_752 = vector.extract_strided_slice %mul3A_12 {offsets = [0, 58624], sizes = [16, 128], strides = [1, 1]} : vector<16x131072xf32> to vector<16x128xf32>
    %slice3A_753 = vector.extract_strided_slice %mul3A_12 {offsets = [0, 58752], sizes = [16, 128], strides = [1, 1]} : vector<16x131072xf32> to vector<16x128xf32>
    %slice3A_754 = vector.extract_strided_slice %mul3A_12 {offsets = [0, 58880], sizes = [16, 128], strides = [1, 1]} : vector<16x131072xf32> to vector<16x128xf32>
    %slice3A_755 = vector.extract_strided_slice %mul3A_12 {offsets = [0, 59008], sizes = [16, 128], strides = [1, 1]} : vector<16x131072xf32> to vector<16x128xf32>
    %slice3A_756 = vector.extract_strided_slice %mul3A_12 {offsets = [0, 59136], sizes = [16, 128], strides = [1, 1]} : vector<16x131072xf32> to vector<16x128xf32>
    %slice3A_757 = vector.extract_strided_slice %mul3A_12 {offsets = [0, 59264], sizes = [16, 128], strides = [1, 1]} : vector<16x131072xf32> to vector<16x128xf32>
    %concatenate3A_758 = tpu.concatenate %slice3A_750, %slice3A_751, %slice3A_752, %slice3A_753, %slice3A_754, %slice3A_755, %slice3A_756, %slice3A_757 in 0 : vector<16x128xf32>, vector<16x128xf32>, vector<16x128xf32>, vector<16x128xf32>, vector<16x128xf32>, vector<16x128xf32>, vector<16x128xf32>, vector<16x128xf32> -> vector<128x128xf32>
    %transpose3A_759 = tpu.transpose %concatenate3A_758, [1, 0] : vector<128x128xf32> -> vector<128x128xf32>
    %swap3A_760 = arith.constant 7296 : index
    %swap3A_761 = arith.constant 0 : index
    %swap3A_762 = vector.load %arg2[%swap3A_760, %swap3A_761] : memref<16384x128xf32, #tpu.memory_space<vmem>>, vector<128x128xf32>
    tpu.vector_store %arg2[%swap3A_760, %swap3A_761], %transpose3A_759 {strides = array<i32>} : memref<16384x128xf32, #tpu.memory_space<vmem>>, vector<128x128xf32>,
    %slice3A_763 = vector.extract_strided_slice %mul3A_12 {offsets = [0, 59392], sizes = [16, 128], strides = [1, 1]} : vector<16x131072xf32> to vector<16x128xf32>
    %slice3A_764 = vector.extract_strided_slice %mul3A_12 {offsets = [0, 59520], sizes = [16, 128], strides = [1, 1]} : vector<16x131072xf32> to vector<16x128xf32>
    %slice3A_765 = vector.extract_strided_slice %mul3A_12 {offsets = [0, 59648], sizes = [16, 128], strides = [1, 1]} : vector<16x131072xf32> to vector<16x128xf32>
    %slice3A_766 = vector.extract_strided_slice %mul3A_12 {offsets = [0, 59776], sizes = [16, 128], strides = [1, 1]} : vector<16x131072xf32> to vector<16x128xf32>
    %slice3A_767 = vector.extract_strided_slice %mul3A_12 {offsets = [0, 59904], sizes = [16, 128], strides = [1, 1]} : vector<16x131072xf32> to vector<16x128xf32>
    %slice3A_768 = vector.extract_strided_slice %mul3A_12 {offsets = [0, 60032], sizes = [16, 128], strides = [1, 1]} : vector<16x131072xf32> to vector<16x128xf32>
    %slice3A_769 = vector.extract_strided_slice %mul3A_12 {offsets = [0, 60160], sizes = [16, 128], strides = [1, 1]} : vector<16x131072xf32> to vector<16x128xf32>
    %slice3A_770 = vector.extract_strided_slice %mul3A_12 {offsets = [0, 60288], sizes = [16, 128], strides = [1, 1]} : vector<16x131072xf32> to vector<16x128xf32>
    %concatenate3A_771 = tpu.concatenate %slice3A_763, %slice3A_764, %slice3A_765, %slice3A_766, %slice3A_767, %slice3A_768, %slice3A_769, %slice3A_770 in 0 : vector<16x128xf32>, vector<16x128xf32>, vector<16x128xf32>, vector<16x128xf32>, vector<16x128xf32>, vector<16x128xf32>, vector<16x128xf32>, vector<16x128xf32> -> vector<128x128xf32>
    %transpose3A_772 = tpu.transpose %concatenate3A_771, [1, 0] : vector<128x128xf32> -> vector<128x128xf32>
    %swap3A_773 = arith.constant 7424 : index
    %swap3A_774 = arith.constant 0 : index
    %swap3A_775 = vector.load %arg2[%swap3A_773, %swap3A_774] : memref<16384x128xf32, #tpu.memory_space<vmem>>, vector<128x128xf32>
    tpu.vector_store %arg2[%swap3A_773, %swap3A_774], %transpose3A_772 {strides = array<i32>} : memref<16384x128xf32, #tpu.memory_space<vmem>>, vector<128x128xf32>,
    %slice3A_776 = vector.extract_strided_slice %mul3A_12 {offsets = [0, 60416], sizes = [16, 128], strides = [1, 1]} : vector<16x131072xf32> to vector<16x128xf32>
    %slice3A_777 = vector.extract_strided_slice %mul3A_12 {offsets = [0, 60544], sizes = [16, 128], strides = [1, 1]} : vector<16x131072xf32> to vector<16x128xf32>
    %slice3A_778 = vector.extract_strided_slice %mul3A_12 {offsets = [0, 60672], sizes = [16, 128], strides = [1, 1]} : vector<16x131072xf32> to vector<16x128xf32>
    %slice3A_779 = vector.extract_strided_slice %mul3A_12 {offsets = [0, 60800], sizes = [16, 128], strides = [1, 1]} : vector<16x131072xf32> to vector<16x128xf32>
    %slice3A_780 = vector.extract_strided_slice %mul3A_12 {offsets = [0, 60928], sizes = [16, 128], strides = [1, 1]} : vector<16x131072xf32> to vector<16x128xf32>
    %slice3A_781 = vector.extract_strided_slice %mul3A_12 {offsets = [0, 61056], sizes = [16, 128], strides = [1, 1]} : vector<16x131072xf32> to vector<16x128xf32>
    %slice3A_782 = vector.extract_strided_slice %mul3A_12 {offsets = [0, 61184], sizes = [16, 128], strides = [1, 1]} : vector<16x131072xf32> to vector<16x128xf32>
    %slice3A_783 = vector.extract_strided_slice %mul3A_12 {offsets = [0, 61312], sizes = [16, 128], strides = [1, 1]} : vector<16x131072xf32> to vector<16x128xf32>
    %concatenate3A_784 = tpu.concatenate %slice3A_776, %slice3A_777, %slice3A_778, %slice3A_779, %slice3A_780, %slice3A_781, %slice3A_782, %slice3A_783 in 0 : vector<16x128xf32>, vector<16x128xf32>, vector<16x128xf32>, vector<16x128xf32>, vector<16x128xf32>, vector<16x128xf32>, vector<16x128xf32>, vector<16x128xf32> -> vector<128x128xf32>
    %transpose3A_785 = tpu.transpose %concatenate3A_784, [1, 0] : vector<128x128xf32> -> vector<128x128xf32>
    %swap3A_786 = arith.constant 7552 : index
    %swap3A_787 = arith.constant 0 : index
    %swap3A_788 = vector.load %arg2[%swap3A_786, %swap3A_787] : memref<16384x128xf32, #tpu.memory_space<vmem>>, vector<128x128xf32>
    tpu.vector_store %arg2[%swap3A_786, %swap3A_787], %transpose3A_785 {strides = array<i32>} : memref<16384x128xf32, #tpu.memory_space<vmem>>, vector<128x128xf32>,
    %slice3A_789 = vector.extract_strided_slice %mul3A_12 {offsets = [0, 61440], sizes = [16, 128], strides = [1, 1]} : vector<16x131072xf32> to vector<16x128xf32>
    %slice3A_790 = vector.extract_strided_slice %mul3A_12 {offsets = [0, 61568], sizes = [16, 128], strides = [1, 1]} : vector<16x131072xf32> to vector<16x128xf32>
    %slice3A_791 = vector.extract_strided_slice %mul3A_12 {offsets = [0, 61696], sizes = [16, 128], strides = [1, 1]} : vector<16x131072xf32> to vector<16x128xf32>
    %slice3A_792 = vector.extract_strided_slice %mul3A_12 {offsets = [0, 61824], sizes = [16, 128], strides = [1, 1]} : vector<16x131072xf32> to vector<16x128xf32>
    %slice3A_793 = vector.extract_strided_slice %mul3A_12 {offsets = [0, 61952], sizes = [16, 128], strides = [1, 1]} : vector<16x131072xf32> to vector<16x128xf32>
    %slice3A_794 = vector.extract_strided_slice %mul3A_12 {offsets = [0, 62080], sizes = [16, 128], strides = [1, 1]} : vector<16x131072xf32> to vector<16x128xf32>
    %slice3A_795 = vector.extract_strided_slice %mul3A_12 {offsets = [0, 62208], sizes = [16, 128], strides = [1, 1]} : vector<16x131072xf32> to vector<16x128xf32>
    %slice3A_796 = vector.extract_strided_slice %mul3A_12 {offsets = [0, 62336], sizes = [16, 128], strides = [1, 1]} : vector<16x131072xf32> to vector<16x128xf32>
    %concatenate3A_797 = tpu.concatenate %slice3A_789, %slice3A_790, %slice3A_791, %slice3A_792, %slice3A_793, %slice3A_794, %slice3A_795, %slice3A_796 in 0 : vector<16x128xf32>, vector<16x128xf32>, vector<16x128xf32>, vector<16x128xf32>, vector<16x128xf32>, vector<16x128xf32>, vector<16x128xf32>, vector<16x128xf32> -> vector<128x128xf32>
    %transpose3A_798 = tpu.transpose %concatenate3A_797, [1, 0] : vector<128x128xf32> -> vector<128x128xf32>
    %swap3A_799 = arith.constant 7680 : index
    %swap3A_800 = arith.constant 0 : index
    %swap3A_801 = vector.load %arg2[%swap3A_799, %swap3A_800] : memref<16384x128xf32, #tpu.memory_space<vmem>>, vector<128x128xf32>
    tpu.vector_store %arg2[%swap3A_799, %swap3A_800], %transpose3A_798 {strides = array<i32>} : memref<16384x128xf32, #tpu.memory_space<vmem>>, vector<128x128xf32>,
    %slice3A_802 = vector.extract_strided_slice %mul3A_12 {offsets = [0, 62464], sizes = [16, 128], strides = [1, 1]} : vector<16x131072xf32> to vector<16x128xf32>
    %slice3A_803 = vector.extract_strided_slice %mul3A_12 {offsets = [0, 62592], sizes = [16, 128], strides = [1, 1]} : vector<16x131072xf32> to vector<16x128xf32>
    %slice3A_804 = vector.extract_strided_slice %mul3A_12 {offsets = [0, 62720], sizes = [16, 128], strides = [1, 1]} : vector<16x131072xf32> to vector<16x128xf32>
    %slice3A_805 = vector.extract_strided_slice %mul3A_12 {offsets = [0, 62848], sizes = [16, 128], strides = [1, 1]} : vector<16x131072xf32> to vector<16x128xf32>
    %slice3A_806 = vector.extract_strided_slice %mul3A_12 {offsets = [0, 62976], sizes = [16, 128], strides = [1, 1]} : vector<16x131072xf32> to vector<16x128xf32>
    %slice3A_807 = vector.extract_strided_slice %mul3A_12 {offsets = [0, 63104], sizes = [16, 128], strides = [1, 1]} : vector<16x131072xf32> to vector<16x128xf32>
    %slice3A_808 = vector.extract_strided_slice %mul3A_12 {offsets = [0, 63232], sizes = [16, 128], strides = [1, 1]} : vector<16x131072xf32> to vector<16x128xf32>
    %slice3A_809 = vector.extract_strided_slice %mul3A_12 {offsets = [0, 63360], sizes = [16, 128], strides = [1, 1]} : vector<16x131072xf32> to vector<16x128xf32>
    %concatenate3A_810 = tpu.concatenate %slice3A_802, %slice3A_803, %slice3A_804, %slice3A_805, %slice3A_806, %slice3A_807, %slice3A_808, %slice3A_809 in 0 : vector<16x128xf32>, vector<16x128xf32>, vector<16x128xf32>, vector<16x128xf32>, vector<16x128xf32>, vector<16x128xf32>, vector<16x128xf32>, vector<16x128xf32> -> vector<128x128xf32>
    %transpose3A_811 = tpu.transpose %concatenate3A_810, [1, 0] : vector<128x128xf32> -> vector<128x128xf32>
    %swap3A_812 = arith.constant 7808 : index
    %swap3A_813 = arith.constant 0 : index
    %swap3A_814 = vector.load %arg2[%swap3A_812, %swap3A_813] : memref<16384x128xf32, #tpu.memory_space<vmem>>, vector<128x128xf32>
    tpu.vector_store %arg2[%swap3A_812, %swap3A_813], %transpose3A_811 {strides = array<i32>} : memref<16384x128xf32, #tpu.memory_space<vmem>>, vector<128x128xf32>,
    %slice3A_815 = vector.extract_strided_slice %mul3A_12 {offsets = [0, 63488], sizes = [16, 128], strides = [1, 1]} : vector<16x131072xf32> to vector<16x128xf32>
    %slice3A_816 = vector.extract_strided_slice %mul3A_12 {offsets = [0, 63616], sizes = [16, 128], strides = [1, 1]} : vector<16x131072xf32> to vector<16x128xf32>
    %slice3A_817 = vector.extract_strided_slice %mul3A_12 {offsets = [0, 63744], sizes = [16, 128], strides = [1, 1]} : vector<16x131072xf32> to vector<16x128xf32>
    %slice3A_818 = vector.extract_strided_slice %mul3A_12 {offsets = [0, 63872], sizes = [16, 128], strides = [1, 1]} : vector<16x131072xf32> to vector<16x128xf32>
    %slice3A_819 = vector.extract_strided_slice %mul3A_12 {offsets = [0, 64000], sizes = [16, 128], strides = [1, 1]} : vector<16x131072xf32> to vector<16x128xf32>
    %slice3A_820 = vector.extract_strided_slice %mul3A_12 {offsets = [0, 64128], sizes = [16, 128], strides = [1, 1]} : vector<16x131072xf32> to vector<16x128xf32>
    %slice3A_821 = vector.extract_strided_slice %mul3A_12 {offsets = [0, 64256], sizes = [16, 128], strides = [1, 1]} : vector<16x131072xf32> to vector<16x128xf32>
    %slice3A_822 = vector.extract_strided_slice %mul3A_12 {offsets = [0, 64384], sizes = [16, 128], strides = [1, 1]} : vector<16x131072xf32> to vector<16x128xf32>
    %concatenate3A_823 = tpu.concatenate %slice3A_815, %slice3A_816, %slice3A_817, %slice3A_818, %slice3A_819, %slice3A_820, %slice3A_821, %slice3A_822 in 0 : vector<16x128xf32>, vector<16x128xf32>, vector<16x128xf32>, vector<16x128xf32>, vector<16x128xf32>, vector<16x128xf32>, vector<16x128xf32>, vector<16x128xf32> -> vector<128x128xf32>
    %transpose3A_824 = tpu.transpose %concatenate3A_823, [1, 0] : vector<128x128xf32> -> vector<128x128xf32>
    %swap3A_825 = arith.constant 7936 : index
    %swap3A_826 = arith.constant 0 : index
    %swap3A_827 = vector.load %arg2[%swap3A_825, %swap3A_826] : memref<16384x128xf32, #tpu.memory_space<vmem>>, vector<128x128xf32>
    tpu.vector_store %arg2[%swap3A_825, %swap3A_826], %transpose3A_824 {strides = array<i32>} : memref<16384x128xf32, #tpu.memory_space<vmem>>, vector<128x128xf32>,
    %slice3A_828 = vector.extract_strided_slice %mul3A_12 {offsets = [0, 64512], sizes = [16, 128], strides = [1, 1]} : vector<16x131072xf32> to vector<16x128xf32>
    %slice3A_829 = vector.extract_strided_slice %mul3A_12 {offsets = [0, 64640], sizes = [16, 128], strides = [1, 1]} : vector<16x131072xf32> to vector<16x128xf32>
    %slice3A_830 = vector.extract_strided_slice %mul3A_12 {offsets = [0, 64768], sizes = [16, 128], strides = [1, 1]} : vector<16x131072xf32> to vector<16x128xf32>
    %slice3A_831 = vector.extract_strided_slice %mul3A_12 {offsets = [0, 64896], sizes = [16, 128], strides = [1, 1]} : vector<16x131072xf32> to vector<16x128xf32>
    %slice3A_832 = vector.extract_strided_slice %mul3A_12 {offsets = [0, 65024], sizes = [16, 128], strides = [1, 1]} : vector<16x131072xf32> to vector<16x128xf32>
    %slice3A_833 = vector.extract_strided_slice %mul3A_12 {offsets = [0, 65152], sizes = [16, 128], strides = [1, 1]} : vector<16x131072xf32> to vector<16x128xf32>
    %slice3A_834 = vector.extract_strided_slice %mul3A_12 {offsets = [0, 65280], sizes = [16, 128], strides = [1, 1]} : vector<16x131072xf32> to vector<16x128xf32>
    %slice3A_835 = vector.extract_strided_slice %mul3A_12 {offsets = [0, 65408], sizes = [16, 128], strides = [1, 1]} : vector<16x131072xf32> to vector<16x128xf32>
    %concatenate3A_836 = tpu.concatenate %slice3A_828, %slice3A_829, %slice3A_830, %slice3A_831, %slice3A_832, %slice3A_833, %slice3A_834, %slice3A_835 in 0 : vector<16x128xf32>, vector<16x128xf32>, vector<16x128xf32>, vector<16x128xf32>, vector<16x128xf32>, vector<16x128xf32>, vector<16x128xf32>, vector<16x128xf32> -> vector<128x128xf32>
    %transpose3A_837 = tpu.transpose %concatenate3A_836, [1, 0] : vector<128x128xf32> -> vector<128x128xf32>
    %swap3A_838 = arith.constant 8064 : index
    %swap3A_839 = arith.constant 0 : index
    %swap3A_840 = vector.load %arg2[%swap3A_838, %swap3A_839] : memref<16384x128xf32, #tpu.memory_space<vmem>>, vector<128x128xf32>
    tpu.vector_store %arg2[%swap3A_838, %swap3A_839], %transpose3A_837 {strides = array<i32>} : memref<16384x128xf32, #tpu.memory_space<vmem>>, vector<128x128xf32>,
    %slice3A_841 = vector.extract_strided_slice %mul3A_12 {offsets = [0, 65536], sizes = [16, 128], strides = [1, 1]} : vector<16x131072xf32> to vector<16x128xf32>
    %slice3A_842 = vector.extract_strided_slice %mul3A_12 {offsets = [0, 65664], sizes = [16, 128], strides = [1, 1]} : vector<16x131072xf32> to vector<16x128xf32>
    %slice3A_843 = vector.extract_strided_slice %mul3A_12 {offsets = [0, 65792], sizes = [16, 128], strides = [1, 1]} : vector<16x131072xf32> to vector<16x128xf32>
    %slice3A_844 = vector.extract_strided_slice %mul3A_12 {offsets = [0, 65920], sizes = [16, 128], strides = [1, 1]} : vector<16x131072xf32> to vector<16x128xf32>
    %slice3A_845 = vector.extract_strided_slice %mul3A_12 {offsets = [0, 66048], sizes = [16, 128], strides = [1, 1]} : vector<16x131072xf32> to vector<16x128xf32>
    %slice3A_846 = vector.extract_strided_slice %mul3A_12 {offsets = [0, 66176], sizes = [16, 128], strides = [1, 1]} : vector<16x131072xf32> to vector<16x128xf32>
    %slice3A_847 = vector.extract_strided_slice %mul3A_12 {offsets = [0, 66304], sizes = [16, 128], strides = [1, 1]} : vector<16x131072xf32> to vector<16x128xf32>
    %slice3A_848 = vector.extract_strided_slice %mul3A_12 {offsets = [0, 66432], sizes = [16, 128], strides = [1, 1]} : vector<16x131072xf32> to vector<16x128xf32>
    %concatenate3A_849 = tpu.concatenate %slice3A_841, %slice3A_842, %slice3A_843, %slice3A_844, %slice3A_845, %slice3A_846, %slice3A_847, %slice3A_848 in 0 : vector<16x128xf32>, vector<16x128xf32>, vector<16x128xf32>, vector<16x128xf32>, vector<16x128xf32>, vector<16x128xf32>, vector<16x128xf32>, vector<16x128xf32> -> vector<128x128xf32>
    %transpose3A_850 = tpu.transpose %concatenate3A_849, [1, 0] : vector<128x128xf32> -> vector<128x128xf32>
    %swap3A_851 = arith.constant 8192 : index
    %swap3A_852 = arith.constant 0 : index
    %swap3A_853 = vector.load %arg2[%swap3A_851, %swap3A_852] : memref<16384x128xf32, #tpu.memory_space<vmem>>, vector<128x128xf32>
    tpu.vector_store %arg2[%swap3A_851, %swap3A_852], %transpose3A_850 {strides = array<i32>} : memref<16384x128xf32, #tpu.memory_space<vmem>>, vector<128x128xf32>,
    %slice3A_854 = vector.extract_strided_slice %mul3A_12 {offsets = [0, 66560], sizes = [16, 128], strides = [1, 1]} : vector<16x131072xf32> to vector<16x128xf32>
    %slice3A_855 = vector.extract_strided_slice %mul3A_12 {offsets = [0, 66688], sizes = [16, 128], strides = [1, 1]} : vector<16x131072xf32> to vector<16x128xf32>
    %slice3A_856 = vector.extract_strided_slice %mul3A_12 {offsets = [0, 66816], sizes = [16, 128], strides = [1, 1]} : vector<16x131072xf32> to vector<16x128xf32>
    %slice3A_857 = vector.extract_strided_slice %mul3A_12 {offsets = [0, 66944], sizes = [16, 128], strides = [1, 1]} : vector<16x131072xf32> to vector<16x128xf32>
    %slice3A_858 = vector.extract_strided_slice %mul3A_12 {offsets = [0, 67072], sizes = [16, 128], strides = [1, 1]} : vector<16x131072xf32> to vector<16x128xf32>
    %slice3A_859 = vector.extract_strided_slice %mul3A_12 {offsets = [0, 67200], sizes = [16, 128], strides = [1, 1]} : vector<16x131072xf32> to vector<16x128xf32>
    %slice3A_860 = vector.extract_strided_slice %mul3A_12 {offsets = [0, 67328], sizes = [16, 128], strides = [1, 1]} : vector<16x131072xf32> to vector<16x128xf32>
    %slice3A_861 = vector.extract_strided_slice %mul3A_12 {offsets = [0, 67456], sizes = [16, 128], strides = [1, 1]} : vector<16x131072xf32> to vector<16x128xf32>
    %concatenate3A_862 = tpu.concatenate %slice3A_854, %slice3A_855, %slice3A_856, %slice3A_857, %slice3A_858, %slice3A_859, %slice3A_860, %slice3A_861 in 0 : vector<16x128xf32>, vector<16x128xf32>, vector<16x128xf32>, vector<16x128xf32>, vector<16x128xf32>, vector<16x128xf32>, vector<16x128xf32>, vector<16x128xf32> -> vector<128x128xf32>
    %transpose3A_863 = tpu.transpose %concatenate3A_862, [1, 0] : vector<128x128xf32> -> vector<128x128xf32>
    %swap3A_864 = arith.constant 8320 : index
    %swap3A_865 = arith.constant 0 : index
    %swap3A_866 = vector.load %arg2[%swap3A_864, %swap3A_865] : memref<16384x128xf32, #tpu.memory_space<vmem>>, vector<128x128xf32>
    tpu.vector_store %arg2[%swap3A_864, %swap3A_865], %transpose3A_863 {strides = array<i32>} : memref<16384x128xf32, #tpu.memory_space<vmem>>, vector<128x128xf32>,
    %slice3A_867 = vector.extract_strided_slice %mul3A_12 {offsets = [0, 67584], sizes = [16, 128], strides = [1, 1]} : vector<16x131072xf32> to vector<16x128xf32>
    %slice3A_868 = vector.extract_strided_slice %mul3A_12 {offsets = [0, 67712], sizes = [16, 128], strides = [1, 1]} : vector<16x131072xf32> to vector<16x128xf32>
    %slice3A_869 = vector.extract_strided_slice %mul3A_12 {offsets = [0, 67840], sizes = [16, 128], strides = [1, 1]} : vector<16x131072xf32> to vector<16x128xf32>
    %slice3A_870 = vector.extract_strided_slice %mul3A_12 {offsets = [0, 67968], sizes = [16, 128], strides = [1, 1]} : vector<16x131072xf32> to vector<16x128xf32>
    %slice3A_871 = vector.extract_strided_slice %mul3A_12 {offsets = [0, 68096], sizes = [16, 128], strides = [1, 1]} : vector<16x131072xf32> to vector<16x128xf32>
    %slice3A_872 = vector.extract_strided_slice %mul3A_12 {offsets = [0, 68224], sizes = [16, 128], strides = [1, 1]} : vector<16x131072xf32> to vector<16x128xf32>
    %slice3A_873 = vector.extract_strided_slice %mul3A_12 {offsets = [0, 68352], sizes = [16, 128], strides = [1, 1]} : vector<16x131072xf32> to vector<16x128xf32>
    %slice3A_874 = vector.extract_strided_slice %mul3A_12 {offsets = [0, 68480], sizes = [16, 128], strides = [1, 1]} : vector<16x131072xf32> to vector<16x128xf32>
    %concatenate3A_875 = tpu.concatenate %slice3A_867, %slice3A_868, %slice3A_869, %slice3A_870, %slice3A_871, %slice3A_872, %slice3A_873, %slice3A_874 in 0 : vector<16x128xf32>, vector<16x128xf32>, vector<16x128xf32>, vector<16x128xf32>, vector<16x128xf32>, vector<16x128xf32>, vector<16x128xf32>, vector<16x128xf32> -> vector<128x128xf32>
    %transpose3A_876 = tpu.transpose %concatenate3A_875, [1, 0] : vector<128x128xf32> -> vector<128x128xf32>
    %swap3A_877 = arith.constant 8448 : index
    %swap3A_878 = arith.constant 0 : index
    %swap3A_879 = vector.load %arg2[%swap3A_877, %swap3A_878] : memref<16384x128xf32, #tpu.memory_space<vmem>>, vector<128x128xf32>
    tpu.vector_store %arg2[%swap3A_877, %swap3A_878], %transpose3A_876 {strides = array<i32>} : memref<16384x128xf32, #tpu.memory_space<vmem>>, vector<128x128xf32>,
    %slice3A_880 = vector.extract_strided_slice %mul3A_12 {offsets = [0, 68608], sizes = [16, 128], strides = [1, 1]} : vector<16x131072xf32> to vector<16x128xf32>
    %slice3A_881 = vector.extract_strided_slice %mul3A_12 {offsets = [0, 68736], sizes = [16, 128], strides = [1, 1]} : vector<16x131072xf32> to vector<16x128xf32>
    %slice3A_882 = vector.extract_strided_slice %mul3A_12 {offsets = [0, 68864], sizes = [16, 128], strides = [1, 1]} : vector<16x131072xf32> to vector<16x128xf32>
    %slice3A_883 = vector.extract_strided_slice %mul3A_12 {offsets = [0, 68992], sizes = [16, 128], strides = [1, 1]} : vector<16x131072xf32> to vector<16x128xf32>
    %slice3A_884 = vector.extract_strided_slice %mul3A_12 {offsets = [0, 69120], sizes = [16, 128], strides = [1, 1]} : vector<16x131072xf32> to vector<16x128xf32>
    %slice3A_885 = vector.extract_strided_slice %mul3A_12 {offsets = [0, 69248], sizes = [16, 128], strides = [1, 1]} : vector<16x131072xf32> to vector<16x128xf32>
    %slice3A_886 = vector.extract_strided_slice %mul3A_12 {offsets = [0, 69376], sizes = [16, 128], strides = [1, 1]} : vector<16x131072xf32> to vector<16x128xf32>
    %slice3A_887 = vector.extract_strided_slice %mul3A_12 {offsets = [0, 69504], sizes = [16, 128], strides = [1, 1]} : vector<16x131072xf32> to vector<16x128xf32>
    %concatenate3A_888 = tpu.concatenate %slice3A_880, %slice3A_881, %slice3A_882, %slice3A_883, %slice3A_884, %slice3A_885, %slice3A_886, %slice3A_887 in 0 : vector<16x128xf32>, vector<16x128xf32>, vector<16x128xf32>, vector<16x128xf32>, vector<16x128xf32>, vector<16x128xf32>, vector<16x128xf32>, vector<16x128xf32> -> vector<128x128xf32>
    %transpose3A_889 = tpu.transpose %concatenate3A_888, [1, 0] : vector<128x128xf32> -> vector<128x128xf32>
    %swap3A_890 = arith.constant 8576 : index
    %swap3A_891 = arith.constant 0 : index
    %swap3A_892 = vector.load %arg2[%swap3A_890, %swap3A_891] : memref<16384x128xf32, #tpu.memory_space<vmem>>, vector<128x128xf32>
    tpu.vector_store %arg2[%swap3A_890, %swap3A_891], %transpose3A_889 {strides = array<i32>} : memref<16384x128xf32, #tpu.memory_space<vmem>>, vector<128x128xf32>,
    %slice3A_893 = vector.extract_strided_slice %mul3A_12 {offsets = [0, 69632], sizes = [16, 128], strides = [1, 1]} : vector<16x131072xf32> to vector<16x128xf32>
    %slice3A_894 = vector.extract_strided_slice %mul3A_12 {offsets = [0, 69760], sizes = [16, 128], strides = [1, 1]} : vector<16x131072xf32> to vector<16x128xf32>
    %slice3A_895 = vector.extract_strided_slice %mul3A_12 {offsets = [0, 69888], sizes = [16, 128], strides = [1, 1]} : vector<16x131072xf32> to vector<16x128xf32>
    %slice3A_896 = vector.extract_strided_slice %mul3A_12 {offsets = [0, 70016], sizes = [16, 128], strides = [1, 1]} : vector<16x131072xf32> to vector<16x128xf32>
    %slice3A_897 = vector.extract_strided_slice %mul3A_12 {offsets = [0, 70144], sizes = [16, 128], strides = [1, 1]} : vector<16x131072xf32> to vector<16x128xf32>
    %slice3A_898 = vector.extract_strided_slice %mul3A_12 {offsets = [0, 70272], sizes = [16, 128], strides = [1, 1]} : vector<16x131072xf32> to vector<16x128xf32>
    %slice3A_899 = vector.extract_strided_slice %mul3A_12 {offsets = [0, 70400], sizes = [16, 128], strides = [1, 1]} : vector<16x131072xf32> to vector<16x128xf32>
    %slice3A_900 = vector.extract_strided_slice %mul3A_12 {offsets = [0, 70528], sizes = [16, 128], strides = [1, 1]} : vector<16x131072xf32> to vector<16x128xf32>
    %concatenate3A_901 = tpu.concatenate %slice3A_893, %slice3A_894, %slice3A_895, %slice3A_896, %slice3A_897, %slice3A_898, %slice3A_899, %slice3A_900 in 0 : vector<16x128xf32>, vector<16x128xf32>, vector<16x128xf32>, vector<16x128xf32>, vector<16x128xf32>, vector<16x128xf32>, vector<16x128xf32>, vector<16x128xf32> -> vector<128x128xf32>
    %transpose3A_902 = tpu.transpose %concatenate3A_901, [1, 0] : vector<128x128xf32> -> vector<128x128xf32>
    %swap3A_903 = arith.constant 8704 : index
    %swap3A_904 = arith.constant 0 : index
    %swap3A_905 = vector.load %arg2[%swap3A_903, %swap3A_904] : memref<16384x128xf32, #tpu.memory_space<vmem>>, vector<128x128xf32>
    tpu.vector_store %arg2[%swap3A_903, %swap3A_904], %transpose3A_902 {strides = array<i32>} : memref<16384x128xf32, #tpu.memory_space<vmem>>, vector<128x128xf32>,
    %slice3A_906 = vector.extract_strided_slice %mul3A_12 {offsets = [0, 70656], sizes = [16, 128], strides = [1, 1]} : vector<16x131072xf32> to vector<16x128xf32>
    %slice3A_907 = vector.extract_strided_slice %mul3A_12 {offsets = [0, 70784], sizes = [16, 128], strides = [1, 1]} : vector<16x131072xf32> to vector<16x128xf32>
    %slice3A_908 = vector.extract_strided_slice %mul3A_12 {offsets = [0, 70912], sizes = [16, 128], strides = [1, 1]} : vector<16x131072xf32> to vector<16x128xf32>
    %slice3A_909 = vector.extract_strided_slice %mul3A_12 {offsets = [0, 71040], sizes = [16, 128], strides = [1, 1]} : vector<16x131072xf32> to vector<16x128xf32>
    %slice3A_910 = vector.extract_strided_slice %mul3A_12 {offsets = [0, 71168], sizes = [16, 128], strides = [1, 1]} : vector<16x131072xf32> to vector<16x128xf32>
    %slice3A_911 = vector.extract_strided_slice %mul3A_12 {offsets = [0, 71296], sizes = [16, 128], strides = [1, 1]} : vector<16x131072xf32> to vector<16x128xf32>
    %slice3A_912 = vector.extract_strided_slice %mul3A_12 {offsets = [0, 71424], sizes = [16, 128], strides = [1, 1]} : vector<16x131072xf32> to vector<16x128xf32>
    %slice3A_913 = vector.extract_strided_slice %mul3A_12 {offsets = [0, 71552], sizes = [16, 128], strides = [1, 1]} : vector<16x131072xf32> to vector<16x128xf32>
    %concatenate3A_914 = tpu.concatenate %slice3A_906, %slice3A_907, %slice3A_908, %slice3A_909, %slice3A_910, %slice3A_911, %slice3A_912, %slice3A_913 in 0 : vector<16x128xf32>, vector<16x128xf32>, vector<16x128xf32>, vector<16x128xf32>, vector<16x128xf32>, vector<16x128xf32>, vector<16x128xf32>, vector<16x128xf32> -> vector<128x128xf32>
    %transpose3A_915 = tpu.transpose %concatenate3A_914, [1, 0] : vector<128x128xf32> -> vector<128x128xf32>
    %swap3A_916 = arith.constant 8832 : index
    %swap3A_917 = arith.constant 0 : index
    %swap3A_918 = vector.load %arg2[%swap3A_916, %swap3A_917] : memref<16384x128xf32, #tpu.memory_space<vmem>>, vector<128x128xf32>
    tpu.vector_store %arg2[%swap3A_916, %swap3A_917], %transpose3A_915 {strides = array<i32>} : memref<16384x128xf32, #tpu.memory_space<vmem>>, vector<128x128xf32>,
    %slice3A_919 = vector.extract_strided_slice %mul3A_12 {offsets = [0, 71680], sizes = [16, 128], strides = [1, 1]} : vector<16x131072xf32> to vector<16x128xf32>
    %slice3A_920 = vector.extract_strided_slice %mul3A_12 {offsets = [0, 71808], sizes = [16, 128], strides = [1, 1]} : vector<16x131072xf32> to vector<16x128xf32>
    %slice3A_921 = vector.extract_strided_slice %mul3A_12 {offsets = [0, 71936], sizes = [16, 128], strides = [1, 1]} : vector<16x131072xf32> to vector<16x128xf32>
    %slice3A_922 = vector.extract_strided_slice %mul3A_12 {offsets = [0, 72064], sizes = [16, 128], strides = [1, 1]} : vector<16x131072xf32> to vector<16x128xf32>
    %slice3A_923 = vector.extract_strided_slice %mul3A_12 {offsets = [0, 72192], sizes = [16, 128], strides = [1, 1]} : vector<16x131072xf32> to vector<16x128xf32>
    %slice3A_924 = vector.extract_strided_slice %mul3A_12 {offsets = [0, 72320], sizes = [16, 128], strides = [1, 1]} : vector<16x131072xf32> to vector<16x128xf32>
    %slice3A_925 = vector.extract_strided_slice %mul3A_12 {offsets = [0, 72448], sizes = [16, 128], strides = [1, 1]} : vector<16x131072xf32> to vector<16x128xf32>
    %slice3A_926 = vector.extract_strided_slice %mul3A_12 {offsets = [0, 72576], sizes = [16, 128], strides = [1, 1]} : vector<16x131072xf32> to vector<16x128xf32>
    %concatenate3A_927 = tpu.concatenate %slice3A_919, %slice3A_920, %slice3A_921, %slice3A_922, %slice3A_923, %slice3A_924, %slice3A_925, %slice3A_926 in 0 : vector<16x128xf32>, vector<16x128xf32>, vector<16x128xf32>, vector<16x128xf32>, vector<16x128xf32>, vector<16x128xf32>, vector<16x128xf32>, vector<16x128xf32> -> vector<128x128xf32>
    %transpose3A_928 = tpu.transpose %concatenate3A_927, [1, 0] : vector<128x128xf32> -> vector<128x128xf32>
    %swap3A_929 = arith.constant 8960 : index
    %swap3A_930 = arith.constant 0 : index
    %swap3A_931 = vector.load %arg2[%swap3A_929, %swap3A_930] : memref<16384x128xf32, #tpu.memory_space<vmem>>, vector<128x128xf32>
    tpu.vector_store %arg2[%swap3A_929, %swap3A_930], %transpose3A_928 {strides = array<i32>} : memref<16384x128xf32, #tpu.memory_space<vmem>>, vector<128x128xf32>,
    %slice3A_932 = vector.extract_strided_slice %mul3A_12 {offsets = [0, 72704], sizes = [16, 128], strides = [1, 1]} : vector<16x131072xf32> to vector<16x128xf32>
    %slice3A_933 = vector.extract_strided_slice %mul3A_12 {offsets = [0, 72832], sizes = [16, 128], strides = [1, 1]} : vector<16x131072xf32> to vector<16x128xf32>
    %slice3A_934 = vector.extract_strided_slice %mul3A_12 {offsets = [0, 72960], sizes = [16, 128], strides = [1, 1]} : vector<16x131072xf32> to vector<16x128xf32>
    %slice3A_935 = vector.extract_strided_slice %mul3A_12 {offsets = [0, 73088], sizes = [16, 128], strides = [1, 1]} : vector<16x131072xf32> to vector<16x128xf32>
    %slice3A_936 = vector.extract_strided_slice %mul3A_12 {offsets = [0, 73216], sizes = [16, 128], strides = [1, 1]} : vector<16x131072xf32> to vector<16x128xf32>
    %slice3A_937 = vector.extract_strided_slice %mul3A_12 {offsets = [0, 73344], sizes = [16, 128], strides = [1, 1]} : vector<16x131072xf32> to vector<16x128xf32>
    %slice3A_938 = vector.extract_strided_slice %mul3A_12 {offsets = [0, 73472], sizes = [16, 128], strides = [1, 1]} : vector<16x131072xf32> to vector<16x128xf32>
    %slice3A_939 = vector.extract_strided_slice %mul3A_12 {offsets = [0, 73600], sizes = [16, 128], strides = [1, 1]} : vector<16x131072xf32> to vector<16x128xf32>
    %concatenate3A_940 = tpu.concatenate %slice3A_932, %slice3A_933, %slice3A_934, %slice3A_935, %slice3A_936, %slice3A_937, %slice3A_938, %slice3A_939 in 0 : vector<16x128xf32>, vector<16x128xf32>, vector<16x128xf32>, vector<16x128xf32>, vector<16x128xf32>, vector<16x128xf32>, vector<16x128xf32>, vector<16x128xf32> -> vector<128x128xf32>
    %transpose3A_941 = tpu.transpose %concatenate3A_940, [1, 0] : vector<128x128xf32> -> vector<128x128xf32>
    %swap3A_942 = arith.constant 9088 : index
    %swap3A_943 = arith.constant 0 : index
    %swap3A_944 = vector.load %arg2[%swap3A_942, %swap3A_943] : memref<16384x128xf32, #tpu.memory_space<vmem>>, vector<128x128xf32>
    tpu.vector_store %arg2[%swap3A_942, %swap3A_943], %transpose3A_941 {strides = array<i32>} : memref<16384x128xf32, #tpu.memory_space<vmem>>, vector<128x128xf32>,
    %slice3A_945 = vector.extract_strided_slice %mul3A_12 {offsets = [0, 73728], sizes = [16, 128], strides = [1, 1]} : vector<16x131072xf32> to vector<16x128xf32>
    %slice3A_946 = vector.extract_strided_slice %mul3A_12 {offsets = [0, 73856], sizes = [16, 128], strides = [1, 1]} : vector<16x131072xf32> to vector<16x128xf32>
    %slice3A_947 = vector.extract_strided_slice %mul3A_12 {offsets = [0, 73984], sizes = [16, 128], strides = [1, 1]} : vector<16x131072xf32> to vector<16x128xf32>
    %slice3A_948 = vector.extract_strided_slice %mul3A_12 {offsets = [0, 74112], sizes = [16, 128], strides = [1, 1]} : vector<16x131072xf32> to vector<16x128xf32>
    %slice3A_949 = vector.extract_strided_slice %mul3A_12 {offsets = [0, 74240], sizes = [16, 128], strides = [1, 1]} : vector<16x131072xf32> to vector<16x128xf32>
    %slice3A_950 = vector.extract_strided_slice %mul3A_12 {offsets = [0, 74368], sizes = [16, 128], strides = [1, 1]} : vector<16x131072xf32> to vector<16x128xf32>
    %slice3A_951 = vector.extract_strided_slice %mul3A_12 {offsets = [0, 74496], sizes = [16, 128], strides = [1, 1]} : vector<16x131072xf32> to vector<16x128xf32>
    %slice3A_952 = vector.extract_strided_slice %mul3A_12 {offsets = [0, 74624], sizes = [16, 128], strides = [1, 1]} : vector<16x131072xf32> to vector<16x128xf32>
    %concatenate3A_953 = tpu.concatenate %slice3A_945, %slice3A_946, %slice3A_947, %slice3A_948, %slice3A_949, %slice3A_950, %slice3A_951, %slice3A_952 in 0 : vector<16x128xf32>, vector<16x128xf32>, vector<16x128xf32>, vector<16x128xf32>, vector<16x128xf32>, vector<16x128xf32>, vector<16x128xf32>, vector<16x128xf32> -> vector<128x128xf32>
    %transpose3A_954 = tpu.transpose %concatenate3A_953, [1, 0] : vector<128x128xf32> -> vector<128x128xf32>
    %swap3A_955 = arith.constant 9216 : index
    %swap3A_956 = arith.constant 0 : index
    %swap3A_957 = vector.load %arg2[%swap3A_955, %swap3A_956] : memref<16384x128xf32, #tpu.memory_space<vmem>>, vector<128x128xf32>
    tpu.vector_store %arg2[%swap3A_955, %swap3A_956], %transpose3A_954 {strides = array<i32>} : memref<16384x128xf32, #tpu.memory_space<vmem>>, vector<128x128xf32>,
    %slice3A_958 = vector.extract_strided_slice %mul3A_12 {offsets = [0, 74752], sizes = [16, 128], strides = [1, 1]} : vector<16x131072xf32> to vector<16x128xf32>
    %slice3A_959 = vector.extract_strided_slice %mul3A_12 {offsets = [0, 74880], sizes = [16, 128], strides = [1, 1]} : vector<16x131072xf32> to vector<16x128xf32>
    %slice3A_960 = vector.extract_strided_slice %mul3A_12 {offsets = [0, 75008], sizes = [16, 128], strides = [1, 1]} : vector<16x131072xf32> to vector<16x128xf32>
    %slice3A_961 = vector.extract_strided_slice %mul3A_12 {offsets = [0, 75136], sizes = [16, 128], strides = [1, 1]} : vector<16x131072xf32> to vector<16x128xf32>
    %slice3A_962 = vector.extract_strided_slice %mul3A_12 {offsets = [0, 75264], sizes = [16, 128], strides = [1, 1]} : vector<16x131072xf32> to vector<16x128xf32>
    %slice3A_963 = vector.extract_strided_slice %mul3A_12 {offsets = [0, 75392], sizes = [16, 128], strides = [1, 1]} : vector<16x131072xf32> to vector<16x128xf32>
    %slice3A_964 = vector.extract_strided_slice %mul3A_12 {offsets = [0, 75520], sizes = [16, 128], strides = [1, 1]} : vector<16x131072xf32> to vector<16x128xf32>
    %slice3A_965 = vector.extract_strided_slice %mul3A_12 {offsets = [0, 75648], sizes = [16, 128], strides = [1, 1]} : vector<16x131072xf32> to vector<16x128xf32>
    %concatenate3A_966 = tpu.concatenate %slice3A_958, %slice3A_959, %slice3A_960, %slice3A_961, %slice3A_962, %slice3A_963, %slice3A_964, %slice3A_965 in 0 : vector<16x128xf32>, vector<16x128xf32>, vector<16x128xf32>, vector<16x128xf32>, vector<16x128xf32>, vector<16x128xf32>, vector<16x128xf32>, vector<16x128xf32> -> vector<128x128xf32>
    %transpose3A_967 = tpu.transpose %concatenate3A_966, [1, 0] : vector<128x128xf32> -> vector<128x128xf32>
    %swap3A_968 = arith.constant 9344 : index
    %swap3A_969 = arith.constant 0 : index
    %swap3A_970 = vector.load %arg2[%swap3A_968, %swap3A_969] : memref<16384x128xf32, #tpu.memory_space<vmem>>, vector<128x128xf32>
    tpu.vector_store %arg2[%swap3A_968, %swap3A_969], %transpose3A_967 {strides = array<i32>} : memref<16384x128xf32, #tpu.memory_space<vmem>>, vector<128x128xf32>,
    %slice3A_971 = vector.extract_strided_slice %mul3A_12 {offsets = [0, 75776], sizes = [16, 128], strides = [1, 1]} : vector<16x131072xf32> to vector<16x128xf32>
    %slice3A_972 = vector.extract_strided_slice %mul3A_12 {offsets = [0, 75904], sizes = [16, 128], strides = [1, 1]} : vector<16x131072xf32> to vector<16x128xf32>
    %slice3A_973 = vector.extract_strided_slice %mul3A_12 {offsets = [0, 76032], sizes = [16, 128], strides = [1, 1]} : vector<16x131072xf32> to vector<16x128xf32>
    %slice3A_974 = vector.extract_strided_slice %mul3A_12 {offsets = [0, 76160], sizes = [16, 128], strides = [1, 1]} : vector<16x131072xf32> to vector<16x128xf32>
    %slice3A_975 = vector.extract_strided_slice %mul3A_12 {offsets = [0, 76288], sizes = [16, 128], strides = [1, 1]} : vector<16x131072xf32> to vector<16x128xf32>
    %slice3A_976 = vector.extract_strided_slice %mul3A_12 {offsets = [0, 76416], sizes = [16, 128], strides = [1, 1]} : vector<16x131072xf32> to vector<16x128xf32>
    %slice3A_977 = vector.extract_strided_slice %mul3A_12 {offsets = [0, 76544], sizes = [16, 128], strides = [1, 1]} : vector<16x131072xf32> to vector<16x128xf32>
    %slice3A_978 = vector.extract_strided_slice %mul3A_12 {offsets = [0, 76672], sizes = [16, 128], strides = [1, 1]} : vector<16x131072xf32> to vector<16x128xf32>
    %concatenate3A_979 = tpu.concatenate %slice3A_971, %slice3A_972, %slice3A_973, %slice3A_974, %slice3A_975, %slice3A_976, %slice3A_977, %slice3A_978 in 0 : vector<16x128xf32>, vector<16x128xf32>, vector<16x128xf32>, vector<16x128xf32>, vector<16x128xf32>, vector<16x128xf32>, vector<16x128xf32>, vector<16x128xf32> -> vector<128x128xf32>
    %transpose3A_980 = tpu.transpose %concatenate3A_979, [1, 0] : vector<128x128xf32> -> vector<128x128xf32>
    %swap3A_981 = arith.constant 9472 : index
    %swap3A_982 = arith.constant 0 : index
    %swap3A_983 = vector.load %arg2[%swap3A_981, %swap3A_982] : memref<16384x128xf32, #tpu.memory_space<vmem>>, vector<128x128xf32>
    tpu.vector_store %arg2[%swap3A_981, %swap3A_982], %transpose3A_980 {strides = array<i32>} : memref<16384x128xf32, #tpu.memory_space<vmem>>, vector<128x128xf32>,
    %slice3A_984 = vector.extract_strided_slice %mul3A_12 {offsets = [0, 76800], sizes = [16, 128], strides = [1, 1]} : vector<16x131072xf32> to vector<16x128xf32>
    %slice3A_985 = vector.extract_strided_slice %mul3A_12 {offsets = [0, 76928], sizes = [16, 128], strides = [1, 1]} : vector<16x131072xf32> to vector<16x128xf32>
    %slice3A_986 = vector.extract_strided_slice %mul3A_12 {offsets = [0, 77056], sizes = [16, 128], strides = [1, 1]} : vector<16x131072xf32> to vector<16x128xf32>
    %slice3A_987 = vector.extract_strided_slice %mul3A_12 {offsets = [0, 77184], sizes = [16, 128], strides = [1, 1]} : vector<16x131072xf32> to vector<16x128xf32>
    %slice3A_988 = vector.extract_strided_slice %mul3A_12 {offsets = [0, 77312], sizes = [16, 128], strides = [1, 1]} : vector<16x131072xf32> to vector<16x128xf32>
    %slice3A_989 = vector.extract_strided_slice %mul3A_12 {offsets = [0, 77440], sizes = [16, 128], strides = [1, 1]} : vector<16x131072xf32> to vector<16x128xf32>
    %slice3A_990 = vector.extract_strided_slice %mul3A_12 {offsets = [0, 77568], sizes = [16, 128], strides = [1, 1]} : vector<16x131072xf32> to vector<16x128xf32>
    %slice3A_991 = vector.extract_strided_slice %mul3A_12 {offsets = [0, 77696], sizes = [16, 128], strides = [1, 1]} : vector<16x131072xf32> to vector<16x128xf32>
    %concatenate3A_992 = tpu.concatenate %slice3A_984, %slice3A_985, %slice3A_986, %slice3A_987, %slice3A_988, %slice3A_989, %slice3A_990, %slice3A_991 in 0 : vector<16x128xf32>, vector<16x128xf32>, vector<16x128xf32>, vector<16x128xf32>, vector<16x128xf32>, vector<16x128xf32>, vector<16x128xf32>, vector<16x128xf32> -> vector<128x128xf32>
    %transpose3A_993 = tpu.transpose %concatenate3A_992, [1, 0] : vector<128x128xf32> -> vector<128x128xf32>
    %swap3A_994 = arith.constant 9600 : index
    %swap3A_995 = arith.constant 0 : index
    %swap3A_996 = vector.load %arg2[%swap3A_994, %swap3A_995] : memref<16384x128xf32, #tpu.memory_space<vmem>>, vector<128x128xf32>
    tpu.vector_store %arg2[%swap3A_994, %swap3A_995], %transpose3A_993 {strides = array<i32>} : memref<16384x128xf32, #tpu.memory_space<vmem>>, vector<128x128xf32>,
    %slice3A_997 = vector.extract_strided_slice %mul3A_12 {offsets = [0, 77824], sizes = [16, 128], strides = [1, 1]} : vector<16x131072xf32> to vector<16x128xf32>
    %slice3A_998 = vector.extract_strided_slice %mul3A_12 {offsets = [0, 77952], sizes = [16, 128], strides = [1, 1]} : vector<16x131072xf32> to vector<16x128xf32>
    %slice3A_999 = vector.extract_strided_slice %mul3A_12 {offsets = [0, 78080], sizes = [16, 128], strides = [1, 1]} : vector<16x131072xf32> to vector<16x128xf32>
    %slice3A_1000 = vector.extract_strided_slice %mul3A_12 {offsets = [0, 78208], sizes = [16, 128], strides = [1, 1]} : vector<16x131072xf32> to vector<16x128xf32>
    %slice3A_1001 = vector.extract_strided_slice %mul3A_12 {offsets = [0, 78336], sizes = [16, 128], strides = [1, 1]} : vector<16x131072xf32> to vector<16x128xf32>
    %slice3A_1002 = vector.extract_strided_slice %mul3A_12 {offsets = [0, 78464], sizes = [16, 128], strides = [1, 1]} : vector<16x131072xf32> to vector<16x128xf32>
    %slice3A_1003 = vector.extract_strided_slice %mul3A_12 {offsets = [0, 78592], sizes = [16, 128], strides = [1, 1]} : vector<16x131072xf32> to vector<16x128xf32>
    %slice3A_1004 = vector.extract_strided_slice %mul3A_12 {offsets = [0, 78720], sizes = [16, 128], strides = [1, 1]} : vector<16x131072xf32> to vector<16x128xf32>
    %concatenate3A_1005 = tpu.concatenate %slice3A_997, %slice3A_998, %slice3A_999, %slice3A_1000, %slice3A_1001, %slice3A_1002, %slice3A_1003, %slice3A_1004 in 0 : vector<16x128xf32>, vector<16x128xf32>, vector<16x128xf32>, vector<16x128xf32>, vector<16x128xf32>, vector<16x128xf32>, vector<16x128xf32>, vector<16x128xf32> -> vector<128x128xf32>
    %transpose3A_1006 = tpu.transpose %concatenate3A_1005, [1, 0] : vector<128x128xf32> -> vector<128x128xf32>
    %swap3A_1007 = arith.constant 9728 : index
    %swap3A_1008 = arith.constant 0 : index
    %swap3A_1009 = vector.load %arg2[%swap3A_1007, %swap3A_1008] : memref<16384x128xf32, #tpu.memory_space<vmem>>, vector<128x128xf32>
    tpu.vector_store %arg2[%swap3A_1007, %swap3A_1008], %transpose3A_1006 {strides = array<i32>} : memref<16384x128xf32, #tpu.memory_space<vmem>>, vector<128x128xf32>,
    %slice3A_1010 = vector.extract_strided_slice %mul3A_12 {offsets = [0, 78848], sizes = [16, 128], strides = [1, 1]} : vector<16x131072xf32> to vector<16x128xf32>
    %slice3A_1011 = vector.extract_strided_slice %mul3A_12 {offsets = [0, 78976], sizes = [16, 128], strides = [1, 1]} : vector<16x131072xf32> to vector<16x128xf32>
    %slice3A_1012 = vector.extract_strided_slice %mul3A_12 {offsets = [0, 79104], sizes = [16, 128], strides = [1, 1]} : vector<16x131072xf32> to vector<16x128xf32>
    %slice3A_1013 = vector.extract_strided_slice %mul3A_12 {offsets = [0, 79232], sizes = [16, 128], strides = [1, 1]} : vector<16x131072xf32> to vector<16x128xf32>
    %slice3A_1014 = vector.extract_strided_slice %mul3A_12 {offsets = [0, 79360], sizes = [16, 128], strides = [1, 1]} : vector<16x131072xf32> to vector<16x128xf32>
    %slice3A_1015 = vector.extract_strided_slice %mul3A_12 {offsets = [0, 79488], sizes = [16, 128], strides = [1, 1]} : vector<16x131072xf32> to vector<16x128xf32>
    %slice3A_1016 = vector.extract_strided_slice %mul3A_12 {offsets = [0, 79616], sizes = [16, 128], strides = [1, 1]} : vector<16x131072xf32> to vector<16x128xf32>
    %slice3A_1017 = vector.extract_strided_slice %mul3A_12 {offsets = [0, 79744], sizes = [16, 128], strides = [1, 1]} : vector<16x131072xf32> to vector<16x128xf32>
    %concatenate3A_1018 = tpu.concatenate %slice3A_1010, %slice3A_1011, %slice3A_1012, %slice3A_1013, %slice3A_1014, %slice3A_1015, %slice3A_1016, %slice3A_1017 in 0 : vector<16x128xf32>, vector<16x128xf32>, vector<16x128xf32>, vector<16x128xf32>, vector<16x128xf32>, vector<16x128xf32>, vector<16x128xf32>, vector<16x128xf32> -> vector<128x128xf32>
    %transpose3A_1019 = tpu.transpose %concatenate3A_1018, [1, 0] : vector<128x128xf32> -> vector<128x128xf32>
    %swap3A_1020 = arith.constant 9856 : index
    %swap3A_1021 = arith.constant 0 : index
    %swap3A_1022 = vector.load %arg2[%swap3A_1020, %swap3A_1021] : memref<16384x128xf32, #tpu.memory_space<vmem>>, vector<128x128xf32>
    tpu.vector_store %arg2[%swap3A_1020, %swap3A_1021], %transpose3A_1019 {strides = array<i32>} : memref<16384x128xf32, #tpu.memory_space<vmem>>, vector<128x128xf32>,
    %slice3A_1023 = vector.extract_strided_slice %mul3A_12 {offsets = [0, 79872], sizes = [16, 128], strides = [1, 1]} : vector<16x131072xf32> to vector<16x128xf32>
    %slice3A_1024 = vector.extract_strided_slice %mul3A_12 {offsets = [0, 80000], sizes = [16, 128], strides = [1, 1]} : vector<16x131072xf32> to vector<16x128xf32>
    %slice3A_1025 = vector.extract_strided_slice %mul3A_12 {offsets = [0, 80128], sizes = [16, 128], strides = [1, 1]} : vector<16x131072xf32> to vector<16x128xf32>
    %slice3A_1026 = vector.extract_strided_slice %mul3A_12 {offsets = [0, 80256], sizes = [16, 128], strides = [1, 1]} : vector<16x131072xf32> to vector<16x128xf32>
    %slice3A_1027 = vector.extract_strided_slice %mul3A_12 {offsets = [0, 80384], sizes = [16, 128], strides = [1, 1]} : vector<16x131072xf32> to vector<16x128xf32>
    %slice3A_1028 = vector.extract_strided_slice %mul3A_12 {offsets = [0, 80512], sizes = [16, 128], strides = [1, 1]} : vector<16x131072xf32> to vector<16x128xf32>
    %slice3A_1029 = vector.extract_strided_slice %mul3A_12 {offsets = [0, 80640], sizes = [16, 128], strides = [1, 1]} : vector<16x131072xf32> to vector<16x128xf32>
    %slice3A_1030 = vector.extract_strided_slice %mul3A_12 {offsets = [0, 80768], sizes = [16, 128], strides = [1, 1]} : vector<16x131072xf32> to vector<16x128xf32>
    %concatenate3A_1031 = tpu.concatenate %slice3A_1023, %slice3A_1024, %slice3A_1025, %slice3A_1026, %slice3A_1027, %slice3A_1028, %slice3A_1029, %slice3A_1030 in 0 : vector<16x128xf32>, vector<16x128xf32>, vector<16x128xf32>, vector<16x128xf32>, vector<16x128xf32>, vector<16x128xf32>, vector<16x128xf32>, vector<16x128xf32> -> vector<128x128xf32>
    %transpose3A_1032 = tpu.transpose %concatenate3A_1031, [1, 0] : vector<128x128xf32> -> vector<128x128xf32>
    %swap3A_1033 = arith.constant 9984 : index
    %swap3A_1034 = arith.constant 0 : index
    %swap3A_1035 = vector.load %arg2[%swap3A_1033, %swap3A_1034] : memref<16384x128xf32, #tpu.memory_space<vmem>>, vector<128x128xf32>
    tpu.vector_store %arg2[%swap3A_1033, %swap3A_1034], %transpose3A_1032 {strides = array<i32>} : memref<16384x128xf32, #tpu.memory_space<vmem>>, vector<128x128xf32>,
    %slice3A_1036 = vector.extract_strided_slice %mul3A_12 {offsets = [0, 80896], sizes = [16, 128], strides = [1, 1]} : vector<16x131072xf32> to vector<16x128xf32>
    %slice3A_1037 = vector.extract_strided_slice %mul3A_12 {offsets = [0, 81024], sizes = [16, 128], strides = [1, 1]} : vector<16x131072xf32> to vector<16x128xf32>
    %slice3A_1038 = vector.extract_strided_slice %mul3A_12 {offsets = [0, 81152], sizes = [16, 128], strides = [1, 1]} : vector<16x131072xf32> to vector<16x128xf32>
    %slice3A_1039 = vector.extract_strided_slice %mul3A_12 {offsets = [0, 81280], sizes = [16, 128], strides = [1, 1]} : vector<16x131072xf32> to vector<16x128xf32>
    %slice3A_1040 = vector.extract_strided_slice %mul3A_12 {offsets = [0, 81408], sizes = [16, 128], strides = [1, 1]} : vector<16x131072xf32> to vector<16x128xf32>
    %slice3A_1041 = vector.extract_strided_slice %mul3A_12 {offsets = [0, 81536], sizes = [16, 128], strides = [1, 1]} : vector<16x131072xf32> to vector<16x128xf32>
    %slice3A_1042 = vector.extract_strided_slice %mul3A_12 {offsets = [0, 81664], sizes = [16, 128], strides = [1, 1]} : vector<16x131072xf32> to vector<16x128xf32>
    %slice3A_1043 = vector.extract_strided_slice %mul3A_12 {offsets = [0, 81792], sizes = [16, 128], strides = [1, 1]} : vector<16x131072xf32> to vector<16x128xf32>
    %concatenate3A_1044 = tpu.concatenate %slice3A_1036, %slice3A_1037, %slice3A_1038, %slice3A_1039, %slice3A_1040, %slice3A_1041, %slice3A_1042, %slice3A_1043 in 0 : vector<16x128xf32>, vector<16x128xf32>, vector<16x128xf32>, vector<16x128xf32>, vector<16x128xf32>, vector<16x128xf32>, vector<16x128xf32>, vector<16x128xf32> -> vector<128x128xf32>
    %transpose3A_1045 = tpu.transpose %concatenate3A_1044, [1, 0] : vector<128x128xf32> -> vector<128x128xf32>
    %swap3A_1046 = arith.constant 10112 : index
    %swap3A_1047 = arith.constant 0 : index
    %swap3A_1048 = vector.load %arg2[%swap3A_1046, %swap3A_1047] : memref<16384x128xf32, #tpu.memory_space<vmem>>, vector<128x128xf32>
    tpu.vector_store %arg2[%swap3A_1046, %swap3A_1047], %transpose3A_1045 {strides = array<i32>} : memref<16384x128xf32, #tpu.memory_space<vmem>>, vector<128x128xf32>,
    %slice3A_1049 = vector.extract_strided_slice %mul3A_12 {offsets = [0, 81920], sizes = [16, 128], strides = [1, 1]} : vector<16x131072xf32> to vector<16x128xf32>
    %slice3A_1050 = vector.extract_strided_slice %mul3A_12 {offsets = [0, 82048], sizes = [16, 128], strides = [1, 1]} : vector<16x131072xf32> to vector<16x128xf32>
    %slice3A_1051 = vector.extract_strided_slice %mul3A_12 {offsets = [0, 82176], sizes = [16, 128], strides = [1, 1]} : vector<16x131072xf32> to vector<16x128xf32>
    %slice3A_1052 = vector.extract_strided_slice %mul3A_12 {offsets = [0, 82304], sizes = [16, 128], strides = [1, 1]} : vector<16x131072xf32> to vector<16x128xf32>
    %slice3A_1053 = vector.extract_strided_slice %mul3A_12 {offsets = [0, 82432], sizes = [16, 128], strides = [1, 1]} : vector<16x131072xf32> to vector<16x128xf32>
    %slice3A_1054 = vector.extract_strided_slice %mul3A_12 {offsets = [0, 82560], sizes = [16, 128], strides = [1, 1]} : vector<16x131072xf32> to vector<16x128xf32>
    %slice3A_1055 = vector.extract_strided_slice %mul3A_12 {offsets = [0, 82688], sizes = [16, 128], strides = [1, 1]} : vector<16x131072xf32> to vector<16x128xf32>
    %slice3A_1056 = vector.extract_strided_slice %mul3A_12 {offsets = [0, 82816], sizes = [16, 128], strides = [1, 1]} : vector<16x131072xf32> to vector<16x128xf32>
    %concatenate3A_1057 = tpu.concatenate %slice3A_1049, %slice3A_1050, %slice3A_1051, %slice3A_1052, %slice3A_1053, %slice3A_1054, %slice3A_1055, %slice3A_1056 in 0 : vector<16x128xf32>, vector<16x128xf32>, vector<16x128xf32>, vector<16x128xf32>, vector<16x128xf32>, vector<16x128xf32>, vector<16x128xf32>, vector<16x128xf32> -> vector<128x128xf32>
    %transpose3A_1058 = tpu.transpose %concatenate3A_1057, [1, 0] : vector<128x128xf32> -> vector<128x128xf32>
    %swap3A_1059 = arith.constant 10240 : index
    %swap3A_1060 = arith.constant 0 : index
    %swap3A_1061 = vector.load %arg2[%swap3A_1059, %swap3A_1060] : memref<16384x128xf32, #tpu.memory_space<vmem>>, vector<128x128xf32>
    tpu.vector_store %arg2[%swap3A_1059, %swap3A_1060], %transpose3A_1058 {strides = array<i32>} : memref<16384x128xf32, #tpu.memory_space<vmem>>, vector<128x128xf32>,
    %slice3A_1062 = vector.extract_strided_slice %mul3A_12 {offsets = [0, 82944], sizes = [16, 128], strides = [1, 1]} : vector<16x131072xf32> to vector<16x128xf32>
    %slice3A_1063 = vector.extract_strided_slice %mul3A_12 {offsets = [0, 83072], sizes = [16, 128], strides = [1, 1]} : vector<16x131072xf32> to vector<16x128xf32>
    %slice3A_1064 = vector.extract_strided_slice %mul3A_12 {offsets = [0, 83200], sizes = [16, 128], strides = [1, 1]} : vector<16x131072xf32> to vector<16x128xf32>
    %slice3A_1065 = vector.extract_strided_slice %mul3A_12 {offsets = [0, 83328], sizes = [16, 128], strides = [1, 1]} : vector<16x131072xf32> to vector<16x128xf32>
    %slice3A_1066 = vector.extract_strided_slice %mul3A_12 {offsets = [0, 83456], sizes = [16, 128], strides = [1, 1]} : vector<16x131072xf32> to vector<16x128xf32>
    %slice3A_1067 = vector.extract_strided_slice %mul3A_12 {offsets = [0, 83584], sizes = [16, 128], strides = [1, 1]} : vector<16x131072xf32> to vector<16x128xf32>
    %slice3A_1068 = vector.extract_strided_slice %mul3A_12 {offsets = [0, 83712], sizes = [16, 128], strides = [1, 1]} : vector<16x131072xf32> to vector<16x128xf32>
    %slice3A_1069 = vector.extract_strided_slice %mul3A_12 {offsets = [0, 83840], sizes = [16, 128], strides = [1, 1]} : vector<16x131072xf32> to vector<16x128xf32>
    %concatenate3A_1070 = tpu.concatenate %slice3A_1062, %slice3A_1063, %slice3A_1064, %slice3A_1065, %slice3A_1066, %slice3A_1067, %slice3A_1068, %slice3A_1069 in 0 : vector<16x128xf32>, vector<16x128xf32>, vector<16x128xf32>, vector<16x128xf32>, vector<16x128xf32>, vector<16x128xf32>, vector<16x128xf32>, vector<16x128xf32> -> vector<128x128xf32>
    %transpose3A_1071 = tpu.transpose %concatenate3A_1070, [1, 0] : vector<128x128xf32> -> vector<128x128xf32>
    %swap3A_1072 = arith.constant 10368 : index
    %swap3A_1073 = arith.constant 0 : index
    %swap3A_1074 = vector.load %arg2[%swap3A_1072, %swap3A_1073] : memref<16384x128xf32, #tpu.memory_space<vmem>>, vector<128x128xf32>
    tpu.vector_store %arg2[%swap3A_1072, %swap3A_1073], %transpose3A_1071 {strides = array<i32>} : memref<16384x128xf32, #tpu.memory_space<vmem>>, vector<128x128xf32>,
    %slice3A_1075 = vector.extract_strided_slice %mul3A_12 {offsets = [0, 83968], sizes = [16, 128], strides = [1, 1]} : vector<16x131072xf32> to vector<16x128xf32>
    %slice3A_1076 = vector.extract_strided_slice %mul3A_12 {offsets = [0, 84096], sizes = [16, 128], strides = [1, 1]} : vector<16x131072xf32> to vector<16x128xf32>
    %slice3A_1077 = vector.extract_strided_slice %mul3A_12 {offsets = [0, 84224], sizes = [16, 128], strides = [1, 1]} : vector<16x131072xf32> to vector<16x128xf32>
    %slice3A_1078 = vector.extract_strided_slice %mul3A_12 {offsets = [0, 84352], sizes = [16, 128], strides = [1, 1]} : vector<16x131072xf32> to vector<16x128xf32>
    %slice3A_1079 = vector.extract_strided_slice %mul3A_12 {offsets = [0, 84480], sizes = [16, 128], strides = [1, 1]} : vector<16x131072xf32> to vector<16x128xf32>
    %slice3A_1080 = vector.extract_strided_slice %mul3A_12 {offsets = [0, 84608], sizes = [16, 128], strides = [1, 1]} : vector<16x131072xf32> to vector<16x128xf32>
    %slice3A_1081 = vector.extract_strided_slice %mul3A_12 {offsets = [0, 84736], sizes = [16, 128], strides = [1, 1]} : vector<16x131072xf32> to vector<16x128xf32>
    %slice3A_1082 = vector.extract_strided_slice %mul3A_12 {offsets = [0, 84864], sizes = [16, 128], strides = [1, 1]} : vector<16x131072xf32> to vector<16x128xf32>
    %concatenate3A_1083 = tpu.concatenate %slice3A_1075, %slice3A_1076, %slice3A_1077, %slice3A_1078, %slice3A_1079, %slice3A_1080, %slice3A_1081, %slice3A_1082 in 0 : vector<16x128xf32>, vector<16x128xf32>, vector<16x128xf32>, vector<16x128xf32>, vector<16x128xf32>, vector<16x128xf32>, vector<16x128xf32>, vector<16x128xf32> -> vector<128x128xf32>
    %transpose3A_1084 = tpu.transpose %concatenate3A_1083, [1, 0] : vector<128x128xf32> -> vector<128x128xf32>
    %swap3A_1085 = arith.constant 10496 : index
    %swap3A_1086 = arith.constant 0 : index
    %swap3A_1087 = vector.load %arg2[%swap3A_1085, %swap3A_1086] : memref<16384x128xf32, #tpu.memory_space<vmem>>, vector<128x128xf32>
    tpu.vector_store %arg2[%swap3A_1085, %swap3A_1086], %transpose3A_1084 {strides = array<i32>} : memref<16384x128xf32, #tpu.memory_space<vmem>>, vector<128x128xf32>,
    %slice3A_1088 = vector.extract_strided_slice %mul3A_12 {offsets = [0, 84992], sizes = [16, 128], strides = [1, 1]} : vector<16x131072xf32> to vector<16x128xf32>
    %slice3A_1089 = vector.extract_strided_slice %mul3A_12 {offsets = [0, 85120], sizes = [16, 128], strides = [1, 1]} : vector<16x131072xf32> to vector<16x128xf32>
    %slice3A_1090 = vector.extract_strided_slice %mul3A_12 {offsets = [0, 85248], sizes = [16, 128], strides = [1, 1]} : vector<16x131072xf32> to vector<16x128xf32>
    %slice3A_1091 = vector.extract_strided_slice %mul3A_12 {offsets = [0, 85376], sizes = [16, 128], strides = [1, 1]} : vector<16x131072xf32> to vector<16x128xf32>
    %slice3A_1092 = vector.extract_strided_slice %mul3A_12 {offsets = [0, 85504], sizes = [16, 128], strides = [1, 1]} : vector<16x131072xf32> to vector<16x128xf32>
    %slice3A_1093 = vector.extract_strided_slice %mul3A_12 {offsets = [0, 85632], sizes = [16, 128], strides = [1, 1]} : vector<16x131072xf32> to vector<16x128xf32>
    %slice3A_1094 = vector.extract_strided_slice %mul3A_12 {offsets = [0, 85760], sizes = [16, 128], strides = [1, 1]} : vector<16x131072xf32> to vector<16x128xf32>
    %slice3A_1095 = vector.extract_strided_slice %mul3A_12 {offsets = [0, 85888], sizes = [16, 128], strides = [1, 1]} : vector<16x131072xf32> to vector<16x128xf32>
    %concatenate3A_1096 = tpu.concatenate %slice3A_1088, %slice3A_1089, %slice3A_1090, %slice3A_1091, %slice3A_1092, %slice3A_1093, %slice3A_1094, %slice3A_1095 in 0 : vector<16x128xf32>, vector<16x128xf32>, vector<16x128xf32>, vector<16x128xf32>, vector<16x128xf32>, vector<16x128xf32>, vector<16x128xf32>, vector<16x128xf32> -> vector<128x128xf32>
    %transpose3A_1097 = tpu.transpose %concatenate3A_1096, [1, 0] : vector<128x128xf32> -> vector<128x128xf32>
    %swap3A_1098 = arith.constant 10624 : index
    %swap3A_1099 = arith.constant 0 : index
    %swap3A_1100 = vector.load %arg2[%swap3A_1098, %swap3A_1099] : memref<16384x128xf32, #tpu.memory_space<vmem>>, vector<128x128xf32>
    tpu.vector_store %arg2[%swap3A_1098, %swap3A_1099], %transpose3A_1097 {strides = array<i32>} : memref<16384x128xf32, #tpu.memory_space<vmem>>, vector<128x128xf32>,
    %slice3A_1101 = vector.extract_strided_slice %mul3A_12 {offsets = [0, 86016], sizes = [16, 128], strides = [1, 1]} : vector<16x131072xf32> to vector<16x128xf32>
    %slice3A_1102 = vector.extract_strided_slice %mul3A_12 {offsets = [0, 86144], sizes = [16, 128], strides = [1, 1]} : vector<16x131072xf32> to vector<16x128xf32>
    %slice3A_1103 = vector.extract_strided_slice %mul3A_12 {offsets = [0, 86272], sizes = [16, 128], strides = [1, 1]} : vector<16x131072xf32> to vector<16x128xf32>
    %slice3A_1104 = vector.extract_strided_slice %mul3A_12 {offsets = [0, 86400], sizes = [16, 128], strides = [1, 1]} : vector<16x131072xf32> to vector<16x128xf32>
    %slice3A_1105 = vector.extract_strided_slice %mul3A_12 {offsets = [0, 86528], sizes = [16, 128], strides = [1, 1]} : vector<16x131072xf32> to vector<16x128xf32>
    %slice3A_1106 = vector.extract_strided_slice %mul3A_12 {offsets = [0, 86656], sizes = [16, 128], strides = [1, 1]} : vector<16x131072xf32> to vector<16x128xf32>
    %slice3A_1107 = vector.extract_strided_slice %mul3A_12 {offsets = [0, 86784], sizes = [16, 128], strides = [1, 1]} : vector<16x131072xf32> to vector<16x128xf32>
    %slice3A_1108 = vector.extract_strided_slice %mul3A_12 {offsets = [0, 86912], sizes = [16, 128], strides = [1, 1]} : vector<16x131072xf32> to vector<16x128xf32>
    %concatenate3A_1109 = tpu.concatenate %slice3A_1101, %slice3A_1102, %slice3A_1103, %slice3A_1104, %slice3A_1105, %slice3A_1106, %slice3A_1107, %slice3A_1108 in 0 : vector<16x128xf32>, vector<16x128xf32>, vector<16x128xf32>, vector<16x128xf32>, vector<16x128xf32>, vector<16x128xf32>, vector<16x128xf32>, vector<16x128xf32> -> vector<128x128xf32>
    %transpose3A_1110 = tpu.transpose %concatenate3A_1109, [1, 0] : vector<128x128xf32> -> vector<128x128xf32>
    %swap3A_1111 = arith.constant 10752 : index
    %swap3A_1112 = arith.constant 0 : index
    %swap3A_1113 = vector.load %arg2[%swap3A_1111, %swap3A_1112] : memref<16384x128xf32, #tpu.memory_space<vmem>>, vector<128x128xf32>
    tpu.vector_store %arg2[%swap3A_1111, %swap3A_1112], %transpose3A_1110 {strides = array<i32>} : memref<16384x128xf32, #tpu.memory_space<vmem>>, vector<128x128xf32>,
    %slice3A_1114 = vector.extract_strided_slice %mul3A_12 {offsets = [0, 87040], sizes = [16, 128], strides = [1, 1]} : vector<16x131072xf32> to vector<16x128xf32>
    %slice3A_1115 = vector.extract_strided_slice %mul3A_12 {offsets = [0, 87168], sizes = [16, 128], strides = [1, 1]} : vector<16x131072xf32> to vector<16x128xf32>
    %slice3A_1116 = vector.extract_strided_slice %mul3A_12 {offsets = [0, 87296], sizes = [16, 128], strides = [1, 1]} : vector<16x131072xf32> to vector<16x128xf32>
    %slice3A_1117 = vector.extract_strided_slice %mul3A_12 {offsets = [0, 87424], sizes = [16, 128], strides = [1, 1]} : vector<16x131072xf32> to vector<16x128xf32>
    %slice3A_1118 = vector.extract_strided_slice %mul3A_12 {offsets = [0, 87552], sizes = [16, 128], strides = [1, 1]} : vector<16x131072xf32> to vector<16x128xf32>
    %slice3A_1119 = vector.extract_strided_slice %mul3A_12 {offsets = [0, 87680], sizes = [16, 128], strides = [1, 1]} : vector<16x131072xf32> to vector<16x128xf32>
    %slice3A_1120 = vector.extract_strided_slice %mul3A_12 {offsets = [0, 87808], sizes = [16, 128], strides = [1, 1]} : vector<16x131072xf32> to vector<16x128xf32>
    %slice3A_1121 = vector.extract_strided_slice %mul3A_12 {offsets = [0, 87936], sizes = [16, 128], strides = [1, 1]} : vector<16x131072xf32> to vector<16x128xf32>
    %concatenate3A_1122 = tpu.concatenate %slice3A_1114, %slice3A_1115, %slice3A_1116, %slice3A_1117, %slice3A_1118, %slice3A_1119, %slice3A_1120, %slice3A_1121 in 0 : vector<16x128xf32>, vector<16x128xf32>, vector<16x128xf32>, vector<16x128xf32>, vector<16x128xf32>, vector<16x128xf32>, vector<16x128xf32>, vector<16x128xf32> -> vector<128x128xf32>
    %transpose3A_1123 = tpu.transpose %concatenate3A_1122, [1, 0] : vector<128x128xf32> -> vector<128x128xf32>
    %swap3A_1124 = arith.constant 10880 : index
    %swap3A_1125 = arith.constant 0 : index
    %swap3A_1126 = vector.load %arg2[%swap3A_1124, %swap3A_1125] : memref<16384x128xf32, #tpu.memory_space<vmem>>, vector<128x128xf32>
    tpu.vector_store %arg2[%swap3A_1124, %swap3A_1125], %transpose3A_1123 {strides = array<i32>} : memref<16384x128xf32, #tpu.memory_space<vmem>>, vector<128x128xf32>,
    %slice3A_1127 = vector.extract_strided_slice %mul3A_12 {offsets = [0, 88064], sizes = [16, 128], strides = [1, 1]} : vector<16x131072xf32> to vector<16x128xf32>
    %slice3A_1128 = vector.extract_strided_slice %mul3A_12 {offsets = [0, 88192], sizes = [16, 128], strides = [1, 1]} : vector<16x131072xf32> to vector<16x128xf32>
    %slice3A_1129 = vector.extract_strided_slice %mul3A_12 {offsets = [0, 88320], sizes = [16, 128], strides = [1, 1]} : vector<16x131072xf32> to vector<16x128xf32>
    %slice3A_1130 = vector.extract_strided_slice %mul3A_12 {offsets = [0, 88448], sizes = [16, 128], strides = [1, 1]} : vector<16x131072xf32> to vector<16x128xf32>
    %slice3A_1131 = vector.extract_strided_slice %mul3A_12 {offsets = [0, 88576], sizes = [16, 128], strides = [1, 1]} : vector<16x131072xf32> to vector<16x128xf32>
    %slice3A_1132 = vector.extract_strided_slice %mul3A_12 {offsets = [0, 88704], sizes = [16, 128], strides = [1, 1]} : vector<16x131072xf32> to vector<16x128xf32>
    %slice3A_1133 = vector.extract_strided_slice %mul3A_12 {offsets = [0, 88832], sizes = [16, 128], strides = [1, 1]} : vector<16x131072xf32> to vector<16x128xf32>
    %slice3A_1134 = vector.extract_strided_slice %mul3A_12 {offsets = [0, 88960], sizes = [16, 128], strides = [1, 1]} : vector<16x131072xf32> to vector<16x128xf32>
    %concatenate3A_1135 = tpu.concatenate %slice3A_1127, %slice3A_1128, %slice3A_1129, %slice3A_1130, %slice3A_1131, %slice3A_1132, %slice3A_1133, %slice3A_1134 in 0 : vector<16x128xf32>, vector<16x128xf32>, vector<16x128xf32>, vector<16x128xf32>, vector<16x128xf32>, vector<16x128xf32>, vector<16x128xf32>, vector<16x128xf32> -> vector<128x128xf32>
    %transpose3A_1136 = tpu.transpose %concatenate3A_1135, [1, 0] : vector<128x128xf32> -> vector<128x128xf32>
    %swap3A_1137 = arith.constant 11008 : index
    %swap3A_1138 = arith.constant 0 : index
    %swap3A_1139 = vector.load %arg2[%swap3A_1137, %swap3A_1138] : memref<16384x128xf32, #tpu.memory_space<vmem>>, vector<128x128xf32>
    tpu.vector_store %arg2[%swap3A_1137, %swap3A_1138], %transpose3A_1136 {strides = array<i32>} : memref<16384x128xf32, #tpu.memory_space<vmem>>, vector<128x128xf32>,
    %slice3A_1140 = vector.extract_strided_slice %mul3A_12 {offsets = [0, 89088], sizes = [16, 128], strides = [1, 1]} : vector<16x131072xf32> to vector<16x128xf32>
    %slice3A_1141 = vector.extract_strided_slice %mul3A_12 {offsets = [0, 89216], sizes = [16, 128], strides = [1, 1]} : vector<16x131072xf32> to vector<16x128xf32>
    %slice3A_1142 = vector.extract_strided_slice %mul3A_12 {offsets = [0, 89344], sizes = [16, 128], strides = [1, 1]} : vector<16x131072xf32> to vector<16x128xf32>
    %slice3A_1143 = vector.extract_strided_slice %mul3A_12 {offsets = [0, 89472], sizes = [16, 128], strides = [1, 1]} : vector<16x131072xf32> to vector<16x128xf32>
    %slice3A_1144 = vector.extract_strided_slice %mul3A_12 {offsets = [0, 89600], sizes = [16, 128], strides = [1, 1]} : vector<16x131072xf32> to vector<16x128xf32>
    %slice3A_1145 = vector.extract_strided_slice %mul3A_12 {offsets = [0, 89728], sizes = [16, 128], strides = [1, 1]} : vector<16x131072xf32> to vector<16x128xf32>
    %slice3A_1146 = vector.extract_strided_slice %mul3A_12 {offsets = [0, 89856], sizes = [16, 128], strides = [1, 1]} : vector<16x131072xf32> to vector<16x128xf32>
    %slice3A_1147 = vector.extract_strided_slice %mul3A_12 {offsets = [0, 89984], sizes = [16, 128], strides = [1, 1]} : vector<16x131072xf32> to vector<16x128xf32>
    %concatenate3A_1148 = tpu.concatenate %slice3A_1140, %slice3A_1141, %slice3A_1142, %slice3A_1143, %slice3A_1144, %slice3A_1145, %slice3A_1146, %slice3A_1147 in 0 : vector<16x128xf32>, vector<16x128xf32>, vector<16x128xf32>, vector<16x128xf32>, vector<16x128xf32>, vector<16x128xf32>, vector<16x128xf32>, vector<16x128xf32> -> vector<128x128xf32>
    %transpose3A_1149 = tpu.transpose %concatenate3A_1148, [1, 0] : vector<128x128xf32> -> vector<128x128xf32>
    %swap3A_1150 = arith.constant 11136 : index
    %swap3A_1151 = arith.constant 0 : index
    %swap3A_1152 = vector.load %arg2[%swap3A_1150, %swap3A_1151] : memref<16384x128xf32, #tpu.memory_space<vmem>>, vector<128x128xf32>
    tpu.vector_store %arg2[%swap3A_1150, %swap3A_1151], %transpose3A_1149 {strides = array<i32>} : memref<16384x128xf32, #tpu.memory_space<vmem>>, vector<128x128xf32>,
    %slice3A_1153 = vector.extract_strided_slice %mul3A_12 {offsets = [0, 90112], sizes = [16, 128], strides = [1, 1]} : vector<16x131072xf32> to vector<16x128xf32>
    %slice3A_1154 = vector.extract_strided_slice %mul3A_12 {offsets = [0, 90240], sizes = [16, 128], strides = [1, 1]} : vector<16x131072xf32> to vector<16x128xf32>
    %slice3A_1155 = vector.extract_strided_slice %mul3A_12 {offsets = [0, 90368], sizes = [16, 128], strides = [1, 1]} : vector<16x131072xf32> to vector<16x128xf32>
    %slice3A_1156 = vector.extract_strided_slice %mul3A_12 {offsets = [0, 90496], sizes = [16, 128], strides = [1, 1]} : vector<16x131072xf32> to vector<16x128xf32>
    %slice3A_1157 = vector.extract_strided_slice %mul3A_12 {offsets = [0, 90624], sizes = [16, 128], strides = [1, 1]} : vector<16x131072xf32> to vector<16x128xf32>
    %slice3A_1158 = vector.extract_strided_slice %mul3A_12 {offsets = [0, 90752], sizes = [16, 128], strides = [1, 1]} : vector<16x131072xf32> to vector<16x128xf32>
    %slice3A_1159 = vector.extract_strided_slice %mul3A_12 {offsets = [0, 90880], sizes = [16, 128], strides = [1, 1]} : vector<16x131072xf32> to vector<16x128xf32>
    %slice3A_1160 = vector.extract_strided_slice %mul3A_12 {offsets = [0, 91008], sizes = [16, 128], strides = [1, 1]} : vector<16x131072xf32> to vector<16x128xf32>
    %concatenate3A_1161 = tpu.concatenate %slice3A_1153, %slice3A_1154, %slice3A_1155, %slice3A_1156, %slice3A_1157, %slice3A_1158, %slice3A_1159, %slice3A_1160 in 0 : vector<16x128xf32>, vector<16x128xf32>, vector<16x128xf32>, vector<16x128xf32>, vector<16x128xf32>, vector<16x128xf32>, vector<16x128xf32>, vector<16x128xf32> -> vector<128x128xf32>
    %transpose3A_1162 = tpu.transpose %concatenate3A_1161, [1, 0] : vector<128x128xf32> -> vector<128x128xf32>
    %swap3A_1163 = arith.constant 11264 : index
    %swap3A_1164 = arith.constant 0 : index
    %swap3A_1165 = vector.load %arg2[%swap3A_1163, %swap3A_1164] : memref<16384x128xf32, #tpu.memory_space<vmem>>, vector<128x128xf32>
    tpu.vector_store %arg2[%swap3A_1163, %swap3A_1164], %transpose3A_1162 {strides = array<i32>} : memref<16384x128xf32, #tpu.memory_space<vmem>>, vector<128x128xf32>,
    %slice3A_1166 = vector.extract_strided_slice %mul3A_12 {offsets = [0, 91136], sizes = [16, 128], strides = [1, 1]} : vector<16x131072xf32> to vector<16x128xf32>
    %slice3A_1167 = vector.extract_strided_slice %mul3A_12 {offsets = [0, 91264], sizes = [16, 128], strides = [1, 1]} : vector<16x131072xf32> to vector<16x128xf32>
    %slice3A_1168 = vector.extract_strided_slice %mul3A_12 {offsets = [0, 91392], sizes = [16, 128], strides = [1, 1]} : vector<16x131072xf32> to vector<16x128xf32>
    %slice3A_1169 = vector.extract_strided_slice %mul3A_12 {offsets = [0, 91520], sizes = [16, 128], strides = [1, 1]} : vector<16x131072xf32> to vector<16x128xf32>
    %slice3A_1170 = vector.extract_strided_slice %mul3A_12 {offsets = [0, 91648], sizes = [16, 128], strides = [1, 1]} : vector<16x131072xf32> to vector<16x128xf32>
    %slice3A_1171 = vector.extract_strided_slice %mul3A_12 {offsets = [0, 91776], sizes = [16, 128], strides = [1, 1]} : vector<16x131072xf32> to vector<16x128xf32>
    %slice3A_1172 = vector.extract_strided_slice %mul3A_12 {offsets = [0, 91904], sizes = [16, 128], strides = [1, 1]} : vector<16x131072xf32> to vector<16x128xf32>
    %slice3A_1173 = vector.extract_strided_slice %mul3A_12 {offsets = [0, 92032], sizes = [16, 128], strides = [1, 1]} : vector<16x131072xf32> to vector<16x128xf32>
    %concatenate3A_1174 = tpu.concatenate %slice3A_1166, %slice3A_1167, %slice3A_1168, %slice3A_1169, %slice3A_1170, %slice3A_1171, %slice3A_1172, %slice3A_1173 in 0 : vector<16x128xf32>, vector<16x128xf32>, vector<16x128xf32>, vector<16x128xf32>, vector<16x128xf32>, vector<16x128xf32>, vector<16x128xf32>, vector<16x128xf32> -> vector<128x128xf32>
    %transpose3A_1175 = tpu.transpose %concatenate3A_1174, [1, 0] : vector<128x128xf32> -> vector<128x128xf32>
    %swap3A_1176 = arith.constant 11392 : index
    %swap3A_1177 = arith.constant 0 : index
    %swap3A_1178 = vector.load %arg2[%swap3A_1176, %swap3A_1177] : memref<16384x128xf32, #tpu.memory_space<vmem>>, vector<128x128xf32>
    tpu.vector_store %arg2[%swap3A_1176, %swap3A_1177], %transpose3A_1175 {strides = array<i32>} : memref<16384x128xf32, #tpu.memory_space<vmem>>, vector<128x128xf32>,
    %slice3A_1179 = vector.extract_strided_slice %mul3A_12 {offsets = [0, 92160], sizes = [16, 128], strides = [1, 1]} : vector<16x131072xf32> to vector<16x128xf32>
    %slice3A_1180 = vector.extract_strided_slice %mul3A_12 {offsets = [0, 92288], sizes = [16, 128], strides = [1, 1]} : vector<16x131072xf32> to vector<16x128xf32>
    %slice3A_1181 = vector.extract_strided_slice %mul3A_12 {offsets = [0, 92416], sizes = [16, 128], strides = [1, 1]} : vector<16x131072xf32> to vector<16x128xf32>
    %slice3A_1182 = vector.extract_strided_slice %mul3A_12 {offsets = [0, 92544], sizes = [16, 128], strides = [1, 1]} : vector<16x131072xf32> to vector<16x128xf32>
    %slice3A_1183 = vector.extract_strided_slice %mul3A_12 {offsets = [0, 92672], sizes = [16, 128], strides = [1, 1]} : vector<16x131072xf32> to vector<16x128xf32>
    %slice3A_1184 = vector.extract_strided_slice %mul3A_12 {offsets = [0, 92800], sizes = [16, 128], strides = [1, 1]} : vector<16x131072xf32> to vector<16x128xf32>
    %slice3A_1185 = vector.extract_strided_slice %mul3A_12 {offsets = [0, 92928], sizes = [16, 128], strides = [1, 1]} : vector<16x131072xf32> to vector<16x128xf32>
    %slice3A_1186 = vector.extract_strided_slice %mul3A_12 {offsets = [0, 93056], sizes = [16, 128], strides = [1, 1]} : vector<16x131072xf32> to vector<16x128xf32>
    %concatenate3A_1187 = tpu.concatenate %slice3A_1179, %slice3A_1180, %slice3A_1181, %slice3A_1182, %slice3A_1183, %slice3A_1184, %slice3A_1185, %slice3A_1186 in 0 : vector<16x128xf32>, vector<16x128xf32>, vector<16x128xf32>, vector<16x128xf32>, vector<16x128xf32>, vector<16x128xf32>, vector<16x128xf32>, vector<16x128xf32> -> vector<128x128xf32>
    %transpose3A_1188 = tpu.transpose %concatenate3A_1187, [1, 0] : vector<128x128xf32> -> vector<128x128xf32>
    %swap3A_1189 = arith.constant 11520 : index
    %swap3A_1190 = arith.constant 0 : index
    %swap3A_1191 = vector.load %arg2[%swap3A_1189, %swap3A_1190] : memref<16384x128xf32, #tpu.memory_space<vmem>>, vector<128x128xf32>
    tpu.vector_store %arg2[%swap3A_1189, %swap3A_1190], %transpose3A_1188 {strides = array<i32>} : memref<16384x128xf32, #tpu.memory_space<vmem>>, vector<128x128xf32>,
    %slice3A_1192 = vector.extract_strided_slice %mul3A_12 {offsets = [0, 93184], sizes = [16, 128], strides = [1, 1]} : vector<16x131072xf32> to vector<16x128xf32>
    %slice3A_1193 = vector.extract_strided_slice %mul3A_12 {offsets = [0, 93312], sizes = [16, 128], strides = [1, 1]} : vector<16x131072xf32> to vector<16x128xf32>
    %slice3A_1194 = vector.extract_strided_slice %mul3A_12 {offsets = [0, 93440], sizes = [16, 128], strides = [1, 1]} : vector<16x131072xf32> to vector<16x128xf32>
    %slice3A_1195 = vector.extract_strided_slice %mul3A_12 {offsets = [0, 93568], sizes = [16, 128], strides = [1, 1]} : vector<16x131072xf32> to vector<16x128xf32>
    %slice3A_1196 = vector.extract_strided_slice %mul3A_12 {offsets = [0, 93696], sizes = [16, 128], strides = [1, 1]} : vector<16x131072xf32> to vector<16x128xf32>
    %slice3A_1197 = vector.extract_strided_slice %mul3A_12 {offsets = [0, 93824], sizes = [16, 128], strides = [1, 1]} : vector<16x131072xf32> to vector<16x128xf32>
    %slice3A_1198 = vector.extract_strided_slice %mul3A_12 {offsets = [0, 93952], sizes = [16, 128], strides = [1, 1]} : vector<16x131072xf32> to vector<16x128xf32>
    %slice3A_1199 = vector.extract_strided_slice %mul3A_12 {offsets = [0, 94080], sizes = [16, 128], strides = [1, 1]} : vector<16x131072xf32> to vector<16x128xf32>
    %concatenate3A_1200 = tpu.concatenate %slice3A_1192, %slice3A_1193, %slice3A_1194, %slice3A_1195, %slice3A_1196, %slice3A_1197, %slice3A_1198, %slice3A_1199 in 0 : vector<16x128xf32>, vector<16x128xf32>, vector<16x128xf32>, vector<16x128xf32>, vector<16x128xf32>, vector<16x128xf32>, vector<16x128xf32>, vector<16x128xf32> -> vector<128x128xf32>
    %transpose3A_1201 = tpu.transpose %concatenate3A_1200, [1, 0] : vector<128x128xf32> -> vector<128x128xf32>
    %swap3A_1202 = arith.constant 11648 : index
    %swap3A_1203 = arith.constant 0 : index
    %swap3A_1204 = vector.load %arg2[%swap3A_1202, %swap3A_1203] : memref<16384x128xf32, #tpu.memory_space<vmem>>, vector<128x128xf32>
    tpu.vector_store %arg2[%swap3A_1202, %swap3A_1203], %transpose3A_1201 {strides = array<i32>} : memref<16384x128xf32, #tpu.memory_space<vmem>>, vector<128x128xf32>,
    %slice3A_1205 = vector.extract_strided_slice %mul3A_12 {offsets = [0, 94208], sizes = [16, 128], strides = [1, 1]} : vector<16x131072xf32> to vector<16x128xf32>
    %slice3A_1206 = vector.extract_strided_slice %mul3A_12 {offsets = [0, 94336], sizes = [16, 128], strides = [1, 1]} : vector<16x131072xf32> to vector<16x128xf32>
    %slice3A_1207 = vector.extract_strided_slice %mul3A_12 {offsets = [0, 94464], sizes = [16, 128], strides = [1, 1]} : vector<16x131072xf32> to vector<16x128xf32>
    %slice3A_1208 = vector.extract_strided_slice %mul3A_12 {offsets = [0, 94592], sizes = [16, 128], strides = [1, 1]} : vector<16x131072xf32> to vector<16x128xf32>
    %slice3A_1209 = vector.extract_strided_slice %mul3A_12 {offsets = [0, 94720], sizes = [16, 128], strides = [1, 1]} : vector<16x131072xf32> to vector<16x128xf32>
    %slice3A_1210 = vector.extract_strided_slice %mul3A_12 {offsets = [0, 94848], sizes = [16, 128], strides = [1, 1]} : vector<16x131072xf32> to vector<16x128xf32>
    %slice3A_1211 = vector.extract_strided_slice %mul3A_12 {offsets = [0, 94976], sizes = [16, 128], strides = [1, 1]} : vector<16x131072xf32> to vector<16x128xf32>
    %slice3A_1212 = vector.extract_strided_slice %mul3A_12 {offsets = [0, 95104], sizes = [16, 128], strides = [1, 1]} : vector<16x131072xf32> to vector<16x128xf32>
    %concatenate3A_1213 = tpu.concatenate %slice3A_1205, %slice3A_1206, %slice3A_1207, %slice3A_1208, %slice3A_1209, %slice3A_1210, %slice3A_1211, %slice3A_1212 in 0 : vector<16x128xf32>, vector<16x128xf32>, vector<16x128xf32>, vector<16x128xf32>, vector<16x128xf32>, vector<16x128xf32>, vector<16x128xf32>, vector<16x128xf32> -> vector<128x128xf32>
    %transpose3A_1214 = tpu.transpose %concatenate3A_1213, [1, 0] : vector<128x128xf32> -> vector<128x128xf32>
    %swap3A_1215 = arith.constant 11776 : index
    %swap3A_1216 = arith.constant 0 : index
    %swap3A_1217 = vector.load %arg2[%swap3A_1215, %swap3A_1216] : memref<16384x128xf32, #tpu.memory_space<vmem>>, vector<128x128xf32>
    tpu.vector_store %arg2[%swap3A_1215, %swap3A_1216], %transpose3A_1214 {strides = array<i32>} : memref<16384x128xf32, #tpu.memory_space<vmem>>, vector<128x128xf32>,
    %slice3A_1218 = vector.extract_strided_slice %mul3A_12 {offsets = [0, 95232], sizes = [16, 128], strides = [1, 1]} : vector<16x131072xf32> to vector<16x128xf32>
    %slice3A_1219 = vector.extract_strided_slice %mul3A_12 {offsets = [0, 95360], sizes = [16, 128], strides = [1, 1]} : vector<16x131072xf32> to vector<16x128xf32>
    %slice3A_1220 = vector.extract_strided_slice %mul3A_12 {offsets = [0, 95488], sizes = [16, 128], strides = [1, 1]} : vector<16x131072xf32> to vector<16x128xf32>
    %slice3A_1221 = vector.extract_strided_slice %mul3A_12 {offsets = [0, 95616], sizes = [16, 128], strides = [1, 1]} : vector<16x131072xf32> to vector<16x128xf32>
    %slice3A_1222 = vector.extract_strided_slice %mul3A_12 {offsets = [0, 95744], sizes = [16, 128], strides = [1, 1]} : vector<16x131072xf32> to vector<16x128xf32>
    %slice3A_1223 = vector.extract_strided_slice %mul3A_12 {offsets = [0, 95872], sizes = [16, 128], strides = [1, 1]} : vector<16x131072xf32> to vector<16x128xf32>
    %slice3A_1224 = vector.extract_strided_slice %mul3A_12 {offsets = [0, 96000], sizes = [16, 128], strides = [1, 1]} : vector<16x131072xf32> to vector<16x128xf32>
    %slice3A_1225 = vector.extract_strided_slice %mul3A_12 {offsets = [0, 96128], sizes = [16, 128], strides = [1, 1]} : vector<16x131072xf32> to vector<16x128xf32>
    %concatenate3A_1226 = tpu.concatenate %slice3A_1218, %slice3A_1219, %slice3A_1220, %slice3A_1221, %slice3A_1222, %slice3A_1223, %slice3A_1224, %slice3A_1225 in 0 : vector<16x128xf32>, vector<16x128xf32>, vector<16x128xf32>, vector<16x128xf32>, vector<16x128xf32>, vector<16x128xf32>, vector<16x128xf32>, vector<16x128xf32> -> vector<128x128xf32>
    %transpose3A_1227 = tpu.transpose %concatenate3A_1226, [1, 0] : vector<128x128xf32> -> vector<128x128xf32>
    %swap3A_1228 = arith.constant 11904 : index
    %swap3A_1229 = arith.constant 0 : index
    %swap3A_1230 = vector.load %arg2[%swap3A_1228, %swap3A_1229] : memref<16384x128xf32, #tpu.memory_space<vmem>>, vector<128x128xf32>
    tpu.vector_store %arg2[%swap3A_1228, %swap3A_1229], %transpose3A_1227 {strides = array<i32>} : memref<16384x128xf32, #tpu.memory_space<vmem>>, vector<128x128xf32>,
    %slice3A_1231 = vector.extract_strided_slice %mul3A_12 {offsets = [0, 96256], sizes = [16, 128], strides = [1, 1]} : vector<16x131072xf32> to vector<16x128xf32>
    %slice3A_1232 = vector.extract_strided_slice %mul3A_12 {offsets = [0, 96384], sizes = [16, 128], strides = [1, 1]} : vector<16x131072xf32> to vector<16x128xf32>
    %slice3A_1233 = vector.extract_strided_slice %mul3A_12 {offsets = [0, 96512], sizes = [16, 128], strides = [1, 1]} : vector<16x131072xf32> to vector<16x128xf32>
    %slice3A_1234 = vector.extract_strided_slice %mul3A_12 {offsets = [0, 96640], sizes = [16, 128], strides = [1, 1]} : vector<16x131072xf32> to vector<16x128xf32>
    %slice3A_1235 = vector.extract_strided_slice %mul3A_12 {offsets = [0, 96768], sizes = [16, 128], strides = [1, 1]} : vector<16x131072xf32> to vector<16x128xf32>
    %slice3A_1236 = vector.extract_strided_slice %mul3A_12 {offsets = [0, 96896], sizes = [16, 128], strides = [1, 1]} : vector<16x131072xf32> to vector<16x128xf32>
    %slice3A_1237 = vector.extract_strided_slice %mul3A_12 {offsets = [0, 97024], sizes = [16, 128], strides = [1, 1]} : vector<16x131072xf32> to vector<16x128xf32>
    %slice3A_1238 = vector.extract_strided_slice %mul3A_12 {offsets = [0, 97152], sizes = [16, 128], strides = [1, 1]} : vector<16x131072xf32> to vector<16x128xf32>
    %concatenate3A_1239 = tpu.concatenate %slice3A_1231, %slice3A_1232, %slice3A_1233, %slice3A_1234, %slice3A_1235, %slice3A_1236, %slice3A_1237, %slice3A_1238 in 0 : vector<16x128xf32>, vector<16x128xf32>, vector<16x128xf32>, vector<16x128xf32>, vector<16x128xf32>, vector<16x128xf32>, vector<16x128xf32>, vector<16x128xf32> -> vector<128x128xf32>
    %transpose3A_1240 = tpu.transpose %concatenate3A_1239, [1, 0] : vector<128x128xf32> -> vector<128x128xf32>
    %swap3A_1241 = arith.constant 12032 : index
    %swap3A_1242 = arith.constant 0 : index
    %swap3A_1243 = vector.load %arg2[%swap3A_1241, %swap3A_1242] : memref<16384x128xf32, #tpu.memory_space<vmem>>, vector<128x128xf32>
    tpu.vector_store %arg2[%swap3A_1241, %swap3A_1242], %transpose3A_1240 {strides = array<i32>} : memref<16384x128xf32, #tpu.memory_space<vmem>>, vector<128x128xf32>,
    %slice3A_1244 = vector.extract_strided_slice %mul3A_12 {offsets = [0, 97280], sizes = [16, 128], strides = [1, 1]} : vector<16x131072xf32> to vector<16x128xf32>
    %slice3A_1245 = vector.extract_strided_slice %mul3A_12 {offsets = [0, 97408], sizes = [16, 128], strides = [1, 1]} : vector<16x131072xf32> to vector<16x128xf32>
    %slice3A_1246 = vector.extract_strided_slice %mul3A_12 {offsets = [0, 97536], sizes = [16, 128], strides = [1, 1]} : vector<16x131072xf32> to vector<16x128xf32>
    %slice3A_1247 = vector.extract_strided_slice %mul3A_12 {offsets = [0, 97664], sizes = [16, 128], strides = [1, 1]} : vector<16x131072xf32> to vector<16x128xf32>
    %slice3A_1248 = vector.extract_strided_slice %mul3A_12 {offsets = [0, 97792], sizes = [16, 128], strides = [1, 1]} : vector<16x131072xf32> to vector<16x128xf32>
    %slice3A_1249 = vector.extract_strided_slice %mul3A_12 {offsets = [0, 97920], sizes = [16, 128], strides = [1, 1]} : vector<16x131072xf32> to vector<16x128xf32>
    %slice3A_1250 = vector.extract_strided_slice %mul3A_12 {offsets = [0, 98048], sizes = [16, 128], strides = [1, 1]} : vector<16x131072xf32> to vector<16x128xf32>
    %slice3A_1251 = vector.extract_strided_slice %mul3A_12 {offsets = [0, 98176], sizes = [16, 128], strides = [1, 1]} : vector<16x131072xf32> to vector<16x128xf32>
    %concatenate3A_1252 = tpu.concatenate %slice3A_1244, %slice3A_1245, %slice3A_1246, %slice3A_1247, %slice3A_1248, %slice3A_1249, %slice3A_1250, %slice3A_1251 in 0 : vector<16x128xf32>, vector<16x128xf32>, vector<16x128xf32>, vector<16x128xf32>, vector<16x128xf32>, vector<16x128xf32>, vector<16x128xf32>, vector<16x128xf32> -> vector<128x128xf32>
    %transpose3A_1253 = tpu.transpose %concatenate3A_1252, [1, 0] : vector<128x128xf32> -> vector<128x128xf32>
    %swap3A_1254 = arith.constant 12160 : index
    %swap3A_1255 = arith.constant 0 : index
    %swap3A_1256 = vector.load %arg2[%swap3A_1254, %swap3A_1255] : memref<16384x128xf32, #tpu.memory_space<vmem>>, vector<128x128xf32>
    tpu.vector_store %arg2[%swap3A_1254, %swap3A_1255], %transpose3A_1253 {strides = array<i32>} : memref<16384x128xf32, #tpu.memory_space<vmem>>, vector<128x128xf32>,
    %slice3A_1257 = vector.extract_strided_slice %mul3A_12 {offsets = [0, 98304], sizes = [16, 128], strides = [1, 1]} : vector<16x131072xf32> to vector<16x128xf32>
    %slice3A_1258 = vector.extract_strided_slice %mul3A_12 {offsets = [0, 98432], sizes = [16, 128], strides = [1, 1]} : vector<16x131072xf32> to vector<16x128xf32>
    %slice3A_1259 = vector.extract_strided_slice %mul3A_12 {offsets = [0, 98560], sizes = [16, 128], strides = [1, 1]} : vector<16x131072xf32> to vector<16x128xf32>
    %slice3A_1260 = vector.extract_strided_slice %mul3A_12 {offsets = [0, 98688], sizes = [16, 128], strides = [1, 1]} : vector<16x131072xf32> to vector<16x128xf32>
    %slice3A_1261 = vector.extract_strided_slice %mul3A_12 {offsets = [0, 98816], sizes = [16, 128], strides = [1, 1]} : vector<16x131072xf32> to vector<16x128xf32>
    %slice3A_1262 = vector.extract_strided_slice %mul3A_12 {offsets = [0, 98944], sizes = [16, 128], strides = [1, 1]} : vector<16x131072xf32> to vector<16x128xf32>
    %slice3A_1263 = vector.extract_strided_slice %mul3A_12 {offsets = [0, 99072], sizes = [16, 128], strides = [1, 1]} : vector<16x131072xf32> to vector<16x128xf32>
    %slice3A_1264 = vector.extract_strided_slice %mul3A_12 {offsets = [0, 99200], sizes = [16, 128], strides = [1, 1]} : vector<16x131072xf32> to vector<16x128xf32>
    %concatenate3A_1265 = tpu.concatenate %slice3A_1257, %slice3A_1258, %slice3A_1259, %slice3A_1260, %slice3A_1261, %slice3A_1262, %slice3A_1263, %slice3A_1264 in 0 : vector<16x128xf32>, vector<16x128xf32>, vector<16x128xf32>, vector<16x128xf32>, vector<16x128xf32>, vector<16x128xf32>, vector<16x128xf32>, vector<16x128xf32> -> vector<128x128xf32>
    %transpose3A_1266 = tpu.transpose %concatenate3A_1265, [1, 0] : vector<128x128xf32> -> vector<128x128xf32>
    %swap3A_1267 = arith.constant 12288 : index
    %swap3A_1268 = arith.constant 0 : index
    %swap3A_1269 = vector.load %arg2[%swap3A_1267, %swap3A_1268] : memref<16384x128xf32, #tpu.memory_space<vmem>>, vector<128x128xf32>
    tpu.vector_store %arg2[%swap3A_1267, %swap3A_1268], %transpose3A_1266 {strides = array<i32>} : memref<16384x128xf32, #tpu.memory_space<vmem>>, vector<128x128xf32>,
    %slice3A_1270 = vector.extract_strided_slice %mul3A_12 {offsets = [0, 99328], sizes = [16, 128], strides = [1, 1]} : vector<16x131072xf32> to vector<16x128xf32>
    %slice3A_1271 = vector.extract_strided_slice %mul3A_12 {offsets = [0, 99456], sizes = [16, 128], strides = [1, 1]} : vector<16x131072xf32> to vector<16x128xf32>
    %slice3A_1272 = vector.extract_strided_slice %mul3A_12 {offsets = [0, 99584], sizes = [16, 128], strides = [1, 1]} : vector<16x131072xf32> to vector<16x128xf32>
    %slice3A_1273 = vector.extract_strided_slice %mul3A_12 {offsets = [0, 99712], sizes = [16, 128], strides = [1, 1]} : vector<16x131072xf32> to vector<16x128xf32>
    %slice3A_1274 = vector.extract_strided_slice %mul3A_12 {offsets = [0, 99840], sizes = [16, 128], strides = [1, 1]} : vector<16x131072xf32> to vector<16x128xf32>
    %slice3A_1275 = vector.extract_strided_slice %mul3A_12 {offsets = [0, 99968], sizes = [16, 128], strides = [1, 1]} : vector<16x131072xf32> to vector<16x128xf32>
    %slice3A_1276 = vector.extract_strided_slice %mul3A_12 {offsets = [0, 100096], sizes = [16, 128], strides = [1, 1]} : vector<16x131072xf32> to vector<16x128xf32>
    %slice3A_1277 = vector.extract_strided_slice %mul3A_12 {offsets = [0, 100224], sizes = [16, 128], strides = [1, 1]} : vector<16x131072xf32> to vector<16x128xf32>
    %concatenate3A_1278 = tpu.concatenate %slice3A_1270, %slice3A_1271, %slice3A_1272, %slice3A_1273, %slice3A_1274, %slice3A_1275, %slice3A_1276, %slice3A_1277 in 0 : vector<16x128xf32>, vector<16x128xf32>, vector<16x128xf32>, vector<16x128xf32>, vector<16x128xf32>, vector<16x128xf32>, vector<16x128xf32>, vector<16x128xf32> -> vector<128x128xf32>
    %transpose3A_1279 = tpu.transpose %concatenate3A_1278, [1, 0] : vector<128x128xf32> -> vector<128x128xf32>
    %swap3A_1280 = arith.constant 12416 : index
    %swap3A_1281 = arith.constant 0 : index
    %swap3A_1282 = vector.load %arg2[%swap3A_1280, %swap3A_1281] : memref<16384x128xf32, #tpu.memory_space<vmem>>, vector<128x128xf32>
    tpu.vector_store %arg2[%swap3A_1280, %swap3A_1281], %transpose3A_1279 {strides = array<i32>} : memref<16384x128xf32, #tpu.memory_space<vmem>>, vector<128x128xf32>,
    %slice3A_1283 = vector.extract_strided_slice %mul3A_12 {offsets = [0, 100352], sizes = [16, 128], strides = [1, 1]} : vector<16x131072xf32> to vector<16x128xf32>
    %slice3A_1284 = vector.extract_strided_slice %mul3A_12 {offsets = [0, 100480], sizes = [16, 128], strides = [1, 1]} : vector<16x131072xf32> to vector<16x128xf32>
    %slice3A_1285 = vector.extract_strided_slice %mul3A_12 {offsets = [0, 100608], sizes = [16, 128], strides = [1, 1]} : vector<16x131072xf32> to vector<16x128xf32>
    %slice3A_1286 = vector.extract_strided_slice %mul3A_12 {offsets = [0, 100736], sizes = [16, 128], strides = [1, 1]} : vector<16x131072xf32> to vector<16x128xf32>
    %slice3A_1287 = vector.extract_strided_slice %mul3A_12 {offsets = [0, 100864], sizes = [16, 128], strides = [1, 1]} : vector<16x131072xf32> to vector<16x128xf32>
    %slice3A_1288 = vector.extract_strided_slice %mul3A_12 {offsets = [0, 100992], sizes = [16, 128], strides = [1, 1]} : vector<16x131072xf32> to vector<16x128xf32>
    %slice3A_1289 = vector.extract_strided_slice %mul3A_12 {offsets = [0, 101120], sizes = [16, 128], strides = [1, 1]} : vector<16x131072xf32> to vector<16x128xf32>
    %slice3A_1290 = vector.extract_strided_slice %mul3A_12 {offsets = [0, 101248], sizes = [16, 128], strides = [1, 1]} : vector<16x131072xf32> to vector<16x128xf32>
    %concatenate3A_1291 = tpu.concatenate %slice3A_1283, %slice3A_1284, %slice3A_1285, %slice3A_1286, %slice3A_1287, %slice3A_1288, %slice3A_1289, %slice3A_1290 in 0 : vector<16x128xf32>, vector<16x128xf32>, vector<16x128xf32>, vector<16x128xf32>, vector<16x128xf32>, vector<16x128xf32>, vector<16x128xf32>, vector<16x128xf32> -> vector<128x128xf32>
    %transpose3A_1292 = tpu.transpose %concatenate3A_1291, [1, 0] : vector<128x128xf32> -> vector<128x128xf32>
    %swap3A_1293 = arith.constant 12544 : index
    %swap3A_1294 = arith.constant 0 : index
    %swap3A_1295 = vector.load %arg2[%swap3A_1293, %swap3A_1294] : memref<16384x128xf32, #tpu.memory_space<vmem>>, vector<128x128xf32>
    tpu.vector_store %arg2[%swap3A_1293, %swap3A_1294], %transpose3A_1292 {strides = array<i32>} : memref<16384x128xf32, #tpu.memory_space<vmem>>, vector<128x128xf32>,
    %slice3A_1296 = vector.extract_strided_slice %mul3A_12 {offsets = [0, 101376], sizes = [16, 128], strides = [1, 1]} : vector<16x131072xf32> to vector<16x128xf32>
    %slice3A_1297 = vector.extract_strided_slice %mul3A_12 {offsets = [0, 101504], sizes = [16, 128], strides = [1, 1]} : vector<16x131072xf32> to vector<16x128xf32>
    %slice3A_1298 = vector.extract_strided_slice %mul3A_12 {offsets = [0, 101632], sizes = [16, 128], strides = [1, 1]} : vector<16x131072xf32> to vector<16x128xf32>
    %slice3A_1299 = vector.extract_strided_slice %mul3A_12 {offsets = [0, 101760], sizes = [16, 128], strides = [1, 1]} : vector<16x131072xf32> to vector<16x128xf32>
    %slice3A_1300 = vector.extract_strided_slice %mul3A_12 {offsets = [0, 101888], sizes = [16, 128], strides = [1, 1]} : vector<16x131072xf32> to vector<16x128xf32>
    %slice3A_1301 = vector.extract_strided_slice %mul3A_12 {offsets = [0, 102016], sizes = [16, 128], strides = [1, 1]} : vector<16x131072xf32> to vector<16x128xf32>
    %slice3A_1302 = vector.extract_strided_slice %mul3A_12 {offsets = [0, 102144], sizes = [16, 128], strides = [1, 1]} : vector<16x131072xf32> to vector<16x128xf32>
    %slice3A_1303 = vector.extract_strided_slice %mul3A_12 {offsets = [0, 102272], sizes = [16, 128], strides = [1, 1]} : vector<16x131072xf32> to vector<16x128xf32>
    %concatenate3A_1304 = tpu.concatenate %slice3A_1296, %slice3A_1297, %slice3A_1298, %slice3A_1299, %slice3A_1300, %slice3A_1301, %slice3A_1302, %slice3A_1303 in 0 : vector<16x128xf32>, vector<16x128xf32>, vector<16x128xf32>, vector<16x128xf32>, vector<16x128xf32>, vector<16x128xf32>, vector<16x128xf32>, vector<16x128xf32> -> vector<128x128xf32>
    %transpose3A_1305 = tpu.transpose %concatenate3A_1304, [1, 0] : vector<128x128xf32> -> vector<128x128xf32>
    %swap3A_1306 = arith.constant 12672 : index
    %swap3A_1307 = arith.constant 0 : index
    %swap3A_1308 = vector.load %arg2[%swap3A_1306, %swap3A_1307] : memref<16384x128xf32, #tpu.memory_space<vmem>>, vector<128x128xf32>
    tpu.vector_store %arg2[%swap3A_1306, %swap3A_1307], %transpose3A_1305 {strides = array<i32>} : memref<16384x128xf32, #tpu.memory_space<vmem>>, vector<128x128xf32>,
    %slice3A_1309 = vector.extract_strided_slice %mul3A_12 {offsets = [0, 102400], sizes = [16, 128], strides = [1, 1]} : vector<16x131072xf32> to vector<16x128xf32>
    %slice3A_1310 = vector.extract_strided_slice %mul3A_12 {offsets = [0, 102528], sizes = [16, 128], strides = [1, 1]} : vector<16x131072xf32> to vector<16x128xf32>
    %slice3A_1311 = vector.extract_strided_slice %mul3A_12 {offsets = [0, 102656], sizes = [16, 128], strides = [1, 1]} : vector<16x131072xf32> to vector<16x128xf32>
    %slice3A_1312 = vector.extract_strided_slice %mul3A_12 {offsets = [0, 102784], sizes = [16, 128], strides = [1, 1]} : vector<16x131072xf32> to vector<16x128xf32>
    %slice3A_1313 = vector.extract_strided_slice %mul3A_12 {offsets = [0, 102912], sizes = [16, 128], strides = [1, 1]} : vector<16x131072xf32> to vector<16x128xf32>
    %slice3A_1314 = vector.extract_strided_slice %mul3A_12 {offsets = [0, 103040], sizes = [16, 128], strides = [1, 1]} : vector<16x131072xf32> to vector<16x128xf32>
    %slice3A_1315 = vector.extract_strided_slice %mul3A_12 {offsets = [0, 103168], sizes = [16, 128], strides = [1, 1]} : vector<16x131072xf32> to vector<16x128xf32>
    %slice3A_1316 = vector.extract_strided_slice %mul3A_12 {offsets = [0, 103296], sizes = [16, 128], strides = [1, 1]} : vector<16x131072xf32> to vector<16x128xf32>
    %concatenate3A_1317 = tpu.concatenate %slice3A_1309, %slice3A_1310, %slice3A_1311, %slice3A_1312, %slice3A_1313, %slice3A_1314, %slice3A_1315, %slice3A_1316 in 0 : vector<16x128xf32>, vector<16x128xf32>, vector<16x128xf32>, vector<16x128xf32>, vector<16x128xf32>, vector<16x128xf32>, vector<16x128xf32>, vector<16x128xf32> -> vector<128x128xf32>
    %transpose3A_1318 = tpu.transpose %concatenate3A_1317, [1, 0] : vector<128x128xf32> -> vector<128x128xf32>
    %swap3A_1319 = arith.constant 12800 : index
    %swap3A_1320 = arith.constant 0 : index
    %swap3A_1321 = vector.load %arg2[%swap3A_1319, %swap3A_1320] : memref<16384x128xf32, #tpu.memory_space<vmem>>, vector<128x128xf32>
    tpu.vector_store %arg2[%swap3A_1319, %swap3A_1320], %transpose3A_1318 {strides = array<i32>} : memref<16384x128xf32, #tpu.memory_space<vmem>>, vector<128x128xf32>,
    %slice3A_1322 = vector.extract_strided_slice %mul3A_12 {offsets = [0, 103424], sizes = [16, 128], strides = [1, 1]} : vector<16x131072xf32> to vector<16x128xf32>
    %slice3A_1323 = vector.extract_strided_slice %mul3A_12 {offsets = [0, 103552], sizes = [16, 128], strides = [1, 1]} : vector<16x131072xf32> to vector<16x128xf32>
    %slice3A_1324 = vector.extract_strided_slice %mul3A_12 {offsets = [0, 103680], sizes = [16, 128], strides = [1, 1]} : vector<16x131072xf32> to vector<16x128xf32>
    %slice3A_1325 = vector.extract_strided_slice %mul3A_12 {offsets = [0, 103808], sizes = [16, 128], strides = [1, 1]} : vector<16x131072xf32> to vector<16x128xf32>
    %slice3A_1326 = vector.extract_strided_slice %mul3A_12 {offsets = [0, 103936], sizes = [16, 128], strides = [1, 1]} : vector<16x131072xf32> to vector<16x128xf32>
    %slice3A_1327 = vector.extract_strided_slice %mul3A_12 {offsets = [0, 104064], sizes = [16, 128], strides = [1, 1]} : vector<16x131072xf32> to vector<16x128xf32>
    %slice3A_1328 = vector.extract_strided_slice %mul3A_12 {offsets = [0, 104192], sizes = [16, 128], strides = [1, 1]} : vector<16x131072xf32> to vector<16x128xf32>
    %slice3A_1329 = vector.extract_strided_slice %mul3A_12 {offsets = [0, 104320], sizes = [16, 128], strides = [1, 1]} : vector<16x131072xf32> to vector<16x128xf32>
    %concatenate3A_1330 = tpu.concatenate %slice3A_1322, %slice3A_1323, %slice3A_1324, %slice3A_1325, %slice3A_1326, %slice3A_1327, %slice3A_1328, %slice3A_1329 in 0 : vector<16x128xf32>, vector<16x128xf32>, vector<16x128xf32>, vector<16x128xf32>, vector<16x128xf32>, vector<16x128xf32>, vector<16x128xf32>, vector<16x128xf32> -> vector<128x128xf32>
    %transpose3A_1331 = tpu.transpose %concatenate3A_1330, [1, 0] : vector<128x128xf32> -> vector<128x128xf32>
    %swap3A_1332 = arith.constant 12928 : index
    %swap3A_1333 = arith.constant 0 : index
    %swap3A_1334 = vector.load %arg2[%swap3A_1332, %swap3A_1333] : memref<16384x128xf32, #tpu.memory_space<vmem>>, vector<128x128xf32>
    tpu.vector_store %arg2[%swap3A_1332, %swap3A_1333], %transpose3A_1331 {strides = array<i32>} : memref<16384x128xf32, #tpu.memory_space<vmem>>, vector<128x128xf32>,
    %slice3A_1335 = vector.extract_strided_slice %mul3A_12 {offsets = [0, 104448], sizes = [16, 128], strides = [1, 1]} : vector<16x131072xf32> to vector<16x128xf32>
    %slice3A_1336 = vector.extract_strided_slice %mul3A_12 {offsets = [0, 104576], sizes = [16, 128], strides = [1, 1]} : vector<16x131072xf32> to vector<16x128xf32>
    %slice3A_1337 = vector.extract_strided_slice %mul3A_12 {offsets = [0, 104704], sizes = [16, 128], strides = [1, 1]} : vector<16x131072xf32> to vector<16x128xf32>
    %slice3A_1338 = vector.extract_strided_slice %mul3A_12 {offsets = [0, 104832], sizes = [16, 128], strides = [1, 1]} : vector<16x131072xf32> to vector<16x128xf32>
    %slice3A_1339 = vector.extract_strided_slice %mul3A_12 {offsets = [0, 104960], sizes = [16, 128], strides = [1, 1]} : vector<16x131072xf32> to vector<16x128xf32>
    %slice3A_1340 = vector.extract_strided_slice %mul3A_12 {offsets = [0, 105088], sizes = [16, 128], strides = [1, 1]} : vector<16x131072xf32> to vector<16x128xf32>
    %slice3A_1341 = vector.extract_strided_slice %mul3A_12 {offsets = [0, 105216], sizes = [16, 128], strides = [1, 1]} : vector<16x131072xf32> to vector<16x128xf32>
    %slice3A_1342 = vector.extract_strided_slice %mul3A_12 {offsets = [0, 105344], sizes = [16, 128], strides = [1, 1]} : vector<16x131072xf32> to vector<16x128xf32>
    %concatenate3A_1343 = tpu.concatenate %slice3A_1335, %slice3A_1336, %slice3A_1337, %slice3A_1338, %slice3A_1339, %slice3A_1340, %slice3A_1341, %slice3A_1342 in 0 : vector<16x128xf32>, vector<16x128xf32>, vector<16x128xf32>, vector<16x128xf32>, vector<16x128xf32>, vector<16x128xf32>, vector<16x128xf32>, vector<16x128xf32> -> vector<128x128xf32>
    %transpose3A_1344 = tpu.transpose %concatenate3A_1343, [1, 0] : vector<128x128xf32> -> vector<128x128xf32>
    %swap3A_1345 = arith.constant 13056 : index
    %swap3A_1346 = arith.constant 0 : index
    %swap3A_1347 = vector.load %arg2[%swap3A_1345, %swap3A_1346] : memref<16384x128xf32, #tpu.memory_space<vmem>>, vector<128x128xf32>
    tpu.vector_store %arg2[%swap3A_1345, %swap3A_1346], %transpose3A_1344 {strides = array<i32>} : memref<16384x128xf32, #tpu.memory_space<vmem>>, vector<128x128xf32>,
    %slice3A_1348 = vector.extract_strided_slice %mul3A_12 {offsets = [0, 105472], sizes = [16, 128], strides = [1, 1]} : vector<16x131072xf32> to vector<16x128xf32>
    %slice3A_1349 = vector.extract_strided_slice %mul3A_12 {offsets = [0, 105600], sizes = [16, 128], strides = [1, 1]} : vector<16x131072xf32> to vector<16x128xf32>
    %slice3A_1350 = vector.extract_strided_slice %mul3A_12 {offsets = [0, 105728], sizes = [16, 128], strides = [1, 1]} : vector<16x131072xf32> to vector<16x128xf32>
    %slice3A_1351 = vector.extract_strided_slice %mul3A_12 {offsets = [0, 105856], sizes = [16, 128], strides = [1, 1]} : vector<16x131072xf32> to vector<16x128xf32>
    %slice3A_1352 = vector.extract_strided_slice %mul3A_12 {offsets = [0, 105984], sizes = [16, 128], strides = [1, 1]} : vector<16x131072xf32> to vector<16x128xf32>
    %slice3A_1353 = vector.extract_strided_slice %mul3A_12 {offsets = [0, 106112], sizes = [16, 128], strides = [1, 1]} : vector<16x131072xf32> to vector<16x128xf32>
    %slice3A_1354 = vector.extract_strided_slice %mul3A_12 {offsets = [0, 106240], sizes = [16, 128], strides = [1, 1]} : vector<16x131072xf32> to vector<16x128xf32>
    %slice3A_1355 = vector.extract_strided_slice %mul3A_12 {offsets = [0, 106368], sizes = [16, 128], strides = [1, 1]} : vector<16x131072xf32> to vector<16x128xf32>
    %concatenate3A_1356 = tpu.concatenate %slice3A_1348, %slice3A_1349, %slice3A_1350, %slice3A_1351, %slice3A_1352, %slice3A_1353, %slice3A_1354, %slice3A_1355 in 0 : vector<16x128xf32>, vector<16x128xf32>, vector<16x128xf32>, vector<16x128xf32>, vector<16x128xf32>, vector<16x128xf32>, vector<16x128xf32>, vector<16x128xf32> -> vector<128x128xf32>
    %transpose3A_1357 = tpu.transpose %concatenate3A_1356, [1, 0] : vector<128x128xf32> -> vector<128x128xf32>
    %swap3A_1358 = arith.constant 13184 : index
    %swap3A_1359 = arith.constant 0 : index
    %swap3A_1360 = vector.load %arg2[%swap3A_1358, %swap3A_1359] : memref<16384x128xf32, #tpu.memory_space<vmem>>, vector<128x128xf32>
    tpu.vector_store %arg2[%swap3A_1358, %swap3A_1359], %transpose3A_1357 {strides = array<i32>} : memref<16384x128xf32, #tpu.memory_space<vmem>>, vector<128x128xf32>,
    %slice3A_1361 = vector.extract_strided_slice %mul3A_12 {offsets = [0, 106496], sizes = [16, 128], strides = [1, 1]} : vector<16x131072xf32> to vector<16x128xf32>
    %slice3A_1362 = vector.extract_strided_slice %mul3A_12 {offsets = [0, 106624], sizes = [16, 128], strides = [1, 1]} : vector<16x131072xf32> to vector<16x128xf32>
    %slice3A_1363 = vector.extract_strided_slice %mul3A_12 {offsets = [0, 106752], sizes = [16, 128], strides = [1, 1]} : vector<16x131072xf32> to vector<16x128xf32>
    %slice3A_1364 = vector.extract_strided_slice %mul3A_12 {offsets = [0, 106880], sizes = [16, 128], strides = [1, 1]} : vector<16x131072xf32> to vector<16x128xf32>
    %slice3A_1365 = vector.extract_strided_slice %mul3A_12 {offsets = [0, 107008], sizes = [16, 128], strides = [1, 1]} : vector<16x131072xf32> to vector<16x128xf32>
    %slice3A_1366 = vector.extract_strided_slice %mul3A_12 {offsets = [0, 107136], sizes = [16, 128], strides = [1, 1]} : vector<16x131072xf32> to vector<16x128xf32>
    %slice3A_1367 = vector.extract_strided_slice %mul3A_12 {offsets = [0, 107264], sizes = [16, 128], strides = [1, 1]} : vector<16x131072xf32> to vector<16x128xf32>
    %slice3A_1368 = vector.extract_strided_slice %mul3A_12 {offsets = [0, 107392], sizes = [16, 128], strides = [1, 1]} : vector<16x131072xf32> to vector<16x128xf32>
    %concatenate3A_1369 = tpu.concatenate %slice3A_1361, %slice3A_1362, %slice3A_1363, %slice3A_1364, %slice3A_1365, %slice3A_1366, %slice3A_1367, %slice3A_1368 in 0 : vector<16x128xf32>, vector<16x128xf32>, vector<16x128xf32>, vector<16x128xf32>, vector<16x128xf32>, vector<16x128xf32>, vector<16x128xf32>, vector<16x128xf32> -> vector<128x128xf32>
    %transpose3A_1370 = tpu.transpose %concatenate3A_1369, [1, 0] : vector<128x128xf32> -> vector<128x128xf32>
    %swap3A_1371 = arith.constant 13312 : index
    %swap3A_1372 = arith.constant 0 : index
    %swap3A_1373 = vector.load %arg2[%swap3A_1371, %swap3A_1372] : memref<16384x128xf32, #tpu.memory_space<vmem>>, vector<128x128xf32>
    tpu.vector_store %arg2[%swap3A_1371, %swap3A_1372], %transpose3A_1370 {strides = array<i32>} : memref<16384x128xf32, #tpu.memory_space<vmem>>, vector<128x128xf32>,
    %slice3A_1374 = vector.extract_strided_slice %mul3A_12 {offsets = [0, 107520], sizes = [16, 128], strides = [1, 1]} : vector<16x131072xf32> to vector<16x128xf32>
    %slice3A_1375 = vector.extract_strided_slice %mul3A_12 {offsets = [0, 107648], sizes = [16, 128], strides = [1, 1]} : vector<16x131072xf32> to vector<16x128xf32>
    %slice3A_1376 = vector.extract_strided_slice %mul3A_12 {offsets = [0, 107776], sizes = [16, 128], strides = [1, 1]} : vector<16x131072xf32> to vector<16x128xf32>
    %slice3A_1377 = vector.extract_strided_slice %mul3A_12 {offsets = [0, 107904], sizes = [16, 128], strides = [1, 1]} : vector<16x131072xf32> to vector<16x128xf32>
    %slice3A_1378 = vector.extract_strided_slice %mul3A_12 {offsets = [0, 108032], sizes = [16, 128], strides = [1, 1]} : vector<16x131072xf32> to vector<16x128xf32>
    %slice3A_1379 = vector.extract_strided_slice %mul3A_12 {offsets = [0, 108160], sizes = [16, 128], strides = [1, 1]} : vector<16x131072xf32> to vector<16x128xf32>
    %slice3A_1380 = vector.extract_strided_slice %mul3A_12 {offsets = [0, 108288], sizes = [16, 128], strides = [1, 1]} : vector<16x131072xf32> to vector<16x128xf32>
    %slice3A_1381 = vector.extract_strided_slice %mul3A_12 {offsets = [0, 108416], sizes = [16, 128], strides = [1, 1]} : vector<16x131072xf32> to vector<16x128xf32>
    %concatenate3A_1382 = tpu.concatenate %slice3A_1374, %slice3A_1375, %slice3A_1376, %slice3A_1377, %slice3A_1378, %slice3A_1379, %slice3A_1380, %slice3A_1381 in 0 : vector<16x128xf32>, vector<16x128xf32>, vector<16x128xf32>, vector<16x128xf32>, vector<16x128xf32>, vector<16x128xf32>, vector<16x128xf32>, vector<16x128xf32> -> vector<128x128xf32>
    %transpose3A_1383 = tpu.transpose %concatenate3A_1382, [1, 0] : vector<128x128xf32> -> vector<128x128xf32>
    %swap3A_1384 = arith.constant 13440 : index
    %swap3A_1385 = arith.constant 0 : index
    %swap3A_1386 = vector.load %arg2[%swap3A_1384, %swap3A_1385] : memref<16384x128xf32, #tpu.memory_space<vmem>>, vector<128x128xf32>
    tpu.vector_store %arg2[%swap3A_1384, %swap3A_1385], %transpose3A_1383 {strides = array<i32>} : memref<16384x128xf32, #tpu.memory_space<vmem>>, vector<128x128xf32>,
    %slice3A_1387 = vector.extract_strided_slice %mul3A_12 {offsets = [0, 108544], sizes = [16, 128], strides = [1, 1]} : vector<16x131072xf32> to vector<16x128xf32>
    %slice3A_1388 = vector.extract_strided_slice %mul3A_12 {offsets = [0, 108672], sizes = [16, 128], strides = [1, 1]} : vector<16x131072xf32> to vector<16x128xf32>
    %slice3A_1389 = vector.extract_strided_slice %mul3A_12 {offsets = [0, 108800], sizes = [16, 128], strides = [1, 1]} : vector<16x131072xf32> to vector<16x128xf32>
    %slice3A_1390 = vector.extract_strided_slice %mul3A_12 {offsets = [0, 108928], sizes = [16, 128], strides = [1, 1]} : vector<16x131072xf32> to vector<16x128xf32>
    %slice3A_1391 = vector.extract_strided_slice %mul3A_12 {offsets = [0, 109056], sizes = [16, 128], strides = [1, 1]} : vector<16x131072xf32> to vector<16x128xf32>
    %slice3A_1392 = vector.extract_strided_slice %mul3A_12 {offsets = [0, 109184], sizes = [16, 128], strides = [1, 1]} : vector<16x131072xf32> to vector<16x128xf32>
    %slice3A_1393 = vector.extract_strided_slice %mul3A_12 {offsets = [0, 109312], sizes = [16, 128], strides = [1, 1]} : vector<16x131072xf32> to vector<16x128xf32>
    %slice3A_1394 = vector.extract_strided_slice %mul3A_12 {offsets = [0, 109440], sizes = [16, 128], strides = [1, 1]} : vector<16x131072xf32> to vector<16x128xf32>
    %concatenate3A_1395 = tpu.concatenate %slice3A_1387, %slice3A_1388, %slice3A_1389, %slice3A_1390, %slice3A_1391, %slice3A_1392, %slice3A_1393, %slice3A_1394 in 0 : vector<16x128xf32>, vector<16x128xf32>, vector<16x128xf32>, vector<16x128xf32>, vector<16x128xf32>, vector<16x128xf32>, vector<16x128xf32>, vector<16x128xf32> -> vector<128x128xf32>
    %transpose3A_1396 = tpu.transpose %concatenate3A_1395, [1, 0] : vector<128x128xf32> -> vector<128x128xf32>
    %swap3A_1397 = arith.constant 13568 : index
    %swap3A_1398 = arith.constant 0 : index
    %swap3A_1399 = vector.load %arg2[%swap3A_1397, %swap3A_1398] : memref<16384x128xf32, #tpu.memory_space<vmem>>, vector<128x128xf32>
    tpu.vector_store %arg2[%swap3A_1397, %swap3A_1398], %transpose3A_1396 {strides = array<i32>} : memref<16384x128xf32, #tpu.memory_space<vmem>>, vector<128x128xf32>,
    %slice3A_1400 = vector.extract_strided_slice %mul3A_12 {offsets = [0, 109568], sizes = [16, 128], strides = [1, 1]} : vector<16x131072xf32> to vector<16x128xf32>
    %slice3A_1401 = vector.extract_strided_slice %mul3A_12 {offsets = [0, 109696], sizes = [16, 128], strides = [1, 1]} : vector<16x131072xf32> to vector<16x128xf32>
    %slice3A_1402 = vector.extract_strided_slice %mul3A_12 {offsets = [0, 109824], sizes = [16, 128], strides = [1, 1]} : vector<16x131072xf32> to vector<16x128xf32>
    %slice3A_1403 = vector.extract_strided_slice %mul3A_12 {offsets = [0, 109952], sizes = [16, 128], strides = [1, 1]} : vector<16x131072xf32> to vector<16x128xf32>
    %slice3A_1404 = vector.extract_strided_slice %mul3A_12 {offsets = [0, 110080], sizes = [16, 128], strides = [1, 1]} : vector<16x131072xf32> to vector<16x128xf32>
    %slice3A_1405 = vector.extract_strided_slice %mul3A_12 {offsets = [0, 110208], sizes = [16, 128], strides = [1, 1]} : vector<16x131072xf32> to vector<16x128xf32>
    %slice3A_1406 = vector.extract_strided_slice %mul3A_12 {offsets = [0, 110336], sizes = [16, 128], strides = [1, 1]} : vector<16x131072xf32> to vector<16x128xf32>
    %slice3A_1407 = vector.extract_strided_slice %mul3A_12 {offsets = [0, 110464], sizes = [16, 128], strides = [1, 1]} : vector<16x131072xf32> to vector<16x128xf32>
    %concatenate3A_1408 = tpu.concatenate %slice3A_1400, %slice3A_1401, %slice3A_1402, %slice3A_1403, %slice3A_1404, %slice3A_1405, %slice3A_1406, %slice3A_1407 in 0 : vector<16x128xf32>, vector<16x128xf32>, vector<16x128xf32>, vector<16x128xf32>, vector<16x128xf32>, vector<16x128xf32>, vector<16x128xf32>, vector<16x128xf32> -> vector<128x128xf32>
    %transpose3A_1409 = tpu.transpose %concatenate3A_1408, [1, 0] : vector<128x128xf32> -> vector<128x128xf32>
    %swap3A_1410 = arith.constant 13696 : index
    %swap3A_1411 = arith.constant 0 : index
    %swap3A_1412 = vector.load %arg2[%swap3A_1410, %swap3A_1411] : memref<16384x128xf32, #tpu.memory_space<vmem>>, vector<128x128xf32>
    tpu.vector_store %arg2[%swap3A_1410, %swap3A_1411], %transpose3A_1409 {strides = array<i32>} : memref<16384x128xf32, #tpu.memory_space<vmem>>, vector<128x128xf32>,
    %slice3A_1413 = vector.extract_strided_slice %mul3A_12 {offsets = [0, 110592], sizes = [16, 128], strides = [1, 1]} : vector<16x131072xf32> to vector<16x128xf32>
    %slice3A_1414 = vector.extract_strided_slice %mul3A_12 {offsets = [0, 110720], sizes = [16, 128], strides = [1, 1]} : vector<16x131072xf32> to vector<16x128xf32>
    %slice3A_1415 = vector.extract_strided_slice %mul3A_12 {offsets = [0, 110848], sizes = [16, 128], strides = [1, 1]} : vector<16x131072xf32> to vector<16x128xf32>
    %slice3A_1416 = vector.extract_strided_slice %mul3A_12 {offsets = [0, 110976], sizes = [16, 128], strides = [1, 1]} : vector<16x131072xf32> to vector<16x128xf32>
    %slice3A_1417 = vector.extract_strided_slice %mul3A_12 {offsets = [0, 111104], sizes = [16, 128], strides = [1, 1]} : vector<16x131072xf32> to vector<16x128xf32>
    %slice3A_1418 = vector.extract_strided_slice %mul3A_12 {offsets = [0, 111232], sizes = [16, 128], strides = [1, 1]} : vector<16x131072xf32> to vector<16x128xf32>
    %slice3A_1419 = vector.extract_strided_slice %mul3A_12 {offsets = [0, 111360], sizes = [16, 128], strides = [1, 1]} : vector<16x131072xf32> to vector<16x128xf32>
    %slice3A_1420 = vector.extract_strided_slice %mul3A_12 {offsets = [0, 111488], sizes = [16, 128], strides = [1, 1]} : vector<16x131072xf32> to vector<16x128xf32>
    %concatenate3A_1421 = tpu.concatenate %slice3A_1413, %slice3A_1414, %slice3A_1415, %slice3A_1416, %slice3A_1417, %slice3A_1418, %slice3A_1419, %slice3A_1420 in 0 : vector<16x128xf32>, vector<16x128xf32>, vector<16x128xf32>, vector<16x128xf32>, vector<16x128xf32>, vector<16x128xf32>, vector<16x128xf32>, vector<16x128xf32> -> vector<128x128xf32>
    %transpose3A_1422 = tpu.transpose %concatenate3A_1421, [1, 0] : vector<128x128xf32> -> vector<128x128xf32>
    %swap3A_1423 = arith.constant 13824 : index
    %swap3A_1424 = arith.constant 0 : index
    %swap3A_1425 = vector.load %arg2[%swap3A_1423, %swap3A_1424] : memref<16384x128xf32, #tpu.memory_space<vmem>>, vector<128x128xf32>
    tpu.vector_store %arg2[%swap3A_1423, %swap3A_1424], %transpose3A_1422 {strides = array<i32>} : memref<16384x128xf32, #tpu.memory_space<vmem>>, vector<128x128xf32>,
    %slice3A_1426 = vector.extract_strided_slice %mul3A_12 {offsets = [0, 111616], sizes = [16, 128], strides = [1, 1]} : vector<16x131072xf32> to vector<16x128xf32>
    %slice3A_1427 = vector.extract_strided_slice %mul3A_12 {offsets = [0, 111744], sizes = [16, 128], strides = [1, 1]} : vector<16x131072xf32> to vector<16x128xf32>
    %slice3A_1428 = vector.extract_strided_slice %mul3A_12 {offsets = [0, 111872], sizes = [16, 128], strides = [1, 1]} : vector<16x131072xf32> to vector<16x128xf32>
    %slice3A_1429 = vector.extract_strided_slice %mul3A_12 {offsets = [0, 112000], sizes = [16, 128], strides = [1, 1]} : vector<16x131072xf32> to vector<16x128xf32>
    %slice3A_1430 = vector.extract_strided_slice %mul3A_12 {offsets = [0, 112128], sizes = [16, 128], strides = [1, 1]} : vector<16x131072xf32> to vector<16x128xf32>
    %slice3A_1431 = vector.extract_strided_slice %mul3A_12 {offsets = [0, 112256], sizes = [16, 128], strides = [1, 1]} : vector<16x131072xf32> to vector<16x128xf32>
    %slice3A_1432 = vector.extract_strided_slice %mul3A_12 {offsets = [0, 112384], sizes = [16, 128], strides = [1, 1]} : vector<16x131072xf32> to vector<16x128xf32>
    %slice3A_1433 = vector.extract_strided_slice %mul3A_12 {offsets = [0, 112512], sizes = [16, 128], strides = [1, 1]} : vector<16x131072xf32> to vector<16x128xf32>
    %concatenate3A_1434 = tpu.concatenate %slice3A_1426, %slice3A_1427, %slice3A_1428, %slice3A_1429, %slice3A_1430, %slice3A_1431, %slice3A_1432, %slice3A_1433 in 0 : vector<16x128xf32>, vector<16x128xf32>, vector<16x128xf32>, vector<16x128xf32>, vector<16x128xf32>, vector<16x128xf32>, vector<16x128xf32>, vector<16x128xf32> -> vector<128x128xf32>
    %transpose3A_1435 = tpu.transpose %concatenate3A_1434, [1, 0] : vector<128x128xf32> -> vector<128x128xf32>
    %swap3A_1436 = arith.constant 13952 : index
    %swap3A_1437 = arith.constant 0 : index
    %swap3A_1438 = vector.load %arg2[%swap3A_1436, %swap3A_1437] : memref<16384x128xf32, #tpu.memory_space<vmem>>, vector<128x128xf32>
    tpu.vector_store %arg2[%swap3A_1436, %swap3A_1437], %transpose3A_1435 {strides = array<i32>} : memref<16384x128xf32, #tpu.memory_space<vmem>>, vector<128x128xf32>,
    %slice3A_1439 = vector.extract_strided_slice %mul3A_12 {offsets = [0, 112640], sizes = [16, 128], strides = [1, 1]} : vector<16x131072xf32> to vector<16x128xf32>
    %slice3A_1440 = vector.extract_strided_slice %mul3A_12 {offsets = [0, 112768], sizes = [16, 128], strides = [1, 1]} : vector<16x131072xf32> to vector<16x128xf32>
    %slice3A_1441 = vector.extract_strided_slice %mul3A_12 {offsets = [0, 112896], sizes = [16, 128], strides = [1, 1]} : vector<16x131072xf32> to vector<16x128xf32>
    %slice3A_1442 = vector.extract_strided_slice %mul3A_12 {offsets = [0, 113024], sizes = [16, 128], strides = [1, 1]} : vector<16x131072xf32> to vector<16x128xf32>
    %slice3A_1443 = vector.extract_strided_slice %mul3A_12 {offsets = [0, 113152], sizes = [16, 128], strides = [1, 1]} : vector<16x131072xf32> to vector<16x128xf32>
    %slice3A_1444 = vector.extract_strided_slice %mul3A_12 {offsets = [0, 113280], sizes = [16, 128], strides = [1, 1]} : vector<16x131072xf32> to vector<16x128xf32>
    %slice3A_1445 = vector.extract_strided_slice %mul3A_12 {offsets = [0, 113408], sizes = [16, 128], strides = [1, 1]} : vector<16x131072xf32> to vector<16x128xf32>
    %slice3A_1446 = vector.extract_strided_slice %mul3A_12 {offsets = [0, 113536], sizes = [16, 128], strides = [1, 1]} : vector<16x131072xf32> to vector<16x128xf32>
    %concatenate3A_1447 = tpu.concatenate %slice3A_1439, %slice3A_1440, %slice3A_1441, %slice3A_1442, %slice3A_1443, %slice3A_1444, %slice3A_1445, %slice3A_1446 in 0 : vector<16x128xf32>, vector<16x128xf32>, vector<16x128xf32>, vector<16x128xf32>, vector<16x128xf32>, vector<16x128xf32>, vector<16x128xf32>, vector<16x128xf32> -> vector<128x128xf32>
    %transpose3A_1448 = tpu.transpose %concatenate3A_1447, [1, 0] : vector<128x128xf32> -> vector<128x128xf32>
    %swap3A_1449 = arith.constant 14080 : index
    %swap3A_1450 = arith.constant 0 : index
    %swap3A_1451 = vector.load %arg2[%swap3A_1449, %swap3A_1450] : memref<16384x128xf32, #tpu.memory_space<vmem>>, vector<128x128xf32>
    tpu.vector_store %arg2[%swap3A_1449, %swap3A_1450], %transpose3A_1448 {strides = array<i32>} : memref<16384x128xf32, #tpu.memory_space<vmem>>, vector<128x128xf32>,
    %slice3A_1452 = vector.extract_strided_slice %mul3A_12 {offsets = [0, 113664], sizes = [16, 128], strides = [1, 1]} : vector<16x131072xf32> to vector<16x128xf32>
    %slice3A_1453 = vector.extract_strided_slice %mul3A_12 {offsets = [0, 113792], sizes = [16, 128], strides = [1, 1]} : vector<16x131072xf32> to vector<16x128xf32>
    %slice3A_1454 = vector.extract_strided_slice %mul3A_12 {offsets = [0, 113920], sizes = [16, 128], strides = [1, 1]} : vector<16x131072xf32> to vector<16x128xf32>
    %slice3A_1455 = vector.extract_strided_slice %mul3A_12 {offsets = [0, 114048], sizes = [16, 128], strides = [1, 1]} : vector<16x131072xf32> to vector<16x128xf32>
    %slice3A_1456 = vector.extract_strided_slice %mul3A_12 {offsets = [0, 114176], sizes = [16, 128], strides = [1, 1]} : vector<16x131072xf32> to vector<16x128xf32>
    %slice3A_1457 = vector.extract_strided_slice %mul3A_12 {offsets = [0, 114304], sizes = [16, 128], strides = [1, 1]} : vector<16x131072xf32> to vector<16x128xf32>
    %slice3A_1458 = vector.extract_strided_slice %mul3A_12 {offsets = [0, 114432], sizes = [16, 128], strides = [1, 1]} : vector<16x131072xf32> to vector<16x128xf32>
    %slice3A_1459 = vector.extract_strided_slice %mul3A_12 {offsets = [0, 114560], sizes = [16, 128], strides = [1, 1]} : vector<16x131072xf32> to vector<16x128xf32>
    %concatenate3A_1460 = tpu.concatenate %slice3A_1452, %slice3A_1453, %slice3A_1454, %slice3A_1455, %slice3A_1456, %slice3A_1457, %slice3A_1458, %slice3A_1459 in 0 : vector<16x128xf32>, vector<16x128xf32>, vector<16x128xf32>, vector<16x128xf32>, vector<16x128xf32>, vector<16x128xf32>, vector<16x128xf32>, vector<16x128xf32> -> vector<128x128xf32>
    %transpose3A_1461 = tpu.transpose %concatenate3A_1460, [1, 0] : vector<128x128xf32> -> vector<128x128xf32>
    %swap3A_1462 = arith.constant 14208 : index
    %swap3A_1463 = arith.constant 0 : index
    %swap3A_1464 = vector.load %arg2[%swap3A_1462, %swap3A_1463] : memref<16384x128xf32, #tpu.memory_space<vmem>>, vector<128x128xf32>
    tpu.vector_store %arg2[%swap3A_1462, %swap3A_1463], %transpose3A_1461 {strides = array<i32>} : memref<16384x128xf32, #tpu.memory_space<vmem>>, vector<128x128xf32>,
    %slice3A_1465 = vector.extract_strided_slice %mul3A_12 {offsets = [0, 114688], sizes = [16, 128], strides = [1, 1]} : vector<16x131072xf32> to vector<16x128xf32>
    %slice3A_1466 = vector.extract_strided_slice %mul3A_12 {offsets = [0, 114816], sizes = [16, 128], strides = [1, 1]} : vector<16x131072xf32> to vector<16x128xf32>
    %slice3A_1467 = vector.extract_strided_slice %mul3A_12 {offsets = [0, 114944], sizes = [16, 128], strides = [1, 1]} : vector<16x131072xf32> to vector<16x128xf32>
    %slice3A_1468 = vector.extract_strided_slice %mul3A_12 {offsets = [0, 115072], sizes = [16, 128], strides = [1, 1]} : vector<16x131072xf32> to vector<16x128xf32>
    %slice3A_1469 = vector.extract_strided_slice %mul3A_12 {offsets = [0, 115200], sizes = [16, 128], strides = [1, 1]} : vector<16x131072xf32> to vector<16x128xf32>
    %slice3A_1470 = vector.extract_strided_slice %mul3A_12 {offsets = [0, 115328], sizes = [16, 128], strides = [1, 1]} : vector<16x131072xf32> to vector<16x128xf32>
    %slice3A_1471 = vector.extract_strided_slice %mul3A_12 {offsets = [0, 115456], sizes = [16, 128], strides = [1, 1]} : vector<16x131072xf32> to vector<16x128xf32>
    %slice3A_1472 = vector.extract_strided_slice %mul3A_12 {offsets = [0, 115584], sizes = [16, 128], strides = [1, 1]} : vector<16x131072xf32> to vector<16x128xf32>
    %concatenate3A_1473 = tpu.concatenate %slice3A_1465, %slice3A_1466, %slice3A_1467, %slice3A_1468, %slice3A_1469, %slice3A_1470, %slice3A_1471, %slice3A_1472 in 0 : vector<16x128xf32>, vector<16x128xf32>, vector<16x128xf32>, vector<16x128xf32>, vector<16x128xf32>, vector<16x128xf32>, vector<16x128xf32>, vector<16x128xf32> -> vector<128x128xf32>
    %transpose3A_1474 = tpu.transpose %concatenate3A_1473, [1, 0] : vector<128x128xf32> -> vector<128x128xf32>
    %swap3A_1475 = arith.constant 14336 : index
    %swap3A_1476 = arith.constant 0 : index
    %swap3A_1477 = vector.load %arg2[%swap3A_1475, %swap3A_1476] : memref<16384x128xf32, #tpu.memory_space<vmem>>, vector<128x128xf32>
    tpu.vector_store %arg2[%swap3A_1475, %swap3A_1476], %transpose3A_1474 {strides = array<i32>} : memref<16384x128xf32, #tpu.memory_space<vmem>>, vector<128x128xf32>,
    %slice3A_1478 = vector.extract_strided_slice %mul3A_12 {offsets = [0, 115712], sizes = [16, 128], strides = [1, 1]} : vector<16x131072xf32> to vector<16x128xf32>
    %slice3A_1479 = vector.extract_strided_slice %mul3A_12 {offsets = [0, 115840], sizes = [16, 128], strides = [1, 1]} : vector<16x131072xf32> to vector<16x128xf32>
    %slice3A_1480 = vector.extract_strided_slice %mul3A_12 {offsets = [0, 115968], sizes = [16, 128], strides = [1, 1]} : vector<16x131072xf32> to vector<16x128xf32>
    %slice3A_1481 = vector.extract_strided_slice %mul3A_12 {offsets = [0, 116096], sizes = [16, 128], strides = [1, 1]} : vector<16x131072xf32> to vector<16x128xf32>
    %slice3A_1482 = vector.extract_strided_slice %mul3A_12 {offsets = [0, 116224], sizes = [16, 128], strides = [1, 1]} : vector<16x131072xf32> to vector<16x128xf32>
    %slice3A_1483 = vector.extract_strided_slice %mul3A_12 {offsets = [0, 116352], sizes = [16, 128], strides = [1, 1]} : vector<16x131072xf32> to vector<16x128xf32>
    %slice3A_1484 = vector.extract_strided_slice %mul3A_12 {offsets = [0, 116480], sizes = [16, 128], strides = [1, 1]} : vector<16x131072xf32> to vector<16x128xf32>
    %slice3A_1485 = vector.extract_strided_slice %mul3A_12 {offsets = [0, 116608], sizes = [16, 128], strides = [1, 1]} : vector<16x131072xf32> to vector<16x128xf32>
    %concatenate3A_1486 = tpu.concatenate %slice3A_1478, %slice3A_1479, %slice3A_1480, %slice3A_1481, %slice3A_1482, %slice3A_1483, %slice3A_1484, %slice3A_1485 in 0 : vector<16x128xf32>, vector<16x128xf32>, vector<16x128xf32>, vector<16x128xf32>, vector<16x128xf32>, vector<16x128xf32>, vector<16x128xf32>, vector<16x128xf32> -> vector<128x128xf32>
    %transpose3A_1487 = tpu.transpose %concatenate3A_1486, [1, 0] : vector<128x128xf32> -> vector<128x128xf32>
    %swap3A_1488 = arith.constant 14464 : index
    %swap3A_1489 = arith.constant 0 : index
    %swap3A_1490 = vector.load %arg2[%swap3A_1488, %swap3A_1489] : memref<16384x128xf32, #tpu.memory_space<vmem>>, vector<128x128xf32>
    tpu.vector_store %arg2[%swap3A_1488, %swap3A_1489], %transpose3A_1487 {strides = array<i32>} : memref<16384x128xf32, #tpu.memory_space<vmem>>, vector<128x128xf32>,
    %slice3A_1491 = vector.extract_strided_slice %mul3A_12 {offsets = [0, 116736], sizes = [16, 128], strides = [1, 1]} : vector<16x131072xf32> to vector<16x128xf32>
    %slice3A_1492 = vector.extract_strided_slice %mul3A_12 {offsets = [0, 116864], sizes = [16, 128], strides = [1, 1]} : vector<16x131072xf32> to vector<16x128xf32>
    %slice3A_1493 = vector.extract_strided_slice %mul3A_12 {offsets = [0, 116992], sizes = [16, 128], strides = [1, 1]} : vector<16x131072xf32> to vector<16x128xf32>
    %slice3A_1494 = vector.extract_strided_slice %mul3A_12 {offsets = [0, 117120], sizes = [16, 128], strides = [1, 1]} : vector<16x131072xf32> to vector<16x128xf32>
    %slice3A_1495 = vector.extract_strided_slice %mul3A_12 {offsets = [0, 117248], sizes = [16, 128], strides = [1, 1]} : vector<16x131072xf32> to vector<16x128xf32>
    %slice3A_1496 = vector.extract_strided_slice %mul3A_12 {offsets = [0, 117376], sizes = [16, 128], strides = [1, 1]} : vector<16x131072xf32> to vector<16x128xf32>
    %slice3A_1497 = vector.extract_strided_slice %mul3A_12 {offsets = [0, 117504], sizes = [16, 128], strides = [1, 1]} : vector<16x131072xf32> to vector<16x128xf32>
    %slice3A_1498 = vector.extract_strided_slice %mul3A_12 {offsets = [0, 117632], sizes = [16, 128], strides = [1, 1]} : vector<16x131072xf32> to vector<16x128xf32>
    %concatenate3A_1499 = tpu.concatenate %slice3A_1491, %slice3A_1492, %slice3A_1493, %slice3A_1494, %slice3A_1495, %slice3A_1496, %slice3A_1497, %slice3A_1498 in 0 : vector<16x128xf32>, vector<16x128xf32>, vector<16x128xf32>, vector<16x128xf32>, vector<16x128xf32>, vector<16x128xf32>, vector<16x128xf32>, vector<16x128xf32> -> vector<128x128xf32>
    %transpose3A_1500 = tpu.transpose %concatenate3A_1499, [1, 0] : vector<128x128xf32> -> vector<128x128xf32>
    %swap3A_1501 = arith.constant 14592 : index
    %swap3A_1502 = arith.constant 0 : index
    %swap3A_1503 = vector.load %arg2[%swap3A_1501, %swap3A_1502] : memref<16384x128xf32, #tpu.memory_space<vmem>>, vector<128x128xf32>
    tpu.vector_store %arg2[%swap3A_1501, %swap3A_1502], %transpose3A_1500 {strides = array<i32>} : memref<16384x128xf32, #tpu.memory_space<vmem>>, vector<128x128xf32>,
    %slice3A_1504 = vector.extract_strided_slice %mul3A_12 {offsets = [0, 117760], sizes = [16, 128], strides = [1, 1]} : vector<16x131072xf32> to vector<16x128xf32>
    %slice3A_1505 = vector.extract_strided_slice %mul3A_12 {offsets = [0, 117888], sizes = [16, 128], strides = [1, 1]} : vector<16x131072xf32> to vector<16x128xf32>
    %slice3A_1506 = vector.extract_strided_slice %mul3A_12 {offsets = [0, 118016], sizes = [16, 128], strides = [1, 1]} : vector<16x131072xf32> to vector<16x128xf32>
    %slice3A_1507 = vector.extract_strided_slice %mul3A_12 {offsets = [0, 118144], sizes = [16, 128], strides = [1, 1]} : vector<16x131072xf32> to vector<16x128xf32>
    %slice3A_1508 = vector.extract_strided_slice %mul3A_12 {offsets = [0, 118272], sizes = [16, 128], strides = [1, 1]} : vector<16x131072xf32> to vector<16x128xf32>
    %slice3A_1509 = vector.extract_strided_slice %mul3A_12 {offsets = [0, 118400], sizes = [16, 128], strides = [1, 1]} : vector<16x131072xf32> to vector<16x128xf32>
    %slice3A_1510 = vector.extract_strided_slice %mul3A_12 {offsets = [0, 118528], sizes = [16, 128], strides = [1, 1]} : vector<16x131072xf32> to vector<16x128xf32>
    %slice3A_1511 = vector.extract_strided_slice %mul3A_12 {offsets = [0, 118656], sizes = [16, 128], strides = [1, 1]} : vector<16x131072xf32> to vector<16x128xf32>
    %concatenate3A_1512 = tpu.concatenate %slice3A_1504, %slice3A_1505, %slice3A_1506, %slice3A_1507, %slice3A_1508, %slice3A_1509, %slice3A_1510, %slice3A_1511 in 0 : vector<16x128xf32>, vector<16x128xf32>, vector<16x128xf32>, vector<16x128xf32>, vector<16x128xf32>, vector<16x128xf32>, vector<16x128xf32>, vector<16x128xf32> -> vector<128x128xf32>
    %transpose3A_1513 = tpu.transpose %concatenate3A_1512, [1, 0] : vector<128x128xf32> -> vector<128x128xf32>
    %swap3A_1514 = arith.constant 14720 : index
    %swap3A_1515 = arith.constant 0 : index
    %swap3A_1516 = vector.load %arg2[%swap3A_1514, %swap3A_1515] : memref<16384x128xf32, #tpu.memory_space<vmem>>, vector<128x128xf32>
    tpu.vector_store %arg2[%swap3A_1514, %swap3A_1515], %transpose3A_1513 {strides = array<i32>} : memref<16384x128xf32, #tpu.memory_space<vmem>>, vector<128x128xf32>,
    %slice3A_1517 = vector.extract_strided_slice %mul3A_12 {offsets = [0, 118784], sizes = [16, 128], strides = [1, 1]} : vector<16x131072xf32> to vector<16x128xf32>
    %slice3A_1518 = vector.extract_strided_slice %mul3A_12 {offsets = [0, 118912], sizes = [16, 128], strides = [1, 1]} : vector<16x131072xf32> to vector<16x128xf32>
    %slice3A_1519 = vector.extract_strided_slice %mul3A_12 {offsets = [0, 119040], sizes = [16, 128], strides = [1, 1]} : vector<16x131072xf32> to vector<16x128xf32>
    %slice3A_1520 = vector.extract_strided_slice %mul3A_12 {offsets = [0, 119168], sizes = [16, 128], strides = [1, 1]} : vector<16x131072xf32> to vector<16x128xf32>
    %slice3A_1521 = vector.extract_strided_slice %mul3A_12 {offsets = [0, 119296], sizes = [16, 128], strides = [1, 1]} : vector<16x131072xf32> to vector<16x128xf32>
    %slice3A_1522 = vector.extract_strided_slice %mul3A_12 {offsets = [0, 119424], sizes = [16, 128], strides = [1, 1]} : vector<16x131072xf32> to vector<16x128xf32>
    %slice3A_1523 = vector.extract_strided_slice %mul3A_12 {offsets = [0, 119552], sizes = [16, 128], strides = [1, 1]} : vector<16x131072xf32> to vector<16x128xf32>
    %slice3A_1524 = vector.extract_strided_slice %mul3A_12 {offsets = [0, 119680], sizes = [16, 128], strides = [1, 1]} : vector<16x131072xf32> to vector<16x128xf32>
    %concatenate3A_1525 = tpu.concatenate %slice3A_1517, %slice3A_1518, %slice3A_1519, %slice3A_1520, %slice3A_1521, %slice3A_1522, %slice3A_1523, %slice3A_1524 in 0 : vector<16x128xf32>, vector<16x128xf32>, vector<16x128xf32>, vector<16x128xf32>, vector<16x128xf32>, vector<16x128xf32>, vector<16x128xf32>, vector<16x128xf32> -> vector<128x128xf32>
    %transpose3A_1526 = tpu.transpose %concatenate3A_1525, [1, 0] : vector<128x128xf32> -> vector<128x128xf32>
    %swap3A_1527 = arith.constant 14848 : index
    %swap3A_1528 = arith.constant 0 : index
    %swap3A_1529 = vector.load %arg2[%swap3A_1527, %swap3A_1528] : memref<16384x128xf32, #tpu.memory_space<vmem>>, vector<128x128xf32>
    tpu.vector_store %arg2[%swap3A_1527, %swap3A_1528], %transpose3A_1526 {strides = array<i32>} : memref<16384x128xf32, #tpu.memory_space<vmem>>, vector<128x128xf32>,
    %slice3A_1530 = vector.extract_strided_slice %mul3A_12 {offsets = [0, 119808], sizes = [16, 128], strides = [1, 1]} : vector<16x131072xf32> to vector<16x128xf32>
    %slice3A_1531 = vector.extract_strided_slice %mul3A_12 {offsets = [0, 119936], sizes = [16, 128], strides = [1, 1]} : vector<16x131072xf32> to vector<16x128xf32>
    %slice3A_1532 = vector.extract_strided_slice %mul3A_12 {offsets = [0, 120064], sizes = [16, 128], strides = [1, 1]} : vector<16x131072xf32> to vector<16x128xf32>
    %slice3A_1533 = vector.extract_strided_slice %mul3A_12 {offsets = [0, 120192], sizes = [16, 128], strides = [1, 1]} : vector<16x131072xf32> to vector<16x128xf32>
    %slice3A_1534 = vector.extract_strided_slice %mul3A_12 {offsets = [0, 120320], sizes = [16, 128], strides = [1, 1]} : vector<16x131072xf32> to vector<16x128xf32>
    %slice3A_1535 = vector.extract_strided_slice %mul3A_12 {offsets = [0, 120448], sizes = [16, 128], strides = [1, 1]} : vector<16x131072xf32> to vector<16x128xf32>
    %slice3A_1536 = vector.extract_strided_slice %mul3A_12 {offsets = [0, 120576], sizes = [16, 128], strides = [1, 1]} : vector<16x131072xf32> to vector<16x128xf32>
    %slice3A_1537 = vector.extract_strided_slice %mul3A_12 {offsets = [0, 120704], sizes = [16, 128], strides = [1, 1]} : vector<16x131072xf32> to vector<16x128xf32>
    %concatenate3A_1538 = tpu.concatenate %slice3A_1530, %slice3A_1531, %slice3A_1532, %slice3A_1533, %slice3A_1534, %slice3A_1535, %slice3A_1536, %slice3A_1537 in 0 : vector<16x128xf32>, vector<16x128xf32>, vector<16x128xf32>, vector<16x128xf32>, vector<16x128xf32>, vector<16x128xf32>, vector<16x128xf32>, vector<16x128xf32> -> vector<128x128xf32>
    %transpose3A_1539 = tpu.transpose %concatenate3A_1538, [1, 0] : vector<128x128xf32> -> vector<128x128xf32>
    %swap3A_1540 = arith.constant 14976 : index
    %swap3A_1541 = arith.constant 0 : index
    %swap3A_1542 = vector.load %arg2[%swap3A_1540, %swap3A_1541] : memref<16384x128xf32, #tpu.memory_space<vmem>>, vector<128x128xf32>
    tpu.vector_store %arg2[%swap3A_1540, %swap3A_1541], %transpose3A_1539 {strides = array<i32>} : memref<16384x128xf32, #tpu.memory_space<vmem>>, vector<128x128xf32>,
    %slice3A_1543 = vector.extract_strided_slice %mul3A_12 {offsets = [0, 120832], sizes = [16, 128], strides = [1, 1]} : vector<16x131072xf32> to vector<16x128xf32>
    %slice3A_1544 = vector.extract_strided_slice %mul3A_12 {offsets = [0, 120960], sizes = [16, 128], strides = [1, 1]} : vector<16x131072xf32> to vector<16x128xf32>
    %slice3A_1545 = vector.extract_strided_slice %mul3A_12 {offsets = [0, 121088], sizes = [16, 128], strides = [1, 1]} : vector<16x131072xf32> to vector<16x128xf32>
    %slice3A_1546 = vector.extract_strided_slice %mul3A_12 {offsets = [0, 121216], sizes = [16, 128], strides = [1, 1]} : vector<16x131072xf32> to vector<16x128xf32>
    %slice3A_1547 = vector.extract_strided_slice %mul3A_12 {offsets = [0, 121344], sizes = [16, 128], strides = [1, 1]} : vector<16x131072xf32> to vector<16x128xf32>
    %slice3A_1548 = vector.extract_strided_slice %mul3A_12 {offsets = [0, 121472], sizes = [16, 128], strides = [1, 1]} : vector<16x131072xf32> to vector<16x128xf32>
    %slice3A_1549 = vector.extract_strided_slice %mul3A_12 {offsets = [0, 121600], sizes = [16, 128], strides = [1, 1]} : vector<16x131072xf32> to vector<16x128xf32>
    %slice3A_1550 = vector.extract_strided_slice %mul3A_12 {offsets = [0, 121728], sizes = [16, 128], strides = [1, 1]} : vector<16x131072xf32> to vector<16x128xf32>
    %concatenate3A_1551 = tpu.concatenate %slice3A_1543, %slice3A_1544, %slice3A_1545, %slice3A_1546, %slice3A_1547, %slice3A_1548, %slice3A_1549, %slice3A_1550 in 0 : vector<16x128xf32>, vector<16x128xf32>, vector<16x128xf32>, vector<16x128xf32>, vector<16x128xf32>, vector<16x128xf32>, vector<16x128xf32>, vector<16x128xf32> -> vector<128x128xf32>
    %transpose3A_1552 = tpu.transpose %concatenate3A_1551, [1, 0] : vector<128x128xf32> -> vector<128x128xf32>
    %swap3A_1553 = arith.constant 15104 : index
    %swap3A_1554 = arith.constant 0 : index
    %swap3A_1555 = vector.load %arg2[%swap3A_1553, %swap3A_1554] : memref<16384x128xf32, #tpu.memory_space<vmem>>, vector<128x128xf32>
    tpu.vector_store %arg2[%swap3A_1553, %swap3A_1554], %transpose3A_1552 {strides = array<i32>} : memref<16384x128xf32, #tpu.memory_space<vmem>>, vector<128x128xf32>,
    %slice3A_1556 = vector.extract_strided_slice %mul3A_12 {offsets = [0, 121856], sizes = [16, 128], strides = [1, 1]} : vector<16x131072xf32> to vector<16x128xf32>
    %slice3A_1557 = vector.extract_strided_slice %mul3A_12 {offsets = [0, 121984], sizes = [16, 128], strides = [1, 1]} : vector<16x131072xf32> to vector<16x128xf32>
    %slice3A_1558 = vector.extract_strided_slice %mul3A_12 {offsets = [0, 122112], sizes = [16, 128], strides = [1, 1]} : vector<16x131072xf32> to vector<16x128xf32>
    %slice3A_1559 = vector.extract_strided_slice %mul3A_12 {offsets = [0, 122240], sizes = [16, 128], strides = [1, 1]} : vector<16x131072xf32> to vector<16x128xf32>
    %slice3A_1560 = vector.extract_strided_slice %mul3A_12 {offsets = [0, 122368], sizes = [16, 128], strides = [1, 1]} : vector<16x131072xf32> to vector<16x128xf32>
    %slice3A_1561 = vector.extract_strided_slice %mul3A_12 {offsets = [0, 122496], sizes = [16, 128], strides = [1, 1]} : vector<16x131072xf32> to vector<16x128xf32>
    %slice3A_1562 = vector.extract_strided_slice %mul3A_12 {offsets = [0, 122624], sizes = [16, 128], strides = [1, 1]} : vector<16x131072xf32> to vector<16x128xf32>
    %slice3A_1563 = vector.extract_strided_slice %mul3A_12 {offsets = [0, 122752], sizes = [16, 128], strides = [1, 1]} : vector<16x131072xf32> to vector<16x128xf32>
    %concatenate3A_1564 = tpu.concatenate %slice3A_1556, %slice3A_1557, %slice3A_1558, %slice3A_1559, %slice3A_1560, %slice3A_1561, %slice3A_1562, %slice3A_1563 in 0 : vector<16x128xf32>, vector<16x128xf32>, vector<16x128xf32>, vector<16x128xf32>, vector<16x128xf32>, vector<16x128xf32>, vector<16x128xf32>, vector<16x128xf32> -> vector<128x128xf32>
    %transpose3A_1565 = tpu.transpose %concatenate3A_1564, [1, 0] : vector<128x128xf32> -> vector<128x128xf32>
    %swap3A_1566 = arith.constant 15232 : index
    %swap3A_1567 = arith.constant 0 : index
    %swap3A_1568 = vector.load %arg2[%swap3A_1566, %swap3A_1567] : memref<16384x128xf32, #tpu.memory_space<vmem>>, vector<128x128xf32>
    tpu.vector_store %arg2[%swap3A_1566, %swap3A_1567], %transpose3A_1565 {strides = array<i32>} : memref<16384x128xf32, #tpu.memory_space<vmem>>, vector<128x128xf32>,
    %slice3A_1569 = vector.extract_strided_slice %mul3A_12 {offsets = [0, 122880], sizes = [16, 128], strides = [1, 1]} : vector<16x131072xf32> to vector<16x128xf32>
    %slice3A_1570 = vector.extract_strided_slice %mul3A_12 {offsets = [0, 123008], sizes = [16, 128], strides = [1, 1]} : vector<16x131072xf32> to vector<16x128xf32>
    %slice3A_1571 = vector.extract_strided_slice %mul3A_12 {offsets = [0, 123136], sizes = [16, 128], strides = [1, 1]} : vector<16x131072xf32> to vector<16x128xf32>
    %slice3A_1572 = vector.extract_strided_slice %mul3A_12 {offsets = [0, 123264], sizes = [16, 128], strides = [1, 1]} : vector<16x131072xf32> to vector<16x128xf32>
    %slice3A_1573 = vector.extract_strided_slice %mul3A_12 {offsets = [0, 123392], sizes = [16, 128], strides = [1, 1]} : vector<16x131072xf32> to vector<16x128xf32>
    %slice3A_1574 = vector.extract_strided_slice %mul3A_12 {offsets = [0, 123520], sizes = [16, 128], strides = [1, 1]} : vector<16x131072xf32> to vector<16x128xf32>
    %slice3A_1575 = vector.extract_strided_slice %mul3A_12 {offsets = [0, 123648], sizes = [16, 128], strides = [1, 1]} : vector<16x131072xf32> to vector<16x128xf32>
    %slice3A_1576 = vector.extract_strided_slice %mul3A_12 {offsets = [0, 123776], sizes = [16, 128], strides = [1, 1]} : vector<16x131072xf32> to vector<16x128xf32>
    %concatenate3A_1577 = tpu.concatenate %slice3A_1569, %slice3A_1570, %slice3A_1571, %slice3A_1572, %slice3A_1573, %slice3A_1574, %slice3A_1575, %slice3A_1576 in 0 : vector<16x128xf32>, vector<16x128xf32>, vector<16x128xf32>, vector<16x128xf32>, vector<16x128xf32>, vector<16x128xf32>, vector<16x128xf32>, vector<16x128xf32> -> vector<128x128xf32>
    %transpose3A_1578 = tpu.transpose %concatenate3A_1577, [1, 0] : vector<128x128xf32> -> vector<128x128xf32>
    %swap3A_1579 = arith.constant 15360 : index
    %swap3A_1580 = arith.constant 0 : index
    %swap3A_1581 = vector.load %arg2[%swap3A_1579, %swap3A_1580] : memref<16384x128xf32, #tpu.memory_space<vmem>>, vector<128x128xf32>
    tpu.vector_store %arg2[%swap3A_1579, %swap3A_1580], %transpose3A_1578 {strides = array<i32>} : memref<16384x128xf32, #tpu.memory_space<vmem>>, vector<128x128xf32>,
    %slice3A_1582 = vector.extract_strided_slice %mul3A_12 {offsets = [0, 123904], sizes = [16, 128], strides = [1, 1]} : vector<16x131072xf32> to vector<16x128xf32>
    %slice3A_1583 = vector.extract_strided_slice %mul3A_12 {offsets = [0, 124032], sizes = [16, 128], strides = [1, 1]} : vector<16x131072xf32> to vector<16x128xf32>
    %slice3A_1584 = vector.extract_strided_slice %mul3A_12 {offsets = [0, 124160], sizes = [16, 128], strides = [1, 1]} : vector<16x131072xf32> to vector<16x128xf32>
    %slice3A_1585 = vector.extract_strided_slice %mul3A_12 {offsets = [0, 124288], sizes = [16, 128], strides = [1, 1]} : vector<16x131072xf32> to vector<16x128xf32>
    %slice3A_1586 = vector.extract_strided_slice %mul3A_12 {offsets = [0, 124416], sizes = [16, 128], strides = [1, 1]} : vector<16x131072xf32> to vector<16x128xf32>
    %slice3A_1587 = vector.extract_strided_slice %mul3A_12 {offsets = [0, 124544], sizes = [16, 128], strides = [1, 1]} : vector<16x131072xf32> to vector<16x128xf32>
    %slice3A_1588 = vector.extract_strided_slice %mul3A_12 {offsets = [0, 124672], sizes = [16, 128], strides = [1, 1]} : vector<16x131072xf32> to vector<16x128xf32>
    %slice3A_1589 = vector.extract_strided_slice %mul3A_12 {offsets = [0, 124800], sizes = [16, 128], strides = [1, 1]} : vector<16x131072xf32> to vector<16x128xf32>
    %concatenate3A_1590 = tpu.concatenate %slice3A_1582, %slice3A_1583, %slice3A_1584, %slice3A_1585, %slice3A_1586, %slice3A_1587, %slice3A_1588, %slice3A_1589 in 0 : vector<16x128xf32>, vector<16x128xf32>, vector<16x128xf32>, vector<16x128xf32>, vector<16x128xf32>, vector<16x128xf32>, vector<16x128xf32>, vector<16x128xf32> -> vector<128x128xf32>
    %transpose3A_1591 = tpu.transpose %concatenate3A_1590, [1, 0] : vector<128x128xf32> -> vector<128x128xf32>
    %swap3A_1592 = arith.constant 15488 : index
    %swap3A_1593 = arith.constant 0 : index
    %swap3A_1594 = vector.load %arg2[%swap3A_1592, %swap3A_1593] : memref<16384x128xf32, #tpu.memory_space<vmem>>, vector<128x128xf32>
    tpu.vector_store %arg2[%swap3A_1592, %swap3A_1593], %transpose3A_1591 {strides = array<i32>} : memref<16384x128xf32, #tpu.memory_space<vmem>>, vector<128x128xf32>,
    %slice3A_1595 = vector.extract_strided_slice %mul3A_12 {offsets = [0, 124928], sizes = [16, 128], strides = [1, 1]} : vector<16x131072xf32> to vector<16x128xf32>
    %slice3A_1596 = vector.extract_strided_slice %mul3A_12 {offsets = [0, 125056], sizes = [16, 128], strides = [1, 1]} : vector<16x131072xf32> to vector<16x128xf32>
    %slice3A_1597 = vector.extract_strided_slice %mul3A_12 {offsets = [0, 125184], sizes = [16, 128], strides = [1, 1]} : vector<16x131072xf32> to vector<16x128xf32>
    %slice3A_1598 = vector.extract_strided_slice %mul3A_12 {offsets = [0, 125312], sizes = [16, 128], strides = [1, 1]} : vector<16x131072xf32> to vector<16x128xf32>
    %slice3A_1599 = vector.extract_strided_slice %mul3A_12 {offsets = [0, 125440], sizes = [16, 128], strides = [1, 1]} : vector<16x131072xf32> to vector<16x128xf32>
    %slice3A_1600 = vector.extract_strided_slice %mul3A_12 {offsets = [0, 125568], sizes = [16, 128], strides = [1, 1]} : vector<16x131072xf32> to vector<16x128xf32>
    %slice3A_1601 = vector.extract_strided_slice %mul3A_12 {offsets = [0, 125696], sizes = [16, 128], strides = [1, 1]} : vector<16x131072xf32> to vector<16x128xf32>
    %slice3A_1602 = vector.extract_strided_slice %mul3A_12 {offsets = [0, 125824], sizes = [16, 128], strides = [1, 1]} : vector<16x131072xf32> to vector<16x128xf32>
    %concatenate3A_1603 = tpu.concatenate %slice3A_1595, %slice3A_1596, %slice3A_1597, %slice3A_1598, %slice3A_1599, %slice3A_1600, %slice3A_1601, %slice3A_1602 in 0 : vector<16x128xf32>, vector<16x128xf32>, vector<16x128xf32>, vector<16x128xf32>, vector<16x128xf32>, vector<16x128xf32>, vector<16x128xf32>, vector<16x128xf32> -> vector<128x128xf32>
    %transpose3A_1604 = tpu.transpose %concatenate3A_1603, [1, 0] : vector<128x128xf32> -> vector<128x128xf32>
    %swap3A_1605 = arith.constant 15616 : index
    %swap3A_1606 = arith.constant 0 : index
    %swap3A_1607 = vector.load %arg2[%swap3A_1605, %swap3A_1606] : memref<16384x128xf32, #tpu.memory_space<vmem>>, vector<128x128xf32>
    tpu.vector_store %arg2[%swap3A_1605, %swap3A_1606], %transpose3A_1604 {strides = array<i32>} : memref<16384x128xf32, #tpu.memory_space<vmem>>, vector<128x128xf32>,
    %slice3A_1608 = vector.extract_strided_slice %mul3A_12 {offsets = [0, 125952], sizes = [16, 128], strides = [1, 1]} : vector<16x131072xf32> to vector<16x128xf32>
    %slice3A_1609 = vector.extract_strided_slice %mul3A_12 {offsets = [0, 126080], sizes = [16, 128], strides = [1, 1]} : vector<16x131072xf32> to vector<16x128xf32>
    %slice3A_1610 = vector.extract_strided_slice %mul3A_12 {offsets = [0, 126208], sizes = [16, 128], strides = [1, 1]} : vector<16x131072xf32> to vector<16x128xf32>
    %slice3A_1611 = vector.extract_strided_slice %mul3A_12 {offsets = [0, 126336], sizes = [16, 128], strides = [1, 1]} : vector<16x131072xf32> to vector<16x128xf32>
    %slice3A_1612 = vector.extract_strided_slice %mul3A_12 {offsets = [0, 126464], sizes = [16, 128], strides = [1, 1]} : vector<16x131072xf32> to vector<16x128xf32>
    %slice3A_1613 = vector.extract_strided_slice %mul3A_12 {offsets = [0, 126592], sizes = [16, 128], strides = [1, 1]} : vector<16x131072xf32> to vector<16x128xf32>
    %slice3A_1614 = vector.extract_strided_slice %mul3A_12 {offsets = [0, 126720], sizes = [16, 128], strides = [1, 1]} : vector<16x131072xf32> to vector<16x128xf32>
    %slice3A_1615 = vector.extract_strided_slice %mul3A_12 {offsets = [0, 126848], sizes = [16, 128], strides = [1, 1]} : vector<16x131072xf32> to vector<16x128xf32>
    %concatenate3A_1616 = tpu.concatenate %slice3A_1608, %slice3A_1609, %slice3A_1610, %slice3A_1611, %slice3A_1612, %slice3A_1613, %slice3A_1614, %slice3A_1615 in 0 : vector<16x128xf32>, vector<16x128xf32>, vector<16x128xf32>, vector<16x128xf32>, vector<16x128xf32>, vector<16x128xf32>, vector<16x128xf32>, vector<16x128xf32> -> vector<128x128xf32>
    %transpose3A_1617 = tpu.transpose %concatenate3A_1616, [1, 0] : vector<128x128xf32> -> vector<128x128xf32>
    %swap3A_1618 = arith.constant 15744 : index
    %swap3A_1619 = arith.constant 0 : index
    %swap3A_1620 = vector.load %arg2[%swap3A_1618, %swap3A_1619] : memref<16384x128xf32, #tpu.memory_space<vmem>>, vector<128x128xf32>
    tpu.vector_store %arg2[%swap3A_1618, %swap3A_1619], %transpose3A_1617 {strides = array<i32>} : memref<16384x128xf32, #tpu.memory_space<vmem>>, vector<128x128xf32>,
    %slice3A_1621 = vector.extract_strided_slice %mul3A_12 {offsets = [0, 126976], sizes = [16, 128], strides = [1, 1]} : vector<16x131072xf32> to vector<16x128xf32>
    %slice3A_1622 = vector.extract_strided_slice %mul3A_12 {offsets = [0, 127104], sizes = [16, 128], strides = [1, 1]} : vector<16x131072xf32> to vector<16x128xf32>
    %slice3A_1623 = vector.extract_strided_slice %mul3A_12 {offsets = [0, 127232], sizes = [16, 128], strides = [1, 1]} : vector<16x131072xf32> to vector<16x128xf32>
    %slice3A_1624 = vector.extract_strided_slice %mul3A_12 {offsets = [0, 127360], sizes = [16, 128], strides = [1, 1]} : vector<16x131072xf32> to vector<16x128xf32>
    %slice3A_1625 = vector.extract_strided_slice %mul3A_12 {offsets = [0, 127488], sizes = [16, 128], strides = [1, 1]} : vector<16x131072xf32> to vector<16x128xf32>
    %slice3A_1626 = vector.extract_strided_slice %mul3A_12 {offsets = [0, 127616], sizes = [16, 128], strides = [1, 1]} : vector<16x131072xf32> to vector<16x128xf32>
    %slice3A_1627 = vector.extract_strided_slice %mul3A_12 {offsets = [0, 127744], sizes = [16, 128], strides = [1, 1]} : vector<16x131072xf32> to vector<16x128xf32>
    %slice3A_1628 = vector.extract_strided_slice %mul3A_12 {offsets = [0, 127872], sizes = [16, 128], strides = [1, 1]} : vector<16x131072xf32> to vector<16x128xf32>
    %concatenate3A_1629 = tpu.concatenate %slice3A_1621, %slice3A_1622, %slice3A_1623, %slice3A_1624, %slice3A_1625, %slice3A_1626, %slice3A_1627, %slice3A_1628 in 0 : vector<16x128xf32>, vector<16x128xf32>, vector<16x128xf32>, vector<16x128xf32>, vector<16x128xf32>, vector<16x128xf32>, vector<16x128xf32>, vector<16x128xf32> -> vector<128x128xf32>
    %transpose3A_1630 = tpu.transpose %concatenate3A_1629, [1, 0] : vector<128x128xf32> -> vector<128x128xf32>
    %swap3A_1631 = arith.constant 15872 : index
    %swap3A_1632 = arith.constant 0 : index
    %swap3A_1633 = vector.load %arg2[%swap3A_1631, %swap3A_1632] : memref<16384x128xf32, #tpu.memory_space<vmem>>, vector<128x128xf32>
    tpu.vector_store %arg2[%swap3A_1631, %swap3A_1632], %transpose3A_1630 {strides = array<i32>} : memref<16384x128xf32, #tpu.memory_space<vmem>>, vector<128x128xf32>,
    %slice3A_1634 = vector.extract_strided_slice %mul3A_12 {offsets = [0, 128000], sizes = [16, 128], strides = [1, 1]} : vector<16x131072xf32> to vector<16x128xf32>
    %slice3A_1635 = vector.extract_strided_slice %mul3A_12 {offsets = [0, 128128], sizes = [16, 128], strides = [1, 1]} : vector<16x131072xf32> to vector<16x128xf32>
    %slice3A_1636 = vector.extract_strided_slice %mul3A_12 {offsets = [0, 128256], sizes = [16, 128], strides = [1, 1]} : vector<16x131072xf32> to vector<16x128xf32>
    %slice3A_1637 = vector.extract_strided_slice %mul3A_12 {offsets = [0, 128384], sizes = [16, 128], strides = [1, 1]} : vector<16x131072xf32> to vector<16x128xf32>
    %slice3A_1638 = vector.extract_strided_slice %mul3A_12 {offsets = [0, 128512], sizes = [16, 128], strides = [1, 1]} : vector<16x131072xf32> to vector<16x128xf32>
    %slice3A_1639 = vector.extract_strided_slice %mul3A_12 {offsets = [0, 128640], sizes = [16, 128], strides = [1, 1]} : vector<16x131072xf32> to vector<16x128xf32>
    %slice3A_1640 = vector.extract_strided_slice %mul3A_12 {offsets = [0, 128768], sizes = [16, 128], strides = [1, 1]} : vector<16x131072xf32> to vector<16x128xf32>
    %slice3A_1641 = vector.extract_strided_slice %mul3A_12 {offsets = [0, 128896], sizes = [16, 128], strides = [1, 1]} : vector<16x131072xf32> to vector<16x128xf32>
    %concatenate3A_1642 = tpu.concatenate %slice3A_1634, %slice3A_1635, %slice3A_1636, %slice3A_1637, %slice3A_1638, %slice3A_1639, %slice3A_1640, %slice3A_1641 in 0 : vector<16x128xf32>, vector<16x128xf32>, vector<16x128xf32>, vector<16x128xf32>, vector<16x128xf32>, vector<16x128xf32>, vector<16x128xf32>, vector<16x128xf32> -> vector<128x128xf32>
    %transpose3A_1643 = tpu.transpose %concatenate3A_1642, [1, 0] : vector<128x128xf32> -> vector<128x128xf32>
    %swap3A_1644 = arith.constant 16000 : index
    %swap3A_1645 = arith.constant 0 : index
    %swap3A_1646 = vector.load %arg2[%swap3A_1644, %swap3A_1645] : memref<16384x128xf32, #tpu.memory_space<vmem>>, vector<128x128xf32>
    tpu.vector_store %arg2[%swap3A_1644, %swap3A_1645], %transpose3A_1643 {strides = array<i32>} : memref<16384x128xf32, #tpu.memory_space<vmem>>, vector<128x128xf32>,
    %slice3A_1647 = vector.extract_strided_slice %mul3A_12 {offsets = [0, 129024], sizes = [16, 128], strides = [1, 1]} : vector<16x131072xf32> to vector<16x128xf32>
    %slice3A_1648 = vector.extract_strided_slice %mul3A_12 {offsets = [0, 129152], sizes = [16, 128], strides = [1, 1]} : vector<16x131072xf32> to vector<16x128xf32>
    %slice3A_1649 = vector.extract_strided_slice %mul3A_12 {offsets = [0, 129280], sizes = [16, 128], strides = [1, 1]} : vector<16x131072xf32> to vector<16x128xf32>
    %slice3A_1650 = vector.extract_strided_slice %mul3A_12 {offsets = [0, 129408], sizes = [16, 128], strides = [1, 1]} : vector<16x131072xf32> to vector<16x128xf32>
    %slice3A_1651 = vector.extract_strided_slice %mul3A_12 {offsets = [0, 129536], sizes = [16, 128], strides = [1, 1]} : vector<16x131072xf32> to vector<16x128xf32>
    %slice3A_1652 = vector.extract_strided_slice %mul3A_12 {offsets = [0, 129664], sizes = [16, 128], strides = [1, 1]} : vector<16x131072xf32> to vector<16x128xf32>
    %slice3A_1653 = vector.extract_strided_slice %mul3A_12 {offsets = [0, 129792], sizes = [16, 128], strides = [1, 1]} : vector<16x131072xf32> to vector<16x128xf32>
    %slice3A_1654 = vector.extract_strided_slice %mul3A_12 {offsets = [0, 129920], sizes = [16, 128], strides = [1, 1]} : vector<16x131072xf32> to vector<16x128xf32>
    %concatenate3A_1655 = tpu.concatenate %slice3A_1647, %slice3A_1648, %slice3A_1649, %slice3A_1650, %slice3A_1651, %slice3A_1652, %slice3A_1653, %slice3A_1654 in 0 : vector<16x128xf32>, vector<16x128xf32>, vector<16x128xf32>, vector<16x128xf32>, vector<16x128xf32>, vector<16x128xf32>, vector<16x128xf32>, vector<16x128xf32> -> vector<128x128xf32>
    %transpose3A_1656 = tpu.transpose %concatenate3A_1655, [1, 0] : vector<128x128xf32> -> vector<128x128xf32>
    %swap3A_1657 = arith.constant 16128 : index
    %swap3A_1658 = arith.constant 0 : index
    %swap3A_1659 = vector.load %arg2[%swap3A_1657, %swap3A_1658] : memref<16384x128xf32, #tpu.memory_space<vmem>>, vector<128x128xf32>
    tpu.vector_store %arg2[%swap3A_1657, %swap3A_1658], %transpose3A_1656 {strides = array<i32>} : memref<16384x128xf32, #tpu.memory_space<vmem>>, vector<128x128xf32>,
    %slice3A_1660 = vector.extract_strided_slice %mul3A_12 {offsets = [0, 130048], sizes = [16, 128], strides = [1, 1]} : vector<16x131072xf32> to vector<16x128xf32>
    %slice3A_1661 = vector.extract_strided_slice %mul3A_12 {offsets = [0, 130176], sizes = [16, 128], strides = [1, 1]} : vector<16x131072xf32> to vector<16x128xf32>
    %slice3A_1662 = vector.extract_strided_slice %mul3A_12 {offsets = [0, 130304], sizes = [16, 128], strides = [1, 1]} : vector<16x131072xf32> to vector<16x128xf32>
    %slice3A_1663 = vector.extract_strided_slice %mul3A_12 {offsets = [0, 130432], sizes = [16, 128], strides = [1, 1]} : vector<16x131072xf32> to vector<16x128xf32>
    %slice3A_1664 = vector.extract_strided_slice %mul3A_12 {offsets = [0, 130560], sizes = [16, 128], strides = [1, 1]} : vector<16x131072xf32> to vector<16x128xf32>
    %slice3A_1665 = vector.extract_strided_slice %mul3A_12 {offsets = [0, 130688], sizes = [16, 128], strides = [1, 1]} : vector<16x131072xf32> to vector<16x128xf32>
    %slice3A_1666 = vector.extract_strided_slice %mul3A_12 {offsets = [0, 130816], sizes = [16, 128], strides = [1, 1]} : vector<16x131072xf32> to vector<16x128xf32>
    %slice3A_1667 = vector.extract_strided_slice %mul3A_12 {offsets = [0, 130944], sizes = [16, 128], strides = [1, 1]} : vector<16x131072xf32> to vector<16x128xf32>
    %concatenate3A_1668 = tpu.concatenate %slice3A_1660, %slice3A_1661, %slice3A_1662, %slice3A_1663, %slice3A_1664, %slice3A_1665, %slice3A_1666, %slice3A_1667 in 0 : vector<16x128xf32>, vector<16x128xf32>, vector<16x128xf32>, vector<16x128xf32>, vector<16x128xf32>, vector<16x128xf32>, vector<16x128xf32>, vector<16x128xf32> -> vector<128x128xf32>
    %transpose3A_1669 = tpu.transpose %concatenate3A_1668, [1, 0] : vector<128x128xf32> -> vector<128x128xf32>
    %swap3A_1670 = arith.constant 16256 : index
    %swap3A_1671 = arith.constant 0 : index
    %swap3A_1672 = vector.load %arg2[%swap3A_1670, %swap3A_1671] : memref<16384x128xf32, #tpu.memory_space<vmem>>, vector<128x128xf32>
    tpu.vector_store %arg2[%swap3A_1670, %swap3A_1671], %transpose3A_1669 {strides = array<i32>} : memref<16384x128xf32, #tpu.memory_space<vmem>>, vector<128x128xf32>,
    return
  }
  func.func @transform_0(%arg0: i32) -> (i32, i32) {
    %c0_i32 = arith.constant 0 : i32
    %c0_i32_0 = arith.constant 0 : i32
    return %c0_i32, %arg0 : i32, i32
  }
  func.func @transform_1(%arg0: i32) -> (i32, i32) {
    %c0_i32 = arith.constant 0 : i32
    %c0_i32_0 = arith.constant 0 : i32
    return %arg0, %c0_i32 : i32, i32
  }
}

module attributes {stable_mosaic.version = 14 : i64} {
  func.func @body(%arg0: i32, %arg1: memref<16x4096xf32, #tpu.memory_space<vmem>>, %arg2: memref<26x4096xf32, #tpu.memory_space<vmem>>, %arg3: memref<16x26xf32, #tpu.memory_space<vmem>>, %arg4: memref<16x1xf32, #tpu.memory_space<vmem>>, %arg5: memref<1x26xf32, #tpu.memory_space<vmem>>, %arg6: memref<1x1xf32, #tpu.memory_space<vmem>>, %arg7: memref<1x4096xf32, #tpu.memory_space<vmem>>) attributes {dimension_semantics = [#tpu.dimension_semantics<arbitrary>], iteration_bounds = array<i64: 4>, scalar_prefetch = 0 : i64, scratch_operands = 0 : i64, tpu.core_type = #tpu.core_type<tc>, window_params = [{transform_indices = @transform_0, window_bounds = array<i64: 16, 4096>}, {transform_indices = @transform_1, window_bounds = array<i64: 26, 4096>}, {pipeline_mode = #tpu.pipeline_mode<synchronous>, transform_indices = @transform_2, window_bounds = array<i64: 16, 26>}, {pipeline_mode = #tpu.pipeline_mode<synchronous>, transform_indices = @transform_3, window_bounds = array<i64: 16, 1>}, {pipeline_mode = #tpu.pipeline_mode<synchronous>, transform_indices = @transform_4, window_bounds = array<i64: 1, 26>}, {pipeline_mode = #tpu.pipeline_mode<synchronous>, transform_indices = @transform_5, window_bounds = array<i64: 1, 1>}, {transform_indices = @transform_6, window_bounds = array<i64: 1, 4096>}]} {
    %get3A = arith.constant 0 : index
    %get3A_0 = arith.constant 0 : index
    %get3A_1 = vector.load %arg1[%get3A, %get3A_0] : memref<16x4096xf32, #tpu.memory_space<vmem>>, vector<16x4096xf32>
    %sqrt3A = math.sqrt %get3A_1 : vector<16x4096xf32>
    %get3A_2 = arith.constant 0 : index
    %get3A_3 = arith.constant 0 : index
    %get3A_4 = vector.load %arg2[%get3A_2, %get3A_3] : memref<26x4096xf32, #tpu.memory_space<vmem>>, vector<26x4096xf32>
    %get3A_5 = arith.constant 0 : index
    %get3A_6 = arith.constant 0 : index
    %get3A_7 = vector.load %arg3[%get3A_5, %get3A_6] : memref<16x26xf32, #tpu.memory_space<vmem>>, vector<16x26xf32>
    %dot_general3A = arith.constant dense<0.000000e+00> : vector<16x4096xf32>
    %dot_general3A_8 = tpu.matmul %get3A_7, %get3A_4, %dot_general3A {dimension_numbers = #tpu.dot_dimension_numbers<[1], [0], [0], [1], [0, 0, 1, 1], [], []>, transpose_lhs_hint = false} : vector<16x26xf32>, vector<26x4096xf32>, vector<16x4096xf32> -> vector<16x4096xf32>
    %get3A_9 = arith.constant 0 : index
    %get3A_10 = arith.constant 0 : index
    %get3A_11 = vector.load %arg4[%get3A_9, %get3A_10] : memref<16x1xf32, #tpu.memory_space<vmem>>, vector<16x1xf32>
    %add3A = vector.broadcast %get3A_11 : vector<16x1xf32> to vector<16x4096xf32>
    %add3A_12 = arith.addf %dot_general3A_8, %add3A : vector<16x4096xf32>
    %get3A_13 = arith.constant 0 : index
    %get3A_14 = arith.constant 0 : index
    %get3A_15 = vector.load %arg5[%get3A_13, %get3A_14] : memref<1x26xf32, #tpu.memory_space<vmem>>, vector<1x26xf32>
    %dot_general3A_16 = arith.constant dense<0.000000e+00> : vector<1x4096xf32>
    %dot_general3A_17 = tpu.matmul %get3A_15, %get3A_4, %dot_general3A_16 {dimension_numbers = #tpu.dot_dimension_numbers<[1], [0], [0], [1], [0, 0, 1, 1], [], []>, transpose_lhs_hint = false} : vector<1x26xf32>, vector<26x4096xf32>, vector<1x4096xf32> -> vector<1x4096xf32>
    %mul3A = arith.mulf %sqrt3A, %add3A_12 : vector<16x4096xf32>
    %reduce_sum3A = arith.constant dense<0.000000e+00> : vector<4096xf32>
    %reduce_sum3A_18 = vector.multi_reduction <add>, %mul3A, %reduce_sum3A [0] : vector<16x4096xf32> to vector<4096xf32>
    %broadcast_in_dim3A = vector.shape_cast %reduce_sum3A_18 : vector<4096xf32> to vector<1x4096xf32>
    %add3A_19 = arith.addf %broadcast_in_dim3A, %dot_general3A_17 : vector<1x4096xf32>
    %get3A_20 = arith.constant 0 : index
    %get3A_21 = arith.constant 0 : index
    %get3A_22 = vector.load %arg6[%get3A_20, %get3A_21] : memref<1x1xf32, #tpu.memory_space<vmem>>, vector<1x1xf32>
    %add3A_23 = vector.broadcast %get3A_22 : vector<1x1xf32> to vector<1x4096xf32>
    %add3A_24 = arith.addf %add3A_19, %add3A_23 : vector<1x4096xf32>
    %logistic3A = arith.negf %add3A_24 : vector<1x4096xf32>
    %logistic3A_25 = math.exp %logistic3A : vector<1x4096xf32>
    %logistic3A_26 = arith.constant 1.000000e+00 : f32
    %logistic3A_27 = vector.broadcast %logistic3A_26 : f32 to vector<1x4096xf32>
    %logistic3A_28 = arith.addf %logistic3A_27, %logistic3A_25 : vector<1x4096xf32>
    %logistic3A_29 = arith.divf %logistic3A_27, %logistic3A_28 : vector<1x4096xf32>
    %swap3A = arith.constant 0 : index
    %swap3A_30 = arith.constant 0 : index
    %swap3A_31 = vector.load %arg7[%swap3A, %swap3A_30] : memref<1x4096xf32, #tpu.memory_space<vmem>>, vector<1x4096xf32>
    tpu.vector_store %arg7[%swap3A, %swap3A_30], %logistic3A_29 {strides = array<i32>} : memref<1x4096xf32, #tpu.memory_space<vmem>>, vector<1x4096xf32>,
    return
  }
  func.func @transform_0(%arg0: i32) -> (i32, i32) {
    %c0_i32 = arith.constant 0 : i32
    %c0_i32_0 = arith.constant 0 : i32
    return %c0_i32, %arg0 : i32, i32
  }
  func.func @transform_1(%arg0: i32) -> (i32, i32) {
    %c0_i32 = arith.constant 0 : i32
    %c0_i32_0 = arith.constant 0 : i32
    return %c0_i32, %arg0 : i32, i32
  }
  func.func @transform_2(%arg0: i32) -> (i32, i32) {
    %c0_i32 = arith.constant 0 : i32
    %c0_i32_0 = arith.constant 0 : i32
    %c0_i32_1 = arith.constant 0 : i32
    return %c0_i32, %c0_i32_0 : i32, i32
  }
  func.func @transform_3(%arg0: i32) -> (i32, i32) {
    %c0_i32 = arith.constant 0 : i32
    %c0_i32_0 = arith.constant 0 : i32
    %c0_i32_1 = arith.constant 0 : i32
    return %c0_i32, %c0_i32_0 : i32, i32
  }
  func.func @transform_4(%arg0: i32) -> (i32, i32) {
    %c0_i32 = arith.constant 0 : i32
    %c0_i32_0 = arith.constant 0 : i32
    %c0_i32_1 = arith.constant 0 : i32
    return %c0_i32, %c0_i32_0 : i32, i32
  }
  func.func @transform_5(%arg0: i32) -> (i32, i32) {
    %c0_i32 = arith.constant 0 : i32
    %c0_i32_0 = arith.constant 0 : i32
    %c0_i32_1 = arith.constant 0 : i32
    return %c0_i32, %c0_i32_0 : i32, i32
  }
  func.func @transform_6(%arg0: i32) -> (i32, i32) {
    %c0_i32 = arith.constant 0 : i32
    %c0_i32_0 = arith.constant 0 : i32
    return %c0_i32, %arg0 : i32, i32
  }
}

</mosaic_0001>

<sc_bundles>
// kernel: kernel.5.cloned.1.call-start
scs
__scs_entry_jumppad:
0x0: {  	(pc) =	sbr.rel $0x88, $3  }
0x1: {  	(tag) =	ssettag $0x0;
	lr =	simm.s32 $0x1  }
0x2: {  	[smem:$0x3F9C] =	sst lr;
	_ =	strace $0xD0000000  }
0x3: {  	_ = 	snop  }
0x4: {  	_ = 	snop  }
0x5: {  	_ = 	snop  }
0x6: {  	_ = 	snop  }
0x7: {  	_ = 	snop  }
__scs_overlays_trampoline_lowered:
0x8: {  	[smem:$0x3FAB] =	sst s0  }
0x9: {  	[smem:$0x3FAC] =	sst s1  }
0xa: {  	[smem:$0x3FAD] =	sst s2  }
0xb: {  	[smem:$0x3FAE] =	sst s3  }
0xc: {  	[smem:$0x3FAF] =	sst s4  }
0xd: {  	[smem:$0x3FB0] =	sst s5  }
0xe: {  	[smem:$0x3FB1] =	sst s6  }
0xf: {  	[smem:$0x3FB2] =	sst s7  }
0x10: {  	[smem:$0x3FB3] =	sst s8  }
0x11: {  	[smem:$0x3FB4] =	sst s9;
	s0 =	simm.s32 @!p0 $0x0  }
0x12: {  	s1 =	sld [smem:$0x3F9A];
	s0 =	simm.s32 @p0 $0x1  }
0x13: {  	[smem:$0x3FB5] =	sst s0;
	s0 =	simm.s32 @!p1 $0x0  }
0x14: {  	s2 =	sld [smem:$0x3F99];
	s0 =	simm.s32 @p1 $0x1  }
0x15: {  	[smem:$0x3FB6] =	sst s0;
	s0 =	simm.s32 @!p2 $0x0  }
0x16: {  	s3 =	sld [smem:$0x3FDB];
	s0 =	simm.s32 @p2 $0x1  }
0x17: {  	s4 =	simm.s32 $0x1BF5;
	[smem:$0x3FB8] =	sst s0  }
0x18: {  	s0 =	sld [smem:$0x3F9B];
	_ =	swait.ge [sflag:s4], $0x0  }
0x19: {  	s7 =	sld [smem:$0x3F9C]  }
0x1a: {  	s8 =	sadd.s32 $0xFFFFE003, lr  }
0x1b: {  	s9 =	sadd.s32 $0xFFFFFEF7, lr;
	s5 =	simm.s32 $0xFFFFFFFF;
	p2 =	slt.u32 s8, $0xFFFFF086  }
0x1c: {  	p1 =	slt.u32 s9, $0xF7A;
	s5 =	simm.s32 @!p2 $0x0  }
0x1d: {  	s5 =	simm.s32 @p1 $0x1;
	p0 =	seq.s32 s7, s2  }
0x1e: {  	s7 =	smul.u32 @!p0 $0xF7A, s2;
	p2 =	seq.s32 @!p0 s5, $0x0  }
0x1f: {  	s9 =	smul.u32 $0xF7A, s1;
	s8 =	simm.s32 @!p0 $0x1BF5;
	p2 =	por !p2, p0  }
0x20: {  	[sflag:s8] =	ssyncset.s32 @!p0 $0xFFFFF086;
	s6 =	sadd.s32 @!p0 s3, s7;
	s7 =	simm.s32 @!p0 $0x108  }
0x21: {  	s3 =	sadd.s32 s3, s9;
	s6 =	sadd.s32 @!p0 $0x88, s6;
	s7 =	simm.s32 @p2 $0x1082  }
0x22: {  	[simem:s7], [sflag:s8] =	dma.local @!p0 [hbm:s6], $0xF7A  }
0x23: {  	s9 =	sor.u32 $0xD0000000, s2;
	s6 =	simm.s32 $0x108;
	_ =	swait.ge @!p0 [sflag:s8], $0x0  }
0x24: {  	s3 =	sadd.s32 $0x88, s3;
	s6 =	simm.s32 @!p1 $0x1082;
	[sflag:s4] =	ssyncset.s32 $0xFFFFF086  }
0x25: {  	[simem:s6], [sflag:s4] =	dma.local [hbm:s3], $0xF7A  }
0x26: {  	[smem:$0x3F9C] =	sst s1;
	(tag) =	ssettag s2;
	_ =	strace s9  }
0x27: {  	s1 =	sld [smem:$0x3FAC]  }
0x28: {  	s2 =	sld [smem:$0x3FAD]  }
0x29: {  	s4 =	sld [smem:$0x3FAF]  }
0x2a: {  	p0 =	seq.s32 s5, $0x0;
	s5 =	sld [smem:$0x3FB0]  }
0x2b: {  	s6 =	sld [smem:$0x3FB1]  }
0x2c: {  	s7 =	sld [smem:$0x3FB2]  }
0x2d: {  	s3 =	simm.s32 $0x108;
	s8 =	sld [smem:$0x3FB3]  }
0x2e: {  	s3 =	simm.s32 @!p0 $0x1082;
	s9 =	sld [smem:$0x3FB4]  }
0x2f: {  	lr =	sadd.s32 s0, s3;
	s0 =	sld [smem:$0x3FAB]  }
0x30: {  	s3 =	sld [smem:$0x3FAE]  }
0x31: {  	[smem:$0x3FB7] =	sst s10  }
0x32: {  	s10 =	sld [smem:$0x3FB5];
	_ =	sdelay $0x3  }
0x33: {  	p0 =	seq.s32 s10, $0x1;
	s10 =	sld [smem:$0x3FB7];
	_ =	sdelay $0x3  }
0x34: {  	[smem:$0x3FB7] =	sst s10  }
0x35: {  	s10 =	sld [smem:$0x3FB6];
	_ =	sdelay $0x3  }
0x36: {  	p1 =	seq.s32 s10, $0x1;
	s10 =	sld [smem:$0x3FB7];
	_ =	sdelay $0x3  }
0x37: {  	[smem:$0x3FB7] =	sst s10  }
0x38: {  	s10 =	sld [smem:$0x3FB8]  }
0x39: {  	_ = 	snop;
	(pc) =	sbr.ind lr, $3  }
0x3a: {  	_ = 	snop  }
0x3b: {  	_ = 	snop  }
0x3c: {  	p2 =	seq.s32 s10, $0x1;
	s10 =	sld [smem:$0x3FB7]  }
0x3d: {  	_ =	shalt  }
0x3e: {  	_ =	shalt  }
0x3f: {  	_ =	shalt  }
0x40: {  	_ =	shalt  }
0x41: {  	_ =	shalt  }
0x42: {  	_ =	shalt  }
0x43: {  	_ =	shalt  }
0x44: {  	_ =	shalt  }
0x45: {  	_ =	shalt  }
0x46: {  	_ =	shalt  }
0x47: {  	_ =	shalt  }
0x48: {  	_ =	shalt  }
0x49: {  	_ =	shalt  }
0x4a: {  	_ =	shalt  }
0x4b: {  	_ =	shalt  }
0x4c: {  	_ =	shalt  }
0x4d: {  	_ =	shalt  }
0x4e: {  	_ =	shalt  }
0x4f: {  	_ =	shalt  }
0x50: {  	_ =	shalt  }
0x51: {  	_ =	shalt  }
0x52: {  	_ =	shalt  }
0x53: {  	_ =	shalt  }
0x54: {  	_ =	shalt  }
0x55: {  	_ =	shalt  }
0x56: {  	_ =	shalt  }
0x57: {  	_ =	shalt  }
0x58: {  	_ =	shalt  }
0x59: {  	_ =	shalt  }
0x5a: {  	_ =	shalt  }
0x5b: {  	_ =	shalt  }
0x5c: {  	_ =	shalt  }
0x5d: {  	_ =	shalt  }
0x5e: {  	_ =	shalt  }
0x5f: {  	_ =	shalt  }
0x60: {  	_ =	shalt  }
0x61: {  	_ =	shalt  }
0x62: {  	_ =	shalt  }
0x63: {  	_ =	shalt  }
0x64: {  	_ =	shalt  }
0x65: {  	_ =	shalt  }
0x66: {  	_ =	shalt  }
0x67: {  	_ =	shalt  }
0x68: {  	_ =	shalt  }
0x69: {  	_ =	shalt  }
0x6a: {  	_ =	shalt  }
0x6b: {  	_ =	shalt  }
0x6c: {  	_ =	shalt  }
0x6d: {  	_ =	shalt  }
0x6e: {  	_ =	shalt  }
0x6f: {  	_ =	shalt  }
0x70: {  	_ =	shalt  }
0x71: {  	_ =	shalt  }
0x72: {  	_ =	shalt  }
0x73: {  	_ =	shalt  }
0x74: {  	_ =	shalt  }
0x75: {  	_ =	shalt  }
0x76: {  	_ =	shalt  }
0x77: {  	_ =	shalt  }
0x78: {  	_ =	shalt  }
0x79: {  	_ =	shalt  }
0x7a: {  	_ =	shalt  }
0x7b: {  	_ =	shalt  }
0x7c: {  	_ =	shalt  }
0x7d: {  	_ =	shalt  }
0x7e: {  	_ =	shalt  }
0x7f: {  	_ =	shalt  }
0x80: {  	_ =	shalt  }
0x81: {  	_ =	shalt  }
0x82: {  	_ =	shalt  }
0x83: {  	_ =	shalt  }
0x84: {  	_ =	shalt  }
0x85: {  	_ =	shalt  }
0x86: {  	_ =	shalt  }
0x87: {  	_ =	shalt  }
.Lfunc_end0:
.L_simem_size_0:
called_computation_lowered:
.L_overlay_start_0:
0x88: {  	s2 =	sld [smem:$0x3FD9]  }
0x89: {  	s3 =	sld [smem:$0x3FFE];
	_ =	sdelay $0x1  }
0x8a: {  	s1 =	srdreg.scid  }
0x8b: {  	s0 =	sand.u32 $0x1, s1  }
0x8c: {  	s16 =	sshll.u32 s0, $0xA;
	s2 =	sadd.s32 s3, s2  }
0x8d: {  	s2 =	sadd.s32 s2, s16  }
0x8e: {  	[smem:$0x3FC3] =	sst s2  }
0x8f: {  	_ = 	snop  }
0x90: {  	(tm) =	ssettm $0x1  }
0x91: {  	s17 =	sld [smem:$0x3FFB];
	_ =	sdelay $0x3  }
0x92: {  	_ =	strace s17  }
0x93: {  	s2 =	sld [smem:$0x3FFC];
	_ =	sdelay $0x3  }
0x94: {  	_ =	strace s2  }
0x95: {  	s2 =	sld [smem:$0x3FFD];
	_ =	sdelay $0x3  }
0x96: {  	_ =	strace s2  }
0x97: {  	_ =	strace $0x8FFFFFFF  }
0x98: {  	s18 =	sld [smem:$0x3FDB];
	_ =	sdelay $0x1  }
0x99: {  	s19 =	simm.s32 $_scs_section_size  }
0x9a: {  	s4 =	simm.s32 $_size__tile_overlayer_lowered;
	s5 =	simm.s32 $_tile_overlayer_lowered  }
0x9b: {  	s22 =	simm.s32 $0x1BFF;
	s21 =	sshll.u32 s5, $0x1;
	s2 =	sadd.s32 s19, s18  }
0x9c: {  	s6 =	simm.s32 $0x0;
	s20 =	sshll.u32 s4, $0x1;
	s4 =	sadd.s32 s21, s2  }
0x9d: {  	[timem:s6], [sflag:s22] =	dma.local [hbm:s4], s20  }
0x9e: {  	_ =	swait.ge [sflag:s22], s20  }
0x9f: {  	s3 =	ssub.s32 $0x0, s20;
	[sflag:s22] =	ssyncset.done $0x0  }
0xa0: {  	[sflag:s22] =	ssyncadd.s32 s3;
	_ =	sdelay $0x1  }
0xa1: {  	s23 =	simm.s32 $0x1B8B  }
0xa2: {  	_ =	swait.ge [sflag:s23], $0x1  }
0xa3: {  	[sflag:s23] =	ssyncset.done $0x0  }
0xa4: {  	s25 =	simm.s32 $0x1B8E;
	s24 =	sld [smem:$0x3FFE];
	[sflag:s23] =	ssyncadd.s32 $0xFFFFFFFF  }
0xa5: {  	s26 =	simm.s32 $execute0_lowered;
	[smem:$0x3FD2] =	sst s25  }
0xa6: {  	s4 =	sshll.u32 s26, $0x1;
	_ =	strace $0x80000046;
	[dreg:$0x1] =	wrdreg $0xFFFFFFFF  }
0xa7: {  	s28 =	simm.s32 $_size_execute0_lowered;
	s2 =	sadd.s32 s2, s4;
	[dreg:$0x0] =	wrdreg $0x0  }
0xa8: {  	s4 =	sshll.u32 s28, $0x1;
	[dreg:$0x2] =	wrdreg s2  }
0xa9: {  	[dreg:$0x3] =	wrdreg s4  }
0xaa: {  	[dreg:$0x4] =	wrdreg $0xC0  }
0xab: {  	_ =	task [dreg:s6], $0x5FFFF  }
0xac: {  	[dreg:$0x1] =	wrdreg $0xFFFFFFFF  }
0xad: {  	[dreg:$0x0] =	wrdreg $0x60  }
0xae: {  	[dreg:$0x2] =	wrdreg s24  }
0xaf: {  	[dreg:$0x3] =	wrdreg $0x9  }
0xb0: {  	_ =	task.clear_ibuf [dreg:s6], $0x4FFFF;
	_ =	strace $0x90000046  }
0xb1: {  	s29 =	simm.s32 $0x9;
	_ =	strace $0x80000048  }
0xb2: {  	_ =	swait.ge [sflag:s29], $0x1  }
0xb3: {  	[sflag:s29] =	ssyncadd.s32 $0xFFFFFFFF  }
0xb4: {  	_ =	strace $0x90000048  }
0xb5: {  	_ =	sfence  }
0xb6: {  	s30 =	sld [smem:$0x0];
	_ =	sdelay $0x2  }
0xb7: {  	s31 =	sshll.u32 s1, $0xD;
	s1 =	sshrl.u32 s1, $0x2  }
0xb8: {  	s3 =	sand.u32 $0x4000, s31;
	s1 =	sadd.s32 s1, s30  }
0xb9: {  	s0 =	sor.u32 s3, s0;
	s1 =	sshll.u32 s1, $0x11  }
0xba: {  	s0 =	sor.u32 s1, s0  }
0xbb: {  	s0 =	sadd.s32 $0x8F2B, s0  }
0xbc: {  	[sflag:s0] =	ssyncadd.remote.s32 $0x1  }
0xbd: {  	_ =	sfence.sel $0xFFFF  }
0xbe: {  	[dreg:$0x0] =	wrdreg $0xFFFFFFFF;
	(pc) =	sbr.abs _section_cstart, $3  }
0xbf: {  	[dreg:$0x1] =	wrdreg $0xFFFFFFFF  }
0xc0: {  	_ =	task.clear_ibuf [dreg:s6], $0x2FFFF;
	_ =	strace $0x9FFFFFFF  }
0xc1: {  	(tm) =	ssettm $0x7FFFFFFF  }
tec
execute0_lowered:
.L_overlay_start_1:
0x0: {  	(tag) =	ssettag $0x1  }
0x1: {  	s0 =	srdreg.scid  }
0x2: {  	s1 =	stileid.u32;
	s4 =	rddreg [dreg:$0x0];
	s2 =	simm.s32 $0x0  }
0x3: {  	s23 =	simm.s32 $0x3;
	s24 =	simm.s32 $0x80;
	s22 =	simm.s32 $0x12C00  }
0x4: {  	s29 =	simm.s32 $0x2;
	s0 =	sand.u32 $0x1, s0;
	s1 =	sshll.u32 s1, $0x1  }
0x5: {  	[smem:$0x7FF] =	sst s2;
	s1 =	sor.u32 s0, s1;
	s0 =	ssub.s32 $0x2, s0  }
0x6: {  	_ =	strace $0x80000047;
	s3 =	smul.u32 $0xC80, s1;
	s5 =	sshrl.u32 s0, $0x1  }
0x7: {  	s0 =	ssub.s32 s0, s5;
	s5 =	sshll.u32 s1, $0x9;
	s1 =	simm.s32 $0x0  }
0x8: {  	s6 =	sadd.s32 s3, s4;
	s3 =	sadd.s32 $0x19400, s4;
	s4 =	sadd.s32 $0x219400, s4  }
0x9: {  	s31 =	sor.u32 $0x4000, s5;
	s8 =	sor.u32 $0x8000, s5;
	s9 =	sor.u32 $0xC000, s5  }
0xa: {  	s10 =	sor.u32 $0x10000, s5;
	s11 =	sor.u32 $0x14000, s5;
	s12 =	sor.u32 $0x18000, s5  }
0xb: {  	s13 =	sor.u32 $0x1C000, s5;
	s14 =	sor.u32 $0x20000, s5;
	s15 =	sor.u32 $0x24000, s5  }
0xc: {  	s16 =	sor.u32 $0x28000, s5;
	s17 =	sor.u32 $0x2C000, s5;
	s18 =	sor.u32 $0x30000, s5  }
0xd: {  	s19 =	sor.u32 $0x34000, s5;
	s0 =	smax.u32 s0, $0x1;
	[dreg:$0x3] =	wrdreg s31  }
0xe: {  	v0 =	vlaneseq.u32;
	s20 =	sor.u32 $0x38000, s5;
	s30 =	sadd.s32 $0x400, s6;
	[dreg:$0x4] =	wrdreg s0  }
0xf: {  	v0 =	vmul.u32 $0x20, v0;
	s21 =	sor.u32 $0x3C000, s5;
	s6 =	simm.s32 $0x1;
	[dreg:$0x2] =	wrdreg s30  }
.LBB2_1:
0x10: {  	[dreg:$0x5] =	wrdreg s1  }
0x11: {  	s0 =	rddreg [dreg:$0x2]  }
0x12: {  	[tilespmem:s2], [sflag:$0x3] =	stream.linear.gather [hbm4b:s0+s2], $0x6400, $0x38;
	[tilespmem:$0x12E00] =	vst v63  }
0x13: {  	_ =	swait.ge [sflag:s23], $0x6400  }
0x14: {  	[sflag:s23] =	ssyncset.done $0x0  }
0x15: {  	s1 =	simm.s32 $0x40;
	s0 =	simm.s32 $0x0;
	[sflag:s23] =	ssyncadd.s32 $0xFFFF9C00  }
.LBB2_2:
0x16: {  	p0 =	sne.s32 s1, $0x18C0;
	v1 =	vld [tilespmem:s0+$0x0];
	_ =	sdelay $0x4  }
.Ltmp0:
0x17: {  	v2 =	vshll.u32 v1, $0x3;
	(pc) =	sbr.rel @p0 .LBB2_2-.Ltmp0, $4  }
0x18: {  	v3 =	vand.u32 $0xFFFFFC00, v1;
	v1 =	vshrl.u32 v1, $0x7;
	v2 =	vand.u32 $0x3F8, v2  }
0x19: {  	v1 =	vand.u32 $0x7, v1;
	v2 =	vor.u32 v3, v2  }
0x1a: {  	v1 =	vor.u32 v1, v2  }
0x1b: {  	[tilespmem:s0+$0x0] =	vst v1;
	s0 =	sshra.s32 s1, $0x2;
	s1 =	sadd.s32 $0x40, s1  }
0x1c: {  	v1 =	vld [tilespmem:s0+$0x0];
	_ =	sdelay $0x4  }
0x1d: {  	v2 =	vshll.u32 v1, $0x3  }
0x1e: {  	v3 =	vand.u32 $0xFFFFFC00, v1;
	v1 =	vshrl.u32 v1, $0x7;
	v2 =	vand.u32 $0x3F8, v2  }
0x1f: {  	v1 =	vand.u32 $0x7, v1;
	v2 =	vor.u32 v3, v2  }
0x20: {  	v1 =	vor.u32 v1, v2  }
0x21: {  	s1 =	simm.s32 $0x40;
	[tilespmem:s0+$0x0] =	vst v1;
	s0 =	simm.s32 $0x0  }
.LBB2_4:
0x22: {  	p0 =	sne.s32 s1, $0x18C0;
	v1 =	vld [tilespmem:s0+$0x640];
	_ =	sdelay $0x4  }
.Ltmp1:
0x23: {  	v2 =	vshll.u32 v1, $0x3;
	(pc) =	sbr.rel @p0 .LBB2_4-.Ltmp1, $4  }
0x24: {  	v3 =	vand.u32 $0xFFFFFC00, v1;
	v1 =	vshrl.u32 v1, $0x7;
	v2 =	vand.u32 $0x3F8, v2  }
0x25: {  	v1 =	vand.u32 $0x7, v1;
	v2 =	vor.u32 v3, v2  }
0x26: {  	v1 =	vor.u32 v1, v2  }
0x27: {  	[tilespmem:s0+$0x640] =	vst v1;
	s0 =	sshra.s32 s1, $0x2;
	s1 =	sadd.s32 $0x40, s1  }
0x28: {  	v1 =	vld [tilespmem:s0+$0x640];
	_ =	sdelay $0x4  }
0x29: {  	v2 =	vshll.u32 v1, $0x3  }
0x2a: {  	v3 =	vand.u32 $0xFFFFFC00, v1;
	v1 =	vshrl.u32 v1, $0x7;
	v2 =	vand.u32 $0x3F8, v2  }
0x2b: {  	v1 =	vand.u32 $0x7, v1;
	v2 =	vor.u32 v3, v2  }
0x2c: {  	v1 =	vor.u32 v1, v2  }
0x2d: {  	s1 =	simm.s32 $0x0;
	s30 =	simm.s32 $0x6400;
	[tilespmem:s0+$0x640] =	vst v1  }
0x2e: {  	[tilespmem:s30], [sflag:$0x1] =	stream.indirect.gather [hbm4b:s3+s24], $0x10, s1, s24, $0xb8;
	[tilespmem:$0x12E00] =	vst v63  }
0x2f: {  	s7 =	simm.s32 $0x6C00  }
0x30: {  	[tilespmem:s7], [sflag:$0x1] =	stream.indirect.gather [hbm4b:s3+s24], $0x10, s24, s24, $0xb8;
	[tilespmem:$0x12E00] =	vst v63  }
0x31: {  	s25 =	simm.s32 $0x100;
	s26 =	simm.s32 $0x7400  }
0x32: {  	[tilespmem:s26], [sflag:$0x1] =	stream.indirect.gather [hbm4b:s3+s24], $0x10, s25, s24, $0xb8;
	[tilespmem:$0x12E00] =	vst v63  }
0x33: {  	s28 =	simm.s32 $0x180;
	s30 =	simm.s32 $0x7C00  }
0x34: {  	[tilespmem:s30], [sflag:$0x1] =	stream.indirect.gather [hbm4b:s3+s24], $0x10, s28, s24, $0xb8;
	[tilespmem:$0x12E00] =	vst v63  }
0x35: {  	s1 =	simm.s32 $0x200;
	s7 =	simm.s32 $0x8400  }
0x36: {  	[tilespmem:s7], [sflag:$0x1] =	stream.indirect.gather [hbm4b:s3+s24], $0x10, s1, s24, $0xb8;
	[tilespmem:$0x12E00] =	vst v63  }
0x37: {  	s25 =	simm.s32 $0x280;
	s26 =	simm.s32 $0x8C00  }
0x38: {  	[tilespmem:s26], [sflag:$0x1] =	stream.indirect.gather [hbm4b:s3+s24], $0x10, s25, s24, $0xb8;
	[tilespmem:$0x12E00] =	vst v63  }
0x39: {  	s28 =	simm.s32 $0x300;
	s30 =	simm.s32 $0x9400  }
0x3a: {  	[tilespmem:s30], [sflag:$0x1] =	stream.indirect.gather [hbm4b:s3+s24], $0x10, s28, s24, $0xb8;
	[tilespmem:$0x12E00] =	vst v63  }
0x3b: {  	s1 =	simm.s32 $0x380;
	s7 =	simm.s32 $0x9C00  }
0x3c: {  	[tilespmem:s7], [sflag:$0x1] =	stream.indirect.gather [hbm4b:s3+s24], $0x10, s1, s24, $0xb8;
	[tilespmem:$0x12E00] =	vst v63  }
0x3d: {  	s25 =	simm.s32 $0x400;
	s26 =	simm.s32 $0xA400  }
0x3e: {  	[tilespmem:s26], [sflag:$0x1] =	stream.indirect.gather [hbm4b:s3+s24], $0x10, s25, s24, $0xb8;
	[tilespmem:$0x12E00] =	vst v63  }
0x3f: {  	s31 =	simm.s32 $0x0;
	s28 =	simm.s32 $0x480;
	s30 =	simm.s32 $0xAC00  }
0x40: {  	[tilespmem:s30], [sflag:$0x1] =	stream.indirect.gather [hbm4b:s3+s24], $0x10, s28, s24, $0xb8;
	[tilespmem:$0x12E00] =	vst v63  }
0x41: {  	s1 =	simm.s32 $0x500;
	s7 =	simm.s32 $0xB400;
	s25 =	simm.s32 $0x580  }
0x42: {  	[tilespmem:s7], [sflag:$0x1] =	stream.indirect.gather [hbm4b:s3+s24], $0x10, s1, s24, $0xb8;
	[tilespmem:$0x12E00] =	vst v63  }
0x43: {  	s26 =	simm.s32 $0xBC00;
	s28 =	simm.s32 $0x40;
	s30 =	simm.s32 $0x600  }
0x44: {  	[tilespmem:s26], [sflag:$0x1] =	stream.indirect.gather [hbm4b:s3+s24], $0x10, s25, s24, $0xb8;
	[tilespmem:$0x12E00] =	vst v63  }
0x45: {  	s7 =	simm.s32 $0xC400;
	s25 =	simm.s32 $0xC80;
	s26 =	simm.s32 $0x12C0  }
0x46: {  	[tilespmem:s7], [sflag:$0x1] =	stream.indirect.gather [hbm4b:s3+s28], $0x10, s30, s28, $0xb8;
	[tilespmem:$0x12E00] =	vst v63  }
.LBB2_6:
0x47: {  	s0 =	sshllo.u32 s31, $0x1  }
0x48: {  	s1 =	smul.u32 $0x1900, s0;
	_ =	sdelay $0x1  }
0x49: {  	s7 =	simm.s32 $0xC800;
	s1 =	sshra.s32 s1, $0x2  }
0x4a: {  	[tilespmem:s7], [sflag:$0x2] =	stream.indirect.gather [hbm4b:s3+s24], $0x10, s1, s24, $0xb8;
	[tilespmem:$0x12E00] =	vst v63  }
0x4b: {  	s28 =	simm.s32 $0xD000;
	s30 =	sadd.s32 $0x80, s1  }
0x4c: {  	[tilespmem:s28], [sflag:$0x2] =	stream.indirect.gather [hbm4b:s3+s24], $0x10, s30, s24, $0xb8;
	[tilespmem:$0x12E00] =	vst v63  }
0x4d: {  	s7 =	sadd.s32 $0x100, s1;
	s30 =	simm.s32 $0xD800  }
0x4e: {  	[tilespmem:s30], [sflag:$0x2] =	stream.indirect.gather [hbm4b:s3+s24], $0x10, s7, s24, $0xb8;
	[tilespmem:$0x12E00] =	vst v63  }
0x4f: {  	s7 =	sadd.s32 $0x180, s1;
	s30 =	simm.s32 $0xE000  }
0x50: {  	[tilespmem:s30], [sflag:$0x2] =	stream.indirect.gather [hbm4b:s3+s24], $0x10, s7, s24, $0xb8;
	[tilespmem:$0x12E00] =	vst v63  }
0x51: {  	s7 =	sadd.s32 $0x200, s1;
	s30 =	simm.s32 $0xE800  }
0x52: {  	[tilespmem:s30], [sflag:$0x2] =	stream.indirect.gather [hbm4b:s3+s24], $0x10, s7, s24, $0xb8;
	[tilespmem:$0x12E00] =	vst v63  }
0x53: {  	s7 =	sadd.s32 $0x280, s1;
	s30 =	simm.s32 $0xF000  }
0x54: {  	[tilespmem:s30], [sflag:$0x2] =	stream.indirect.gather [hbm4b:s3+s24], $0x10, s7, s24, $0xb8;
	[tilespmem:$0x12E00] =	vst v63  }
0x55: {  	s7 =	sadd.s32 $0x300, s1;
	s30 =	simm.s32 $0xF800  }
0x56: {  	[tilespmem:s30], [sflag:$0x2] =	stream.indirect.gather [hbm4b:s3+s24], $0x10, s7, s24, $0xb8;
	[tilespmem:$0x12E00] =	vst v63  }
0x57: {  	s7 =	sadd.s32 $0x380, s1;
	s30 =	simm.s32 $0x10000  }
0x58: {  	[tilespmem:s30], [sflag:$0x2] =	stream.indirect.gather [hbm4b:s3+s24], $0x10, s7, s24, $0xb8;
	[tilespmem:$0x12E00] =	vst v63  }
0x59: {  	s7 =	sadd.s32 $0x400, s1;
	s30 =	simm.s32 $0x10800  }
0x5a: {  	[tilespmem:s30], [sflag:$0x2] =	stream.indirect.gather [hbm4b:s3+s24], $0x10, s7, s24, $0xb8;
	[tilespmem:$0x12E00] =	vst v63  }
0x5b: {  	s7 =	sadd.s32 $0x480, s1;
	s30 =	simm.s32 $0x11000  }
0x5c: {  	[tilespmem:s30], [sflag:$0x2] =	stream.indirect.gather [hbm4b:s3+s24], $0x10, s7, s24, $0xb8;
	[tilespmem:$0x12E00] =	vst v63  }
0x5d: {  	p0 =	seq.s32 s31, $0x7;
	s7 =	sadd.s32 $0x500, s1;
	s30 =	simm.s32 $0x11800  }
0x5e: {  	[tilespmem:s30], [sflag:$0x2] =	stream.indirect.gather [hbm4b:s3+s24], $0x10, s7, s24, $0xb8;
	[tilespmem:$0x12E00] =	vst v63  }
.Ltmp2:
0x5f: {  	_ = 	snop;
	(pc) =	sbr.rel @p0 .LBB2_10-.Ltmp2, $4  }
0x60: {  	s7 =	sadd.s32 $0x580, s1;
	s30 =	simm.s32 $0x12000  }
0x61: {  	[tilespmem:s30], [sflag:$0x2] =	stream.indirect.gather [hbm4b:s3+s24], $0x10, s7, s24, $0xb8;
	[tilespmem:$0x12E00] =	vst v63  }
0x62: {  	s1 =	sadd.s32 $0x600, s1;
	s7 =	simm.s32 $0x40;
	s30 =	simm.s32 $0x12800  }
0x63: {  	[tilespmem:s30], [sflag:$0x2] =	stream.indirect.gather [hbm4b:s3+s7], $0x10, s1, s7, $0xb8;
	[tilespmem:$0x12E00] =	vst v63  }
0x64: {  	s7 =	simm.s32 $0x0  }
0x65: {  	s1 =	sshra.s32 s7, $0x2  }
0x66: {  	s1 =	sadd.s32 s1, s25  }
0x67: {  	v1 =	vld [tilespmem:s1+$0x0];
	_ =	sdelay $0x4  }
0x68: {  	v2 =	vshll.u32 v1, $0x3  }
0x69: {  	v3 =	vand.u32 $0xFFFFFC00, v1;
	v1 =	vshrl.u32 v1, $0x7;
	v2 =	vand.u32 $0x3F8, v2  }
0x6a: {  	s7 =	sadd.s32 $0x40, s7;
	v1 =	vand.u32 $0x7, v1;
	v2 =	vor.u32 v3, v2  }
0x6b: {  	s28 =	sshra.s32 s7, $0x2;
	s7 =	sadd.s32 $0x40, s7;
	v1 =	vor.u32 v1, v2  }
.LBB2_8:
0x6c: {  	p1 =	sne.s32 s7, $0x18C0;
	[tilespmem:s1+$0x0] =	vst v1;
	s1 =	sadd.s32 s28, s25  }
0x6d: {  	v1 =	vld [tilespmem:s1+$0x0];
	_ =	sdelay $0x3  }
.Ltmp3:
0x6e: {  	(pc) =	sbr.rel @p1 .LBB2_8-.Ltmp3, $4  }
0x6f: {  	v2 =	vshll.u32 v1, $0x3  }
0x70: {  	v3 =	vand.u32 $0xFFFFFC00, v1;
	v1 =	vshrl.u32 v1, $0x7;
	v2 =	vand.u32 $0x3F8, v2  }
0x71: {  	v1 =	vand.u32 $0x7, v1;
	v2 =	vor.u32 v3, v2  }
0x72: {  	s28 =	sshra.s32 s7, $0x2;
	s7 =	sadd.s32 $0x40, s7;
	v1 =	vor.u32 v1, v2  }
0x73: {  	s7 =	sadd.s32 s28, s25;
	[tilespmem:s1+$0x0] =	vst v1  }
0x74: {  	v1 =	vld [tilespmem:s7+$0x0];
	_ =	sdelay $0x4  }
0x75: {  	v2 =	vshll.u32 v1, $0x3  }
0x76: {  	v3 =	vand.u32 $0xFFFFFC00, v1;
	v1 =	vshrl.u32 v1, $0x7;
	v2 =	vand.u32 $0x3F8, v2  }
0x77: {  	v1 =	vand.u32 $0x7, v1;
	v2 =	vor.u32 v3, v2  }
0x78: {  	v1 =	vor.u32 v1, v2  }
0x79: {  	[tilespmem:s7+$0x0] =	vst v1  }
.LBB2_10:
0x7a: {  	_ =	swait.ge [sflag:s6], $0x800  }
0x7b: {  	[sflag:s6] =	ssyncset.done $0x0  }
0x7c: {  	[sflag:s6] =	ssyncadd.s32 $0xFFFFF800  }
0x7d: {  	_ =	swait.ge [sflag:s6], $0x800  }
0x7e: {  	[sflag:s6] =	ssyncset.done $0x0  }
0x7f: {  	[sflag:s6] =	ssyncadd.s32 $0xFFFFF800  }
0x80: {  	_ =	swait.ge [sflag:s6], $0x800  }
0x81: {  	[sflag:s6] =	ssyncset.done $0x0  }
0x82: {  	[sflag:s6] =	ssyncadd.s32 $0xFFFFF800  }
0x83: {  	_ =	swait.ge [sflag:s6], $0x800  }
0x84: {  	[sflag:s6] =	ssyncset.done $0x0  }
0x85: {  	[sflag:s6] =	ssyncadd.s32 $0xFFFFF800  }
0x86: {  	_ =	swait.ge [sflag:s6], $0x800  }
0x87: {  	[sflag:s6] =	ssyncset.done $0x0  }
0x88: {  	[sflag:s6] =	ssyncadd.s32 $0xFFFFF800  }
0x89: {  	_ =	swait.ge [sflag:s6], $0x800  }
0x8a: {  	[sflag:s6] =	ssyncset.done $0x0  }
0x8b: {  	[sflag:s6] =	ssyncadd.s32 $0xFFFFF800  }
0x8c: {  	_ =	swait.ge [sflag:s6], $0x800  }
0x8d: {  	[sflag:s6] =	ssyncset.done $0x0  }
0x8e: {  	[sflag:s6] =	ssyncadd.s32 $0xFFFFF800  }
0x8f: {  	_ =	swait.ge [sflag:s6], $0x800  }
0x90: {  	[sflag:s6] =	ssyncset.done $0x0  }
0x91: {  	[sflag:s6] =	ssyncadd.s32 $0xFFFFF800  }
0x92: {  	_ =	swait.ge [sflag:s6], $0x800  }
0x93: {  	[sflag:s6] =	ssyncset.done $0x0  }
0x94: {  	[sflag:s6] =	ssyncadd.s32 $0xFFFFF800  }
0x95: {  	_ =	swait.ge [sflag:s6], $0x800  }
0x96: {  	[sflag:s6] =	ssyncset.done $0x0  }
0x97: {  	[sflag:s6] =	ssyncadd.s32 $0xFFFFF800  }
0x98: {  	_ =	swait.ge [sflag:s6], $0x800  }
0x99: {  	[sflag:s6] =	ssyncset.done $0x0  }
0x9a: {  	[sflag:s6] =	ssyncadd.s32 $0xFFFFF800  }
0x9b: {  	_ =	swait.ge [sflag:s6], $0x800  }
0x9c: {  	[sflag:s6] =	ssyncset.done $0x0  }
0x9d: {  	[sflag:s6] =	ssyncadd.s32 $0xFFFFF800  }
0x9e: {  	_ =	swait.ge [sflag:s6], $0x400  }
0x9f: {  	[sflag:s6] =	ssyncset.done $0x0  }
0xa0: {  	s28 =	simm.s32 $0x6590;
	[sflag:s6] =	ssyncadd.s32 $0xFFFFFC00  }
0xa1: {  	v1 =	vld [tilespmem:s28+$0x170]  }
0xa2: {  	v7 =	vld [tilespmem:s28+$0x110]  }
0xa3: {  	v9 =	vld [tilespmem:s28+$0x120]  }
0xa4: {  	v6 =	vld [tilespmem:s28+$0x130]  }
0xa5: {  	v8 =	vld [tilespmem:s28+$0x140]  }
0xa6: {  	v2 =	vld [tilespmem:s28+$0x150]  }
0xa7: {  	v3 =	vld [tilespmem:s28+$0xF0]  }
0xa8: {  	v13 =	vld [tilespmem:s28+$0x90]  }
0xa9: {  	v15 =	vld [tilespmem:s28+$0xA0]  }
0xaa: {  	v12 =	vld [tilespmem:s28+$0xB0]  }
0xab: {  	v14 =	vld [tilespmem:s28+$0xC0]  }
0xac: {  	v4 =	vld [tilespmem:s28+$0xD0]  }
0xad: {  	v5 =	vld [tilespmem:s28+$0x70]  }
0xae: {  	v24 =	vld [tilespmem:s28+$0x10]  }
0xaf: {  	v26 =	vld [tilespmem:s28+$0x20]  }
0xb0: {  	v27 =	vld [tilespmem:s28+$0x30]  }
0xb1: {  	v28 =	vld [tilespmem:s28+$0x40]  }
0xb2: {  	v10 =	vld [tilespmem:s28+$0x50]  }
0xb3: {  	v11 =	vld [tilespmem:s28+$0xFFFFFFF0]  }
0xb4: {  	v22 =	vld [tilespmem:s28+$0xFFFFFF90]  }
0xb5: {  	v23 =	vld [tilespmem:s28+$0xFFFFFFA0]  }
0xb6: {  	v25 =	vld [tilespmem:s28+$0xFFFFFFB0]  }
0xb7: {  	v29 =	vld [tilespmem:s28+$0xFFFFFFC0]  }
0xb8: {  	v19 =	vld [tilespmem:s28+$0xFFFFFE90]  }
0xb9: {  	v20 =	vld [tilespmem:s28+$0xFFFFFF10]  }
0xba: {  	v21 =	vld [tilespmem:s28+$0xFFFFFEA0]  }
0xbb: {  	v30 =	vld [tilespmem:s28+$0xFFFFFF20]  }
0xbc: {  	v31 =	vld [tilespmem:s28+$0xFFFFFEB0]  }
0xbd: {  	v32 =	vld [tilespmem:s28+$0xFFFFFF30]  }
0xbe: {  	v33 =	vld [tilespmem:s28+$0xFFFFFEC0]  }
0xbf: {  	v34 =	vld [tilespmem:s28+$0xFFFFFF40]  }
0xc0: {  	v16 =	vld [tilespmem:s28+$0xFFFFFFD0]  }
0xc1: {  	v17 =	vld [tilespmem:s28+$0xFFFFFF70]  }
0xc2: {  	v18 =	vld [tilespmem:s28+$0xFFFFFED0]  }
0xc3: {  	v35 =	vadd.f32 v20, v19;
	v30 =	vadd.f32 v30, v21;
	v19 =	vld [tilespmem:s28+$0xFFFFFF50]  }
0xc4: {  	v20 =	vld [tilespmem:s28+$0xFFFFFEE0];
	v31 =	vadd.f32 v32, v31;
	v62 =	vadd.f32 v34, v33  }
0xc5: {  	v21 =	vld [tilespmem:s28+$0xFFFFFEF0];
	v63 =	vadd.f32 v22, v35;
	v30 =	vadd.f32 v23, v30  }
0xc6: {  	v22 =	vld [tilespmem:s28+$0xFFFFFE70];
	v31 =	vadd.f32 v25, v31;
	v29 =	vadd.f32 v29, v62  }
0xc7: {  	s1 =	sshll.u32 s31, $0x1;
	v23 =	vld [tilespmem:s28+$0xFFFFFE80];
	v25 =	vadd.f32 v24, v63;
	v26 =	vadd.f32 v26, v30  }
0xc8: {  	s7 =	simm.s32 $0x1;
	s30 =	sadd.s32 $0x2, s1;
	s1 =	simm.s32 $0x0;
	v24 =	vld [tilespmem:s28+$0xFFFFFF00];
	v27 =	vadd.f32 v27, v31;
	v28 =	vadd.f32 v28, v29  }
.LBB2_11:
0xc9: {  	p1 =	sne.s32 s7, $0x1F;
	v29 =	vld [tilespmem:s28+$0xFFFFFF60];
	v13 =	vadd.f32 v13, v25;
	v15 =	vadd.f32 v15, v26  }
0xca: {  	v25 =	vld [tilespmem:s28+$0xFFFFFF80];
	v12 =	vadd.f32 v12, v27;
	v14 =	vadd.f32 v14, v28  }
0xcb: {  	v26 =	vld [tilespmem:s28+$0xFFFFFFE0];
	v7 =	vadd.f32 v7, v13;
	v9 =	vadd.f32 v9, v15  }
0xcc: {  	v13 =	vld [tilespmem:s28+$0x0];
	v6 =	vadd.f32 v6, v12;
	v8 =	vadd.f32 v8, v14  }
0xcd: {  	v12 =	vadd.f32 v21, v22;
	v14 =	vadd.f32 v24, v23;
	v15 =	vld [tilespmem:s28+$0x60]  }
0xce: {  	v18 =	vadd.f32 v19, v18;
	v19 =	vadd.f32 v29, v20;
	v20 =	vld [tilespmem:s28+$0x80]  }
0xcf: {  	v12 =	vadd.f32 v17, v12;
	v14 =	vadd.f32 v25, v14;
	v17 =	vld [tilespmem:s28+$0xE0]  }
0xd0: {  	v16 =	vadd.f32 v16, v18;
	v18 =	vadd.f32 v26, v19;
	v19 =	vld [tilespmem:s28+$0x100]  }
0xd1: {  	v11 =	vadd.f32 v11, v12;
	v12 =	vadd.f32 v13, v14;
	v13 =	vld [tilespmem:s28+$0x160]  }
0xd2: {  	v10 =	vadd.f32 v10, v16;
	v14 =	vadd.f32 v15, v18;
	v15 =	vld [tilespmem:s28+$0x180]  }
0xd3: {  	v5 =	vadd.f32 v5, v11;
	v11 =	vadd.f32 v20, v12  }
0xd4: {  	v4 =	vadd.f32 v4, v10;
	v10 =	vadd.f32 v17, v14  }
0xd5: {  	v3 =	vadd.f32 v3, v5;
	v5 =	vadd.f32 v19, v11  }
0xd6: {  	v2 =	vadd.f32 v2, v4;
	v4 =	vadd.f32 v13, v10  }
0xd7: {  	v1 =	vadd.f32 v1, v3;
	v3 =	vadd.f32 v15, v5  }
0xd8: {  	v6 =	vadd.f32 v8, v6;
	v5 =	vadd.f32 v9, v7  }
0xd9: {  	v2 =	vadd.f32 v4, v2;
	v1 =	vadd.f32 v3, v1  }
0xda: {  	v3 =	vor.u32 s1, v0;
	s1 =	smov.u32 s7  }
0xdb: {  	v2 =	vadd.f32 v2, v6;
	v1 =	vadd.f32 v1, v5;
	_ =	sdelay $0x1  }
0xdc: {  	v1 =	vadd.f32 v1, v2;
	_ =	sdelay $0x1  }
0xdd: {  	s28 =	sadd.s32 $0x320, s28;
	[tilespmem:v3+s22+$0x0] =	vst.idx.msk $0xffff, v1  }
0xde: {  	v1 =	vld [tilespmem:s28+$0x170]  }
0xdf: {  	v7 =	vld [tilespmem:s28+$0x110]  }
0xe0: {  	v9 =	vld [tilespmem:s28+$0x120]  }
0xe1: {  	v6 =	vld [tilespmem:s28+$0x130]  }
0xe2: {  	v8 =	vld [tilespmem:s28+$0x140]  }
0xe3: {  	v2 =	vld [tilespmem:s28+$0x150]  }
0xe4: {  	v3 =	vld [tilespmem:s28+$0xF0]  }
0xe5: {  	v13 =	vld [tilespmem:s28+$0x90]  }
0xe6: {  	v15 =	vld [tilespmem:s28+$0xA0]  }
0xe7: {  	v12 =	vld [tilespmem:s28+$0xB0]  }
0xe8: {  	v14 =	vld [tilespmem:s28+$0xC0]  }
0xe9: {  	v4 =	vld [tilespmem:s28+$0xD0]  }
0xea: {  	v5 =	vld [tilespmem:s28+$0x70]  }
0xeb: {  	v24 =	vld [tilespmem:s28+$0x10]  }
0xec: {  	v26 =	vld [tilespmem:s28+$0x20]  }
0xed: {  	v27 =	vld [tilespmem:s28+$0x30]  }
0xee: {  	v28 =	vld [tilespmem:s28+$0x40]  }
0xef: {  	v10 =	vld [tilespmem:s28+$0x50]  }
0xf0: {  	v11 =	vld [tilespmem:s28+$0xFFFFFFF0]  }
0xf1: {  	v22 =	vld [tilespmem:s28+$0xFFFFFF90]  }
0xf2: {  	v23 =	vld [tilespmem:s28+$0xFFFFFFA0]  }
0xf3: {  	v25 =	vld [tilespmem:s28+$0xFFFFFFB0]  }
0xf4: {  	v29 =	vld [tilespmem:s28+$0xFFFFFFC0]  }
0xf5: {  	v19 =	vld [tilespmem:s28+$0xFFFFFE90]  }
0xf6: {  	v20 =	vld [tilespmem:s28+$0xFFFFFF10]  }
0xf7: {  	v21 =	vld [tilespmem:s28+$0xFFFFFEA0]  }
0xf8: {  	v30 =	vld [tilespmem:s28+$0xFFFFFF20]  }
0xf9: {  	v31 =	vld [tilespmem:s28+$0xFFFFFEB0]  }
0xfa: {  	v32 =	vld [tilespmem:s28+$0xFFFFFF30]  }
0xfb: {  	v33 =	vld [tilespmem:s28+$0xFFFFFEC0]  }
0xfc: {  	v34 =	vld [tilespmem:s28+$0xFFFFFF40]  }
0xfd: {  	v16 =	vld [tilespmem:s28+$0xFFFFFFD0]  }
0xfe: {  	v17 =	vld [tilespmem:s28+$0xFFFFFF70]  }
0xff: {  	v18 =	vld [tilespmem:s28+$0xFFFFFED0]  }
0x100: {  	v35 =	vadd.f32 v20, v19;
	v30 =	vadd.f32 v30, v21;
	v19 =	vld [tilespmem:s28+$0xFFFFFF50]  }
.Ltmp4:
0x101: {  	v31 =	vadd.f32 v32, v31;
	v20 =	vld [tilespmem:s28+$0xFFFFFEE0];
	v32 =	vadd.f32 v34, v33;
	(pc) =	sbr.rel @p1 .LBB2_11-.Ltmp4, $4  }
0x102: {  	v30 =	vadd.f32 v23, v30;
	v33 =	vadd.f32 v22, v35;
	v21 =	vld [tilespmem:s28+$0xFFFFFEF0]  }
0x103: {  	v31 =	vadd.f32 v25, v31;
	v22 =	vld [tilespmem:s28+$0xFFFFFE70];
	v29 =	vadd.f32 v29, v32  }
0x104: {  	v26 =	vadd.f32 v26, v30;
	v25 =	vadd.f32 v24, v33;
	v23 =	vld [tilespmem:s28+$0xFFFFFE80]  }
0x105: {  	s7 =	sadd.s32 $0x1, s7;
	v27 =	vadd.f32 v27, v31;
	v24 =	vld [tilespmem:s28+$0xFFFFFF00];
	v28 =	vadd.f32 v28, v29  }
0x106: {  	v29 =	vld [tilespmem:s28+$0xFFFFFF60];
	v13 =	vadd.f32 v13, v25;
	v15 =	vadd.f32 v15, v26  }
0x107: {  	v44 =	vld [tilespmem:s28+$0xFFFFFF80];
	v18 =	vadd.f32 v19, v18;
	v12 =	vadd.f32 v12, v27  }
0x108: {  	v45 =	vld [tilespmem:s28+$0xFFFFFFE0];
	v14 =	vadd.f32 v14, v28;
	v7 =	vadd.f32 v7, v13  }
0x109: {  	v46 =	vld [tilespmem:s28+$0x0];
	v9 =	vadd.f32 v9, v15;
	v47 =	vadd.f32 v21, v22  }
0x10a: {  	v49 =	vld [tilespmem:s28+$0x60];
	v6 =	vadd.f32 v6, v12;
	v48 =	vadd.f32 v24, v23  }
0x10b: {  	v51 =	vld [tilespmem:s28+$0x80];
	v8 =	vadd.f32 v8, v14;
	v12 =	vadd.f32 v17, v47  }
0x10c: {  	v52 =	vld [tilespmem:s28+$0xE0];
	v50 =	vadd.f32 v29, v20;
	v14 =	vadd.f32 v44, v48  }
0x10d: {  	v54 =	vld [tilespmem:s28+$0x100];
	v16 =	vadd.f32 v16, v18;
	v11 =	vadd.f32 v11, v12  }
0x10e: {  	v56 =	vld [tilespmem:s28+$0x160];
	v53 =	vadd.f32 v45, v50;
	v55 =	vadd.f32 v46, v14  }
0x10f: {  	v58 =	vld [tilespmem:s28+$0x180];
	v10 =	vadd.f32 v10, v16;
	v5 =	vadd.f32 v5, v11  }
0x110: {  	v57 =	vadd.f32 v49, v53;
	v59 =	vadd.f32 v51, v55  }
0x111: {  	v4 =	vadd.f32 v4, v10;
	v3 =	vadd.f32 v3, v5  }
0x112: {  	v60 =	vadd.f32 v52, v57;
	v61 =	vadd.f32 v54, v59  }
0x113: {  	v2 =	vadd.f32 v2, v4;
	v1 =	vadd.f32 v1, v3  }
0x114: {  	v62 =	vadd.f32 v56, v60;
	v3 =	vadd.f32 v58, v61  }
0x115: {  	v63 =	vadd.f32 v9, v7;
	v6 =	vadd.f32 v8, v6  }
0x116: {  	v2 =	vadd.f32 v62, v2;
	v1 =	vadd.f32 v3, v1  }
0x117: {  	v3 =	vor.u32 s1, v0  }
0x118: {  	v2 =	vadd.f32 v2, v6;
	v1 =	vadd.f32 v1, v63  }
0x119: {  	s1 =	sshll.u32 s31, $0x6  }
0x11a: {  	s7 =	sor.u32 s5, s1;
	v1 =	vadd.f32 v1, v2  }
0x11b: {  	s7 =	sshrl.u32 s7, $0x3  }
0x11c: {  	s7 =	sadd.s32 s4, s7;
	[tilespmem:v3+s22+$0x0] =	vst.idx.msk $0xffff, v1  }
0x11d: {  	[hbm4b:s7+s2] =	stream.linear.scatter [tilespmem:s22], [sflag:$0x3], $0x20, $0x38;
	[tilespmem:$0x12E00] =	vst v63  }
0x11e: {  	_ =	swait.ge [sflag:s23], $0x20  }
0x11f: {  	s28 =	rddreg [dreg:$0x3]  }
0x120: {  	s7 =	sor.u32 s28, s1  }
0x121: {  	[sflag:s23] =	ssyncset.done $0x0;
	s7 =	sshrl.u32 s7, $0x3  }
0x122: {  	[sflag:s23] =	ssyncadd.s32 $0xFFFFFFE0;
	s28 =	simm.s32 $0x12C20;
	s7 =	sadd.s32 s4, s7  }
0x123: {  	[hbm4b:s7+s2] =	stream.linear.scatter [tilespmem:s28], [sflag:$0x3], $0x20, $0x38;
	[tilespmem:$0x12E00] =	vst v63  }
0x124: {  	s28 =	sor.u32 s8, s1;
	_ =	swait.ge [sflag:s23], $0x20  }
0x125: {  	s7 =	sshrl.u32 s28, $0x3;
	[sflag:s23] =	ssyncset.done $0x0  }
0x126: {  	s28 =	simm.s32 $0x12C40;
	s7 =	sadd.s32 s4, s7;
	[sflag:s23] =	ssyncadd.s32 $0xFFFFFFE0  }
0x127: {  	[hbm4b:s7+s2] =	stream.linear.scatter [tilespmem:s28], [sflag:$0x3], $0x20, $0x38;
	[tilespmem:$0x12E00] =	vst v63  }
0x128: {  	s28 =	sor.u32 s9, s1;
	_ =	swait.ge [sflag:s23], $0x20  }
0x129: {  	s7 =	sshrl.u32 s28, $0x3;
	[sflag:s23] =	ssyncset.done $0x0  }
0x12a: {  	s28 =	simm.s32 $0x12C60;
	s7 =	sadd.s32 s4, s7;
	[sflag:s23] =	ssyncadd.s32 $0xFFFFFFE0  }
0x12b: {  	[hbm4b:s7+s2] =	stream.linear.scatter [tilespmem:s28], [sflag:$0x3], $0x20, $0x38;
	[tilespmem:$0x12E00] =	vst v63  }
0x12c: {  	s28 =	sor.u32 s10, s1;
	_ =	swait.ge [sflag:s23], $0x20  }
0x12d: {  	s7 =	sshrl.u32 s28, $0x3;
	[sflag:s23] =	ssyncset.done $0x0  }
0x12e: {  	s28 =	simm.s32 $0x12C80;
	s7 =	sadd.s32 s4, s7;
	[sflag:s23] =	ssyncadd.s32 $0xFFFFFFE0  }
0x12f: {  	[hbm4b:s7+s2] =	stream.linear.scatter [tilespmem:s28], [sflag:$0x3], $0x20, $0x38;
	[tilespmem:$0x12E00] =	vst v63  }
0x130: {  	s28 =	sor.u32 s11, s1;
	_ =	swait.ge [sflag:s23], $0x20  }
0x131: {  	s7 =	sshrl.u32 s28, $0x3;
	[sflag:s23] =	ssyncset.done $0x0  }
0x132: {  	s28 =	simm.s32 $0x12CA0;
	s7 =	sadd.s32 s4, s7;
	[sflag:s23] =	ssyncadd.s32 $0xFFFFFFE0  }
0x133: {  	[hbm4b:s7+s2] =	stream.linear.scatter [tilespmem:s28], [sflag:$0x3], $0x20, $0x38;
	[tilespmem:$0x12E00] =	vst v63  }
0x134: {  	s28 =	sor.u32 s12, s1;
	_ =	swait.ge [sflag:s23], $0x20  }
0x135: {  	s7 =	sshrl.u32 s28, $0x3;
	[sflag:s23] =	ssyncset.done $0x0  }
0x136: {  	s28 =	simm.s32 $0x12CC0;
	s7 =	sadd.s32 s4, s7;
	[sflag:s23] =	ssyncadd.s32 $0xFFFFFFE0  }
0x137: {  	[hbm4b:s7+s2] =	stream.linear.scatter [tilespmem:s28], [sflag:$0x3], $0x20, $0x38;
	[tilespmem:$0x12E00] =	vst v63  }
0x138: {  	s28 =	sor.u32 s13, s1;
	_ =	swait.ge [sflag:s23], $0x20  }
0x139: {  	s7 =	sshrl.u32 s28, $0x3;
	[sflag:s23] =	ssyncset.done $0x0  }
0x13a: {  	s28 =	simm.s32 $0x12CE0;
	s7 =	sadd.s32 s4, s7;
	[sflag:s23] =	ssyncadd.s32 $0xFFFFFFE0  }
0x13b: {  	[hbm4b:s7+s2] =	stream.linear.scatter [tilespmem:s28], [sflag:$0x3], $0x20, $0x38;
	[tilespmem:$0x12E00] =	vst v63  }
0x13c: {  	s28 =	sor.u32 s14, s1;
	_ =	swait.ge [sflag:s23], $0x20  }
0x13d: {  	s7 =	sshrl.u32 s28, $0x3;
	[sflag:s23] =	ssyncset.done $0x0  }
0x13e: {  	s28 =	simm.s32 $0x12D00;
	s7 =	sadd.s32 s4, s7;
	[sflag:s23] =	ssyncadd.s32 $0xFFFFFFE0  }
0x13f: {  	[hbm4b:s7+s2] =	stream.linear.scatter [tilespmem:s28], [sflag:$0x3], $0x20, $0x38;
	[tilespmem:$0x12E00] =	vst v63  }
0x140: {  	s28 =	sor.u32 s15, s1;
	_ =	swait.ge [sflag:s23], $0x20  }
0x141: {  	s7 =	sshrl.u32 s28, $0x3;
	[sflag:s23] =	ssyncset.done $0x0  }
0x142: {  	s28 =	simm.s32 $0x12D20;
	s7 =	sadd.s32 s4, s7;
	[sflag:s23] =	ssyncadd.s32 $0xFFFFFFE0  }
0x143: {  	[hbm4b:s7+s2] =	stream.linear.scatter [tilespmem:s28], [sflag:$0x3], $0x20, $0x38;
	[tilespmem:$0x12E00] =	vst v63  }
0x144: {  	s28 =	sor.u32 s16, s1;
	_ =	swait.ge [sflag:s23], $0x20  }
0x145: {  	s7 =	sshrl.u32 s28, $0x3;
	[sflag:s23] =	ssyncset.done $0x0  }
0x146: {  	s28 =	simm.s32 $0x12D40;
	s7 =	sadd.s32 s4, s7;
	[sflag:s23] =	ssyncadd.s32 $0xFFFFFFE0  }
0x147: {  	[hbm4b:s7+s2] =	stream.linear.scatter [tilespmem:s28], [sflag:$0x3], $0x20, $0x38;
	[tilespmem:$0x12E00] =	vst v63  }
0x148: {  	s28 =	sor.u32 s17, s1;
	_ =	swait.ge [sflag:s23], $0x20  }
0x149: {  	s7 =	sshrl.u32 s28, $0x3;
	[sflag:s23] =	ssyncset.done $0x0  }
0x14a: {  	s28 =	simm.s32 $0x12D60;
	s7 =	sadd.s32 s4, s7;
	[sflag:s23] =	ssyncadd.s32 $0xFFFFFFE0  }
0x14b: {  	[hbm4b:s7+s2] =	stream.linear.scatter [tilespmem:s28], [sflag:$0x3], $0x20, $0x38;
	[tilespmem:$0x12E00] =	vst v63  }
0x14c: {  	s28 =	sor.u32 s18, s1;
	_ =	swait.ge [sflag:s23], $0x20  }
0x14d: {  	s7 =	sshrl.u32 s28, $0x3;
	[sflag:s23] =	ssyncset.done $0x0  }
0x14e: {  	s28 =	simm.s32 $0x12D80;
	s7 =	sadd.s32 s4, s7;
	[sflag:s23] =	ssyncadd.s32 $0xFFFFFFE0  }
0x14f: {  	[hbm4b:s7+s2] =	stream.linear.scatter [tilespmem:s28], [sflag:$0x3], $0x20, $0x38;
	[tilespmem:$0x12E00] =	vst v63  }
0x150: {  	s28 =	sor.u32 s19, s1;
	_ =	swait.ge [sflag:s23], $0x20  }
0x151: {  	s7 =	sshrl.u32 s28, $0x3;
	[sflag:s23] =	ssyncset.done $0x0  }
0x152: {  	s28 =	simm.s32 $0x12DA0;
	s7 =	sadd.s32 s4, s7;
	[sflag:s23] =	ssyncadd.s32 $0xFFFFFFE0  }
0x153: {  	[hbm4b:s7+s2] =	stream.linear.scatter [tilespmem:s28], [sflag:$0x3], $0x20, $0x38;
	[tilespmem:$0x12E00] =	vst v63  }
0x154: {  	s28 =	sor.u32 s20, s1;
	_ =	swait.ge [sflag:s23], $0x20  }
0x155: {  	s1 =	sor.u32 s21, s1;
	s7 =	sshrl.u32 s28, $0x3;
	[sflag:s23] =	ssyncset.done $0x0  }
0x156: {  	s28 =	simm.s32 $0x12DC0;
	s7 =	sadd.s32 s4, s7;
	[sflag:s23] =	ssyncadd.s32 $0xFFFFFFE0  }
0x157: {  	[hbm4b:s7+s2] =	stream.linear.scatter [tilespmem:s28], [sflag:$0x3], $0x20, $0x38;
	[tilespmem:$0x12E00] =	vst v63  }
0x158: {  	s1 =	sshrl.u32 s1, $0x3;
	_ =	swait.ge [sflag:s23], $0x20  }
0x159: {  	s1 =	sadd.s32 s4, s1;
	[sflag:s23] =	ssyncset.done $0x0  }
.Ltmp5:
0x15a: {  	s28 =	simm.s32 $0x12DE0;
	[sflag:s23] =	ssyncadd.s32 $0xFFFFFFE0;
	(pc) =	sbr.rel @p0 .LBB2_16-.Ltmp5, $4  }
0x15b: {  	[hbm4b:s1+s2] =	stream.linear.scatter [tilespmem:s28], [sflag:$0x3], $0x20, $0x38;
	[tilespmem:$0x12E00] =	vst v63  }
0x15c: {  	_ =	swait.ge [sflag:s23], $0x20  }
0x15d: {  	[sflag:s23] =	ssyncset.done $0x0  }
0x15e: {  	[sflag:s23] =	ssyncadd.s32 $0xFFFFFFE0  }
0x15f: {  	s1 =	smul.u32 $0x1900, s30;
	_ =	sdelay $0x1  }
0x160: {  	s7 =	simm.s32 $0x6400;
	s1 =	sshra.s32 s1, $0x2  }
0x161: {  	[tilespmem:s7], [sflag:$0x1] =	stream.indirect.gather [hbm4b:s3+s24], $0x10, s1, s24, $0xb8;
	[tilespmem:$0x12E00] =	vst v63  }
0x162: {  	s28 =	simm.s32 $0x6C00;
	s30 =	sadd.s32 $0x80, s1  }
0x163: {  	[tilespmem:s28], [sflag:$0x1] =	stream.indirect.gather [hbm4b:s3+s24], $0x10, s30, s24, $0xb8;
	[tilespmem:$0x12E00] =	vst v63  }
0x164: {  	s7 =	sadd.s32 $0x100, s1;
	s30 =	simm.s32 $0x7400  }
0x165: {  	[tilespmem:s30], [sflag:$0x1] =	stream.indirect.gather [hbm4b:s3+s24], $0x10, s7, s24, $0xb8;
	[tilespmem:$0x12E00] =	vst v63  }
0x166: {  	s7 =	sadd.s32 $0x180, s1;
	s30 =	simm.s32 $0x7C00  }
0x167: {  	[tilespmem:s30], [sflag:$0x1] =	stream.indirect.gather [hbm4b:s3+s24], $0x10, s7, s24, $0xb8;
	[tilespmem:$0x12E00] =	vst v63  }
0x168: {  	s7 =	sadd.s32 $0x200, s1;
	s30 =	simm.s32 $0x8400  }
0x169: {  	[tilespmem:s30], [sflag:$0x1] =	stream.indirect.gather [hbm4b:s3+s24], $0x10, s7, s24, $0xb8;
	[tilespmem:$0x12E00] =	vst v63  }
0x16a: {  	s7 =	sadd.s32 $0x280, s1;
	s30 =	simm.s32 $0x8C00  }
0x16b: {  	[tilespmem:s30], [sflag:$0x1] =	stream.indirect.gather [hbm4b:s3+s24], $0x10, s7, s24, $0xb8;
	[tilespmem:$0x12E00] =	vst v63  }
0x16c: {  	s7 =	sadd.s32 $0x300, s1;
	s30 =	simm.s32 $0x9400  }
0x16d: {  	[tilespmem:s30], [sflag:$0x1] =	stream.indirect.gather [hbm4b:s3+s24], $0x10, s7, s24, $0xb8;
	[tilespmem:$0x12E00] =	vst v63  }
0x16e: {  	s7 =	sadd.s32 $0x380, s1;
	s30 =	simm.s32 $0x9C00  }
0x16f: {  	[tilespmem:s30], [sflag:$0x1] =	stream.indirect.gather [hbm4b:s3+s24], $0x10, s7, s24, $0xb8;
	[tilespmem:$0x12E00] =	vst v63  }
0x170: {  	s7 =	sadd.s32 $0x400, s1;
	s30 =	simm.s32 $0xA400  }
0x171: {  	[tilespmem:s30], [sflag:$0x1] =	stream.indirect.gather [hbm4b:s3+s24], $0x10, s7, s24, $0xb8;
	[tilespmem:$0x12E00] =	vst v63  }
0x172: {  	s7 =	sadd.s32 $0x480, s1;
	s30 =	simm.s32 $0xAC00  }
0x173: {  	[tilespmem:s30], [sflag:$0x1] =	stream.indirect.gather [hbm4b:s3+s24], $0x10, s7, s24, $0xb8;
	[tilespmem:$0x12E00] =	vst v63  }
0x174: {  	s7 =	sadd.s32 $0x500, s1;
	s30 =	simm.s32 $0xB400  }
0x175: {  	[tilespmem:s30], [sflag:$0x1] =	stream.indirect.gather [hbm4b:s3+s24], $0x10, s7, s24, $0xb8;
	[tilespmem:$0x12E00] =	vst v63  }
0x176: {  	v1 =	vmov s26;
	s7 =	sadd.s32 $0x580, s1;
	s30 =	simm.s32 $0xBC00  }
0x177: {  	[tilespmem:s30], [sflag:$0x1] =	stream.indirect.gather [hbm4b:s3+s24], $0x10, s7, s24, $0xb8;
	[tilespmem:$0x12E00] =	vst v63  }
0x178: {  	s1 =	sadd.s32 $0x600, s1;
	s7 =	simm.s32 $0x40;
	s30 =	simm.s32 $0xC400  }
0x179: {  	[tilespmem:s30], [sflag:$0x1] =	stream.indirect.gather [hbm4b:s3+s7], $0x10, s1, s7, $0xb8;
	[tilespmem:$0x12E00] =	vst v63  }
0x17a: {  	s1 =	simm.s32 $0x0;
	s7 =	simm.s32 $0x40  }
.LBB2_14:
0x17b: {  	p0 =	sne.s32 s7, $0x18C0;
	v2 =	vld.idx.msk [tilespmem:v1+s1+$0x0 ss:$0x1], $0xffff;
	_ =	sdelay $0x5  }
.Ltmp6:
0x17c: {  	v3 =	vshll.u32 v2, $0x3;
	(pc) =	sbr.rel @p0 .LBB2_14-.Ltmp6, $4  }
0x17d: {  	v4 =	vand.u32 $0xFFFFFC00, v2;
	v2 =	vshrl.u32 v2, $0x7;
	v3 =	vand.u32 $0x3F8, v3  }
0x17e: {  	v2 =	vand.u32 $0x7, v2;
	v3 =	vor.u32 v4, v3  }
0x17f: {  	v2 =	vor.u32 v2, v3  }
0x180: {  	[tilespmem:v1+s1+$0x0 ss:$0x1] =	vst.idx.msk $0xffff, v2;
	s1 =	sshra.s32 s7, $0x2;
	s7 =	sadd.s32 $0x40, s7  }
0x181: {  	_ =	sdelay $0x3  }
0x182: {  	v2 =	vld.idx.msk [tilespmem:v1+s1+$0x0 ss:$0x1], $0xffff;
	_ =	sdelay $0x4  }
0x183: {  	v3 =	vshll.u32 v2, $0x3  }
0x184: {  	v4 =	vand.u32 $0xFFFFFC00, v2;
	v2 =	vshrl.u32 v2, $0x7;
	v3 =	vand.u32 $0x3F8, v3  }
0x185: {  	v2 =	vand.u32 $0x7, v2;
	v3 =	vor.u32 v4, v3  }
0x186: {  	v2 =	vor.u32 v2, v3  }
0x187: {  	[tilespmem:v1+s1+$0x0 ss:$0x1] =	vst.idx.msk $0xffff, v2  }
.LBB2_16:
0x188: {  	_ =	swait.ge [sflag:s29], $0x800  }
0x189: {  	[sflag:s29] =	ssyncset.done $0x0  }
0x18a: {  	[sflag:s29] =	ssyncadd.s32 $0xFFFFF800  }
0x18b: {  	_ =	swait.ge [sflag:s29], $0x800  }
0x18c: {  	[sflag:s29] =	ssyncset.done $0x0  }
0x18d: {  	[sflag:s29] =	ssyncadd.s32 $0xFFFFF800  }
0x18e: {  	_ =	swait.ge [sflag:s29], $0x800  }
0x18f: {  	[sflag:s29] =	ssyncset.done $0x0  }
0x190: {  	[sflag:s29] =	ssyncadd.s32 $0xFFFFF800  }
0x191: {  	_ =	swait.ge [sflag:s29], $0x800  }
0x192: {  	[sflag:s29] =	ssyncset.done $0x0  }
0x193: {  	[sflag:s29] =	ssyncadd.s32 $0xFFFFF800  }
0x194: {  	_ =	swait.ge [sflag:s29], $0x800  }
0x195: {  	[sflag:s29] =	ssyncset.done $0x0  }
0x196: {  	[sflag:s29] =	ssyncadd.s32 $0xFFFFF800  }
0x197: {  	_ =	swait.ge [sflag:s29], $0x800  }
0x198: {  	[sflag:s29] =	ssyncset.done $0x0  }
0x199: {  	[sflag:s29] =	ssyncadd.s32 $0xFFFFF800  }
0x19a: {  	_ =	swait.ge [sflag:s29], $0x800  }
0x19b: {  	[sflag:s29] =	ssyncset.done $0x0  }
0x19c: {  	[sflag:s29] =	ssyncadd.s32 $0xFFFFF800  }
0x19d: {  	_ =	swait.ge [sflag:s29], $0x800  }
0x19e: {  	[sflag:s29] =	ssyncset.done $0x0  }
0x19f: {  	[sflag:s29] =	ssyncadd.s32 $0xFFFFF800  }
0x1a0: {  	_ =	swait.ge [sflag:s29], $0x800  }
0x1a1: {  	[sflag:s29] =	ssyncset.done $0x0  }
0x1a2: {  	[sflag:s29] =	ssyncadd.s32 $0xFFFFF800  }
0x1a3: {  	_ =	swait.ge [sflag:s29], $0x800  }
0x1a4: {  	[sflag:s29] =	ssyncset.done $0x0  }
0x1a5: {  	[sflag:s29] =	ssyncadd.s32 $0xFFFFF800  }
0x1a6: {  	_ =	swait.ge [sflag:s29], $0x800  }
0x1a7: {  	[sflag:s29] =	ssyncset.done $0x0  }
0x1a8: {  	[sflag:s29] =	ssyncadd.s32 $0xFFFFF800  }
0x1a9: {  	_ =	swait.ge [sflag:s29], $0x800  }
0x1aa: {  	[sflag:s29] =	ssyncset.done $0x0  }
0x1ab: {  	[sflag:s29] =	ssyncadd.s32 $0xFFFFF800  }
0x1ac: {  	_ =	swait.ge [sflag:s29], $0x400  }
0x1ad: {  	[sflag:s29] =	ssyncset.done $0x0  }
0x1ae: {  	s28 =	simm.s32 $0xC990;
	[sflag:s29] =	ssyncadd.s32 $0xFFFFFC00  }
0x1af: {  	v1 =	vld [tilespmem:s28+$0x170]  }
0x1b0: {  	v7 =	vld [tilespmem:s28+$0x110]  }
0x1b1: {  	v10 =	vld [tilespmem:s28+$0x120]  }
0x1b2: {  	v6 =	vld [tilespmem:s28+$0x130]  }
0x1b3: {  	v8 =	vld [tilespmem:s28+$0x140]  }
0x1b4: {  	v2 =	vld [tilespmem:s28+$0x150]  }
0x1b5: {  	v3 =	vld [tilespmem:s28+$0xF0]  }
0x1b6: {  	v13 =	vld [tilespmem:s28+$0x90]  }
0x1b7: {  	v15 =	vld [tilespmem:s28+$0xA0]  }
0x1b8: {  	v12 =	vld [tilespmem:s28+$0xB0]  }
0x1b9: {  	v14 =	vld [tilespmem:s28+$0xC0]  }
0x1ba: {  	v4 =	vld [tilespmem:s28+$0xD0]  }
0x1bb: {  	v5 =	vld [tilespmem:s28+$0x70]  }
0x1bc: {  	v24 =	vld [tilespmem:s28+$0x10]  }
0x1bd: {  	v26 =	vld [tilespmem:s28+$0x20]  }
0x1be: {  	v27 =	vld [tilespmem:s28+$0x30]  }
0x1bf: {  	v28 =	vld [tilespmem:s28+$0x40]  }
0x1c0: {  	v9 =	vld [tilespmem:s28+$0x50]  }
0x1c1: {  	v11 =	vld [tilespmem:s28+$0xFFFFFFF0]  }
0x1c2: {  	v22 =	vld [tilespmem:s28+$0xFFFFFF90]  }
0x1c3: {  	v23 =	vld [tilespmem:s28+$0xFFFFFFA0]  }
0x1c4: {  	v25 =	vld [tilespmem:s28+$0xFFFFFFB0]  }
0x1c5: {  	v29 =	vld [tilespmem:s28+$0xFFFFFFC0]  }
0x1c6: {  	v19 =	vld [tilespmem:s28+$0xFFFFFE90]  }
0x1c7: {  	v20 =	vld [tilespmem:s28+$0xFFFFFF10]  }
0x1c8: {  	v21 =	vld [tilespmem:s28+$0xFFFFFEA0]  }
0x1c9: {  	v30 =	vld [tilespmem:s28+$0xFFFFFF20]  }
0x1ca: {  	v31 =	vld [tilespmem:s28+$0xFFFFFEB0]  }
0x1cb: {  	v32 =	vld [tilespmem:s28+$0xFFFFFF30]  }
0x1cc: {  	v33 =	vld [tilespmem:s28+$0xFFFFFEC0]  }
0x1cd: {  	v34 =	vld [tilespmem:s28+$0xFFFFFF40]  }
0x1ce: {  	v16 =	vld [tilespmem:s28+$0xFFFFFFD0]  }
0x1cf: {  	v17 =	vld [tilespmem:s28+$0xFFFFFF70]  }
0x1d0: {  	v18 =	vld [tilespmem:s28+$0xFFFFFED0]  }
0x1d1: {  	v35 =	vadd.f32 v20, v19;
	v30 =	vadd.f32 v30, v21;
	v19 =	vld [tilespmem:s28+$0xFFFFFF50]  }
0x1d2: {  	v20 =	vld [tilespmem:s28+$0xFFFFFEE0];
	v31 =	vadd.f32 v32, v31;
	v62 =	vadd.f32 v34, v33  }
0x1d3: {  	v21 =	vld [tilespmem:s28+$0xFFFFFEF0];
	v63 =	vadd.f32 v22, v35;
	v30 =	vadd.f32 v23, v30  }
0x1d4: {  	v22 =	vld [tilespmem:s28+$0xFFFFFE70];
	v31 =	vadd.f32 v25, v31;
	v29 =	vadd.f32 v29, v62  }
0x1d5: {  	v23 =	vld [tilespmem:s28+$0xFFFFFE80];
	v25 =	vadd.f32 v24, v63;
	v26 =	vadd.f32 v26, v30  }
0x1d6: {  	s1 =	simm.s32 $0x0;
	s7 =	simm.s32 $0x1;
	v24 =	vld [tilespmem:s28+$0xFFFFFF00];
	v27 =	vadd.f32 v27, v31;
	v28 =	vadd.f32 v28, v29  }
.LBB2_17:
0x1d7: {  	p0 =	sne.s32 s7, $0x1F;
	v29 =	vld [tilespmem:s28+$0xFFFFFF60];
	v13 =	vadd.f32 v13, v25;
	v15 =	vadd.f32 v15, v26  }
0x1d8: {  	v25 =	vld [tilespmem:s28+$0xFFFFFF80];
	v12 =	vadd.f32 v12, v27;
	v14 =	vadd.f32 v14, v28  }
0x1d9: {  	v26 =	vld [tilespmem:s28+$0xFFFFFFE0];
	v7 =	vadd.f32 v7, v13;
	v10 =	vadd.f32 v10, v15  }
0x1da: {  	v13 =	vld [tilespmem:s28+$0x0];
	v6 =	vadd.f32 v6, v12;
	v8 =	vadd.f32 v8, v14  }
0x1db: {  	v12 =	vadd.f32 v21, v22;
	v14 =	vadd.f32 v24, v23;
	v15 =	vld [tilespmem:s28+$0x60]  }
0x1dc: {  	v18 =	vadd.f32 v19, v18;
	v19 =	vadd.f32 v29, v20;
	v20 =	vld [tilespmem:s28+$0x80]  }
0x1dd: {  	v12 =	vadd.f32 v17, v12;
	v14 =	vadd.f32 v25, v14;
	v17 =	vld [tilespmem:s28+$0xE0]  }
0x1de: {  	v16 =	vadd.f32 v16, v18;
	v18 =	vadd.f32 v26, v19;
	v19 =	vld [tilespmem:s28+$0x100]  }
0x1df: {  	v11 =	vadd.f32 v11, v12;
	v12 =	vadd.f32 v13, v14;
	v13 =	vld [tilespmem:s28+$0x160]  }
0x1e0: {  	v9 =	vadd.f32 v9, v16;
	v14 =	vadd.f32 v15, v18;
	v15 =	vld [tilespmem:s28+$0x180]  }
0x1e1: {  	v5 =	vadd.f32 v5, v11;
	v11 =	vadd.f32 v20, v12  }
0x1e2: {  	v4 =	vadd.f32 v4, v9;
	v9 =	vadd.f32 v17, v14  }
0x1e3: {  	v3 =	vadd.f32 v3, v5;
	v5 =	vadd.f32 v19, v11  }
0x1e4: {  	v2 =	vadd.f32 v2, v4;
	v4 =	vadd.f32 v13, v9  }
0x1e5: {  	v1 =	vadd.f32 v1, v3;
	v3 =	vadd.f32 v15, v5  }
0x1e6: {  	v6 =	vadd.f32 v8, v6;
	v5 =	vadd.f32 v10, v7  }
0x1e7: {  	v2 =	vadd.f32 v4, v2;
	v1 =	vadd.f32 v3, v1  }
0x1e8: {  	v3 =	vor.u32 s1, v0;
	s1 =	smov.u32 s7  }
0x1e9: {  	v2 =	vadd.f32 v2, v6;
	v1 =	vadd.f32 v1, v5;
	_ =	sdelay $0x1  }
0x1ea: {  	v1 =	vadd.f32 v1, v2;
	_ =	sdelay $0x1  }
0x1eb: {  	s28 =	sadd.s32 $0x320, s28;
	[tilespmem:v3+s22+$0x0] =	vst.idx.msk $0xffff, v1  }
0x1ec: {  	v1 =	vld [tilespmem:s28+$0x170]  }
0x1ed: {  	v7 =	vld [tilespmem:s28+$0x110]  }
0x1ee: {  	v10 =	vld [tilespmem:s28+$0x120]  }
0x1ef: {  	v6 =	vld [tilespmem:s28+$0x130]  }
0x1f0: {  	v8 =	vld [tilespmem:s28+$0x140]  }
0x1f1: {  	v2 =	vld [tilespmem:s28+$0x150]  }
0x1f2: {  	v3 =	vld [tilespmem:s28+$0xF0]  }
0x1f3: {  	v13 =	vld [tilespmem:s28+$0x90]  }
0x1f4: {  	v15 =	vld [tilespmem:s28+$0xA0]  }
0x1f5: {  	v12 =	vld [tilespmem:s28+$0xB0]  }
0x1f6: {  	v14 =	vld [tilespmem:s28+$0xC0]  }
0x1f7: {  	v4 =	vld [tilespmem:s28+$0xD0]  }
0x1f8: {  	v5 =	vld [tilespmem:s28+$0x70]  }
0x1f9: {  	v24 =	vld [tilespmem:s28+$0x10]  }
0x1fa: {  	v26 =	vld [tilespmem:s28+$0x20]  }
0x1fb: {  	v27 =	vld [tilespmem:s28+$0x30]  }
0x1fc: {  	v28 =	vld [tilespmem:s28+$0x40]  }
0x1fd: {  	v9 =	vld [tilespmem:s28+$0x50]  }
0x1fe: {  	v11 =	vld [tilespmem:s28+$0xFFFFFFF0]  }
0x1ff: {  	v22 =	vld [tilespmem:s28+$0xFFFFFF90]  }
0x200: {  	v23 =	vld [tilespmem:s28+$0xFFFFFFA0]  }
0x201: {  	v25 =	vld [tilespmem:s28+$0xFFFFFFB0]  }
0x202: {  	v29 =	vld [tilespmem:s28+$0xFFFFFFC0]  }
0x203: {  	v19 =	vld [tilespmem:s28+$0xFFFFFE90]  }
0x204: {  	v20 =	vld [tilespmem:s28+$0xFFFFFF10]  }
0x205: {  	v21 =	vld [tilespmem:s28+$0xFFFFFEA0]  }
0x206: {  	v30 =	vld [tilespmem:s28+$0xFFFFFF20]  }
0x207: {  	v31 =	vld [tilespmem:s28+$0xFFFFFEB0]  }
0x208: {  	v32 =	vld [tilespmem:s28+$0xFFFFFF30]  }
0x209: {  	v33 =	vld [tilespmem:s28+$0xFFFFFEC0]  }
0x20a: {  	v34 =	vld [tilespmem:s28+$0xFFFFFF40]  }
0x20b: {  	v16 =	vld [tilespmem:s28+$0xFFFFFFD0]  }
0x20c: {  	v17 =	vld [tilespmem:s28+$0xFFFFFF70]  }
0x20d: {  	v18 =	vld [tilespmem:s28+$0xFFFFFED0]  }
0x20e: {  	v35 =	vadd.f32 v20, v19;
	v30 =	vadd.f32 v30, v21;
	v19 =	vld [tilespmem:s28+$0xFFFFFF50]  }
.Ltmp7:
0x20f: {  	v31 =	vadd.f32 v32, v31;
	v20 =	vld [tilespmem:s28+$0xFFFFFEE0];
	v32 =	vadd.f32 v34, v33;
	(pc) =	sbr.rel @p0 .LBB2_17-.Ltmp7, $4  }
0x210: {  	v30 =	vadd.f32 v23, v30;
	v33 =	vadd.f32 v22, v35;
	v21 =	vld [tilespmem:s28+$0xFFFFFEF0]  }
0x211: {  	v31 =	vadd.f32 v25, v31;
	v22 =	vld [tilespmem:s28+$0xFFFFFE70];
	v29 =	vadd.f32 v29, v32  }
0x212: {  	v26 =	vadd.f32 v26, v30;
	v25 =	vadd.f32 v24, v33;
	v23 =	vld [tilespmem:s28+$0xFFFFFE80]  }
0x213: {  	s7 =	sadd.s32 $0x1, s7;
	v27 =	vadd.f32 v27, v31;
	v24 =	vld [tilespmem:s28+$0xFFFFFF00];
	v28 =	vadd.f32 v28, v29  }
0x214: {  	v29 =	vld [tilespmem:s28+$0xFFFFFF60];
	v13 =	vadd.f32 v13, v25;
	v15 =	vadd.f32 v15, v26  }
0x215: {  	v45 =	vld [tilespmem:s28+$0xFFFFFF80];
	v18 =	vadd.f32 v19, v18;
	v12 =	vadd.f32 v12, v27  }
0x216: {  	v46 =	vld [tilespmem:s28+$0xFFFFFFE0];
	v14 =	vadd.f32 v14, v28;
	v7 =	vadd.f32 v7, v13  }
0x217: {  	v47 =	vld [tilespmem:s28+$0x0];
	v10 =	vadd.f32 v10, v15;
	v48 =	vadd.f32 v21, v22  }
0x218: {  	v50 =	vld [tilespmem:s28+$0x60];
	v6 =	vadd.f32 v6, v12;
	v49 =	vadd.f32 v24, v23  }
0x219: {  	v52 =	vld [tilespmem:s28+$0x80];
	v8 =	vadd.f32 v8, v14;
	v12 =	vadd.f32 v17, v48  }
0x21a: {  	v53 =	vld [tilespmem:s28+$0xE0];
	v51 =	vadd.f32 v29, v20;
	v14 =	vadd.f32 v45, v49  }
0x21b: {  	v55 =	vld [tilespmem:s28+$0x100];
	v16 =	vadd.f32 v16, v18;
	v11 =	vadd.f32 v11, v12  }
0x21c: {  	v57 =	vld [tilespmem:s28+$0x160];
	v54 =	vadd.f32 v46, v51;
	v56 =	vadd.f32 v47, v14  }
0x21d: {  	v58 =	vld [tilespmem:s28+$0x180];
	v9 =	vadd.f32 v9, v16;
	v5 =	vadd.f32 v5, v11  }
0x21e: {  	v15 =	vadd.f32 v50, v54;
	v59 =	vadd.f32 v52, v56  }
0x21f: {  	v4 =	vadd.f32 v4, v9;
	v3 =	vadd.f32 v3, v5  }
0x220: {  	v60 =	vadd.f32 v53, v15;
	v61 =	vadd.f32 v55, v59  }
0x221: {  	v2 =	vadd.f32 v2, v4;
	v1 =	vadd.f32 v1, v3  }
0x222: {  	v62 =	vadd.f32 v57, v60;
	v3 =	vadd.f32 v58, v61  }
0x223: {  	v63 =	vadd.f32 v10, v7;
	v6 =	vadd.f32 v8, v6  }
0x224: {  	v2 =	vadd.f32 v62, v2;
	v1 =	vadd.f32 v3, v1  }
0x225: {  	v3 =	vor.u32 s1, v0  }
0x226: {  	v2 =	vadd.f32 v2, v6;
	v1 =	vadd.f32 v1, v63  }
0x227: {  	s0 =	sshll.u32 s0, $0x5  }
0x228: {  	s30 =	sor.u32 s5, s0;
	v1 =	vadd.f32 v1, v2  }
0x229: {  	s1 =	sshrl.u32 s30, $0x3  }
0x22a: {  	s1 =	sadd.s32 s4, s1;
	[tilespmem:v3+s22+$0x0] =	vst.idx.msk $0xffff, v1  }
0x22b: {  	[hbm4b:s1+s2] =	stream.linear.scatter [tilespmem:s22], [sflag:$0x3], $0x20, $0x38;
	[tilespmem:$0x12E00] =	vst v63  }
0x22c: {  	_ =	swait.ge [sflag:s23], $0x20  }
0x22d: {  	s7 =	rddreg [dreg:$0x3]  }
0x22e: {  	s1 =	sor.u32 s7, s0  }
0x22f: {  	[sflag:s23] =	ssyncset.done $0x0;
	s1 =	sshrl.u32 s1, $0x3  }
0x230: {  	[sflag:s23] =	ssyncadd.s32 $0xFFFFFFE0;
	s7 =	simm.s32 $0x12C20;
	s1 =	sadd.s32 s4, s1  }
0x231: {  	[hbm4b:s1+s2] =	stream.linear.scatter [tilespmem:s7], [sflag:$0x3], $0x20, $0x38;
	[tilespmem:$0x12E00] =	vst v63  }
0x232: {  	s28 =	sor.u32 s8, s0;
	_ =	swait.ge [sflag:s23], $0x20  }
0x233: {  	s1 =	sshrl.u32 s28, $0x3;
	[sflag:s23] =	ssyncset.done $0x0  }
0x234: {  	s30 =	simm.s32 $0x12C40;
	s1 =	sadd.s32 s4, s1;
	[sflag:s23] =	ssyncadd.s32 $0xFFFFFFE0  }
0x235: {  	[hbm4b:s1+s2] =	stream.linear.scatter [tilespmem:s30], [sflag:$0x3], $0x20, $0x38;
	[tilespmem:$0x12E00] =	vst v63  }
0x236: {  	s28 =	sor.u32 s9, s0;
	_ =	swait.ge [sflag:s23], $0x20  }
0x237: {  	s1 =	sshrl.u32 s28, $0x3;
	[sflag:s23] =	ssyncset.done $0x0  }
0x238: {  	s30 =	simm.s32 $0x12C60;
	s1 =	sadd.s32 s4, s1;
	[sflag:s23] =	ssyncadd.s32 $0xFFFFFFE0  }
0x239: {  	[hbm4b:s1+s2] =	stream.linear.scatter [tilespmem:s30], [sflag:$0x3], $0x20, $0x38;
	[tilespmem:$0x12E00] =	vst v63  }
0x23a: {  	s28 =	sor.u32 s10, s0;
	_ =	swait.ge [sflag:s23], $0x20  }
0x23b: {  	s1 =	sshrl.u32 s28, $0x3;
	[sflag:s23] =	ssyncset.done $0x0  }
0x23c: {  	s30 =	simm.s32 $0x12C80;
	s1 =	sadd.s32 s4, s1;
	[sflag:s23] =	ssyncadd.s32 $0xFFFFFFE0  }
0x23d: {  	[hbm4b:s1+s2] =	stream.linear.scatter [tilespmem:s30], [sflag:$0x3], $0x20, $0x38;
	[tilespmem:$0x12E00] =	vst v63  }
0x23e: {  	s28 =	sor.u32 s11, s0;
	_ =	swait.ge [sflag:s23], $0x20  }
0x23f: {  	s1 =	sshrl.u32 s28, $0x3;
	[sflag:s23] =	ssyncset.done $0x0  }
0x240: {  	s30 =	simm.s32 $0x12CA0;
	s1 =	sadd.s32 s4, s1;
	[sflag:s23] =	ssyncadd.s32 $0xFFFFFFE0  }
0x241: {  	[hbm4b:s1+s2] =	stream.linear.scatter [tilespmem:s30], [sflag:$0x3], $0x20, $0x38;
	[tilespmem:$0x12E00] =	vst v63  }
0x242: {  	s28 =	sor.u32 s12, s0;
	_ =	swait.ge [sflag:s23], $0x20  }
0x243: {  	s1 =	sshrl.u32 s28, $0x3;
	[sflag:s23] =	ssyncset.done $0x0  }
0x244: {  	s30 =	simm.s32 $0x12CC0;
	s1 =	sadd.s32 s4, s1;
	[sflag:s23] =	ssyncadd.s32 $0xFFFFFFE0  }
0x245: {  	[hbm4b:s1+s2] =	stream.linear.scatter [tilespmem:s30], [sflag:$0x3], $0x20, $0x38;
	[tilespmem:$0x12E00] =	vst v63  }
0x246: {  	s28 =	sor.u32 s13, s0;
	_ =	swait.ge [sflag:s23], $0x20  }
0x247: {  	s1 =	sshrl.u32 s28, $0x3;
	[sflag:s23] =	ssyncset.done $0x0  }
0x248: {  	s30 =	simm.s32 $0x12CE0;
	s1 =	sadd.s32 s4, s1;
	[sflag:s23] =	ssyncadd.s32 $0xFFFFFFE0  }
0x249: {  	[hbm4b:s1+s2] =	stream.linear.scatter [tilespmem:s30], [sflag:$0x3], $0x20, $0x38;
	[tilespmem:$0x12E00] =	vst v63  }
0x24a: {  	s28 =	sor.u32 s14, s0;
	_ =	swait.ge [sflag:s23], $0x20  }
0x24b: {  	s1 =	sshrl.u32 s28, $0x3;
	[sflag:s23] =	ssyncset.done $0x0  }
0x24c: {  	s30 =	simm.s32 $0x12D00;
	s1 =	sadd.s32 s4, s1;
	[sflag:s23] =	ssyncadd.s32 $0xFFFFFFE0  }
0x24d: {  	[hbm4b:s1+s2] =	stream.linear.scatter [tilespmem:s30], [sflag:$0x3], $0x20, $0x38;
	[tilespmem:$0x12E00] =	vst v63  }
0x24e: {  	s28 =	sor.u32 s15, s0;
	_ =	swait.ge [sflag:s23], $0x20  }
0x24f: {  	s1 =	sshrl.u32 s28, $0x3;
	[sflag:s23] =	ssyncset.done $0x0  }
0x250: {  	s30 =	simm.s32 $0x12D20;
	s1 =	sadd.s32 s4, s1;
	[sflag:s23] =	ssyncadd.s32 $0xFFFFFFE0  }
0x251: {  	[hbm4b:s1+s2] =	stream.linear.scatter [tilespmem:s30], [sflag:$0x3], $0x20, $0x38;
	[tilespmem:$0x12E00] =	vst v63  }
0x252: {  	s28 =	sor.u32 s16, s0;
	_ =	swait.ge [sflag:s23], $0x20  }
0x253: {  	s1 =	sshrl.u32 s28, $0x3;
	[sflag:s23] =	ssyncset.done $0x0  }
0x254: {  	s30 =	simm.s32 $0x12D40;
	s1 =	sadd.s32 s4, s1;
	[sflag:s23] =	ssyncadd.s32 $0xFFFFFFE0  }
0x255: {  	[hbm4b:s1+s2] =	stream.linear.scatter [tilespmem:s30], [sflag:$0x3], $0x20, $0x38;
	[tilespmem:$0x12E00] =	vst v63  }
0x256: {  	s28 =	sor.u32 s17, s0;
	_ =	swait.ge [sflag:s23], $0x20  }
0x257: {  	s1 =	sshrl.u32 s28, $0x3;
	[sflag:s23] =	ssyncset.done $0x0  }
0x258: {  	s30 =	simm.s32 $0x12D60;
	s1 =	sadd.s32 s4, s1;
	[sflag:s23] =	ssyncadd.s32 $0xFFFFFFE0  }
0x259: {  	[hbm4b:s1+s2] =	stream.linear.scatter [tilespmem:s30], [sflag:$0x3], $0x20, $0x38;
	[tilespmem:$0x12E00] =	vst v63  }
0x25a: {  	s28 =	sor.u32 s18, s0;
	_ =	swait.ge [sflag:s23], $0x20  }
0x25b: {  	s1 =	sshrl.u32 s28, $0x3;
	[sflag:s23] =	ssyncset.done $0x0  }
0x25c: {  	s30 =	simm.s32 $0x12D80;
	s1 =	sadd.s32 s4, s1;
	[sflag:s23] =	ssyncadd.s32 $0xFFFFFFE0  }
0x25d: {  	[hbm4b:s1+s2] =	stream.linear.scatter [tilespmem:s30], [sflag:$0x3], $0x20, $0x38;
	[tilespmem:$0x12E00] =	vst v63  }
0x25e: {  	s28 =	sor.u32 s19, s0;
	_ =	swait.ge [sflag:s23], $0x20  }
0x25f: {  	s1 =	sshrl.u32 s28, $0x3;
	[sflag:s23] =	ssyncset.done $0x0  }
0x260: {  	s30 =	simm.s32 $0x12DA0;
	s1 =	sadd.s32 s4, s1;
	[sflag:s23] =	ssyncadd.s32 $0xFFFFFFE0  }
0x261: {  	[hbm4b:s1+s2] =	stream.linear.scatter [tilespmem:s30], [sflag:$0x3], $0x20, $0x38;
	[tilespmem:$0x12E00] =	vst v63  }
0x262: {  	s7 =	sor.u32 s20, s0;
	_ =	swait.ge [sflag:s23], $0x20  }
0x263: {  	s0 =	sor.u32 s21, s0;
	s1 =	sshrl.u32 s7, $0x3;
	[sflag:s23] =	ssyncset.done $0x0  }
0x264: {  	s28 =	simm.s32 $0x12DC0;
	s1 =	sadd.s32 s4, s1;
	[sflag:s23] =	ssyncadd.s32 $0xFFFFFFE0  }
0x265: {  	[hbm4b:s1+s2] =	stream.linear.scatter [tilespmem:s28], [sflag:$0x3], $0x20, $0x38;
	[tilespmem:$0x12E00] =	vst v63  }
0x266: {  	s31 =	sadd.s32 $0x1, s31;
	s0 =	sshrl.u32 s0, $0x3;
	_ =	swait.ge [sflag:s23], $0x20  }
0x267: {  	p0 =	sne.s32 s31, $0x8;
	s0 =	sadd.s32 s4, s0;
	[sflag:s23] =	ssyncset.done $0x0  }
.Ltmp8:
0x268: {  	s30 =	simm.s32 $0x12DE0;
	[sflag:s23] =	ssyncadd.s32 $0xFFFFFFE0;
	(pc) =	sbr.rel @p0 .LBB2_6-.Ltmp8, $4  }
0x269: {  	[hbm4b:s0+s2] =	stream.linear.scatter [tilespmem:s30], [sflag:$0x3], $0x20, $0x38;
	[tilespmem:$0x12E00] =	vst v63  }
0x26a: {  	_ =	swait.ge [sflag:s23], $0x20  }
0x26b: {  	[sflag:s23] =	ssyncset.done $0x0  }
0x26c: {  	s25 =	sadd.s32 $0xC80, s25;
	s26 =	sadd.s32 $0xC80, s26;
	[sflag:s23] =	ssyncadd.s32 $0xFFFFFFE0  }
0x26d: {  	s1 =	rddreg [dreg:$0x5]  }
0x26e: {  	s0 =	rddreg [dreg:$0x4];
	s1 =	sadd.s32 $0x1, s1  }
0x26f: {  	p0 =	sne.s32 s1, s0  }
.Ltmp9:
0x270: {  	_ = 	snop;
	(pc) =	sbr.rel @p0 .LBB2_1-.Ltmp9, $1  }
0x271: {  	_ =	sdelay $0x3  }
0x272: {  	_ =	sfence.sel $0x180000  }
0x273: {  	[bflag:$0x0] =	sbarrier.arrive $0xFFFF  }
0x274: {  	_ =	strace $0x90000047  }
0x275: {  	s0 =	stileid.u32;
	[bflag:$0x2] =	sbarrier.arrive $0xFFFF  }
0x276: {  	p0 =	sne.s32 s0, $0x0;
	s0 =	rddreg [dreg:$0x1]  }
0x277: {  	s0 =	sadd.s32 @!p0 $0x100000, s0  }
0x278: {  	[sflag:s0] =	ssyncadd.tile.s32 @!p0 $0x1;
	_ =	shalt  }
.Lfunc_end2:
_tile_overlayer_lowered:
.L_overlay_start_2:
0x279: {  	(tag) =	ssettag $0x2  }
0x27a: {  	s0 =	rddreg [dreg:$0x0];
	s2 =	stileid.u32  }
0x27b: {  	s1 =	rddreg [dreg:$0x1];
	p0 =	sne.s32 s2, $0x0  }
0x27c: {  	s3 =	rddreg [dreg:$0x2];
	[bflag:$0x3] =	sbarrier.arrive $0xFFFF;
	s2 =	simm.s32 @!p0 $0x1C03  }
0x27d: {  	[timem:s3], [sflag:s2] =	dma.local @!p0 [hbm:s0], s1  }
0x27e: {  	s0 =	simm.s32 @!p0 $0x3  }
0x27f: {  	_ =	swait.ge @!p0 [sflag:s0], s1  }
0x280: {  	s1 =	ssub.s32 @!p0 $0x0, s1;
	[sflag:s0] =	ssyncset.done @!p0 $0x0  }
0x281: {  	[sflag:s0] =	ssyncadd.s32 @!p0 s1  }
0x282: {  	[bflag:$0x3] =	sbarrier.arrive $0xFFFF  }
0x283: {  	_ =	shalt  }

</sc_bundles>
